<compile_context>
chip_gen: v7x
topology: tpu7x:2x2x1
jax: 0.10.2.dev20260603
libtpu: 0.0.44.dev20260713+nightly
codegen_flags: <defaults>
</compile_context>

<pallas_src>
import jax
import jax.numpy as jnp
from jax import lax
from jax.experimental import pallas as pl
from jax.experimental.pallas import tpu as pltpu
from jax.experimental.pallas import tpu_sc as plsc

NC = 2
NS = 16
NW = NC * NS
CH = 100

F32 = jnp.float32


def _sc_mesh():
    return plsc.VectorSubcoreMesh(core_axis_name="c", subcore_axis_name="s")


def _deg_call(er, zeros1d, ones_ch, npad, epad):
    rpt = npad // NS
    epw = epad // NW
    nch = epw // CH
    K = 10

    def body(er_hbm, zeros_hbm, ones_hbm, out_hbm, idx_v, ones_v, wb_v,
             deg_sh, sem):
        cid = lax.axis_index("c")
        sid = lax.axis_index("s")
        wid = cid * NS + sid
        pltpu.sync_copy(zeros_hbm, wb_v)
        pltpu.sync_copy(wb_v, deg_sh.at[pl.ds(sid * rpt, rpt)])
        pltpu.sync_copy(ones_hbm, ones_v)
        pltpu.sync_copy(er_hbm.at[1].at[pl.ds(wid * nch, nch)], idx_v)
        plsc.subcore_barrier()

        def grp(h, carry):
            descs = []
            for b in range(2 * K):
                descs.append(pltpu.async_copy(
                    ones_v, deg_sh.at[idx_v.at[h * 2 * K + b]], sem, add=True))
            for dsc in descs:
                dsc.wait()
            return carry

        lax.fori_loop(0, nch // (2 * K), grp, 0)
        plsc.subcore_barrier()
        pltpu.sync_copy(deg_sh.at[pl.ds(sid * rpt, rpt)], wb_v)
        off = pl.multiple_of(cid * npad + sid * rpt, 8)
        pltpu.sync_copy(wb_v, out_hbm.at[pl.ds(off, rpt)])

    f = pl.kernel(
        body,
        out_type=jax.ShapeDtypeStruct((NC * npad,), F32),
        mesh=_sc_mesh(),
        compiler_params=pltpu.CompilerParams(use_tc_tiling_on_sc=False),
        scratch_types=[
            pltpu.VMEM((nch, CH), jnp.int32),
            pltpu.VMEM((CH,), F32),
            pltpu.VMEM((rpt,), F32),
            pltpu.VMEM_SHARED((npad,), F32),
            pltpu.SemaphoreType.DMA,
        ],
    )
    return f(er, zeros1d, ones_ch)


def _agg_call(er, table, zeros2d, npad, epad, d):
    rpt = npad // NS
    epw = epad // NW
    nch = epw // CH
    K = 10

    def body(er_hbm, tbl_hbm, zeros_hbm, out_hbm,
             sidx_v, didx_v, rows_a, rows_b, wb_v, acc_sh,
             gsem_a, gsem_b, ssem_a, ssem_b):
        cid = lax.axis_index("c")
        sid = lax.axis_index("s")
        wid = cid * NS + sid
        pltpu.sync_copy(zeros_hbm, wb_v)
        pltpu.sync_copy(wb_v, acc_sh.at[pl.ds(sid * rpt, rpt)])
        pltpu.sync_copy(er_hbm.at[0].at[pl.ds(wid * nch, nch)], sidx_v)
        pltpu.sync_copy(er_hbm.at[1].at[pl.ds(wid * nch, nch)], didx_v)
        plsc.subcore_barrier()

        def grp(h, carry):
            g0 = h * 2 * K
            g1 = g0 + K
            ga = [pltpu.async_copy(tbl_hbm.at[sidx_v.at[g0 + b]],
                                   rows_a.at[b], gsem_a) for b in range(K)]
            gb = [pltpu.async_copy(tbl_hbm.at[sidx_v.at[g1 + b]],
                                   rows_b.at[b], gsem_b) for b in range(K)]
            for dsc in ga:
                dsc.wait()
            sa = [pltpu.async_copy(rows_a.at[b], acc_sh.at[didx_v.at[g0 + b]],
                                   ssem_a, add=True) for b in range(K)]
            for dsc in gb:
                dsc.wait()
            sb = [pltpu.async_copy(rows_b.at[b], acc_sh.at[didx_v.at[g1 + b]],
                                   ssem_b, add=True) for b in range(K)]
            for dsc in sa:
                dsc.wait()
            for dsc in sb:
                dsc.wait()
            return carry

        lax.fori_loop(0, nch // (2 * K), grp, 0)
        plsc.subcore_barrier()
        pltpu.sync_copy(acc_sh.at[pl.ds(sid * rpt, rpt)], wb_v)
        off = pl.multiple_of(sid * rpt, 8)
        pltpu.sync_copy(wb_v, out_hbm.at[cid, pl.ds(off, rpt)])

    f = pl.kernel(
        body,
        out_type=jax.ShapeDtypeStruct((NC, npad, d), F32),
        mesh=_sc_mesh(),
        compiler_params=pltpu.CompilerParams(use_tc_tiling_on_sc=False),
        scratch_types=[
            pltpu.VMEM((nch, CH), jnp.int32),
            pltpu.VMEM((nch, CH), jnp.int32),
            pltpu.VMEM((K, CH, d), F32),
            pltpu.VMEM((K, CH, d), F32),
            pltpu.VMEM((rpt, d), F32),
            pltpu.VMEM_SHARED((npad, d), F32),
            pltpu.SemaphoreType.DMA,
            pltpu.SemaphoreType.DMA,
            pltpu.SemaphoreType.DMA,
            pltpu.SemaphoreType.DMA,
        ],
    )
    return f(er, table, zeros2d)


def _tc1_call(x, W1, dsum, npad, d_in, d):
    N = x.shape[0]

    def body(x_ref, w_ref, dsum_ref, h_ref, dinv_ref):
        deg = 1.0 + dsum_ref[...]
        dinv = lax.rsqrt(deg)
        h = jnp.dot(x_ref[...], w_ref[...], preferred_element_type=F32)
        hp = h * dinv[:N]
        h_ref[...] = jnp.concatenate(
            [hp, jnp.zeros((npad - N, d), F32)], axis=0)
        dinv_ref[...] = dinv

    return pl.pallas_call(
        body,
        out_shape=[
            jax.ShapeDtypeStruct((npad, d), F32),
            jax.ShapeDtypeStruct((npad, 1), F32),
        ],
    )(x, W1, dsum)


def _tc2_call(h1p, pp, dinv, b1, npad, d):
    def body(h_ref, p_ref, dinv_ref, b_ref, z_ref):
        acc = h_ref[...] + jnp.sum(p_ref[...], axis=0)
        dv = dinv_ref[...]
        z = jnp.maximum(acc * dv + b_ref[...], 0.0)
        z_ref[...] = z * dv

    return pl.pallas_call(
        body,
        out_shape=jax.ShapeDtypeStruct((npad, d), F32),
    )(h1p, pp, dinv, b1)


def _tc3_call(z1p, qq, dinv, W2, b2t, N, npad, d, d_out):
    def body(z_ref, q_ref, dinv_ref, w_ref, b_ref, o_ref):
        agg = (z_ref[...] + jnp.sum(q_ref[...], axis=0)) * dinv_ref[...]
        o_ref[...] = (
            jnp.dot(agg[:N], w_ref[...], preferred_element_type=F32)
            + b_ref[...]
        )

    return pl.pallas_call(
        body,
        out_shape=jax.ShapeDtypeStruct((N, d_out), F32),
    )(z1p, qq, dinv, W2, b2t)


def kernel(x, edge_index, W1, b1, W2, b2):
    N, d_in = x.shape
    d = W1.shape[1]
    d_out = W2.shape[1]
    E = edge_index.shape[1]

    rpt = -(-N // (NS * 8)) * 8
    npad = rpt * NS
    epw = E // NW
    epad = E
    nch = epw // CH

    er = edge_index.reshape(2, NW * nch, CH)

    zeros1d = jnp.zeros((rpt,), F32)
    zeros2d = jnp.zeros((rpt, d), F32)
    ones_ch = jnp.ones((CH,), F32)

    deg2 = _deg_call(er, zeros1d, ones_ch, npad, epad)
    dsum = (deg2[:npad] + deg2[npad:])[:, None]

    h1p, dinv = _tc1_call(x, W1, dsum, npad, d_in, d)
    p = _agg_call(er, h1p, zeros2d, npad, epad, d)
    z1p = _tc2_call(h1p, p, dinv, b1[None, :], npad, d)
    q = _agg_call(er, z1p, zeros2d, npad, epad, d)
    return _tc3_call(z1p, q, dinv, W2, b2[None, :], N, npad, d, d_out)

# --- scband reference (transcript-rebuilt; emitter-appended) ---
"""Pipeline reference for scband-gcn-73581379715089 (READ-ONLY COPY).

The authoritative reference and input builder live on the scoring server;
editing this copy changes nothing except your own understanding.
"""

import jax, jax.numpy as jnp
import numpy as np


def _gcn_conv(x, edge_index, W, b):
    # PyG-style GCNConv: add self-loops, symmetric normalization, linear transform, scatter-add aggregate.
    N = x.shape[0]
    loop = jnp.arange(N, dtype=edge_index.dtype)
    src = jnp.concatenate([edge_index[0], loop])
    dst = jnp.concatenate([edge_index[1], loop])
    deg = jnp.zeros((N,), dtype=x.dtype).at[dst].add(1.0)
    dinv = jnp.where(deg > 0, jax.lax.rsqrt(deg), 0.0)
    norm = dinv[src] * dinv[dst]
    h = x @ W
    msg = h[src] * norm[:, None]
    out = jnp.zeros((N, W.shape[1]), dtype=x.dtype).at[dst].add(msg)
    return out + b


def setup_inputs(seed: int = 0) -> dict:
    key = jax.random.key(seed)
    k1, k2, k3, k4 = jax.random.split(key, 4)
    N, E, d_in, d_hid, d_out = 10000, 320000, 128, 16, 128
    x = jax.random.normal(k1, (N, d_in), dtype=jnp.float32)
    edge_index = jax.random.randint(k2, (2, E), 0, N, dtype=jnp.int32)
    W1 = jax.random.normal(k3, (d_in, d_hid), dtype=jnp.float32) * 0.1
    b1 = jnp.zeros((d_hid,), dtype=jnp.float32)
    W2 = jax.random.normal(k4, (d_hid, d_out), dtype=jnp.float32) * 0.1
    b2 = jnp.zeros((d_out,), dtype=jnp.float32)
    return {"x": x, "edge_index": edge_index, "W1": W1, "b1": b1, "W2": W2, "b2": b2}


def reference(x, edge_index, W1, b1, W2, b2):
    h = jax.nn.relu(_gcn_conv(x, edge_index, W1, b1))
    # dropout p=0.5 is identity in eval mode (training=False)
    out = _gcn_conv(h, edge_index, W2, b2)
    return out

if __name__ == "__main__":
    import jax
    _d = setup_inputs()
    print(jax.jit(kernel)(*tuple(_d.values())))

</pallas_src>

<mosaic_0001>
#map = affine_map<(d0, d1) -> (0, 0, 0)>
#map1 = affine_map<(d0, d1) -> (0, 0)>
module attributes {stable_mosaic.version = 14 : i64} {
  func.func @body(%arg0: i32, %arg1: i32, %arg2: memref<2x3200x100xi32, #tpu.memory_space<hbm>>, %arg3: memref<10112x16xf32, #tpu.memory_space<hbm>>, %arg4: memref<632x16xf32, #tpu.memory_space<hbm>>, %arg5: memref<2x10112x16xf32, #tpu.memory_space<hbm>>, %arg6: memref<100x100xi32, #tpu.memory_space<vmem>>, %arg7: memref<100x100xi32, #tpu.memory_space<vmem>>, %arg8: memref<10x100x16xf32, #tpu.memory_space<vmem>>, %arg9: memref<10x100x16xf32, #tpu.memory_space<vmem>>, %arg10: memref<632x16xf32, #tpu.memory_space<vmem>>, %arg11: memref<10112x16xf32, #tpu.memory_space<vmem_shared>>, %arg12: memref<!tpu.dma_semaphore, #tpu.memory_space<semaphore_mem>>, %arg13: memref<!tpu.dma_semaphore, #tpu.memory_space<semaphore_mem>>, %arg14: memref<!tpu.dma_semaphore, #tpu.memory_space<semaphore_mem>>, %arg15: memref<!tpu.dma_semaphore, #tpu.memory_space<semaphore_mem>>) attributes {dimension_semantics = [#tpu.dimension_semantics<core_parallel>, #tpu.dimension_semantics<subcore_parallel>], iteration_bounds = array<i64: 2, 16>, scalar_prefetch = 0 : i64, scratch_operands = 10 : i64, tpu.core_type = #tpu.core_type<sc_vector_subcore>, window_params = [{transform_indices = #map}, {transform_indices = #map1}, {transform_indices = #map1}, {transform_indices = #map}]} {
    %mul3A = arith.constant 16 : i32
    %mul3A_0 = arith.muli %arg0, %mul3A : i32
    %add3A = arith.addi %mul3A_0, %arg1 : i32
    "tpu.region"() ({
      %run_scoped3A_18 = tpu.sem_alloc : memref<!tpu.dma_semaphore, #tpu.memory_space<semaphore_mem>>
      tpu.enqueue_dma source(%arg4 : memref<632x16xf32, #tpu.memory_space<hbm>>) target(%arg10 : memref<632x16xf32, #tpu.memory_space<vmem>>) target_semaphore(%run_scoped3A_18 : memref<!tpu.dma_semaphore, #tpu.memory_space<semaphore_mem>>)
      tpu.wait_dma2 semaphore(%run_scoped3A_18 : memref<!tpu.dma_semaphore, #tpu.memory_space<semaphore_mem>>) src(%arg4 : memref<632x16xf32, #tpu.memory_space<hbm>>) dst(%arg10 : memref<632x16xf32, #tpu.memory_space<vmem>>)
      tpu.yield
    }) : () -> ()
    %mul3A_1 = arith.constant 632 : i32
    %mul3A_2 = arith.muli %arg1, %mul3A_1 : i32
    "tpu.region"() ({
      %run_scoped3A_18 = tpu.sem_alloc : memref<!tpu.dma_semaphore, #tpu.memory_space<semaphore_mem>>
      %dma_start3A = arith.constant 0 : i32
      %dma_start3A_19 = tpu.memref_slice %arg11[%mul3A_2, %dma_start3A] : memref<10112x16xf32, #tpu.memory_space<vmem_shared>> -> memref<632x16xf32, #tpu.memory_space<vmem_shared>>
      %dma_start3A_20 = arith.constant 0 : i32
      %dma_start3A_21 = tpu.memref_slice %arg11[%mul3A_2, %dma_start3A_20] : memref<10112x16xf32, #tpu.memory_space<vmem_shared>> -> memref<632x16xf32, #tpu.memory_space<vmem_shared>>
      tpu.enqueue_dma source(%arg10 : memref<632x16xf32, #tpu.memory_space<vmem>>) target(%dma_start3A_21 : memref<632x16xf32, #tpu.memory_space<vmem_shared>>) target_semaphore(%run_scoped3A_18 : memref<!tpu.dma_semaphore, #tpu.memory_space<semaphore_mem>>)
      %dma_wait3A = arith.constant 0 : i32
      %dma_wait3A_22 = tpu.memref_slice %arg11[%mul3A_2, %dma_wait3A] : memref<10112x16xf32, #tpu.memory_space<vmem_shared>> -> memref<632x16xf32, #tpu.memory_space<vmem_shared>>
      %dma_wait3A_23 = arith.constant 0 : i32
      %dma_wait3A_24 = tpu.memref_slice %arg11[%mul3A_2, %dma_wait3A_23] : memref<10112x16xf32, #tpu.memory_space<vmem_shared>> -> memref<632x16xf32, #tpu.memory_space<vmem_shared>>
      tpu.wait_dma2 semaphore(%run_scoped3A_18 : memref<!tpu.dma_semaphore, #tpu.memory_space<semaphore_mem>>) src(%arg10 : memref<632x16xf32, #tpu.memory_space<vmem>>) dst(%dma_wait3A_24 : memref<632x16xf32, #tpu.memory_space<vmem_shared>>)
      tpu.yield
    }) : () -> ()
    %mul3A_3 = arith.constant 100 : i32
    %mul3A_4 = arith.muli %add3A, %mul3A_3 : i32
    %run_scoped3A = arith.constant 0 : i32
    "tpu.region"() ({
      %run_scoped3A_18 = tpu.sem_alloc : memref<!tpu.dma_semaphore, #tpu.memory_space<semaphore_mem>>
      %dma_start3A = arith.constant 0 : i32
      %dma_start3A_19 = arith.constant 0 : i32
      %dma_start3A_20 = tpu.memref_slice %arg2[%run_scoped3A, %dma_start3A, %dma_start3A_19] : memref<2x3200x100xi32, #tpu.memory_space<hbm>> -> memref<1x3200x100xi32, #tpu.memory_space<hbm>>
      %dma_start3A_21 = tpu.memref_squeeze %dma_start3A_20 : memref<1x3200x100xi32, #tpu.memory_space<hbm>> -> memref<3200x100xi32, #tpu.memory_space<hbm>>
      %dma_start3A_22 = arith.constant 0 : i32
      %dma_start3A_23 = tpu.memref_slice %dma_start3A_21[%mul3A_4, %dma_start3A_22] : memref<3200x100xi32, #tpu.memory_space<hbm>> -> memref<100x100xi32, #tpu.memory_space<hbm>>
      %dma_start3A_24 = arith.constant 0 : i32
      %dma_start3A_25 = arith.constant 0 : i32
      %dma_start3A_26 = tpu.memref_slice %arg2[%run_scoped3A, %dma_start3A_24, %dma_start3A_25] : memref<2x3200x100xi32, #tpu.memory_space<hbm>> -> memref<1x3200x100xi32, #tpu.memory_space<hbm>>
      %dma_start3A_27 = tpu.memref_squeeze %dma_start3A_26 : memref<1x3200x100xi32, #tpu.memory_space<hbm>> -> memref<3200x100xi32, #tpu.memory_space<hbm>>
      %dma_start3A_28 = arith.constant 0 : i32
      %dma_start3A_29 = tpu.memref_slice %dma_start3A_27[%mul3A_4, %dma_start3A_28] : memref<3200x100xi32, #tpu.memory_space<hbm>> -> memref<100x100xi32, #tpu.memory_space<hbm>>
      tpu.enqueue_dma source(%dma_start3A_29 : memref<100x100xi32, #tpu.memory_space<hbm>>) target(%arg6 : memref<100x100xi32, #tpu.memory_space<vmem>>) target_semaphore(%run_scoped3A_18 : memref<!tpu.dma_semaphore, #tpu.memory_space<semaphore_mem>>)
      %dma_wait3A = arith.constant 0 : i32
      %dma_wait3A_30 = arith.constant 0 : i32
      %dma_wait3A_31 = tpu.memref_slice %arg2[%run_scoped3A, %dma_wait3A, %dma_wait3A_30] : memref<2x3200x100xi32, #tpu.memory_space<hbm>> -> memref<1x3200x100xi32, #tpu.memory_space<hbm>>
      %dma_wait3A_32 = tpu.memref_squeeze %dma_wait3A_31 : memref<1x3200x100xi32, #tpu.memory_space<hbm>> -> memref<3200x100xi32, #tpu.memory_space<hbm>>
      %dma_wait3A_33 = arith.constant 0 : i32
      %dma_wait3A_34 = tpu.memref_slice %dma_wait3A_32[%mul3A_4, %dma_wait3A_33] : memref<3200x100xi32, #tpu.memory_space<hbm>> -> memref<100x100xi32, #tpu.memory_space<hbm>>
      %dma_wait3A_35 = arith.constant 0 : i32
      %dma_wait3A_36 = arith.constant 0 : i32
      %dma_wait3A_37 = tpu.memref_slice %arg2[%run_scoped3A, %dma_wait3A_35, %dma_wait3A_36] : memref<2x3200x100xi32, #tpu.memory_space<hbm>> -> memref<1x3200x100xi32, #tpu.memory_space<hbm>>
      %dma_wait3A_38 = tpu.memref_squeeze %dma_wait3A_37 : memref<1x3200x100xi32, #tpu.memory_space<hbm>> -> memref<3200x100xi32, #tpu.memory_space<hbm>>
      %dma_wait3A_39 = arith.constant 0 : i32
      %dma_wait3A_40 = tpu.memref_slice %dma_wait3A_38[%mul3A_4, %dma_wait3A_39] : memref<3200x100xi32, #tpu.memory_space<hbm>> -> memref<100x100xi32, #tpu.memory_space<hbm>>
      tpu.wait_dma2 semaphore(%run_scoped3A_18 : memref<!tpu.dma_semaphore, #tpu.memory_space<semaphore_mem>>) src(%dma_wait3A_40 : memref<100x100xi32, #tpu.memory_space<hbm>>) dst(%arg6 : memref<100x100xi32, #tpu.memory_space<vmem>>)
      tpu.yield
    }) : () -> ()
    %mul3A_5 = arith.constant 100 : i32
    %mul3A_6 = arith.muli %add3A, %mul3A_5 : i32
    %run_scoped3A_7 = arith.constant 1 : i32
    "tpu.region"() ({
      %run_scoped3A_18 = tpu.sem_alloc : memref<!tpu.dma_semaphore, #tpu.memory_space<semaphore_mem>>
      %dma_start3A = arith.constant 0 : i32
      %dma_start3A_19 = arith.constant 0 : i32
      %dma_start3A_20 = tpu.memref_slice %arg2[%run_scoped3A_7, %dma_start3A, %dma_start3A_19] : memref<2x3200x100xi32, #tpu.memory_space<hbm>> -> memref<1x3200x100xi32, #tpu.memory_space<hbm>>
      %dma_start3A_21 = tpu.memref_squeeze %dma_start3A_20 : memref<1x3200x100xi32, #tpu.memory_space<hbm>> -> memref<3200x100xi32, #tpu.memory_space<hbm>>
      %dma_start3A_22 = arith.constant 0 : i32
      %dma_start3A_23 = tpu.memref_slice %dma_start3A_21[%mul3A_6, %dma_start3A_22] : memref<3200x100xi32, #tpu.memory_space<hbm>> -> memref<100x100xi32, #tpu.memory_space<hbm>>
      %dma_start3A_24 = arith.constant 0 : i32
      %dma_start3A_25 = arith.constant 0 : i32
      %dma_start3A_26 = tpu.memref_slice %arg2[%run_scoped3A_7, %dma_start3A_24, %dma_start3A_25] : memref<2x3200x100xi32, #tpu.memory_space<hbm>> -> memref<1x3200x100xi32, #tpu.memory_space<hbm>>
      %dma_start3A_27 = tpu.memref_squeeze %dma_start3A_26 : memref<1x3200x100xi32, #tpu.memory_space<hbm>> -> memref<3200x100xi32, #tpu.memory_space<hbm>>
      %dma_start3A_28 = arith.constant 0 : i32
      %dma_start3A_29 = tpu.memref_slice %dma_start3A_27[%mul3A_6, %dma_start3A_28] : memref<3200x100xi32, #tpu.memory_space<hbm>> -> memref<100x100xi32, #tpu.memory_space<hbm>>
      tpu.enqueue_dma source(%dma_start3A_29 : memref<100x100xi32, #tpu.memory_space<hbm>>) target(%arg7 : memref<100x100xi32, #tpu.memory_space<vmem>>) target_semaphore(%run_scoped3A_18 : memref<!tpu.dma_semaphore, #tpu.memory_space<semaphore_mem>>)
      %dma_wait3A = arith.constant 0 : i32
      %dma_wait3A_30 = arith.constant 0 : i32
      %dma_wait3A_31 = tpu.memref_slice %arg2[%run_scoped3A_7, %dma_wait3A, %dma_wait3A_30] : memref<2x3200x100xi32, #tpu.memory_space<hbm>> -> memref<1x3200x100xi32, #tpu.memory_space<hbm>>
      %dma_wait3A_32 = tpu.memref_squeeze %dma_wait3A_31 : memref<1x3200x100xi32, #tpu.memory_space<hbm>> -> memref<3200x100xi32, #tpu.memory_space<hbm>>
      %dma_wait3A_33 = arith.constant 0 : i32
      %dma_wait3A_34 = tpu.memref_slice %dma_wait3A_32[%mul3A_6, %dma_wait3A_33] : memref<3200x100xi32, #tpu.memory_space<hbm>> -> memref<100x100xi32, #tpu.memory_space<hbm>>
      %dma_wait3A_35 = arith.constant 0 : i32
      %dma_wait3A_36 = arith.constant 0 : i32
      %dma_wait3A_37 = tpu.memref_slice %arg2[%run_scoped3A_7, %dma_wait3A_35, %dma_wait3A_36] : memref<2x3200x100xi32, #tpu.memory_space<hbm>> -> memref<1x3200x100xi32, #tpu.memory_space<hbm>>
      %dma_wait3A_38 = tpu.memref_squeeze %dma_wait3A_37 : memref<1x3200x100xi32, #tpu.memory_space<hbm>> -> memref<3200x100xi32, #tpu.memory_space<hbm>>
      %dma_wait3A_39 = arith.constant 0 : i32
      %dma_wait3A_40 = tpu.memref_slice %dma_wait3A_38[%mul3A_6, %dma_wait3A_39] : memref<3200x100xi32, #tpu.memory_space<hbm>> -> memref<100x100xi32, #tpu.memory_space<hbm>>
      tpu.wait_dma2 semaphore(%run_scoped3A_18 : memref<!tpu.dma_semaphore, #tpu.memory_space<semaphore_mem>>) src(%dma_wait3A_40 : memref<100x100xi32, #tpu.memory_space<hbm>>) dst(%arg7 : memref<100x100xi32, #tpu.memory_space<vmem>>)
      tpu.yield
    }) : () -> ()
    %barrier3A = arith.constant 0 : index
    tpu.barrier barrier_id(%barrier3A)
    %scan3A = arith.constant 0 : i32
    %scan3A_8 = arith.constant 0 : i32
    %scan3A_9 = arith.constant 5 : i32
    %scan3A_10 = arith.addi %scan3A_8, %scan3A_9 : i32
    %scan3A_11 = arith.constant 1 : i32
    scf.for %scan3A_18 = %scan3A_8 to %scan3A_10 step %scan3A_11  : i32 {
      %mul3A_19 = arith.constant 2 : i32
      %mul3A_20 = arith.muli %scan3A_18, %mul3A_19 : i32
      %mul3A_21 = arith.constant 10 : i32
      %mul3A_22 = arith.muli %mul3A_20, %mul3A_21 : i32
      %add3A_23 = arith.constant 10 : i32
      %add3A_24 = arith.addi %mul3A_22, %add3A_23 : i32
      %add3A_25 = arith.constant 0 : i32
      %add3A_26 = arith.addi %mul3A_22, %add3A_25 : i32
      %dma_start3A = arith.constant 0 : i32
      %dma_start3A_27 = arith.constant 0 : i32
      %dma_start3A_28 = arith.constant 0 : i32
      %dma_start3A_29 = tpu.memref_slice %arg8[%dma_start3A, %dma_start3A_27, %dma_start3A_28] : memref<10x100x16xf32, #tpu.memory_space<vmem>> -> memref<1x100x16xf32, #tpu.memory_space<vmem>>
      %dma_start3A_30 = tpu.memref_squeeze %dma_start3A_29 : memref<1x100x16xf32, #tpu.memory_space<vmem>> -> memref<100x16xf32, #tpu.memory_space<vmem>>
      %dma_start3A_31 = arith.constant 0 : i32
      %dma_start3A_32 = tpu.memref_slice %arg6[%add3A_26, %dma_start3A_31] : memref<100x100xi32, #tpu.memory_space<vmem>> -> memref<1x100xi32, #tpu.memory_space<vmem>>
      %dma_start3A_33 = tpu.memref_squeeze %dma_start3A_32 : memref<1x100xi32, #tpu.memory_space<vmem>> -> memref<100xi32, #tpu.memory_space<vmem>>
      %dma_start3A_34 = arith.constant 0 : i32
      %dma_start3A_35 = arith.constant 0 : i32
      %dma_start3A_36 = tpu.memref_slice %arg3[%dma_start3A_34, %dma_start3A_35] : memref<10112x16xf32, #tpu.memory_space<hbm>> -> memref<10112x16xf32, #tpu.memory_space<hbm>>
      tpu.enqueue_indirect_dma source(%dma_start3A_36 : memref<10112x16xf32, #tpu.memory_space<hbm>>) target(%dma_start3A_30 : memref<100x16xf32, #tpu.memory_space<vmem>>) offsets(%dma_start3A_33 : memref<100xi32, #tpu.memory_space<vmem>>) semaphore(%arg12 : memref<!tpu.dma_semaphore, #tpu.memory_space<semaphore_mem>>)
      %add3A_37 = arith.constant 1 : i32
      %add3A_38 = arith.addi %mul3A_22, %add3A_37 : i32
      %dma_start3A_39 = arith.constant 1 : i32
      %dma_start3A_40 = arith.constant 0 : i32
      %dma_start3A_41 = arith.constant 0 : i32
      %dma_start3A_42 = tpu.memref_slice %arg8[%dma_start3A_39, %dma_start3A_40, %dma_start3A_41] : memref<10x100x16xf32, #tpu.memory_space<vmem>> -> memref<1x100x16xf32, #tpu.memory_space<vmem>>
      %dma_start3A_43 = tpu.memref_squeeze %dma_start3A_42 : memref<1x100x16xf32, #tpu.memory_space<vmem>> -> memref<100x16xf32, #tpu.memory_space<vmem>>
      %dma_start3A_44 = arith.constant 0 : i32
      %dma_start3A_45 = tpu.memref_slice %arg6[%add3A_38, %dma_start3A_44] : memref<100x100xi32, #tpu.memory_space<vmem>> -> memref<1x100xi32, #tpu.memory_space<vmem>>
      %dma_start3A_46 = tpu.memref_squeeze %dma_start3A_45 : memref<1x100xi32, #tpu.memory_space<vmem>> -> memref<100xi32, #tpu.memory_space<vmem>>
      %dma_start3A_47 = arith.constant 0 : i32
      %dma_start3A_48 = arith.constant 0 : i32
      %dma_start3A_49 = tpu.memref_slice %arg3[%dma_start3A_47, %dma_start3A_48] : memref<10112x16xf32, #tpu.memory_space<hbm>> -> memref<10112x16xf32, #tpu.memory_space<hbm>>
      tpu.enqueue_indirect_dma source(%dma_start3A_49 : memref<10112x16xf32, #tpu.memory_space<hbm>>) target(%dma_start3A_43 : memref<100x16xf32, #tpu.memory_space<vmem>>) offsets(%dma_start3A_46 : memref<100xi32, #tpu.memory_space<vmem>>) semaphore(%arg12 : memref<!tpu.dma_semaphore, #tpu.memory_space<semaphore_mem>>)
      %add3A_50 = arith.constant 2 : i32
      %add3A_51 = arith.addi %mul3A_22, %add3A_50 : i32
      %dma_start3A_52 = arith.constant 2 : i32
      %dma_start3A_53 = arith.constant 0 : i32
      %dma_start3A_54 = arith.constant 0 : i32
      %dma_start3A_55 = tpu.memref_slice %arg8[%dma_start3A_52, %dma_start3A_53, %dma_start3A_54] : memref<10x100x16xf32, #tpu.memory_space<vmem>> -> memref<1x100x16xf32, #tpu.memory_space<vmem>>
      %dma_start3A_56 = tpu.memref_squeeze %dma_start3A_55 : memref<1x100x16xf32, #tpu.memory_space<vmem>> -> memref<100x16xf32, #tpu.memory_space<vmem>>
      %dma_start3A_57 = arith.constant 0 : i32
      %dma_start3A_58 = tpu.memref_slice %arg6[%add3A_51, %dma_start3A_57] : memref<100x100xi32, #tpu.memory_space<vmem>> -> memref<1x100xi32, #tpu.memory_space<vmem>>
      %dma_start3A_59 = tpu.memref_squeeze %dma_start3A_58 : memref<1x100xi32, #tpu.memory_space<vmem>> -> memref<100xi32, #tpu.memory_space<vmem>>
      %dma_start3A_60 = arith.constant 0 : i32
      %dma_start3A_61 = arith.constant 0 : i32
      %dma_start3A_62 = tpu.memref_slice %arg3[%dma_start3A_60, %dma_start3A_61] : memref<10112x16xf32, #tpu.memory_space<hbm>> -> memref<10112x16xf32, #tpu.memory_space<hbm>>
      tpu.enqueue_indirect_dma source(%dma_start3A_62 : memref<10112x16xf32, #tpu.memory_space<hbm>>) target(%dma_start3A_56 : memref<100x16xf32, #tpu.memory_space<vmem>>) offsets(%dma_start3A_59 : memref<100xi32, #tpu.memory_space<vmem>>) semaphore(%arg12 : memref<!tpu.dma_semaphore, #tpu.memory_space<semaphore_mem>>)
      %add3A_63 = arith.constant 3 : i32
      %add3A_64 = arith.addi %mul3A_22, %add3A_63 : i32
      %dma_start3A_65 = arith.constant 3 : i32
      %dma_start3A_66 = arith.constant 0 : i32
      %dma_start3A_67 = arith.constant 0 : i32
      %dma_start3A_68 = tpu.memref_slice %arg8[%dma_start3A_65, %dma_start3A_66, %dma_start3A_67] : memref<10x100x16xf32, #tpu.memory_space<vmem>> -> memref<1x100x16xf32, #tpu.memory_space<vmem>>
      %dma_start3A_69 = tpu.memref_squeeze %dma_start3A_68 : memref<1x100x16xf32, #tpu.memory_space<vmem>> -> memref<100x16xf32, #tpu.memory_space<vmem>>
      %dma_start3A_70 = arith.constant 0 : i32
      %dma_start3A_71 = tpu.memref_slice %arg6[%add3A_64, %dma_start3A_70] : memref<100x100xi32, #tpu.memory_space<vmem>> -> memref<1x100xi32, #tpu.memory_space<vmem>>
      %dma_start3A_72 = tpu.memref_squeeze %dma_start3A_71 : memref<1x100xi32, #tpu.memory_space<vmem>> -> memref<100xi32, #tpu.memory_space<vmem>>
      %dma_start3A_73 = arith.constant 0 : i32
      %dma_start3A_74 = arith.constant 0 : i32
      %dma_start3A_75 = tpu.memref_slice %arg3[%dma_start3A_73, %dma_start3A_74] : memref<10112x16xf32, #tpu.memory_space<hbm>> -> memref<10112x16xf32, #tpu.memory_space<hbm>>
      tpu.enqueue_indirect_dma source(%dma_start3A_75 : memref<10112x16xf32, #tpu.memory_space<hbm>>) target(%dma_start3A_69 : memref<100x16xf32, #tpu.memory_space<vmem>>) offsets(%dma_start3A_72 : memref<100xi32, #tpu.memory_space<vmem>>) semaphore(%arg12 : memref<!tpu.dma_semaphore, #tpu.memory_space<semaphore_mem>>)
      %add3A_76 = arith.constant 4 : i32
      %add3A_77 = arith.addi %mul3A_22, %add3A_76 : i32
      %dma_start3A_78 = arith.constant 4 : i32
      %dma_start3A_79 = arith.constant 0 : i32
      %dma_start3A_80 = arith.constant 0 : i32
      %dma_start3A_81 = tpu.memref_slice %arg8[%dma_start3A_78, %dma_start3A_79, %dma_start3A_80] : memref<10x100x16xf32, #tpu.memory_space<vmem>> -> memref<1x100x16xf32, #tpu.memory_space<vmem>>
      %dma_start3A_82 = tpu.memref_squeeze %dma_start3A_81 : memref<1x100x16xf32, #tpu.memory_space<vmem>> -> memref<100x16xf32, #tpu.memory_space<vmem>>
      %dma_start3A_83 = arith.constant 0 : i32
      %dma_start3A_84 = tpu.memref_slice %arg6[%add3A_77, %dma_start3A_83] : memref<100x100xi32, #tpu.memory_space<vmem>> -> memref<1x100xi32, #tpu.memory_space<vmem>>
      %dma_start3A_85 = tpu.memref_squeeze %dma_start3A_84 : memref<1x100xi32, #tpu.memory_space<vmem>> -> memref<100xi32, #tpu.memory_space<vmem>>
      %dma_start3A_86 = arith.constant 0 : i32
      %dma_start3A_87 = arith.constant 0 : i32
      %dma_start3A_88 = tpu.memref_slice %arg3[%dma_start3A_86, %dma_start3A_87] : memref<10112x16xf32, #tpu.memory_space<hbm>> -> memref<10112x16xf32, #tpu.memory_space<hbm>>
      tpu.enqueue_indirect_dma source(%dma_start3A_88 : memref<10112x16xf32, #tpu.memory_space<hbm>>) target(%dma_start3A_82 : memref<100x16xf32, #tpu.memory_space<vmem>>) offsets(%dma_start3A_85 : memref<100xi32, #tpu.memory_space<vmem>>) semaphore(%arg12 : memref<!tpu.dma_semaphore, #tpu.memory_space<semaphore_mem>>)
      %add3A_89 = arith.constant 5 : i32
      %add3A_90 = arith.addi %mul3A_22, %add3A_89 : i32
      %dma_start3A_91 = arith.constant 5 : i32
      %dma_start3A_92 = arith.constant 0 : i32
      %dma_start3A_93 = arith.constant 0 : i32
      %dma_start3A_94 = tpu.memref_slice %arg8[%dma_start3A_91, %dma_start3A_92, %dma_start3A_93] : memref<10x100x16xf32, #tpu.memory_space<vmem>> -> memref<1x100x16xf32, #tpu.memory_space<vmem>>
      %dma_start3A_95 = tpu.memref_squeeze %dma_start3A_94 : memref<1x100x16xf32, #tpu.memory_space<vmem>> -> memref<100x16xf32, #tpu.memory_space<vmem>>
      %dma_start3A_96 = arith.constant 0 : i32
      %dma_start3A_97 = tpu.memref_slice %arg6[%add3A_90, %dma_start3A_96] : memref<100x100xi32, #tpu.memory_space<vmem>> -> memref<1x100xi32, #tpu.memory_space<vmem>>
      %dma_start3A_98 = tpu.memref_squeeze %dma_start3A_97 : memref<1x100xi32, #tpu.memory_space<vmem>> -> memref<100xi32, #tpu.memory_space<vmem>>
      %dma_start3A_99 = arith.constant 0 : i32
      %dma_start3A_100 = arith.constant 0 : i32
      %dma_start3A_101 = tpu.memref_slice %arg3[%dma_start3A_99, %dma_start3A_100] : memref<10112x16xf32, #tpu.memory_space<hbm>> -> memref<10112x16xf32, #tpu.memory_space<hbm>>
      tpu.enqueue_indirect_dma source(%dma_start3A_101 : memref<10112x16xf32, #tpu.memory_space<hbm>>) target(%dma_start3A_95 : memref<100x16xf32, #tpu.memory_space<vmem>>) offsets(%dma_start3A_98 : memref<100xi32, #tpu.memory_space<vmem>>) semaphore(%arg12 : memref<!tpu.dma_semaphore, #tpu.memory_space<semaphore_mem>>)
      %add3A_102 = arith.constant 6 : i32
      %add3A_103 = arith.addi %mul3A_22, %add3A_102 : i32
      %dma_start3A_104 = arith.constant 6 : i32
      %dma_start3A_105 = arith.constant 0 : i32
      %dma_start3A_106 = arith.constant 0 : i32
      %dma_start3A_107 = tpu.memref_slice %arg8[%dma_start3A_104, %dma_start3A_105, %dma_start3A_106] : memref<10x100x16xf32, #tpu.memory_space<vmem>> -> memref<1x100x16xf32, #tpu.memory_space<vmem>>
      %dma_start3A_108 = tpu.memref_squeeze %dma_start3A_107 : memref<1x100x16xf32, #tpu.memory_space<vmem>> -> memref<100x16xf32, #tpu.memory_space<vmem>>
      %dma_start3A_109 = arith.constant 0 : i32
      %dma_start3A_110 = tpu.memref_slice %arg6[%add3A_103, %dma_start3A_109] : memref<100x100xi32, #tpu.memory_space<vmem>> -> memref<1x100xi32, #tpu.memory_space<vmem>>
      %dma_start3A_111 = tpu.memref_squeeze %dma_start3A_110 : memref<1x100xi32, #tpu.memory_space<vmem>> -> memref<100xi32, #tpu.memory_space<vmem>>
      %dma_start3A_112 = arith.constant 0 : i32
      %dma_start3A_113 = arith.constant 0 : i32
      %dma_start3A_114 = tpu.memref_slice %arg3[%dma_start3A_112, %dma_start3A_113] : memref<10112x16xf32, #tpu.memory_space<hbm>> -> memref<10112x16xf32, #tpu.memory_space<hbm>>
      tpu.enqueue_indirect_dma source(%dma_start3A_114 : memref<10112x16xf32, #tpu.memory_space<hbm>>) target(%dma_start3A_108 : memref<100x16xf32, #tpu.memory_space<vmem>>) offsets(%dma_start3A_111 : memref<100xi32, #tpu.memory_space<vmem>>) semaphore(%arg12 : memref<!tpu.dma_semaphore, #tpu.memory_space<semaphore_mem>>)
      %add3A_115 = arith.constant 7 : i32
      %add3A_116 = arith.addi %mul3A_22, %add3A_115 : i32
      %dma_start3A_117 = arith.constant 7 : i32
      %dma_start3A_118 = arith.constant 0 : i32
      %dma_start3A_119 = arith.constant 0 : i32
      %dma_start3A_120 = tpu.memref_slice %arg8[%dma_start3A_117, %dma_start3A_118, %dma_start3A_119] : memref<10x100x16xf32, #tpu.memory_space<vmem>> -> memref<1x100x16xf32, #tpu.memory_space<vmem>>
      %dma_start3A_121 = tpu.memref_squeeze %dma_start3A_120 : memref<1x100x16xf32, #tpu.memory_space<vmem>> -> memref<100x16xf32, #tpu.memory_space<vmem>>
      %dma_start3A_122 = arith.constant 0 : i32
      %dma_start3A_123 = tpu.memref_slice %arg6[%add3A_116, %dma_start3A_122] : memref<100x100xi32, #tpu.memory_space<vmem>> -> memref<1x100xi32, #tpu.memory_space<vmem>>
      %dma_start3A_124 = tpu.memref_squeeze %dma_start3A_123 : memref<1x100xi32, #tpu.memory_space<vmem>> -> memref<100xi32, #tpu.memory_space<vmem>>
      %dma_start3A_125 = arith.constant 0 : i32
      %dma_start3A_126 = arith.constant 0 : i32
      %dma_start3A_127 = tpu.memref_slice %arg3[%dma_start3A_125, %dma_start3A_126] : memref<10112x16xf32, #tpu.memory_space<hbm>> -> memref<10112x16xf32, #tpu.memory_space<hbm>>
      tpu.enqueue_indirect_dma source(%dma_start3A_127 : memref<10112x16xf32, #tpu.memory_space<hbm>>) target(%dma_start3A_121 : memref<100x16xf32, #tpu.memory_space<vmem>>) offsets(%dma_start3A_124 : memref<100xi32, #tpu.memory_space<vmem>>) semaphore(%arg12 : memref<!tpu.dma_semaphore, #tpu.memory_space<semaphore_mem>>)
      %add3A_128 = arith.constant 8 : i32
      %add3A_129 = arith.addi %mul3A_22, %add3A_128 : i32
      %dma_start3A_130 = arith.constant 8 : i32
      %dma_start3A_131 = arith.constant 0 : i32
      %dma_start3A_132 = arith.constant 0 : i32
      %dma_start3A_133 = tpu.memref_slice %arg8[%dma_start3A_130, %dma_start3A_131, %dma_start3A_132] : memref<10x100x16xf32, #tpu.memory_space<vmem>> -> memref<1x100x16xf32, #tpu.memory_space<vmem>>
      %dma_start3A_134 = tpu.memref_squeeze %dma_start3A_133 : memref<1x100x16xf32, #tpu.memory_space<vmem>> -> memref<100x16xf32, #tpu.memory_space<vmem>>
      %dma_start3A_135 = arith.constant 0 : i32
      %dma_start3A_136 = tpu.memref_slice %arg6[%add3A_129, %dma_start3A_135] : memref<100x100xi32, #tpu.memory_space<vmem>> -> memref<1x100xi32, #tpu.memory_space<vmem>>
      %dma_start3A_137 = tpu.memref_squeeze %dma_start3A_136 : memref<1x100xi32, #tpu.memory_space<vmem>> -> memref<100xi32, #tpu.memory_space<vmem>>
      %dma_start3A_138 = arith.constant 0 : i32
      %dma_start3A_139 = arith.constant 0 : i32
      %dma_start3A_140 = tpu.memref_slice %arg3[%dma_start3A_138, %dma_start3A_139] : memref<10112x16xf32, #tpu.memory_space<hbm>> -> memref<10112x16xf32, #tpu.memory_space<hbm>>
      tpu.enqueue_indirect_dma source(%dma_start3A_140 : memref<10112x16xf32, #tpu.memory_space<hbm>>) target(%dma_start3A_134 : memref<100x16xf32, #tpu.memory_space<vmem>>) offsets(%dma_start3A_137 : memref<100xi32, #tpu.memory_space<vmem>>) semaphore(%arg12 : memref<!tpu.dma_semaphore, #tpu.memory_space<semaphore_mem>>)
      %add3A_141 = arith.constant 9 : i32
      %add3A_142 = arith.addi %mul3A_22, %add3A_141 : i32
      %dma_start3A_143 = arith.constant 9 : i32
      %dma_start3A_144 = arith.constant 0 : i32
      %dma_start3A_145 = arith.constant 0 : i32
      %dma_start3A_146 = tpu.memref_slice %arg8[%dma_start3A_143, %dma_start3A_144, %dma_start3A_145] : memref<10x100x16xf32, #tpu.memory_space<vmem>> -> memref<1x100x16xf32, #tpu.memory_space<vmem>>
      %dma_start3A_147 = tpu.memref_squeeze %dma_start3A_146 : memref<1x100x16xf32, #tpu.memory_space<vmem>> -> memref<100x16xf32, #tpu.memory_space<vmem>>
      %dma_start3A_148 = arith.constant 0 : i32
      %dma_start3A_149 = tpu.memref_slice %arg6[%add3A_142, %dma_start3A_148] : memref<100x100xi32, #tpu.memory_space<vmem>> -> memref<1x100xi32, #tpu.memory_space<vmem>>
      %dma_start3A_150 = tpu.memref_squeeze %dma_start3A_149 : memref<1x100xi32, #tpu.memory_space<vmem>> -> memref<100xi32, #tpu.memory_space<vmem>>
      %dma_start3A_151 = arith.constant 0 : i32
      %dma_start3A_152 = arith.constant 0 : i32
      %dma_start3A_153 = tpu.memref_slice %arg3[%dma_start3A_151, %dma_start3A_152] : memref<10112x16xf32, #tpu.memory_space<hbm>> -> memref<10112x16xf32, #tpu.memory_space<hbm>>
      tpu.enqueue_indirect_dma source(%dma_start3A_153 : memref<10112x16xf32, #tpu.memory_space<hbm>>) target(%dma_start3A_147 : memref<100x16xf32, #tpu.memory_space<vmem>>) offsets(%dma_start3A_150 : memref<100xi32, #tpu.memory_space<vmem>>) semaphore(%arg12 : memref<!tpu.dma_semaphore, #tpu.memory_space<semaphore_mem>>)
      %add3A_154 = arith.constant 0 : i32
      %add3A_155 = arith.addi %add3A_24, %add3A_154 : i32
      %dma_start3A_156 = arith.constant 0 : i32
      %dma_start3A_157 = arith.constant 0 : i32
      %dma_start3A_158 = arith.constant 0 : i32
      %dma_start3A_159 = tpu.memref_slice %arg9[%dma_start3A_156, %dma_start3A_157, %dma_start3A_158] : memref<10x100x16xf32, #tpu.memory_space<vmem>> -> memref<1x100x16xf32, #tpu.memory_space<vmem>>
      %dma_start3A_160 = tpu.memref_squeeze %dma_start3A_159 : memref<1x100x16xf32, #tpu.memory_space<vmem>> -> memref<100x16xf32, #tpu.memory_space<vmem>>
      %dma_start3A_161 = arith.constant 0 : i32
      %dma_start3A_162 = tpu.memref_slice %arg6[%add3A_155, %dma_start3A_161] : memref<100x100xi32, #tpu.memory_space<vmem>> -> memref<1x100xi32, #tpu.memory_space<vmem>>
      %dma_start3A_163 = tpu.memref_squeeze %dma_start3A_162 : memref<1x100xi32, #tpu.memory_space<vmem>> -> memref<100xi32, #tpu.memory_space<vmem>>
      %dma_start3A_164 = arith.constant 0 : i32
      %dma_start3A_165 = arith.constant 0 : i32
      %dma_start3A_166 = tpu.memref_slice %arg3[%dma_start3A_164, %dma_start3A_165] : memref<10112x16xf32, #tpu.memory_space<hbm>> -> memref<10112x16xf32, #tpu.memory_space<hbm>>
      tpu.enqueue_indirect_dma source(%dma_start3A_166 : memref<10112x16xf32, #tpu.memory_space<hbm>>) target(%dma_start3A_160 : memref<100x16xf32, #tpu.memory_space<vmem>>) offsets(%dma_start3A_163 : memref<100xi32, #tpu.memory_space<vmem>>) semaphore(%arg13 : memref<!tpu.dma_semaphore, #tpu.memory_space<semaphore_mem>>)
      %add3A_167 = arith.constant 1 : i32
      %add3A_168 = arith.addi %add3A_24, %add3A_167 : i32
      %dma_start3A_169 = arith.constant 1 : i32
      %dma_start3A_170 = arith.constant 0 : i32
      %dma_start3A_171 = arith.constant 0 : i32
      %dma_start3A_172 = tpu.memref_slice %arg9[%dma_start3A_169, %dma_start3A_170, %dma_start3A_171] : memref<10x100x16xf32, #tpu.memory_space<vmem>> -> memref<1x100x16xf32, #tpu.memory_space<vmem>>
      %dma_start3A_173 = tpu.memref_squeeze %dma_start3A_172 : memref<1x100x16xf32, #tpu.memory_space<vmem>> -> memref<100x16xf32, #tpu.memory_space<vmem>>
      %dma_start3A_174 = arith.constant 0 : i32
      %dma_start3A_175 = tpu.memref_slice %arg6[%add3A_168, %dma_start3A_174] : memref<100x100xi32, #tpu.memory_space<vmem>> -> memref<1x100xi32, #tpu.memory_space<vmem>>
      %dma_start3A_176 = tpu.memref_squeeze %dma_start3A_175 : memref<1x100xi32, #tpu.memory_space<vmem>> -> memref<100xi32, #tpu.memory_space<vmem>>
      %dma_start3A_177 = arith.constant 0 : i32
      %dma_start3A_178 = arith.constant 0 : i32
      %dma_start3A_179 = tpu.memref_slice %arg3[%dma_start3A_177, %dma_start3A_178] : memref<10112x16xf32, #tpu.memory_space<hbm>> -> memref<10112x16xf32, #tpu.memory_space<hbm>>
      tpu.enqueue_indirect_dma source(%dma_start3A_179 : memref<10112x16xf32, #tpu.memory_space<hbm>>) target(%dma_start3A_173 : memref<100x16xf32, #tpu.memory_space<vmem>>) offsets(%dma_start3A_176 : memref<100xi32, #tpu.memory_space<vmem>>) semaphore(%arg13 : memref<!tpu.dma_semaphore, #tpu.memory_space<semaphore_mem>>)
      %add3A_180 = arith.constant 2 : i32
      %add3A_181 = arith.addi %add3A_24, %add3A_180 : i32
      %dma_start3A_182 = arith.constant 2 : i32
      %dma_start3A_183 = arith.constant 0 : i32
      %dma_start3A_184 = arith.constant 0 : i32
      %dma_start3A_185 = tpu.memref_slice %arg9[%dma_start3A_182, %dma_start3A_183, %dma_start3A_184] : memref<10x100x16xf32, #tpu.memory_space<vmem>> -> memref<1x100x16xf32, #tpu.memory_space<vmem>>
      %dma_start3A_186 = tpu.memref_squeeze %dma_start3A_185 : memref<1x100x16xf32, #tpu.memory_space<vmem>> -> memref<100x16xf32, #tpu.memory_space<vmem>>
      %dma_start3A_187 = arith.constant 0 : i32
      %dma_start3A_188 = tpu.memref_slice %arg6[%add3A_181, %dma_start3A_187] : memref<100x100xi32, #tpu.memory_space<vmem>> -> memref<1x100xi32, #tpu.memory_space<vmem>>
      %dma_start3A_189 = tpu.memref_squeeze %dma_start3A_188 : memref<1x100xi32, #tpu.memory_space<vmem>> -> memref<100xi32, #tpu.memory_space<vmem>>
      %dma_start3A_190 = arith.constant 0 : i32
      %dma_start3A_191 = arith.constant 0 : i32
      %dma_start3A_192 = tpu.memref_slice %arg3[%dma_start3A_190, %dma_start3A_191] : memref<10112x16xf32, #tpu.memory_space<hbm>> -> memref<10112x16xf32, #tpu.memory_space<hbm>>
      tpu.enqueue_indirect_dma source(%dma_start3A_192 : memref<10112x16xf32, #tpu.memory_space<hbm>>) target(%dma_start3A_186 : memref<100x16xf32, #tpu.memory_space<vmem>>) offsets(%dma_start3A_189 : memref<100xi32, #tpu.memory_space<vmem>>) semaphore(%arg13 : memref<!tpu.dma_semaphore, #tpu.memory_space<semaphore_mem>>)
      %add3A_193 = arith.constant 3 : i32
      %add3A_194 = arith.addi %add3A_24, %add3A_193 : i32
      %dma_start3A_195 = arith.constant 3 : i32
      %dma_start3A_196 = arith.constant 0 : i32
      %dma_start3A_197 = arith.constant 0 : i32
      %dma_start3A_198 = tpu.memref_slice %arg9[%dma_start3A_195, %dma_start3A_196, %dma_start3A_197] : memref<10x100x16xf32, #tpu.memory_space<vmem>> -> memref<1x100x16xf32, #tpu.memory_space<vmem>>
      %dma_start3A_199 = tpu.memref_squeeze %dma_start3A_198 : memref<1x100x16xf32, #tpu.memory_space<vmem>> -> memref<100x16xf32, #tpu.memory_space<vmem>>
      %dma_start3A_200 = arith.constant 0 : i32
      %dma_start3A_201 = tpu.memref_slice %arg6[%add3A_194, %dma_start3A_200] : memref<100x100xi32, #tpu.memory_space<vmem>> -> memref<1x100xi32, #tpu.memory_space<vmem>>
      %dma_start3A_202 = tpu.memref_squeeze %dma_start3A_201 : memref<1x100xi32, #tpu.memory_space<vmem>> -> memref<100xi32, #tpu.memory_space<vmem>>
      %dma_start3A_203 = arith.constant 0 : i32
      %dma_start3A_204 = arith.constant 0 : i32
      %dma_start3A_205 = tpu.memref_slice %arg3[%dma_start3A_203, %dma_start3A_204] : memref<10112x16xf32, #tpu.memory_space<hbm>> -> memref<10112x16xf32, #tpu.memory_space<hbm>>
      tpu.enqueue_indirect_dma source(%dma_start3A_205 : memref<10112x16xf32, #tpu.memory_space<hbm>>) target(%dma_start3A_199 : memref<100x16xf32, #tpu.memory_space<vmem>>) offsets(%dma_start3A_202 : memref<100xi32, #tpu.memory_space<vmem>>) semaphore(%arg13 : memref<!tpu.dma_semaphore, #tpu.memory_space<semaphore_mem>>)
      %add3A_206 = arith.constant 4 : i32
      %add3A_207 = arith.addi %add3A_24, %add3A_206 : i32
      %dma_start3A_208 = arith.constant 4 : i32
      %dma_start3A_209 = arith.constant 0 : i32
      %dma_start3A_210 = arith.constant 0 : i32
      %dma_start3A_211 = tpu.memref_slice %arg9[%dma_start3A_208, %dma_start3A_209, %dma_start3A_210] : memref<10x100x16xf32, #tpu.memory_space<vmem>> -> memref<1x100x16xf32, #tpu.memory_space<vmem>>
      %dma_start3A_212 = tpu.memref_squeeze %dma_start3A_211 : memref<1x100x16xf32, #tpu.memory_space<vmem>> -> memref<100x16xf32, #tpu.memory_space<vmem>>
      %dma_start3A_213 = arith.constant 0 : i32
      %dma_start3A_214 = tpu.memref_slice %arg6[%add3A_207, %dma_start3A_213] : memref<100x100xi32, #tpu.memory_space<vmem>> -> memref<1x100xi32, #tpu.memory_space<vmem>>
      %dma_start3A_215 = tpu.memref_squeeze %dma_start3A_214 : memref<1x100xi32, #tpu.memory_space<vmem>> -> memref<100xi32, #tpu.memory_space<vmem>>
      %dma_start3A_216 = arith.constant 0 : i32
      %dma_start3A_217 = arith.constant 0 : i32
      %dma_start3A_218 = tpu.memref_slice %arg3[%dma_start3A_216, %dma_start3A_217] : memref<10112x16xf32, #tpu.memory_space<hbm>> -> memref<10112x16xf32, #tpu.memory_space<hbm>>
      tpu.enqueue_indirect_dma source(%dma_start3A_218 : memref<10112x16xf32, #tpu.memory_space<hbm>>) target(%dma_start3A_212 : memref<100x16xf32, #tpu.memory_space<vmem>>) offsets(%dma_start3A_215 : memref<100xi32, #tpu.memory_space<vmem>>) semaphore(%arg13 : memref<!tpu.dma_semaphore, #tpu.memory_space<semaphore_mem>>)
      %add3A_219 = arith.constant 5 : i32
      %add3A_220 = arith.addi %add3A_24, %add3A_219 : i32
      %dma_start3A_221 = arith.constant 5 : i32
      %dma_start3A_222 = arith.constant 0 : i32
      %dma_start3A_223 = arith.constant 0 : i32
      %dma_start3A_224 = tpu.memref_slice %arg9[%dma_start3A_221, %dma_start3A_222, %dma_start3A_223] : memref<10x100x16xf32, #tpu.memory_space<vmem>> -> memref<1x100x16xf32, #tpu.memory_space<vmem>>
      %dma_start3A_225 = tpu.memref_squeeze %dma_start3A_224 : memref<1x100x16xf32, #tpu.memory_space<vmem>> -> memref<100x16xf32, #tpu.memory_space<vmem>>
      %dma_start3A_226 = arith.constant 0 : i32
      %dma_start3A_227 = tpu.memref_slice %arg6[%add3A_220, %dma_start3A_226] : memref<100x100xi32, #tpu.memory_space<vmem>> -> memref<1x100xi32, #tpu.memory_space<vmem>>
      %dma_start3A_228 = tpu.memref_squeeze %dma_start3A_227 : memref<1x100xi32, #tpu.memory_space<vmem>> -> memref<100xi32, #tpu.memory_space<vmem>>
      %dma_start3A_229 = arith.constant 0 : i32
      %dma_start3A_230 = arith.constant 0 : i32
      %dma_start3A_231 = tpu.memref_slice %arg3[%dma_start3A_229, %dma_start3A_230] : memref<10112x16xf32, #tpu.memory_space<hbm>> -> memref<10112x16xf32, #tpu.memory_space<hbm>>
      tpu.enqueue_indirect_dma source(%dma_start3A_231 : memref<10112x16xf32, #tpu.memory_space<hbm>>) target(%dma_start3A_225 : memref<100x16xf32, #tpu.memory_space<vmem>>) offsets(%dma_start3A_228 : memref<100xi32, #tpu.memory_space<vmem>>) semaphore(%arg13 : memref<!tpu.dma_semaphore, #tpu.memory_space<semaphore_mem>>)
      %add3A_232 = arith.constant 6 : i32
      %add3A_233 = arith.addi %add3A_24, %add3A_232 : i32
      %dma_start3A_234 = arith.constant 6 : i32
      %dma_start3A_235 = arith.constant 0 : i32
      %dma_start3A_236 = arith.constant 0 : i32
      %dma_start3A_237 = tpu.memref_slice %arg9[%dma_start3A_234, %dma_start3A_235, %dma_start3A_236] : memref<10x100x16xf32, #tpu.memory_space<vmem>> -> memref<1x100x16xf32, #tpu.memory_space<vmem>>
      %dma_start3A_238 = tpu.memref_squeeze %dma_start3A_237 : memref<1x100x16xf32, #tpu.memory_space<vmem>> -> memref<100x16xf32, #tpu.memory_space<vmem>>
      %dma_start3A_239 = arith.constant 0 : i32
      %dma_start3A_240 = tpu.memref_slice %arg6[%add3A_233, %dma_start3A_239] : memref<100x100xi32, #tpu.memory_space<vmem>> -> memref<1x100xi32, #tpu.memory_space<vmem>>
      %dma_start3A_241 = tpu.memref_squeeze %dma_start3A_240 : memref<1x100xi32, #tpu.memory_space<vmem>> -> memref<100xi32, #tpu.memory_space<vmem>>
      %dma_start3A_242 = arith.constant 0 : i32
      %dma_start3A_243 = arith.constant 0 : i32
      %dma_start3A_244 = tpu.memref_slice %arg3[%dma_start3A_242, %dma_start3A_243] : memref<10112x16xf32, #tpu.memory_space<hbm>> -> memref<10112x16xf32, #tpu.memory_space<hbm>>
      tpu.enqueue_indirect_dma source(%dma_start3A_244 : memref<10112x16xf32, #tpu.memory_space<hbm>>) target(%dma_start3A_238 : memref<100x16xf32, #tpu.memory_space<vmem>>) offsets(%dma_start3A_241 : memref<100xi32, #tpu.memory_space<vmem>>) semaphore(%arg13 : memref<!tpu.dma_semaphore, #tpu.memory_space<semaphore_mem>>)
      %add3A_245 = arith.constant 7 : i32
      %add3A_246 = arith.addi %add3A_24, %add3A_245 : i32
      %dma_start3A_247 = arith.constant 7 : i32
      %dma_start3A_248 = arith.constant 0 : i32
      %dma_start3A_249 = arith.constant 0 : i32
      %dma_start3A_250 = tpu.memref_slice %arg9[%dma_start3A_247, %dma_start3A_248, %dma_start3A_249] : memref<10x100x16xf32, #tpu.memory_space<vmem>> -> memref<1x100x16xf32, #tpu.memory_space<vmem>>
      %dma_start3A_251 = tpu.memref_squeeze %dma_start3A_250 : memref<1x100x16xf32, #tpu.memory_space<vmem>> -> memref<100x16xf32, #tpu.memory_space<vmem>>
      %dma_start3A_252 = arith.constant 0 : i32
      %dma_start3A_253 = tpu.memref_slice %arg6[%add3A_246, %dma_start3A_252] : memref<100x100xi32, #tpu.memory_space<vmem>> -> memref<1x100xi32, #tpu.memory_space<vmem>>
      %dma_start3A_254 = tpu.memref_squeeze %dma_start3A_253 : memref<1x100xi32, #tpu.memory_space<vmem>> -> memref<100xi32, #tpu.memory_space<vmem>>
      %dma_start3A_255 = arith.constant 0 : i32
      %dma_start3A_256 = arith.constant 0 : i32
      %dma_start3A_257 = tpu.memref_slice %arg3[%dma_start3A_255, %dma_start3A_256] : memref<10112x16xf32, #tpu.memory_space<hbm>> -> memref<10112x16xf32, #tpu.memory_space<hbm>>
      tpu.enqueue_indirect_dma source(%dma_start3A_257 : memref<10112x16xf32, #tpu.memory_space<hbm>>) target(%dma_start3A_251 : memref<100x16xf32, #tpu.memory_space<vmem>>) offsets(%dma_start3A_254 : memref<100xi32, #tpu.memory_space<vmem>>) semaphore(%arg13 : memref<!tpu.dma_semaphore, #tpu.memory_space<semaphore_mem>>)
      %add3A_258 = arith.constant 8 : i32
      %add3A_259 = arith.addi %add3A_24, %add3A_258 : i32
      %dma_start3A_260 = arith.constant 8 : i32
      %dma_start3A_261 = arith.constant 0 : i32
      %dma_start3A_262 = arith.constant 0 : i32
      %dma_start3A_263 = tpu.memref_slice %arg9[%dma_start3A_260, %dma_start3A_261, %dma_start3A_262] : memref<10x100x16xf32, #tpu.memory_space<vmem>> -> memref<1x100x16xf32, #tpu.memory_space<vmem>>
      %dma_start3A_264 = tpu.memref_squeeze %dma_start3A_263 : memref<1x100x16xf32, #tpu.memory_space<vmem>> -> memref<100x16xf32, #tpu.memory_space<vmem>>
      %dma_start3A_265 = arith.constant 0 : i32
      %dma_start3A_266 = tpu.memref_slice %arg6[%add3A_259, %dma_start3A_265] : memref<100x100xi32, #tpu.memory_space<vmem>> -> memref<1x100xi32, #tpu.memory_space<vmem>>
      %dma_start3A_267 = tpu.memref_squeeze %dma_start3A_266 : memref<1x100xi32, #tpu.memory_space<vmem>> -> memref<100xi32, #tpu.memory_space<vmem>>
      %dma_start3A_268 = arith.constant 0 : i32
      %dma_start3A_269 = arith.constant 0 : i32
      %dma_start3A_270 = tpu.memref_slice %arg3[%dma_start3A_268, %dma_start3A_269] : memref<10112x16xf32, #tpu.memory_space<hbm>> -> memref<10112x16xf32, #tpu.memory_space<hbm>>
      tpu.enqueue_indirect_dma source(%dma_start3A_270 : memref<10112x16xf32, #tpu.memory_space<hbm>>) target(%dma_start3A_264 : memref<100x16xf32, #tpu.memory_space<vmem>>) offsets(%dma_start3A_267 : memref<100xi32, #tpu.memory_space<vmem>>) semaphore(%arg13 : memref<!tpu.dma_semaphore, #tpu.memory_space<semaphore_mem>>)
      %add3A_271 = arith.constant 9 : i32
      %add3A_272 = arith.addi %add3A_24, %add3A_271 : i32
      %dma_start3A_273 = arith.constant 9 : i32
      %dma_start3A_274 = arith.constant 0 : i32
      %dma_start3A_275 = arith.constant 0 : i32
      %dma_start3A_276 = tpu.memref_slice %arg9[%dma_start3A_273, %dma_start3A_274, %dma_start3A_275] : memref<10x100x16xf32, #tpu.memory_space<vmem>> -> memref<1x100x16xf32, #tpu.memory_space<vmem>>
      %dma_start3A_277 = tpu.memref_squeeze %dma_start3A_276 : memref<1x100x16xf32, #tpu.memory_space<vmem>> -> memref<100x16xf32, #tpu.memory_space<vmem>>
      %dma_start3A_278 = arith.constant 0 : i32
      %dma_start3A_279 = tpu.memref_slice %arg6[%add3A_272, %dma_start3A_278] : memref<100x100xi32, #tpu.memory_space<vmem>> -> memref<1x100xi32, #tpu.memory_space<vmem>>
      %dma_start3A_280 = tpu.memref_squeeze %dma_start3A_279 : memref<1x100xi32, #tpu.memory_space<vmem>> -> memref<100xi32, #tpu.memory_space<vmem>>
      %dma_start3A_281 = arith.constant 0 : i32
      %dma_start3A_282 = arith.constant 0 : i32
      %dma_start3A_283 = tpu.memref_slice %arg3[%dma_start3A_281, %dma_start3A_282] : memref<10112x16xf32, #tpu.memory_space<hbm>> -> memref<10112x16xf32, #tpu.memory_space<hbm>>
      tpu.enqueue_indirect_dma source(%dma_start3A_283 : memref<10112x16xf32, #tpu.memory_space<hbm>>) target(%dma_start3A_277 : memref<100x16xf32, #tpu.memory_space<vmem>>) offsets(%dma_start3A_280 : memref<100xi32, #tpu.memory_space<vmem>>) semaphore(%arg13 : memref<!tpu.dma_semaphore, #tpu.memory_space<semaphore_mem>>)
      %dma_wait3A = arith.constant 0 : i32
      %dma_wait3A_284 = arith.constant 0 : i32
      %dma_wait3A_285 = arith.constant 0 : i32
      %dma_wait3A_286 = tpu.memref_slice %arg8[%dma_wait3A, %dma_wait3A_284, %dma_wait3A_285] : memref<10x100x16xf32, #tpu.memory_space<vmem>> -> memref<1x100x16xf32, #tpu.memory_space<vmem>>
      %dma_wait3A_287 = tpu.memref_squeeze %dma_wait3A_286 : memref<1x100x16xf32, #tpu.memory_space<vmem>> -> memref<100x16xf32, #tpu.memory_space<vmem>>
      %dma_wait3A_288 = arith.constant 0 : i32
      %dma_wait3A_289 = tpu.memref_slice %arg6[%add3A_26, %dma_wait3A_288] : memref<100x100xi32, #tpu.memory_space<vmem>> -> memref<1x100xi32, #tpu.memory_space<vmem>>
      %dma_wait3A_290 = tpu.memref_squeeze %dma_wait3A_289 : memref<1x100xi32, #tpu.memory_space<vmem>> -> memref<100xi32, #tpu.memory_space<vmem>>
      %dma_wait3A_291 = arith.constant 0 : i32
      %dma_wait3A_292 = arith.constant 0 : i32
      %dma_wait3A_293 = tpu.memref_slice %arg3[%dma_wait3A_291, %dma_wait3A_292] : memref<10112x16xf32, #tpu.memory_space<hbm>> -> memref<10112x16xf32, #tpu.memory_space<hbm>>
      tpu.wait_indirect_dma semaphore(%arg12 : memref<!tpu.dma_semaphore, #tpu.memory_space<semaphore_mem>>) src(%dma_wait3A_293 : memref<10112x16xf32, #tpu.memory_space<hbm>>) dst(%dma_wait3A_287 : memref<100x16xf32, #tpu.memory_space<vmem>>)
      %dma_wait3A_294 = arith.constant 1 : i32
      %dma_wait3A_295 = arith.constant 0 : i32
      %dma_wait3A_296 = arith.constant 0 : i32
      %dma_wait3A_297 = tpu.memref_slice %arg8[%dma_wait3A_294, %dma_wait3A_295, %dma_wait3A_296] : memref<10x100x16xf32, #tpu.memory_space<vmem>> -> memref<1x100x16xf32, #tpu.memory_space<vmem>>
      %dma_wait3A_298 = tpu.memref_squeeze %dma_wait3A_297 : memref<1x100x16xf32, #tpu.memory_space<vmem>> -> memref<100x16xf32, #tpu.memory_space<vmem>>
      %dma_wait3A_299 = arith.constant 0 : i32
      %dma_wait3A_300 = tpu.memref_slice %arg6[%add3A_38, %dma_wait3A_299] : memref<100x100xi32, #tpu.memory_space<vmem>> -> memref<1x100xi32, #tpu.memory_space<vmem>>
      %dma_wait3A_301 = tpu.memref_squeeze %dma_wait3A_300 : memref<1x100xi32, #tpu.memory_space<vmem>> -> memref<100xi32, #tpu.memory_space<vmem>>
      %dma_wait3A_302 = arith.constant 0 : i32
      %dma_wait3A_303 = arith.constant 0 : i32
      %dma_wait3A_304 = tpu.memref_slice %arg3[%dma_wait3A_302, %dma_wait3A_303] : memref<10112x16xf32, #tpu.memory_space<hbm>> -> memref<10112x16xf32, #tpu.memory_space<hbm>>
      tpu.wait_indirect_dma semaphore(%arg12 : memref<!tpu.dma_semaphore, #tpu.memory_space<semaphore_mem>>) src(%dma_wait3A_304 : memref<10112x16xf32, #tpu.memory_space<hbm>>) dst(%dma_wait3A_298 : memref<100x16xf32, #tpu.memory_space<vmem>>)
      %dma_wait3A_305 = arith.constant 2 : i32
      %dma_wait3A_306 = arith.constant 0 : i32
      %dma_wait3A_307 = arith.constant 0 : i32
      %dma_wait3A_308 = tpu.memref_slice %arg8[%dma_wait3A_305, %dma_wait3A_306, %dma_wait3A_307] : memref<10x100x16xf32, #tpu.memory_space<vmem>> -> memref<1x100x16xf32, #tpu.memory_space<vmem>>
      %dma_wait3A_309 = tpu.memref_squeeze %dma_wait3A_308 : memref<1x100x16xf32, #tpu.memory_space<vmem>> -> memref<100x16xf32, #tpu.memory_space<vmem>>
      %dma_wait3A_310 = arith.constant 0 : i32
      %dma_wait3A_311 = tpu.memref_slice %arg6[%add3A_51, %dma_wait3A_310] : memref<100x100xi32, #tpu.memory_space<vmem>> -> memref<1x100xi32, #tpu.memory_space<vmem>>
      %dma_wait3A_312 = tpu.memref_squeeze %dma_wait3A_311 : memref<1x100xi32, #tpu.memory_space<vmem>> -> memref<100xi32, #tpu.memory_space<vmem>>
      %dma_wait3A_313 = arith.constant 0 : i32
      %dma_wait3A_314 = arith.constant 0 : i32
      %dma_wait3A_315 = tpu.memref_slice %arg3[%dma_wait3A_313, %dma_wait3A_314] : memref<10112x16xf32, #tpu.memory_space<hbm>> -> memref<10112x16xf32, #tpu.memory_space<hbm>>
      tpu.wait_indirect_dma semaphore(%arg12 : memref<!tpu.dma_semaphore, #tpu.memory_space<semaphore_mem>>) src(%dma_wait3A_315 : memref<10112x16xf32, #tpu.memory_space<hbm>>) dst(%dma_wait3A_309 : memref<100x16xf32, #tpu.memory_space<vmem>>)
      %dma_wait3A_316 = arith.constant 3 : i32
      %dma_wait3A_317 = arith.constant 0 : i32
      %dma_wait3A_318 = arith.constant 0 : i32
      %dma_wait3A_319 = tpu.memref_slice %arg8[%dma_wait3A_316, %dma_wait3A_317, %dma_wait3A_318] : memref<10x100x16xf32, #tpu.memory_space<vmem>> -> memref<1x100x16xf32, #tpu.memory_space<vmem>>
      %dma_wait3A_320 = tpu.memref_squeeze %dma_wait3A_319 : memref<1x100x16xf32, #tpu.memory_space<vmem>> -> memref<100x16xf32, #tpu.memory_space<vmem>>
      %dma_wait3A_321 = arith.constant 0 : i32
      %dma_wait3A_322 = tpu.memref_slice %arg6[%add3A_64, %dma_wait3A_321] : memref<100x100xi32, #tpu.memory_space<vmem>> -> memref<1x100xi32, #tpu.memory_space<vmem>>
      %dma_wait3A_323 = tpu.memref_squeeze %dma_wait3A_322 : memref<1x100xi32, #tpu.memory_space<vmem>> -> memref<100xi32, #tpu.memory_space<vmem>>
      %dma_wait3A_324 = arith.constant 0 : i32
      %dma_wait3A_325 = arith.constant 0 : i32
      %dma_wait3A_326 = tpu.memref_slice %arg3[%dma_wait3A_324, %dma_wait3A_325] : memref<10112x16xf32, #tpu.memory_space<hbm>> -> memref<10112x16xf32, #tpu.memory_space<hbm>>
      tpu.wait_indirect_dma semaphore(%arg12 : memref<!tpu.dma_semaphore, #tpu.memory_space<semaphore_mem>>) src(%dma_wait3A_326 : memref<10112x16xf32, #tpu.memory_space<hbm>>) dst(%dma_wait3A_320 : memref<100x16xf32, #tpu.memory_space<vmem>>)
      %dma_wait3A_327 = arith.constant 4 : i32
      %dma_wait3A_328 = arith.constant 0 : i32
      %dma_wait3A_329 = arith.constant 0 : i32
      %dma_wait3A_330 = tpu.memref_slice %arg8[%dma_wait3A_327, %dma_wait3A_328, %dma_wait3A_329] : memref<10x100x16xf32, #tpu.memory_space<vmem>> -> memref<1x100x16xf32, #tpu.memory_space<vmem>>
      %dma_wait3A_331 = tpu.memref_squeeze %dma_wait3A_330 : memref<1x100x16xf32, #tpu.memory_space<vmem>> -> memref<100x16xf32, #tpu.memory_space<vmem>>
      %dma_wait3A_332 = arith.constant 0 : i32
      %dma_wait3A_333 = tpu.memref_slice %arg6[%add3A_77, %dma_wait3A_332] : memref<100x100xi32, #tpu.memory_space<vmem>> -> memref<1x100xi32, #tpu.memory_space<vmem>>
      %dma_wait3A_334 = tpu.memref_squeeze %dma_wait3A_333 : memref<1x100xi32, #tpu.memory_space<vmem>> -> memref<100xi32, #tpu.memory_space<vmem>>
      %dma_wait3A_335 = arith.constant 0 : i32
      %dma_wait3A_336 = arith.constant 0 : i32
      %dma_wait3A_337 = tpu.memref_slice %arg3[%dma_wait3A_335, %dma_wait3A_336] : memref<10112x16xf32, #tpu.memory_space<hbm>> -> memref<10112x16xf32, #tpu.memory_space<hbm>>
      tpu.wait_indirect_dma semaphore(%arg12 : memref<!tpu.dma_semaphore, #tpu.memory_space<semaphore_mem>>) src(%dma_wait3A_337 : memref<10112x16xf32, #tpu.memory_space<hbm>>) dst(%dma_wait3A_331 : memref<100x16xf32, #tpu.memory_space<vmem>>)
      %dma_wait3A_338 = arith.constant 5 : i32
      %dma_wait3A_339 = arith.constant 0 : i32
      %dma_wait3A_340 = arith.constant 0 : i32
      %dma_wait3A_341 = tpu.memref_slice %arg8[%dma_wait3A_338, %dma_wait3A_339, %dma_wait3A_340] : memref<10x100x16xf32, #tpu.memory_space<vmem>> -> memref<1x100x16xf32, #tpu.memory_space<vmem>>
      %dma_wait3A_342 = tpu.memref_squeeze %dma_wait3A_341 : memref<1x100x16xf32, #tpu.memory_space<vmem>> -> memref<100x16xf32, #tpu.memory_space<vmem>>
      %dma_wait3A_343 = arith.constant 0 : i32
      %dma_wait3A_344 = tpu.memref_slice %arg6[%add3A_90, %dma_wait3A_343] : memref<100x100xi32, #tpu.memory_space<vmem>> -> memref<1x100xi32, #tpu.memory_space<vmem>>
      %dma_wait3A_345 = tpu.memref_squeeze %dma_wait3A_344 : memref<1x100xi32, #tpu.memory_space<vmem>> -> memref<100xi32, #tpu.memory_space<vmem>>
      %dma_wait3A_346 = arith.constant 0 : i32
      %dma_wait3A_347 = arith.constant 0 : i32
      %dma_wait3A_348 = tpu.memref_slice %arg3[%dma_wait3A_346, %dma_wait3A_347] : memref<10112x16xf32, #tpu.memory_space<hbm>> -> memref<10112x16xf32, #tpu.memory_space<hbm>>
      tpu.wait_indirect_dma semaphore(%arg12 : memref<!tpu.dma_semaphore, #tpu.memory_space<semaphore_mem>>) src(%dma_wait3A_348 : memref<10112x16xf32, #tpu.memory_space<hbm>>) dst(%dma_wait3A_342 : memref<100x16xf32, #tpu.memory_space<vmem>>)
      %dma_wait3A_349 = arith.constant 6 : i32
      %dma_wait3A_350 = arith.constant 0 : i32
      %dma_wait3A_351 = arith.constant 0 : i32
      %dma_wait3A_352 = tpu.memref_slice %arg8[%dma_wait3A_349, %dma_wait3A_350, %dma_wait3A_351] : memref<10x100x16xf32, #tpu.memory_space<vmem>> -> memref<1x100x16xf32, #tpu.memory_space<vmem>>
      %dma_wait3A_353 = tpu.memref_squeeze %dma_wait3A_352 : memref<1x100x16xf32, #tpu.memory_space<vmem>> -> memref<100x16xf32, #tpu.memory_space<vmem>>
      %dma_wait3A_354 = arith.constant 0 : i32
      %dma_wait3A_355 = tpu.memref_slice %arg6[%add3A_103, %dma_wait3A_354] : memref<100x100xi32, #tpu.memory_space<vmem>> -> memref<1x100xi32, #tpu.memory_space<vmem>>
      %dma_wait3A_356 = tpu.memref_squeeze %dma_wait3A_355 : memref<1x100xi32, #tpu.memory_space<vmem>> -> memref<100xi32, #tpu.memory_space<vmem>>
      %dma_wait3A_357 = arith.constant 0 : i32
      %dma_wait3A_358 = arith.constant 0 : i32
      %dma_wait3A_359 = tpu.memref_slice %arg3[%dma_wait3A_357, %dma_wait3A_358] : memref<10112x16xf32, #tpu.memory_space<hbm>> -> memref<10112x16xf32, #tpu.memory_space<hbm>>
      tpu.wait_indirect_dma semaphore(%arg12 : memref<!tpu.dma_semaphore, #tpu.memory_space<semaphore_mem>>) src(%dma_wait3A_359 : memref<10112x16xf32, #tpu.memory_space<hbm>>) dst(%dma_wait3A_353 : memref<100x16xf32, #tpu.memory_space<vmem>>)
      %dma_wait3A_360 = arith.constant 7 : i32
      %dma_wait3A_361 = arith.constant 0 : i32
      %dma_wait3A_362 = arith.constant 0 : i32
      %dma_wait3A_363 = tpu.memref_slice %arg8[%dma_wait3A_360, %dma_wait3A_361, %dma_wait3A_362] : memref<10x100x16xf32, #tpu.memory_space<vmem>> -> memref<1x100x16xf32, #tpu.memory_space<vmem>>
      %dma_wait3A_364 = tpu.memref_squeeze %dma_wait3A_363 : memref<1x100x16xf32, #tpu.memory_space<vmem>> -> memref<100x16xf32, #tpu.memory_space<vmem>>
      %dma_wait3A_365 = arith.constant 0 : i32
      %dma_wait3A_366 = tpu.memref_slice %arg6[%add3A_116, %dma_wait3A_365] : memref<100x100xi32, #tpu.memory_space<vmem>> -> memref<1x100xi32, #tpu.memory_space<vmem>>
      %dma_wait3A_367 = tpu.memref_squeeze %dma_wait3A_366 : memref<1x100xi32, #tpu.memory_space<vmem>> -> memref<100xi32, #tpu.memory_space<vmem>>
      %dma_wait3A_368 = arith.constant 0 : i32
      %dma_wait3A_369 = arith.constant 0 : i32
      %dma_wait3A_370 = tpu.memref_slice %arg3[%dma_wait3A_368, %dma_wait3A_369] : memref<10112x16xf32, #tpu.memory_space<hbm>> -> memref<10112x16xf32, #tpu.memory_space<hbm>>
      tpu.wait_indirect_dma semaphore(%arg12 : memref<!tpu.dma_semaphore, #tpu.memory_space<semaphore_mem>>) src(%dma_wait3A_370 : memref<10112x16xf32, #tpu.memory_space<hbm>>) dst(%dma_wait3A_364 : memref<100x16xf32, #tpu.memory_space<vmem>>)
      %dma_wait3A_371 = arith.constant 8 : i32
      %dma_wait3A_372 = arith.constant 0 : i32
      %dma_wait3A_373 = arith.constant 0 : i32
      %dma_wait3A_374 = tpu.memref_slice %arg8[%dma_wait3A_371, %dma_wait3A_372, %dma_wait3A_373] : memref<10x100x16xf32, #tpu.memory_space<vmem>> -> memref<1x100x16xf32, #tpu.memory_space<vmem>>
      %dma_wait3A_375 = tpu.memref_squeeze %dma_wait3A_374 : memref<1x100x16xf32, #tpu.memory_space<vmem>> -> memref<100x16xf32, #tpu.memory_space<vmem>>
      %dma_wait3A_376 = arith.constant 0 : i32
      %dma_wait3A_377 = tpu.memref_slice %arg6[%add3A_129, %dma_wait3A_376] : memref<100x100xi32, #tpu.memory_space<vmem>> -> memref<1x100xi32, #tpu.memory_space<vmem>>
      %dma_wait3A_378 = tpu.memref_squeeze %dma_wait3A_377 : memref<1x100xi32, #tpu.memory_space<vmem>> -> memref<100xi32, #tpu.memory_space<vmem>>
      %dma_wait3A_379 = arith.constant 0 : i32
      %dma_wait3A_380 = arith.constant 0 : i32
      %dma_wait3A_381 = tpu.memref_slice %arg3[%dma_wait3A_379, %dma_wait3A_380] : memref<10112x16xf32, #tpu.memory_space<hbm>> -> memref<10112x16xf32, #tpu.memory_space<hbm>>
      tpu.wait_indirect_dma semaphore(%arg12 : memref<!tpu.dma_semaphore, #tpu.memory_space<semaphore_mem>>) src(%dma_wait3A_381 : memref<10112x16xf32, #tpu.memory_space<hbm>>) dst(%dma_wait3A_375 : memref<100x16xf32, #tpu.memory_space<vmem>>)
      %dma_wait3A_382 = arith.constant 9 : i32
      %dma_wait3A_383 = arith.constant 0 : i32
      %dma_wait3A_384 = arith.constant 0 : i32
      %dma_wait3A_385 = tpu.memref_slice %arg8[%dma_wait3A_382, %dma_wait3A_383, %dma_wait3A_384] : memref<10x100x16xf32, #tpu.memory_space<vmem>> -> memref<1x100x16xf32, #tpu.memory_space<vmem>>
      %dma_wait3A_386 = tpu.memref_squeeze %dma_wait3A_385 : memref<1x100x16xf32, #tpu.memory_space<vmem>> -> memref<100x16xf32, #tpu.memory_space<vmem>>
      %dma_wait3A_387 = arith.constant 0 : i32
      %dma_wait3A_388 = tpu.memref_slice %arg6[%add3A_142, %dma_wait3A_387] : memref<100x100xi32, #tpu.memory_space<vmem>> -> memref<1x100xi32, #tpu.memory_space<vmem>>
      %dma_wait3A_389 = tpu.memref_squeeze %dma_wait3A_388 : memref<1x100xi32, #tpu.memory_space<vmem>> -> memref<100xi32, #tpu.memory_space<vmem>>
      %dma_wait3A_390 = arith.constant 0 : i32
      %dma_wait3A_391 = arith.constant 0 : i32
      %dma_wait3A_392 = tpu.memref_slice %arg3[%dma_wait3A_390, %dma_wait3A_391] : memref<10112x16xf32, #tpu.memory_space<hbm>> -> memref<10112x16xf32, #tpu.memory_space<hbm>>
      tpu.wait_indirect_dma semaphore(%arg12 : memref<!tpu.dma_semaphore, #tpu.memory_space<semaphore_mem>>) src(%dma_wait3A_392 : memref<10112x16xf32, #tpu.memory_space<hbm>>) dst(%dma_wait3A_386 : memref<100x16xf32, #tpu.memory_space<vmem>>)
      %add3A_393 = arith.constant 0 : i32
      %add3A_394 = arith.addi %mul3A_22, %add3A_393 : i32
      %dma_start3A_395 = arith.constant 0 : i32
      %dma_start3A_396 = arith.constant 0 : i32
      %dma_start3A_397 = arith.constant 0 : i32
      %dma_start3A_398 = tpu.memref_slice %arg8[%dma_start3A_395, %dma_start3A_396, %dma_start3A_397] : memref<10x100x16xf32, #tpu.memory_space<vmem>> -> memref<1x100x16xf32, #tpu.memory_space<vmem>>
      %dma_start3A_399 = tpu.memref_squeeze %dma_start3A_398 : memref<1x100x16xf32, #tpu.memory_space<vmem>> -> memref<100x16xf32, #tpu.memory_space<vmem>>
      %dma_start3A_400 = arith.constant 0 : i32
      %dma_start3A_401 = tpu.memref_slice %arg7[%add3A_394, %dma_start3A_400] : memref<100x100xi32, #tpu.memory_space<vmem>> -> memref<1x100xi32, #tpu.memory_space<vmem>>
      %dma_start3A_402 = tpu.memref_squeeze %dma_start3A_401 : memref<1x100xi32, #tpu.memory_space<vmem>> -> memref<100xi32, #tpu.memory_space<vmem>>
      %dma_start3A_403 = arith.constant 0 : i32
      %dma_start3A_404 = arith.constant 0 : i32
      %dma_start3A_405 = tpu.memref_slice %arg11[%dma_start3A_403, %dma_start3A_404] : memref<10112x16xf32, #tpu.memory_space<vmem_shared>> -> memref<10112x16xf32, #tpu.memory_space<vmem_shared>>
      tpu.enqueue_indirect_dma source(%dma_start3A_399 : memref<100x16xf32, #tpu.memory_space<vmem>>) target(%dma_start3A_405 : memref<10112x16xf32, #tpu.memory_space<vmem_shared>>) offsets(%dma_start3A_402 : memref<100xi32, #tpu.memory_space<vmem>>) semaphore(%arg14 : memref<!tpu.dma_semaphore, #tpu.memory_space<semaphore_mem>>) {add = true}
      %add3A_406 = arith.constant 1 : i32
      %add3A_407 = arith.addi %mul3A_22, %add3A_406 : i32
      %dma_start3A_408 = arith.constant 1 : i32
      %dma_start3A_409 = arith.constant 0 : i32
      %dma_start3A_410 = arith.constant 0 : i32
      %dma_start3A_411 = tpu.memref_slice %arg8[%dma_start3A_408, %dma_start3A_409, %dma_start3A_410] : memref<10x100x16xf32, #tpu.memory_space<vmem>> -> memref<1x100x16xf32, #tpu.memory_space<vmem>>
      %dma_start3A_412 = tpu.memref_squeeze %dma_start3A_411 : memref<1x100x16xf32, #tpu.memory_space<vmem>> -> memref<100x16xf32, #tpu.memory_space<vmem>>
      %dma_start3A_413 = arith.constant 0 : i32
      %dma_start3A_414 = tpu.memref_slice %arg7[%add3A_407, %dma_start3A_413] : memref<100x100xi32, #tpu.memory_space<vmem>> -> memref<1x100xi32, #tpu.memory_space<vmem>>
      %dma_start3A_415 = tpu.memref_squeeze %dma_start3A_414 : memref<1x100xi32, #tpu.memory_space<vmem>> -> memref<100xi32, #tpu.memory_space<vmem>>
      %dma_start3A_416 = arith.constant 0 : i32
      %dma_start3A_417 = arith.constant 0 : i32
      %dma_start3A_418 = tpu.memref_slice %arg11[%dma_start3A_416, %dma_start3A_417] : memref<10112x16xf32, #tpu.memory_space<vmem_shared>> -> memref<10112x16xf32, #tpu.memory_space<vmem_shared>>
      tpu.enqueue_indirect_dma source(%dma_start3A_412 : memref<100x16xf32, #tpu.memory_space<vmem>>) target(%dma_start3A_418 : memref<10112x16xf32, #tpu.memory_space<vmem_shared>>) offsets(%dma_start3A_415 : memref<100xi32, #tpu.memory_space<vmem>>) semaphore(%arg14 : memref<!tpu.dma_semaphore, #tpu.memory_space<semaphore_mem>>) {add = true}
      %add3A_419 = arith.constant 2 : i32
      %add3A_420 = arith.addi %mul3A_22, %add3A_419 : i32
      %dma_start3A_421 = arith.constant 2 : i32
      %dma_start3A_422 = arith.constant 0 : i32
      %dma_start3A_423 = arith.constant 0 : i32
      %dma_start3A_424 = tpu.memref_slice %arg8[%dma_start3A_421, %dma_start3A_422, %dma_start3A_423] : memref<10x100x16xf32, #tpu.memory_space<vmem>> -> memref<1x100x16xf32, #tpu.memory_space<vmem>>
      %dma_start3A_425 = tpu.memref_squeeze %dma_start3A_424 : memref<1x100x16xf32, #tpu.memory_space<vmem>> -> memref<100x16xf32, #tpu.memory_space<vmem>>
      %dma_start3A_426 = arith.constant 0 : i32
      %dma_start3A_427 = tpu.memref_slice %arg7[%add3A_420, %dma_start3A_426] : memref<100x100xi32, #tpu.memory_space<vmem>> -> memref<1x100xi32, #tpu.memory_space<vmem>>
      %dma_start3A_428 = tpu.memref_squeeze %dma_start3A_427 : memref<1x100xi32, #tpu.memory_space<vmem>> -> memref<100xi32, #tpu.memory_space<vmem>>
      %dma_start3A_429 = arith.constant 0 : i32
      %dma_start3A_430 = arith.constant 0 : i32
      %dma_start3A_431 = tpu.memref_slice %arg11[%dma_start3A_429, %dma_start3A_430] : memref<10112x16xf32, #tpu.memory_space<vmem_shared>> -> memref<10112x16xf32, #tpu.memory_space<vmem_shared>>
      tpu.enqueue_indirect_dma source(%dma_start3A_425 : memref<100x16xf32, #tpu.memory_space<vmem>>) target(%dma_start3A_431 : memref<10112x16xf32, #tpu.memory_space<vmem_shared>>) offsets(%dma_start3A_428 : memref<100xi32, #tpu.memory_space<vmem>>) semaphore(%arg14 : memref<!tpu.dma_semaphore, #tpu.memory_space<semaphore_mem>>) {add = true}
      %add3A_432 = arith.constant 3 : i32
      %add3A_433 = arith.addi %mul3A_22, %add3A_432 : i32
      %dma_start3A_434 = arith.constant 3 : i32
      %dma_start3A_435 = arith.constant 0 : i32
      %dma_start3A_436 = arith.constant 0 : i32
      %dma_start3A_437 = tpu.memref_slice %arg8[%dma_start3A_434, %dma_start3A_435, %dma_start3A_436] : memref<10x100x16xf32, #tpu.memory_space<vmem>> -> memref<1x100x16xf32, #tpu.memory_space<vmem>>
      %dma_start3A_438 = tpu.memref_squeeze %dma_start3A_437 : memref<1x100x16xf32, #tpu.memory_space<vmem>> -> memref<100x16xf32, #tpu.memory_space<vmem>>
      %dma_start3A_439 = arith.constant 0 : i32
      %dma_start3A_440 = tpu.memref_slice %arg7[%add3A_433, %dma_start3A_439] : memref<100x100xi32, #tpu.memory_space<vmem>> -> memref<1x100xi32, #tpu.memory_space<vmem>>
      %dma_start3A_441 = tpu.memref_squeeze %dma_start3A_440 : memref<1x100xi32, #tpu.memory_space<vmem>> -> memref<100xi32, #tpu.memory_space<vmem>>
      %dma_start3A_442 = arith.constant 0 : i32
      %dma_start3A_443 = arith.constant 0 : i32
      %dma_start3A_444 = tpu.memref_slice %arg11[%dma_start3A_442, %dma_start3A_443] : memref<10112x16xf32, #tpu.memory_space<vmem_shared>> -> memref<10112x16xf32, #tpu.memory_space<vmem_shared>>
      tpu.enqueue_indirect_dma source(%dma_start3A_438 : memref<100x16xf32, #tpu.memory_space<vmem>>) target(%dma_start3A_444 : memref<10112x16xf32, #tpu.memory_space<vmem_shared>>) offsets(%dma_start3A_441 : memref<100xi32, #tpu.memory_space<vmem>>) semaphore(%arg14 : memref<!tpu.dma_semaphore, #tpu.memory_space<semaphore_mem>>) {add = true}
      %add3A_445 = arith.constant 4 : i32
      %add3A_446 = arith.addi %mul3A_22, %add3A_445 : i32
      %dma_start3A_447 = arith.constant 4 : i32
      %dma_start3A_448 = arith.constant 0 : i32
      %dma_start3A_449 = arith.constant 0 : i32
      %dma_start3A_450 = tpu.memref_slice %arg8[%dma_start3A_447, %dma_start3A_448, %dma_start3A_449] : memref<10x100x16xf32, #tpu.memory_space<vmem>> -> memref<1x100x16xf32, #tpu.memory_space<vmem>>
      %dma_start3A_451 = tpu.memref_squeeze %dma_start3A_450 : memref<1x100x16xf32, #tpu.memory_space<vmem>> -> memref<100x16xf32, #tpu.memory_space<vmem>>
      %dma_start3A_452 = arith.constant 0 : i32
      %dma_start3A_453 = tpu.memref_slice %arg7[%add3A_446, %dma_start3A_452] : memref<100x100xi32, #tpu.memory_space<vmem>> -> memref<1x100xi32, #tpu.memory_space<vmem>>
      %dma_start3A_454 = tpu.memref_squeeze %dma_start3A_453 : memref<1x100xi32, #tpu.memory_space<vmem>> -> memref<100xi32, #tpu.memory_space<vmem>>
      %dma_start3A_455 = arith.constant 0 : i32
      %dma_start3A_456 = arith.constant 0 : i32
      %dma_start3A_457 = tpu.memref_slice %arg11[%dma_start3A_455, %dma_start3A_456] : memref<10112x16xf32, #tpu.memory_space<vmem_shared>> -> memref<10112x16xf32, #tpu.memory_space<vmem_shared>>
      tpu.enqueue_indirect_dma source(%dma_start3A_451 : memref<100x16xf32, #tpu.memory_space<vmem>>) target(%dma_start3A_457 : memref<10112x16xf32, #tpu.memory_space<vmem_shared>>) offsets(%dma_start3A_454 : memref<100xi32, #tpu.memory_space<vmem>>) semaphore(%arg14 : memref<!tpu.dma_semaphore, #tpu.memory_space<semaphore_mem>>) {add = true}
      %add3A_458 = arith.constant 5 : i32
      %add3A_459 = arith.addi %mul3A_22, %add3A_458 : i32
      %dma_start3A_460 = arith.constant 5 : i32
      %dma_start3A_461 = arith.constant 0 : i32
      %dma_start3A_462 = arith.constant 0 : i32
      %dma_start3A_463 = tpu.memref_slice %arg8[%dma_start3A_460, %dma_start3A_461, %dma_start3A_462] : memref<10x100x16xf32, #tpu.memory_space<vmem>> -> memref<1x100x16xf32, #tpu.memory_space<vmem>>
      %dma_start3A_464 = tpu.memref_squeeze %dma_start3A_463 : memref<1x100x16xf32, #tpu.memory_space<vmem>> -> memref<100x16xf32, #tpu.memory_space<vmem>>
      %dma_start3A_465 = arith.constant 0 : i32
      %dma_start3A_466 = tpu.memref_slice %arg7[%add3A_459, %dma_start3A_465] : memref<100x100xi32, #tpu.memory_space<vmem>> -> memref<1x100xi32, #tpu.memory_space<vmem>>
      %dma_start3A_467 = tpu.memref_squeeze %dma_start3A_466 : memref<1x100xi32, #tpu.memory_space<vmem>> -> memref<100xi32, #tpu.memory_space<vmem>>
      %dma_start3A_468 = arith.constant 0 : i32
      %dma_start3A_469 = arith.constant 0 : i32
      %dma_start3A_470 = tpu.memref_slice %arg11[%dma_start3A_468, %dma_start3A_469] : memref<10112x16xf32, #tpu.memory_space<vmem_shared>> -> memref<10112x16xf32, #tpu.memory_space<vmem_shared>>
      tpu.enqueue_indirect_dma source(%dma_start3A_464 : memref<100x16xf32, #tpu.memory_space<vmem>>) target(%dma_start3A_470 : memref<10112x16xf32, #tpu.memory_space<vmem_shared>>) offsets(%dma_start3A_467 : memref<100xi32, #tpu.memory_space<vmem>>) semaphore(%arg14 : memref<!tpu.dma_semaphore, #tpu.memory_space<semaphore_mem>>) {add = true}
      %add3A_471 = arith.constant 6 : i32
      %add3A_472 = arith.addi %mul3A_22, %add3A_471 : i32
      %dma_start3A_473 = arith.constant 6 : i32
      %dma_start3A_474 = arith.constant 0 : i32
      %dma_start3A_475 = arith.constant 0 : i32
      %dma_start3A_476 = tpu.memref_slice %arg8[%dma_start3A_473, %dma_start3A_474, %dma_start3A_475] : memref<10x100x16xf32, #tpu.memory_space<vmem>> -> memref<1x100x16xf32, #tpu.memory_space<vmem>>
      %dma_start3A_477 = tpu.memref_squeeze %dma_start3A_476 : memref<1x100x16xf32, #tpu.memory_space<vmem>> -> memref<100x16xf32, #tpu.memory_space<vmem>>
      %dma_start3A_478 = arith.constant 0 : i32
      %dma_start3A_479 = tpu.memref_slice %arg7[%add3A_472, %dma_start3A_478] : memref<100x100xi32, #tpu.memory_space<vmem>> -> memref<1x100xi32, #tpu.memory_space<vmem>>
      %dma_start3A_480 = tpu.memref_squeeze %dma_start3A_479 : memref<1x100xi32, #tpu.memory_space<vmem>> -> memref<100xi32, #tpu.memory_space<vmem>>
      %dma_start3A_481 = arith.constant 0 : i32
      %dma_start3A_482 = arith.constant 0 : i32
      %dma_start3A_483 = tpu.memref_slice %arg11[%dma_start3A_481, %dma_start3A_482] : memref<10112x16xf32, #tpu.memory_space<vmem_shared>> -> memref<10112x16xf32, #tpu.memory_space<vmem_shared>>
      tpu.enqueue_indirect_dma source(%dma_start3A_477 : memref<100x16xf32, #tpu.memory_space<vmem>>) target(%dma_start3A_483 : memref<10112x16xf32, #tpu.memory_space<vmem_shared>>) offsets(%dma_start3A_480 : memref<100xi32, #tpu.memory_space<vmem>>) semaphore(%arg14 : memref<!tpu.dma_semaphore, #tpu.memory_space<semaphore_mem>>) {add = true}
      %add3A_484 = arith.constant 7 : i32
      %add3A_485 = arith.addi %mul3A_22, %add3A_484 : i32
      %dma_start3A_486 = arith.constant 7 : i32
      %dma_start3A_487 = arith.constant 0 : i32
      %dma_start3A_488 = arith.constant 0 : i32
      %dma_start3A_489 = tpu.memref_slice %arg8[%dma_start3A_486, %dma_start3A_487, %dma_start3A_488] : memref<10x100x16xf32, #tpu.memory_space<vmem>> -> memref<1x100x16xf32, #tpu.memory_space<vmem>>
      %dma_start3A_490 = tpu.memref_squeeze %dma_start3A_489 : memref<1x100x16xf32, #tpu.memory_space<vmem>> -> memref<100x16xf32, #tpu.memory_space<vmem>>
      %dma_start3A_491 = arith.constant 0 : i32
      %dma_start3A_492 = tpu.memref_slice %arg7[%add3A_485, %dma_start3A_491] : memref<100x100xi32, #tpu.memory_space<vmem>> -> memref<1x100xi32, #tpu.memory_space<vmem>>
      %dma_start3A_493 = tpu.memref_squeeze %dma_start3A_492 : memref<1x100xi32, #tpu.memory_space<vmem>> -> memref<100xi32, #tpu.memory_space<vmem>>
      %dma_start3A_494 = arith.constant 0 : i32
      %dma_start3A_495 = arith.constant 0 : i32
      %dma_start3A_496 = tpu.memref_slice %arg11[%dma_start3A_494, %dma_start3A_495] : memref<10112x16xf32, #tpu.memory_space<vmem_shared>> -> memref<10112x16xf32, #tpu.memory_space<vmem_shared>>
      tpu.enqueue_indirect_dma source(%dma_start3A_490 : memref<100x16xf32, #tpu.memory_space<vmem>>) target(%dma_start3A_496 : memref<10112x16xf32, #tpu.memory_space<vmem_shared>>) offsets(%dma_start3A_493 : memref<100xi32, #tpu.memory_space<vmem>>) semaphore(%arg14 : memref<!tpu.dma_semaphore, #tpu.memory_space<semaphore_mem>>) {add = true}
      %add3A_497 = arith.constant 8 : i32
      %add3A_498 = arith.addi %mul3A_22, %add3A_497 : i32
      %dma_start3A_499 = arith.constant 8 : i32
      %dma_start3A_500 = arith.constant 0 : i32
      %dma_start3A_501 = arith.constant 0 : i32
      %dma_start3A_502 = tpu.memref_slice %arg8[%dma_start3A_499, %dma_start3A_500, %dma_start3A_501] : memref<10x100x16xf32, #tpu.memory_space<vmem>> -> memref<1x100x16xf32, #tpu.memory_space<vmem>>
      %dma_start3A_503 = tpu.memref_squeeze %dma_start3A_502 : memref<1x100x16xf32, #tpu.memory_space<vmem>> -> memref<100x16xf32, #tpu.memory_space<vmem>>
      %dma_start3A_504 = arith.constant 0 : i32
      %dma_start3A_505 = tpu.memref_slice %arg7[%add3A_498, %dma_start3A_504] : memref<100x100xi32, #tpu.memory_space<vmem>> -> memref<1x100xi32, #tpu.memory_space<vmem>>
      %dma_start3A_506 = tpu.memref_squeeze %dma_start3A_505 : memref<1x100xi32, #tpu.memory_space<vmem>> -> memref<100xi32, #tpu.memory_space<vmem>>
      %dma_start3A_507 = arith.constant 0 : i32
      %dma_start3A_508 = arith.constant 0 : i32
      %dma_start3A_509 = tpu.memref_slice %arg11[%dma_start3A_507, %dma_start3A_508] : memref<10112x16xf32, #tpu.memory_space<vmem_shared>> -> memref<10112x16xf32, #tpu.memory_space<vmem_shared>>
      tpu.enqueue_indirect_dma source(%dma_start3A_503 : memref<100x16xf32, #tpu.memory_space<vmem>>) target(%dma_start3A_509 : memref<10112x16xf32, #tpu.memory_space<vmem_shared>>) offsets(%dma_start3A_506 : memref<100xi32, #tpu.memory_space<vmem>>) semaphore(%arg14 : memref<!tpu.dma_semaphore, #tpu.memory_space<semaphore_mem>>) {add = true}
      %add3A_510 = arith.constant 9 : i32
      %add3A_511 = arith.addi %mul3A_22, %add3A_510 : i32
      %dma_start3A_512 = arith.constant 9 : i32
      %dma_start3A_513 = arith.constant 0 : i32
      %dma_start3A_514 = arith.constant 0 : i32
      %dma_start3A_515 = tpu.memref_slice %arg8[%dma_start3A_512, %dma_start3A_513, %dma_start3A_514] : memref<10x100x16xf32, #tpu.memory_space<vmem>> -> memref<1x100x16xf32, #tpu.memory_space<vmem>>
      %dma_start3A_516 = tpu.memref_squeeze %dma_start3A_515 : memref<1x100x16xf32, #tpu.memory_space<vmem>> -> memref<100x16xf32, #tpu.memory_space<vmem>>
      %dma_start3A_517 = arith.constant 0 : i32
      %dma_start3A_518 = tpu.memref_slice %arg7[%add3A_511, %dma_start3A_517] : memref<100x100xi32, #tpu.memory_space<vmem>> -> memref<1x100xi32, #tpu.memory_space<vmem>>
      %dma_start3A_519 = tpu.memref_squeeze %dma_start3A_518 : memref<1x100xi32, #tpu.memory_space<vmem>> -> memref<100xi32, #tpu.memory_space<vmem>>
      %dma_start3A_520 = arith.constant 0 : i32
      %dma_start3A_521 = arith.constant 0 : i32
      %dma_start3A_522 = tpu.memref_slice %arg11[%dma_start3A_520, %dma_start3A_521] : memref<10112x16xf32, #tpu.memory_space<vmem_shared>> -> memref<10112x16xf32, #tpu.memory_space<vmem_shared>>
      tpu.enqueue_indirect_dma source(%dma_start3A_516 : memref<100x16xf32, #tpu.memory_space<vmem>>) target(%dma_start3A_522 : memref<10112x16xf32, #tpu.memory_space<vmem_shared>>) offsets(%dma_start3A_519 : memref<100xi32, #tpu.memory_space<vmem>>) semaphore(%arg14 : memref<!tpu.dma_semaphore, #tpu.memory_space<semaphore_mem>>) {add = true}
      %dma_wait3A_523 = arith.constant 0 : i32
      %dma_wait3A_524 = arith.constant 0 : i32
      %dma_wait3A_525 = arith.constant 0 : i32
      %dma_wait3A_526 = tpu.memref_slice %arg9[%dma_wait3A_523, %dma_wait3A_524, %dma_wait3A_525] : memref<10x100x16xf32, #tpu.memory_space<vmem>> -> memref<1x100x16xf32, #tpu.memory_space<vmem>>
      %dma_wait3A_527 = tpu.memref_squeeze %dma_wait3A_526 : memref<1x100x16xf32, #tpu.memory_space<vmem>> -> memref<100x16xf32, #tpu.memory_space<vmem>>
      %dma_wait3A_528 = arith.constant 0 : i32
      %dma_wait3A_529 = tpu.memref_slice %arg6[%add3A_155, %dma_wait3A_528] : memref<100x100xi32, #tpu.memory_space<vmem>> -> memref<1x100xi32, #tpu.memory_space<vmem>>
      %dma_wait3A_530 = tpu.memref_squeeze %dma_wait3A_529 : memref<1x100xi32, #tpu.memory_space<vmem>> -> memref<100xi32, #tpu.memory_space<vmem>>
      %dma_wait3A_531 = arith.constant 0 : i32
      %dma_wait3A_532 = arith.constant 0 : i32
      %dma_wait3A_533 = tpu.memref_slice %arg3[%dma_wait3A_531, %dma_wait3A_532] : memref<10112x16xf32, #tpu.memory_space<hbm>> -> memref<10112x16xf32, #tpu.memory_space<hbm>>
      tpu.wait_indirect_dma semaphore(%arg13 : memref<!tpu.dma_semaphore, #tpu.memory_space<semaphore_mem>>) src(%dma_wait3A_533 : memref<10112x16xf32, #tpu.memory_space<hbm>>) dst(%dma_wait3A_527 : memref<100x16xf32, #tpu.memory_space<vmem>>)
      %dma_wait3A_534 = arith.constant 1 : i32
      %dma_wait3A_535 = arith.constant 0 : i32
      %dma_wait3A_536 = arith.constant 0 : i32
      %dma_wait3A_537 = tpu.memref_slice %arg9[%dma_wait3A_534, %dma_wait3A_535, %dma_wait3A_536] : memref<10x100x16xf32, #tpu.memory_space<vmem>> -> memref<1x100x16xf32, #tpu.memory_space<vmem>>
      %dma_wait3A_538 = tpu.memref_squeeze %dma_wait3A_537 : memref<1x100x16xf32, #tpu.memory_space<vmem>> -> memref<100x16xf32, #tpu.memory_space<vmem>>
      %dma_wait3A_539 = arith.constant 0 : i32
      %dma_wait3A_540 = tpu.memref_slice %arg6[%add3A_168, %dma_wait3A_539] : memref<100x100xi32, #tpu.memory_space<vmem>> -> memref<1x100xi32, #tpu.memory_space<vmem>>
      %dma_wait3A_541 = tpu.memref_squeeze %dma_wait3A_540 : memref<1x100xi32, #tpu.memory_space<vmem>> -> memref<100xi32, #tpu.memory_space<vmem>>
      %dma_wait3A_542 = arith.constant 0 : i32
      %dma_wait3A_543 = arith.constant 0 : i32
      %dma_wait3A_544 = tpu.memref_slice %arg3[%dma_wait3A_542, %dma_wait3A_543] : memref<10112x16xf32, #tpu.memory_space<hbm>> -> memref<10112x16xf32, #tpu.memory_space<hbm>>
      tpu.wait_indirect_dma semaphore(%arg13 : memref<!tpu.dma_semaphore, #tpu.memory_space<semaphore_mem>>) src(%dma_wait3A_544 : memref<10112x16xf32, #tpu.memory_space<hbm>>) dst(%dma_wait3A_538 : memref<100x16xf32, #tpu.memory_space<vmem>>)
      %dma_wait3A_545 = arith.constant 2 : i32
      %dma_wait3A_546 = arith.constant 0 : i32
      %dma_wait3A_547 = arith.constant 0 : i32
      %dma_wait3A_548 = tpu.memref_slice %arg9[%dma_wait3A_545, %dma_wait3A_546, %dma_wait3A_547] : memref<10x100x16xf32, #tpu.memory_space<vmem>> -> memref<1x100x16xf32, #tpu.memory_space<vmem>>
      %dma_wait3A_549 = tpu.memref_squeeze %dma_wait3A_548 : memref<1x100x16xf32, #tpu.memory_space<vmem>> -> memref<100x16xf32, #tpu.memory_space<vmem>>
      %dma_wait3A_550 = arith.constant 0 : i32
      %dma_wait3A_551 = tpu.memref_slice %arg6[%add3A_181, %dma_wait3A_550] : memref<100x100xi32, #tpu.memory_space<vmem>> -> memref<1x100xi32, #tpu.memory_space<vmem>>
      %dma_wait3A_552 = tpu.memref_squeeze %dma_wait3A_551 : memref<1x100xi32, #tpu.memory_space<vmem>> -> memref<100xi32, #tpu.memory_space<vmem>>
      %dma_wait3A_553 = arith.constant 0 : i32
      %dma_wait3A_554 = arith.constant 0 : i32
      %dma_wait3A_555 = tpu.memref_slice %arg3[%dma_wait3A_553, %dma_wait3A_554] : memref<10112x16xf32, #tpu.memory_space<hbm>> -> memref<10112x16xf32, #tpu.memory_space<hbm>>
      tpu.wait_indirect_dma semaphore(%arg13 : memref<!tpu.dma_semaphore, #tpu.memory_space<semaphore_mem>>) src(%dma_wait3A_555 : memref<10112x16xf32, #tpu.memory_space<hbm>>) dst(%dma_wait3A_549 : memref<100x16xf32, #tpu.memory_space<vmem>>)
      %dma_wait3A_556 = arith.constant 3 : i32
      %dma_wait3A_557 = arith.constant 0 : i32
      %dma_wait3A_558 = arith.constant 0 : i32
      %dma_wait3A_559 = tpu.memref_slice %arg9[%dma_wait3A_556, %dma_wait3A_557, %dma_wait3A_558] : memref<10x100x16xf32, #tpu.memory_space<vmem>> -> memref<1x100x16xf32, #tpu.memory_space<vmem>>
      %dma_wait3A_560 = tpu.memref_squeeze %dma_wait3A_559 : memref<1x100x16xf32, #tpu.memory_space<vmem>> -> memref<100x16xf32, #tpu.memory_space<vmem>>
      %dma_wait3A_561 = arith.constant 0 : i32
      %dma_wait3A_562 = tpu.memref_slice %arg6[%add3A_194, %dma_wait3A_561] : memref<100x100xi32, #tpu.memory_space<vmem>> -> memref<1x100xi32, #tpu.memory_space<vmem>>
      %dma_wait3A_563 = tpu.memref_squeeze %dma_wait3A_562 : memref<1x100xi32, #tpu.memory_space<vmem>> -> memref<100xi32, #tpu.memory_space<vmem>>
      %dma_wait3A_564 = arith.constant 0 : i32
      %dma_wait3A_565 = arith.constant 0 : i32
      %dma_wait3A_566 = tpu.memref_slice %arg3[%dma_wait3A_564, %dma_wait3A_565] : memref<10112x16xf32, #tpu.memory_space<hbm>> -> memref<10112x16xf32, #tpu.memory_space<hbm>>
      tpu.wait_indirect_dma semaphore(%arg13 : memref<!tpu.dma_semaphore, #tpu.memory_space<semaphore_mem>>) src(%dma_wait3A_566 : memref<10112x16xf32, #tpu.memory_space<hbm>>) dst(%dma_wait3A_560 : memref<100x16xf32, #tpu.memory_space<vmem>>)
      %dma_wait3A_567 = arith.constant 4 : i32
      %dma_wait3A_568 = arith.constant 0 : i32
      %dma_wait3A_569 = arith.constant 0 : i32
      %dma_wait3A_570 = tpu.memref_slice %arg9[%dma_wait3A_567, %dma_wait3A_568, %dma_wait3A_569] : memref<10x100x16xf32, #tpu.memory_space<vmem>> -> memref<1x100x16xf32, #tpu.memory_space<vmem>>
      %dma_wait3A_571 = tpu.memref_squeeze %dma_wait3A_570 : memref<1x100x16xf32, #tpu.memory_space<vmem>> -> memref<100x16xf32, #tpu.memory_space<vmem>>
      %dma_wait3A_572 = arith.constant 0 : i32
      %dma_wait3A_573 = tpu.memref_slice %arg6[%add3A_207, %dma_wait3A_572] : memref<100x100xi32, #tpu.memory_space<vmem>> -> memref<1x100xi32, #tpu.memory_space<vmem>>
      %dma_wait3A_574 = tpu.memref_squeeze %dma_wait3A_573 : memref<1x100xi32, #tpu.memory_space<vmem>> -> memref<100xi32, #tpu.memory_space<vmem>>
      %dma_wait3A_575 = arith.constant 0 : i32
      %dma_wait3A_576 = arith.constant 0 : i32
      %dma_wait3A_577 = tpu.memref_slice %arg3[%dma_wait3A_575, %dma_wait3A_576] : memref<10112x16xf32, #tpu.memory_space<hbm>> -> memref<10112x16xf32, #tpu.memory_space<hbm>>
      tpu.wait_indirect_dma semaphore(%arg13 : memref<!tpu.dma_semaphore, #tpu.memory_space<semaphore_mem>>) src(%dma_wait3A_577 : memref<10112x16xf32, #tpu.memory_space<hbm>>) dst(%dma_wait3A_571 : memref<100x16xf32, #tpu.memory_space<vmem>>)
      %dma_wait3A_578 = arith.constant 5 : i32
      %dma_wait3A_579 = arith.constant 0 : i32
      %dma_wait3A_580 = arith.constant 0 : i32
      %dma_wait3A_581 = tpu.memref_slice %arg9[%dma_wait3A_578, %dma_wait3A_579, %dma_wait3A_580] : memref<10x100x16xf32, #tpu.memory_space<vmem>> -> memref<1x100x16xf32, #tpu.memory_space<vmem>>
      %dma_wait3A_582 = tpu.memref_squeeze %dma_wait3A_581 : memref<1x100x16xf32, #tpu.memory_space<vmem>> -> memref<100x16xf32, #tpu.memory_space<vmem>>
      %dma_wait3A_583 = arith.constant 0 : i32
      %dma_wait3A_584 = tpu.memref_slice %arg6[%add3A_220, %dma_wait3A_583] : memref<100x100xi32, #tpu.memory_space<vmem>> -> memref<1x100xi32, #tpu.memory_space<vmem>>
      %dma_wait3A_585 = tpu.memref_squeeze %dma_wait3A_584 : memref<1x100xi32, #tpu.memory_space<vmem>> -> memref<100xi32, #tpu.memory_space<vmem>>
      %dma_wait3A_586 = arith.constant 0 : i32
      %dma_wait3A_587 = arith.constant 0 : i32
      %dma_wait3A_588 = tpu.memref_slice %arg3[%dma_wait3A_586, %dma_wait3A_587] : memref<10112x16xf32, #tpu.memory_space<hbm>> -> memref<10112x16xf32, #tpu.memory_space<hbm>>
      tpu.wait_indirect_dma semaphore(%arg13 : memref<!tpu.dma_semaphore, #tpu.memory_space<semaphore_mem>>) src(%dma_wait3A_588 : memref<10112x16xf32, #tpu.memory_space<hbm>>) dst(%dma_wait3A_582 : memref<100x16xf32, #tpu.memory_space<vmem>>)
      %dma_wait3A_589 = arith.constant 6 : i32
      %dma_wait3A_590 = arith.constant 0 : i32
      %dma_wait3A_591 = arith.constant 0 : i32
      %dma_wait3A_592 = tpu.memref_slice %arg9[%dma_wait3A_589, %dma_wait3A_590, %dma_wait3A_591] : memref<10x100x16xf32, #tpu.memory_space<vmem>> -> memref<1x100x16xf32, #tpu.memory_space<vmem>>
      %dma_wait3A_593 = tpu.memref_squeeze %dma_wait3A_592 : memref<1x100x16xf32, #tpu.memory_space<vmem>> -> memref<100x16xf32, #tpu.memory_space<vmem>>
      %dma_wait3A_594 = arith.constant 0 : i32
      %dma_wait3A_595 = tpu.memref_slice %arg6[%add3A_233, %dma_wait3A_594] : memref<100x100xi32, #tpu.memory_space<vmem>> -> memref<1x100xi32, #tpu.memory_space<vmem>>
      %dma_wait3A_596 = tpu.memref_squeeze %dma_wait3A_595 : memref<1x100xi32, #tpu.memory_space<vmem>> -> memref<100xi32, #tpu.memory_space<vmem>>
      %dma_wait3A_597 = arith.constant 0 : i32
      %dma_wait3A_598 = arith.constant 0 : i32
      %dma_wait3A_599 = tpu.memref_slice %arg3[%dma_wait3A_597, %dma_wait3A_598] : memref<10112x16xf32, #tpu.memory_space<hbm>> -> memref<10112x16xf32, #tpu.memory_space<hbm>>
      tpu.wait_indirect_dma semaphore(%arg13 : memref<!tpu.dma_semaphore, #tpu.memory_space<semaphore_mem>>) src(%dma_wait3A_599 : memref<10112x16xf32, #tpu.memory_space<hbm>>) dst(%dma_wait3A_593 : memref<100x16xf32, #tpu.memory_space<vmem>>)
      %dma_wait3A_600 = arith.constant 7 : i32
      %dma_wait3A_601 = arith.constant 0 : i32
      %dma_wait3A_602 = arith.constant 0 : i32
      %dma_wait3A_603 = tpu.memref_slice %arg9[%dma_wait3A_600, %dma_wait3A_601, %dma_wait3A_602] : memref<10x100x16xf32, #tpu.memory_space<vmem>> -> memref<1x100x16xf32, #tpu.memory_space<vmem>>
      %dma_wait3A_604 = tpu.memref_squeeze %dma_wait3A_603 : memref<1x100x16xf32, #tpu.memory_space<vmem>> -> memref<100x16xf32, #tpu.memory_space<vmem>>
      %dma_wait3A_605 = arith.constant 0 : i32
      %dma_wait3A_606 = tpu.memref_slice %arg6[%add3A_246, %dma_wait3A_605] : memref<100x100xi32, #tpu.memory_space<vmem>> -> memref<1x100xi32, #tpu.memory_space<vmem>>
      %dma_wait3A_607 = tpu.memref_squeeze %dma_wait3A_606 : memref<1x100xi32, #tpu.memory_space<vmem>> -> memref<100xi32, #tpu.memory_space<vmem>>
      %dma_wait3A_608 = arith.constant 0 : i32
      %dma_wait3A_609 = arith.constant 0 : i32
      %dma_wait3A_610 = tpu.memref_slice %arg3[%dma_wait3A_608, %dma_wait3A_609] : memref<10112x16xf32, #tpu.memory_space<hbm>> -> memref<10112x16xf32, #tpu.memory_space<hbm>>
      tpu.wait_indirect_dma semaphore(%arg13 : memref<!tpu.dma_semaphore, #tpu.memory_space<semaphore_mem>>) src(%dma_wait3A_610 : memref<10112x16xf32, #tpu.memory_space<hbm>>) dst(%dma_wait3A_604 : memref<100x16xf32, #tpu.memory_space<vmem>>)
      %dma_wait3A_611 = arith.constant 8 : i32
      %dma_wait3A_612 = arith.constant 0 : i32
      %dma_wait3A_613 = arith.constant 0 : i32
      %dma_wait3A_614 = tpu.memref_slice %arg9[%dma_wait3A_611, %dma_wait3A_612, %dma_wait3A_613] : memref<10x100x16xf32, #tpu.memory_space<vmem>> -> memref<1x100x16xf32, #tpu.memory_space<vmem>>
      %dma_wait3A_615 = tpu.memref_squeeze %dma_wait3A_614 : memref<1x100x16xf32, #tpu.memory_space<vmem>> -> memref<100x16xf32, #tpu.memory_space<vmem>>
      %dma_wait3A_616 = arith.constant 0 : i32
      %dma_wait3A_617 = tpu.memref_slice %arg6[%add3A_259, %dma_wait3A_616] : memref<100x100xi32, #tpu.memory_space<vmem>> -> memref<1x100xi32, #tpu.memory_space<vmem>>
      %dma_wait3A_618 = tpu.memref_squeeze %dma_wait3A_617 : memref<1x100xi32, #tpu.memory_space<vmem>> -> memref<100xi32, #tpu.memory_space<vmem>>
      %dma_wait3A_619 = arith.constant 0 : i32
      %dma_wait3A_620 = arith.constant 0 : i32
      %dma_wait3A_621 = tpu.memref_slice %arg3[%dma_wait3A_619, %dma_wait3A_620] : memref<10112x16xf32, #tpu.memory_space<hbm>> -> memref<10112x16xf32, #tpu.memory_space<hbm>>
      tpu.wait_indirect_dma semaphore(%arg13 : memref<!tpu.dma_semaphore, #tpu.memory_space<semaphore_mem>>) src(%dma_wait3A_621 : memref<10112x16xf32, #tpu.memory_space<hbm>>) dst(%dma_wait3A_615 : memref<100x16xf32, #tpu.memory_space<vmem>>)
      %dma_wait3A_622 = arith.constant 9 : i32
      %dma_wait3A_623 = arith.constant 0 : i32
      %dma_wait3A_624 = arith.constant 0 : i32
      %dma_wait3A_625 = tpu.memref_slice %arg9[%dma_wait3A_622, %dma_wait3A_623, %dma_wait3A_624] : memref<10x100x16xf32, #tpu.memory_space<vmem>> -> memref<1x100x16xf32, #tpu.memory_space<vmem>>
      %dma_wait3A_626 = tpu.memref_squeeze %dma_wait3A_625 : memref<1x100x16xf32, #tpu.memory_space<vmem>> -> memref<100x16xf32, #tpu.memory_space<vmem>>
      %dma_wait3A_627 = arith.constant 0 : i32
      %dma_wait3A_628 = tpu.memref_slice %arg6[%add3A_272, %dma_wait3A_627] : memref<100x100xi32, #tpu.memory_space<vmem>> -> memref<1x100xi32, #tpu.memory_space<vmem>>
      %dma_wait3A_629 = tpu.memref_squeeze %dma_wait3A_628 : memref<1x100xi32, #tpu.memory_space<vmem>> -> memref<100xi32, #tpu.memory_space<vmem>>
      %dma_wait3A_630 = arith.constant 0 : i32
      %dma_wait3A_631 = arith.constant 0 : i32
      %dma_wait3A_632 = tpu.memref_slice %arg3[%dma_wait3A_630, %dma_wait3A_631] : memref<10112x16xf32, #tpu.memory_space<hbm>> -> memref<10112x16xf32, #tpu.memory_space<hbm>>
      tpu.wait_indirect_dma semaphore(%arg13 : memref<!tpu.dma_semaphore, #tpu.memory_space<semaphore_mem>>) src(%dma_wait3A_632 : memref<10112x16xf32, #tpu.memory_space<hbm>>) dst(%dma_wait3A_626 : memref<100x16xf32, #tpu.memory_space<vmem>>)
      %add3A_633 = arith.constant 0 : i32
      %add3A_634 = arith.addi %add3A_24, %add3A_633 : i32
      %dma_start3A_635 = arith.constant 0 : i32
      %dma_start3A_636 = arith.constant 0 : i32
      %dma_start3A_637 = arith.constant 0 : i32
      %dma_start3A_638 = tpu.memref_slice %arg9[%dma_start3A_635, %dma_start3A_636, %dma_start3A_637] : memref<10x100x16xf32, #tpu.memory_space<vmem>> -> memref<1x100x16xf32, #tpu.memory_space<vmem>>
      %dma_start3A_639 = tpu.memref_squeeze %dma_start3A_638 : memref<1x100x16xf32, #tpu.memory_space<vmem>> -> memref<100x16xf32, #tpu.memory_space<vmem>>
      %dma_start3A_640 = arith.constant 0 : i32
      %dma_start3A_641 = tpu.memref_slice %arg7[%add3A_634, %dma_start3A_640] : memref<100x100xi32, #tpu.memory_space<vmem>> -> memref<1x100xi32, #tpu.memory_space<vmem>>
      %dma_start3A_642 = tpu.memref_squeeze %dma_start3A_641 : memref<1x100xi32, #tpu.memory_space<vmem>> -> memref<100xi32, #tpu.memory_space<vmem>>
      %dma_start3A_643 = arith.constant 0 : i32
      %dma_start3A_644 = arith.constant 0 : i32
      %dma_start3A_645 = tpu.memref_slice %arg11[%dma_start3A_643, %dma_start3A_644] : memref<10112x16xf32, #tpu.memory_space<vmem_shared>> -> memref<10112x16xf32, #tpu.memory_space<vmem_shared>>
      tpu.enqueue_indirect_dma source(%dma_start3A_639 : memref<100x16xf32, #tpu.memory_space<vmem>>) target(%dma_start3A_645 : memref<10112x16xf32, #tpu.memory_space<vmem_shared>>) offsets(%dma_start3A_642 : memref<100xi32, #tpu.memory_space<vmem>>) semaphore(%arg15 : memref<!tpu.dma_semaphore, #tpu.memory_space<semaphore_mem>>) {add = true}
      %add3A_646 = arith.constant 1 : i32
      %add3A_647 = arith.addi %add3A_24, %add3A_646 : i32
      %dma_start3A_648 = arith.constant 1 : i32
      %dma_start3A_649 = arith.constant 0 : i32
      %dma_start3A_650 = arith.constant 0 : i32
      %dma_start3A_651 = tpu.memref_slice %arg9[%dma_start3A_648, %dma_start3A_649, %dma_start3A_650] : memref<10x100x16xf32, #tpu.memory_space<vmem>> -> memref<1x100x16xf32, #tpu.memory_space<vmem>>
      %dma_start3A_652 = tpu.memref_squeeze %dma_start3A_651 : memref<1x100x16xf32, #tpu.memory_space<vmem>> -> memref<100x16xf32, #tpu.memory_space<vmem>>
      %dma_start3A_653 = arith.constant 0 : i32
      %dma_start3A_654 = tpu.memref_slice %arg7[%add3A_647, %dma_start3A_653] : memref<100x100xi32, #tpu.memory_space<vmem>> -> memref<1x100xi32, #tpu.memory_space<vmem>>
      %dma_start3A_655 = tpu.memref_squeeze %dma_start3A_654 : memref<1x100xi32, #tpu.memory_space<vmem>> -> memref<100xi32, #tpu.memory_space<vmem>>
      %dma_start3A_656 = arith.constant 0 : i32
      %dma_start3A_657 = arith.constant 0 : i32
      %dma_start3A_658 = tpu.memref_slice %arg11[%dma_start3A_656, %dma_start3A_657] : memref<10112x16xf32, #tpu.memory_space<vmem_shared>> -> memref<10112x16xf32, #tpu.memory_space<vmem_shared>>
      tpu.enqueue_indirect_dma source(%dma_start3A_652 : memref<100x16xf32, #tpu.memory_space<vmem>>) target(%dma_start3A_658 : memref<10112x16xf32, #tpu.memory_space<vmem_shared>>) offsets(%dma_start3A_655 : memref<100xi32, #tpu.memory_space<vmem>>) semaphore(%arg15 : memref<!tpu.dma_semaphore, #tpu.memory_space<semaphore_mem>>) {add = true}
      %add3A_659 = arith.constant 2 : i32
      %add3A_660 = arith.addi %add3A_24, %add3A_659 : i32
      %dma_start3A_661 = arith.constant 2 : i32
      %dma_start3A_662 = arith.constant 0 : i32
      %dma_start3A_663 = arith.constant 0 : i32
      %dma_start3A_664 = tpu.memref_slice %arg9[%dma_start3A_661, %dma_start3A_662, %dma_start3A_663] : memref<10x100x16xf32, #tpu.memory_space<vmem>> -> memref<1x100x16xf32, #tpu.memory_space<vmem>>
      %dma_start3A_665 = tpu.memref_squeeze %dma_start3A_664 : memref<1x100x16xf32, #tpu.memory_space<vmem>> -> memref<100x16xf32, #tpu.memory_space<vmem>>
      %dma_start3A_666 = arith.constant 0 : i32
      %dma_start3A_667 = tpu.memref_slice %arg7[%add3A_660, %dma_start3A_666] : memref<100x100xi32, #tpu.memory_space<vmem>> -> memref<1x100xi32, #tpu.memory_space<vmem>>
      %dma_start3A_668 = tpu.memref_squeeze %dma_start3A_667 : memref<1x100xi32, #tpu.memory_space<vmem>> -> memref<100xi32, #tpu.memory_space<vmem>>
      %dma_start3A_669 = arith.constant 0 : i32
      %dma_start3A_670 = arith.constant 0 : i32
      %dma_start3A_671 = tpu.memref_slice %arg11[%dma_start3A_669, %dma_start3A_670] : memref<10112x16xf32, #tpu.memory_space<vmem_shared>> -> memref<10112x16xf32, #tpu.memory_space<vmem_shared>>
      tpu.enqueue_indirect_dma source(%dma_start3A_665 : memref<100x16xf32, #tpu.memory_space<vmem>>) target(%dma_start3A_671 : memref<10112x16xf32, #tpu.memory_space<vmem_shared>>) offsets(%dma_start3A_668 : memref<100xi32, #tpu.memory_space<vmem>>) semaphore(%arg15 : memref<!tpu.dma_semaphore, #tpu.memory_space<semaphore_mem>>) {add = true}
      %add3A_672 = arith.constant 3 : i32
      %add3A_673 = arith.addi %add3A_24, %add3A_672 : i32
      %dma_start3A_674 = arith.constant 3 : i32
      %dma_start3A_675 = arith.constant 0 : i32
      %dma_start3A_676 = arith.constant 0 : i32
      %dma_start3A_677 = tpu.memref_slice %arg9[%dma_start3A_674, %dma_start3A_675, %dma_start3A_676] : memref<10x100x16xf32, #tpu.memory_space<vmem>> -> memref<1x100x16xf32, #tpu.memory_space<vmem>>
      %dma_start3A_678 = tpu.memref_squeeze %dma_start3A_677 : memref<1x100x16xf32, #tpu.memory_space<vmem>> -> memref<100x16xf32, #tpu.memory_space<vmem>>
      %dma_start3A_679 = arith.constant 0 : i32
      %dma_start3A_680 = tpu.memref_slice %arg7[%add3A_673, %dma_start3A_679] : memref<100x100xi32, #tpu.memory_space<vmem>> -> memref<1x100xi32, #tpu.memory_space<vmem>>
      %dma_start3A_681 = tpu.memref_squeeze %dma_start3A_680 : memref<1x100xi32, #tpu.memory_space<vmem>> -> memref<100xi32, #tpu.memory_space<vmem>>
      %dma_start3A_682 = arith.constant 0 : i32
      %dma_start3A_683 = arith.constant 0 : i32
      %dma_start3A_684 = tpu.memref_slice %arg11[%dma_start3A_682, %dma_start3A_683] : memref<10112x16xf32, #tpu.memory_space<vmem_shared>> -> memref<10112x16xf32, #tpu.memory_space<vmem_shared>>
      tpu.enqueue_indirect_dma source(%dma_start3A_678 : memref<100x16xf32, #tpu.memory_space<vmem>>) target(%dma_start3A_684 : memref<10112x16xf32, #tpu.memory_space<vmem_shared>>) offsets(%dma_start3A_681 : memref<100xi32, #tpu.memory_space<vmem>>) semaphore(%arg15 : memref<!tpu.dma_semaphore, #tpu.memory_space<semaphore_mem>>) {add = true}
      %add3A_685 = arith.constant 4 : i32
      %add3A_686 = arith.addi %add3A_24, %add3A_685 : i32
      %dma_start3A_687 = arith.constant 4 : i32
      %dma_start3A_688 = arith.constant 0 : i32
      %dma_start3A_689 = arith.constant 0 : i32
      %dma_start3A_690 = tpu.memref_slice %arg9[%dma_start3A_687, %dma_start3A_688, %dma_start3A_689] : memref<10x100x16xf32, #tpu.memory_space<vmem>> -> memref<1x100x16xf32, #tpu.memory_space<vmem>>
      %dma_start3A_691 = tpu.memref_squeeze %dma_start3A_690 : memref<1x100x16xf32, #tpu.memory_space<vmem>> -> memref<100x16xf32, #tpu.memory_space<vmem>>
      %dma_start3A_692 = arith.constant 0 : i32
      %dma_start3A_693 = tpu.memref_slice %arg7[%add3A_686, %dma_start3A_692] : memref<100x100xi32, #tpu.memory_space<vmem>> -> memref<1x100xi32, #tpu.memory_space<vmem>>
      %dma_start3A_694 = tpu.memref_squeeze %dma_start3A_693 : memref<1x100xi32, #tpu.memory_space<vmem>> -> memref<100xi32, #tpu.memory_space<vmem>>
      %dma_start3A_695 = arith.constant 0 : i32
      %dma_start3A_696 = arith.constant 0 : i32
      %dma_start3A_697 = tpu.memref_slice %arg11[%dma_start3A_695, %dma_start3A_696] : memref<10112x16xf32, #tpu.memory_space<vmem_shared>> -> memref<10112x16xf32, #tpu.memory_space<vmem_shared>>
      tpu.enqueue_indirect_dma source(%dma_start3A_691 : memref<100x16xf32, #tpu.memory_space<vmem>>) target(%dma_start3A_697 : memref<10112x16xf32, #tpu.memory_space<vmem_shared>>) offsets(%dma_start3A_694 : memref<100xi32, #tpu.memory_space<vmem>>) semaphore(%arg15 : memref<!tpu.dma_semaphore, #tpu.memory_space<semaphore_mem>>) {add = true}
      %add3A_698 = arith.constant 5 : i32
      %add3A_699 = arith.addi %add3A_24, %add3A_698 : i32
      %dma_start3A_700 = arith.constant 5 : i32
      %dma_start3A_701 = arith.constant 0 : i32
      %dma_start3A_702 = arith.constant 0 : i32
      %dma_start3A_703 = tpu.memref_slice %arg9[%dma_start3A_700, %dma_start3A_701, %dma_start3A_702] : memref<10x100x16xf32, #tpu.memory_space<vmem>> -> memref<1x100x16xf32, #tpu.memory_space<vmem>>
      %dma_start3A_704 = tpu.memref_squeeze %dma_start3A_703 : memref<1x100x16xf32, #tpu.memory_space<vmem>> -> memref<100x16xf32, #tpu.memory_space<vmem>>
      %dma_start3A_705 = arith.constant 0 : i32
      %dma_start3A_706 = tpu.memref_slice %arg7[%add3A_699, %dma_start3A_705] : memref<100x100xi32, #tpu.memory_space<vmem>> -> memref<1x100xi32, #tpu.memory_space<vmem>>
      %dma_start3A_707 = tpu.memref_squeeze %dma_start3A_706 : memref<1x100xi32, #tpu.memory_space<vmem>> -> memref<100xi32, #tpu.memory_space<vmem>>
      %dma_start3A_708 = arith.constant 0 : i32
      %dma_start3A_709 = arith.constant 0 : i32
      %dma_start3A_710 = tpu.memref_slice %arg11[%dma_start3A_708, %dma_start3A_709] : memref<10112x16xf32, #tpu.memory_space<vmem_shared>> -> memref<10112x16xf32, #tpu.memory_space<vmem_shared>>
      tpu.enqueue_indirect_dma source(%dma_start3A_704 : memref<100x16xf32, #tpu.memory_space<vmem>>) target(%dma_start3A_710 : memref<10112x16xf32, #tpu.memory_space<vmem_shared>>) offsets(%dma_start3A_707 : memref<100xi32, #tpu.memory_space<vmem>>) semaphore(%arg15 : memref<!tpu.dma_semaphore, #tpu.memory_space<semaphore_mem>>) {add = true}
      %add3A_711 = arith.constant 6 : i32
      %add3A_712 = arith.addi %add3A_24, %add3A_711 : i32
      %dma_start3A_713 = arith.constant 6 : i32
      %dma_start3A_714 = arith.constant 0 : i32
      %dma_start3A_715 = arith.constant 0 : i32
      %dma_start3A_716 = tpu.memref_slice %arg9[%dma_start3A_713, %dma_start3A_714, %dma_start3A_715] : memref<10x100x16xf32, #tpu.memory_space<vmem>> -> memref<1x100x16xf32, #tpu.memory_space<vmem>>
      %dma_start3A_717 = tpu.memref_squeeze %dma_start3A_716 : memref<1x100x16xf32, #tpu.memory_space<vmem>> -> memref<100x16xf32, #tpu.memory_space<vmem>>
      %dma_start3A_718 = arith.constant 0 : i32
      %dma_start3A_719 = tpu.memref_slice %arg7[%add3A_712, %dma_start3A_718] : memref<100x100xi32, #tpu.memory_space<vmem>> -> memref<1x100xi32, #tpu.memory_space<vmem>>
      %dma_start3A_720 = tpu.memref_squeeze %dma_start3A_719 : memref<1x100xi32, #tpu.memory_space<vmem>> -> memref<100xi32, #tpu.memory_space<vmem>>
      %dma_start3A_721 = arith.constant 0 : i32
      %dma_start3A_722 = arith.constant 0 : i32
      %dma_start3A_723 = tpu.memref_slice %arg11[%dma_start3A_721, %dma_start3A_722] : memref<10112x16xf32, #tpu.memory_space<vmem_shared>> -> memref<10112x16xf32, #tpu.memory_space<vmem_shared>>
      tpu.enqueue_indirect_dma source(%dma_start3A_717 : memref<100x16xf32, #tpu.memory_space<vmem>>) target(%dma_start3A_723 : memref<10112x16xf32, #tpu.memory_space<vmem_shared>>) offsets(%dma_start3A_720 : memref<100xi32, #tpu.memory_space<vmem>>) semaphore(%arg15 : memref<!tpu.dma_semaphore, #tpu.memory_space<semaphore_mem>>) {add = true}
      %add3A_724 = arith.constant 7 : i32
      %add3A_725 = arith.addi %add3A_24, %add3A_724 : i32
      %dma_start3A_726 = arith.constant 7 : i32
      %dma_start3A_727 = arith.constant 0 : i32
      %dma_start3A_728 = arith.constant 0 : i32
      %dma_start3A_729 = tpu.memref_slice %arg9[%dma_start3A_726, %dma_start3A_727, %dma_start3A_728] : memref<10x100x16xf32, #tpu.memory_space<vmem>> -> memref<1x100x16xf32, #tpu.memory_space<vmem>>
      %dma_start3A_730 = tpu.memref_squeeze %dma_start3A_729 : memref<1x100x16xf32, #tpu.memory_space<vmem>> -> memref<100x16xf32, #tpu.memory_space<vmem>>
      %dma_start3A_731 = arith.constant 0 : i32
      %dma_start3A_732 = tpu.memref_slice %arg7[%add3A_725, %dma_start3A_731] : memref<100x100xi32, #tpu.memory_space<vmem>> -> memref<1x100xi32, #tpu.memory_space<vmem>>
      %dma_start3A_733 = tpu.memref_squeeze %dma_start3A_732 : memref<1x100xi32, #tpu.memory_space<vmem>> -> memref<100xi32, #tpu.memory_space<vmem>>
      %dma_start3A_734 = arith.constant 0 : i32
      %dma_start3A_735 = arith.constant 0 : i32
      %dma_start3A_736 = tpu.memref_slice %arg11[%dma_start3A_734, %dma_start3A_735] : memref<10112x16xf32, #tpu.memory_space<vmem_shared>> -> memref<10112x16xf32, #tpu.memory_space<vmem_shared>>
      tpu.enqueue_indirect_dma source(%dma_start3A_730 : memref<100x16xf32, #tpu.memory_space<vmem>>) target(%dma_start3A_736 : memref<10112x16xf32, #tpu.memory_space<vmem_shared>>) offsets(%dma_start3A_733 : memref<100xi32, #tpu.memory_space<vmem>>) semaphore(%arg15 : memref<!tpu.dma_semaphore, #tpu.memory_space<semaphore_mem>>) {add = true}
      %add3A_737 = arith.constant 8 : i32
      %add3A_738 = arith.addi %add3A_24, %add3A_737 : i32
      %dma_start3A_739 = arith.constant 8 : i32
      %dma_start3A_740 = arith.constant 0 : i32
      %dma_start3A_741 = arith.constant 0 : i32
      %dma_start3A_742 = tpu.memref_slice %arg9[%dma_start3A_739, %dma_start3A_740, %dma_start3A_741] : memref<10x100x16xf32, #tpu.memory_space<vmem>> -> memref<1x100x16xf32, #tpu.memory_space<vmem>>
      %dma_start3A_743 = tpu.memref_squeeze %dma_start3A_742 : memref<1x100x16xf32, #tpu.memory_space<vmem>> -> memref<100x16xf32, #tpu.memory_space<vmem>>
      %dma_start3A_744 = arith.constant 0 : i32
      %dma_start3A_745 = tpu.memref_slice %arg7[%add3A_738, %dma_start3A_744] : memref<100x100xi32, #tpu.memory_space<vmem>> -> memref<1x100xi32, #tpu.memory_space<vmem>>
      %dma_start3A_746 = tpu.memref_squeeze %dma_start3A_745 : memref<1x100xi32, #tpu.memory_space<vmem>> -> memref<100xi32, #tpu.memory_space<vmem>>
      %dma_start3A_747 = arith.constant 0 : i32
      %dma_start3A_748 = arith.constant 0 : i32
      %dma_start3A_749 = tpu.memref_slice %arg11[%dma_start3A_747, %dma_start3A_748] : memref<10112x16xf32, #tpu.memory_space<vmem_shared>> -> memref<10112x16xf32, #tpu.memory_space<vmem_shared>>
      tpu.enqueue_indirect_dma source(%dma_start3A_743 : memref<100x16xf32, #tpu.memory_space<vmem>>) target(%dma_start3A_749 : memref<10112x16xf32, #tpu.memory_space<vmem_shared>>) offsets(%dma_start3A_746 : memref<100xi32, #tpu.memory_space<vmem>>) semaphore(%arg15 : memref<!tpu.dma_semaphore, #tpu.memory_space<semaphore_mem>>) {add = true}
      %add3A_750 = arith.constant 9 : i32
      %add3A_751 = arith.addi %add3A_24, %add3A_750 : i32
      %dma_start3A_752 = arith.constant 9 : i32
      %dma_start3A_753 = arith.constant 0 : i32
      %dma_start3A_754 = arith.constant 0 : i32
      %dma_start3A_755 = tpu.memref_slice %arg9[%dma_start3A_752, %dma_start3A_753, %dma_start3A_754] : memref<10x100x16xf32, #tpu.memory_space<vmem>> -> memref<1x100x16xf32, #tpu.memory_space<vmem>>
      %dma_start3A_756 = tpu.memref_squeeze %dma_start3A_755 : memref<1x100x16xf32, #tpu.memory_space<vmem>> -> memref<100x16xf32, #tpu.memory_space<vmem>>
      %dma_start3A_757 = arith.constant 0 : i32
      %dma_start3A_758 = tpu.memref_slice %arg7[%add3A_751, %dma_start3A_757] : memref<100x100xi32, #tpu.memory_space<vmem>> -> memref<1x100xi32, #tpu.memory_space<vmem>>
      %dma_start3A_759 = tpu.memref_squeeze %dma_start3A_758 : memref<1x100xi32, #tpu.memory_space<vmem>> -> memref<100xi32, #tpu.memory_space<vmem>>
      %dma_start3A_760 = arith.constant 0 : i32
      %dma_start3A_761 = arith.constant 0 : i32
      %dma_start3A_762 = tpu.memref_slice %arg11[%dma_start3A_760, %dma_start3A_761] : memref<10112x16xf32, #tpu.memory_space<vmem_shared>> -> memref<10112x16xf32, #tpu.memory_space<vmem_shared>>
      tpu.enqueue_indirect_dma source(%dma_start3A_756 : memref<100x16xf32, #tpu.memory_space<vmem>>) target(%dma_start3A_762 : memref<10112x16xf32, #tpu.memory_space<vmem_shared>>) offsets(%dma_start3A_759 : memref<100xi32, #tpu.memory_space<vmem>>) semaphore(%arg15 : memref<!tpu.dma_semaphore, #tpu.memory_space<semaphore_mem>>) {add = true}
      %dma_wait3A_763 = arith.constant 0 : i32
      %dma_wait3A_764 = arith.constant 0 : i32
      %dma_wait3A_765 = arith.constant 0 : i32
      %dma_wait3A_766 = tpu.memref_slice %arg8[%dma_wait3A_763, %dma_wait3A_764, %dma_wait3A_765] : memref<10x100x16xf32, #tpu.memory_space<vmem>> -> memref<1x100x16xf32, #tpu.memory_space<vmem>>
      %dma_wait3A_767 = tpu.memref_squeeze %dma_wait3A_766 : memref<1x100x16xf32, #tpu.memory_space<vmem>> -> memref<100x16xf32, #tpu.memory_space<vmem>>
      %dma_wait3A_768 = arith.constant 0 : i32
      %dma_wait3A_769 = tpu.memref_slice %arg7[%add3A_394, %dma_wait3A_768] : memref<100x100xi32, #tpu.memory_space<vmem>> -> memref<1x100xi32, #tpu.memory_space<vmem>>
      %dma_wait3A_770 = tpu.memref_squeeze %dma_wait3A_769 : memref<1x100xi32, #tpu.memory_space<vmem>> -> memref<100xi32, #tpu.memory_space<vmem>>
      %dma_wait3A_771 = arith.constant 0 : i32
      %dma_wait3A_772 = arith.constant 0 : i32
      %dma_wait3A_773 = tpu.memref_slice %arg11[%dma_wait3A_771, %dma_wait3A_772] : memref<10112x16xf32, #tpu.memory_space<vmem_shared>> -> memref<10112x16xf32, #tpu.memory_space<vmem_shared>>
      tpu.wait_indirect_dma semaphore(%arg14 : memref<!tpu.dma_semaphore, #tpu.memory_space<semaphore_mem>>) src(%dma_wait3A_767 : memref<100x16xf32, #tpu.memory_space<vmem>>) dst(%dma_wait3A_773 : memref<10112x16xf32, #tpu.memory_space<vmem_shared>>)
      %dma_wait3A_774 = arith.constant 1 : i32
      %dma_wait3A_775 = arith.constant 0 : i32
      %dma_wait3A_776 = arith.constant 0 : i32
      %dma_wait3A_777 = tpu.memref_slice %arg8[%dma_wait3A_774, %dma_wait3A_775, %dma_wait3A_776] : memref<10x100x16xf32, #tpu.memory_space<vmem>> -> memref<1x100x16xf32, #tpu.memory_space<vmem>>
      %dma_wait3A_778 = tpu.memref_squeeze %dma_wait3A_777 : memref<1x100x16xf32, #tpu.memory_space<vmem>> -> memref<100x16xf32, #tpu.memory_space<vmem>>
      %dma_wait3A_779 = arith.constant 0 : i32
      %dma_wait3A_780 = tpu.memref_slice %arg7[%add3A_407, %dma_wait3A_779] : memref<100x100xi32, #tpu.memory_space<vmem>> -> memref<1x100xi32, #tpu.memory_space<vmem>>
      %dma_wait3A_781 = tpu.memref_squeeze %dma_wait3A_780 : memref<1x100xi32, #tpu.memory_space<vmem>> -> memref<100xi32, #tpu.memory_space<vmem>>
      %dma_wait3A_782 = arith.constant 0 : i32
      %dma_wait3A_783 = arith.constant 0 : i32
      %dma_wait3A_784 = tpu.memref_slice %arg11[%dma_wait3A_782, %dma_wait3A_783] : memref<10112x16xf32, #tpu.memory_space<vmem_shared>> -> memref<10112x16xf32, #tpu.memory_space<vmem_shared>>
      tpu.wait_indirect_dma semaphore(%arg14 : memref<!tpu.dma_semaphore, #tpu.memory_space<semaphore_mem>>) src(%dma_wait3A_778 : memref<100x16xf32, #tpu.memory_space<vmem>>) dst(%dma_wait3A_784 : memref<10112x16xf32, #tpu.memory_space<vmem_shared>>)
      %dma_wait3A_785 = arith.constant 2 : i32
      %dma_wait3A_786 = arith.constant 0 : i32
      %dma_wait3A_787 = arith.constant 0 : i32
      %dma_wait3A_788 = tpu.memref_slice %arg8[%dma_wait3A_785, %dma_wait3A_786, %dma_wait3A_787] : memref<10x100x16xf32, #tpu.memory_space<vmem>> -> memref<1x100x16xf32, #tpu.memory_space<vmem>>
      %dma_wait3A_789 = tpu.memref_squeeze %dma_wait3A_788 : memref<1x100x16xf32, #tpu.memory_space<vmem>> -> memref<100x16xf32, #tpu.memory_space<vmem>>
      %dma_wait3A_790 = arith.constant 0 : i32
      %dma_wait3A_791 = tpu.memref_slice %arg7[%add3A_420, %dma_wait3A_790] : memref<100x100xi32, #tpu.memory_space<vmem>> -> memref<1x100xi32, #tpu.memory_space<vmem>>
      %dma_wait3A_792 = tpu.memref_squeeze %dma_wait3A_791 : memref<1x100xi32, #tpu.memory_space<vmem>> -> memref<100xi32, #tpu.memory_space<vmem>>
      %dma_wait3A_793 = arith.constant 0 : i32
      %dma_wait3A_794 = arith.constant 0 : i32
      %dma_wait3A_795 = tpu.memref_slice %arg11[%dma_wait3A_793, %dma_wait3A_794] : memref<10112x16xf32, #tpu.memory_space<vmem_shared>> -> memref<10112x16xf32, #tpu.memory_space<vmem_shared>>
      tpu.wait_indirect_dma semaphore(%arg14 : memref<!tpu.dma_semaphore, #tpu.memory_space<semaphore_mem>>) src(%dma_wait3A_789 : memref<100x16xf32, #tpu.memory_space<vmem>>) dst(%dma_wait3A_795 : memref<10112x16xf32, #tpu.memory_space<vmem_shared>>)
      %dma_wait3A_796 = arith.constant 3 : i32
      %dma_wait3A_797 = arith.constant 0 : i32
      %dma_wait3A_798 = arith.constant 0 : i32
      %dma_wait3A_799 = tpu.memref_slice %arg8[%dma_wait3A_796, %dma_wait3A_797, %dma_wait3A_798] : memref<10x100x16xf32, #tpu.memory_space<vmem>> -> memref<1x100x16xf32, #tpu.memory_space<vmem>>
      %dma_wait3A_800 = tpu.memref_squeeze %dma_wait3A_799 : memref<1x100x16xf32, #tpu.memory_space<vmem>> -> memref<100x16xf32, #tpu.memory_space<vmem>>
      %dma_wait3A_801 = arith.constant 0 : i32
      %dma_wait3A_802 = tpu.memref_slice %arg7[%add3A_433, %dma_wait3A_801] : memref<100x100xi32, #tpu.memory_space<vmem>> -> memref<1x100xi32, #tpu.memory_space<vmem>>
      %dma_wait3A_803 = tpu.memref_squeeze %dma_wait3A_802 : memref<1x100xi32, #tpu.memory_space<vmem>> -> memref<100xi32, #tpu.memory_space<vmem>>
      %dma_wait3A_804 = arith.constant 0 : i32
      %dma_wait3A_805 = arith.constant 0 : i32
      %dma_wait3A_806 = tpu.memref_slice %arg11[%dma_wait3A_804, %dma_wait3A_805] : memref<10112x16xf32, #tpu.memory_space<vmem_shared>> -> memref<10112x16xf32, #tpu.memory_space<vmem_shared>>
      tpu.wait_indirect_dma semaphore(%arg14 : memref<!tpu.dma_semaphore, #tpu.memory_space<semaphore_mem>>) src(%dma_wait3A_800 : memref<100x16xf32, #tpu.memory_space<vmem>>) dst(%dma_wait3A_806 : memref<10112x16xf32, #tpu.memory_space<vmem_shared>>)
      %dma_wait3A_807 = arith.constant 4 : i32
      %dma_wait3A_808 = arith.constant 0 : i32
      %dma_wait3A_809 = arith.constant 0 : i32
      %dma_wait3A_810 = tpu.memref_slice %arg8[%dma_wait3A_807, %dma_wait3A_808, %dma_wait3A_809] : memref<10x100x16xf32, #tpu.memory_space<vmem>> -> memref<1x100x16xf32, #tpu.memory_space<vmem>>
      %dma_wait3A_811 = tpu.memref_squeeze %dma_wait3A_810 : memref<1x100x16xf32, #tpu.memory_space<vmem>> -> memref<100x16xf32, #tpu.memory_space<vmem>>
      %dma_wait3A_812 = arith.constant 0 : i32
      %dma_wait3A_813 = tpu.memref_slice %arg7[%add3A_446, %dma_wait3A_812] : memref<100x100xi32, #tpu.memory_space<vmem>> -> memref<1x100xi32, #tpu.memory_space<vmem>>
      %dma_wait3A_814 = tpu.memref_squeeze %dma_wait3A_813 : memref<1x100xi32, #tpu.memory_space<vmem>> -> memref<100xi32, #tpu.memory_space<vmem>>
      %dma_wait3A_815 = arith.constant 0 : i32
      %dma_wait3A_816 = arith.constant 0 : i32
      %dma_wait3A_817 = tpu.memref_slice %arg11[%dma_wait3A_815, %dma_wait3A_816] : memref<10112x16xf32, #tpu.memory_space<vmem_shared>> -> memref<10112x16xf32, #tpu.memory_space<vmem_shared>>
      tpu.wait_indirect_dma semaphore(%arg14 : memref<!tpu.dma_semaphore, #tpu.memory_space<semaphore_mem>>) src(%dma_wait3A_811 : memref<100x16xf32, #tpu.memory_space<vmem>>) dst(%dma_wait3A_817 : memref<10112x16xf32, #tpu.memory_space<vmem_shared>>)
      %dma_wait3A_818 = arith.constant 5 : i32
      %dma_wait3A_819 = arith.constant 0 : i32
      %dma_wait3A_820 = arith.constant 0 : i32
      %dma_wait3A_821 = tpu.memref_slice %arg8[%dma_wait3A_818, %dma_wait3A_819, %dma_wait3A_820] : memref<10x100x16xf32, #tpu.memory_space<vmem>> -> memref<1x100x16xf32, #tpu.memory_space<vmem>>
      %dma_wait3A_822 = tpu.memref_squeeze %dma_wait3A_821 : memref<1x100x16xf32, #tpu.memory_space<vmem>> -> memref<100x16xf32, #tpu.memory_space<vmem>>
      %dma_wait3A_823 = arith.constant 0 : i32
      %dma_wait3A_824 = tpu.memref_slice %arg7[%add3A_459, %dma_wait3A_823] : memref<100x100xi32, #tpu.memory_space<vmem>> -> memref<1x100xi32, #tpu.memory_space<vmem>>
      %dma_wait3A_825 = tpu.memref_squeeze %dma_wait3A_824 : memref<1x100xi32, #tpu.memory_space<vmem>> -> memref<100xi32, #tpu.memory_space<vmem>>
      %dma_wait3A_826 = arith.constant 0 : i32
      %dma_wait3A_827 = arith.constant 0 : i32
      %dma_wait3A_828 = tpu.memref_slice %arg11[%dma_wait3A_826, %dma_wait3A_827] : memref<10112x16xf32, #tpu.memory_space<vmem_shared>> -> memref<10112x16xf32, #tpu.memory_space<vmem_shared>>
      tpu.wait_indirect_dma semaphore(%arg14 : memref<!tpu.dma_semaphore, #tpu.memory_space<semaphore_mem>>) src(%dma_wait3A_822 : memref<100x16xf32, #tpu.memory_space<vmem>>) dst(%dma_wait3A_828 : memref<10112x16xf32, #tpu.memory_space<vmem_shared>>)
      %dma_wait3A_829 = arith.constant 6 : i32
      %dma_wait3A_830 = arith.constant 0 : i32
      %dma_wait3A_831 = arith.constant 0 : i32
      %dma_wait3A_832 = tpu.memref_slice %arg8[%dma_wait3A_829, %dma_wait3A_830, %dma_wait3A_831] : memref<10x100x16xf32, #tpu.memory_space<vmem>> -> memref<1x100x16xf32, #tpu.memory_space<vmem>>
      %dma_wait3A_833 = tpu.memref_squeeze %dma_wait3A_832 : memref<1x100x16xf32, #tpu.memory_space<vmem>> -> memref<100x16xf32, #tpu.memory_space<vmem>>
      %dma_wait3A_834 = arith.constant 0 : i32
      %dma_wait3A_835 = tpu.memref_slice %arg7[%add3A_472, %dma_wait3A_834] : memref<100x100xi32, #tpu.memory_space<vmem>> -> memref<1x100xi32, #tpu.memory_space<vmem>>
      %dma_wait3A_836 = tpu.memref_squeeze %dma_wait3A_835 : memref<1x100xi32, #tpu.memory_space<vmem>> -> memref<100xi32, #tpu.memory_space<vmem>>
      %dma_wait3A_837 = arith.constant 0 : i32
      %dma_wait3A_838 = arith.constant 0 : i32
      %dma_wait3A_839 = tpu.memref_slice %arg11[%dma_wait3A_837, %dma_wait3A_838] : memref<10112x16xf32, #tpu.memory_space<vmem_shared>> -> memref<10112x16xf32, #tpu.memory_space<vmem_shared>>
      tpu.wait_indirect_dma semaphore(%arg14 : memref<!tpu.dma_semaphore, #tpu.memory_space<semaphore_mem>>) src(%dma_wait3A_833 : memref<100x16xf32, #tpu.memory_space<vmem>>) dst(%dma_wait3A_839 : memref<10112x16xf32, #tpu.memory_space<vmem_shared>>)
      %dma_wait3A_840 = arith.constant 7 : i32
      %dma_wait3A_841 = arith.constant 0 : i32
      %dma_wait3A_842 = arith.constant 0 : i32
      %dma_wait3A_843 = tpu.memref_slice %arg8[%dma_wait3A_840, %dma_wait3A_841, %dma_wait3A_842] : memref<10x100x16xf32, #tpu.memory_space<vmem>> -> memref<1x100x16xf32, #tpu.memory_space<vmem>>
      %dma_wait3A_844 = tpu.memref_squeeze %dma_wait3A_843 : memref<1x100x16xf32, #tpu.memory_space<vmem>> -> memref<100x16xf32, #tpu.memory_space<vmem>>
      %dma_wait3A_845 = arith.constant 0 : i32
      %dma_wait3A_846 = tpu.memref_slice %arg7[%add3A_485, %dma_wait3A_845] : memref<100x100xi32, #tpu.memory_space<vmem>> -> memref<1x100xi32, #tpu.memory_space<vmem>>
      %dma_wait3A_847 = tpu.memref_squeeze %dma_wait3A_846 : memref<1x100xi32, #tpu.memory_space<vmem>> -> memref<100xi32, #tpu.memory_space<vmem>>
      %dma_wait3A_848 = arith.constant 0 : i32
      %dma_wait3A_849 = arith.constant 0 : i32
      %dma_wait3A_850 = tpu.memref_slice %arg11[%dma_wait3A_848, %dma_wait3A_849] : memref<10112x16xf32, #tpu.memory_space<vmem_shared>> -> memref<10112x16xf32, #tpu.memory_space<vmem_shared>>
      tpu.wait_indirect_dma semaphore(%arg14 : memref<!tpu.dma_semaphore, #tpu.memory_space<semaphore_mem>>) src(%dma_wait3A_844 : memref<100x16xf32, #tpu.memory_space<vmem>>) dst(%dma_wait3A_850 : memref<10112x16xf32, #tpu.memory_space<vmem_shared>>)
      %dma_wait3A_851 = arith.constant 8 : i32
      %dma_wait3A_852 = arith.constant 0 : i32
      %dma_wait3A_853 = arith.constant 0 : i32
      %dma_wait3A_854 = tpu.memref_slice %arg8[%dma_wait3A_851, %dma_wait3A_852, %dma_wait3A_853] : memref<10x100x16xf32, #tpu.memory_space<vmem>> -> memref<1x100x16xf32, #tpu.memory_space<vmem>>
      %dma_wait3A_855 = tpu.memref_squeeze %dma_wait3A_854 : memref<1x100x16xf32, #tpu.memory_space<vmem>> -> memref<100x16xf32, #tpu.memory_space<vmem>>
      %dma_wait3A_856 = arith.constant 0 : i32
      %dma_wait3A_857 = tpu.memref_slice %arg7[%add3A_498, %dma_wait3A_856] : memref<100x100xi32, #tpu.memory_space<vmem>> -> memref<1x100xi32, #tpu.memory_space<vmem>>
      %dma_wait3A_858 = tpu.memref_squeeze %dma_wait3A_857 : memref<1x100xi32, #tpu.memory_space<vmem>> -> memref<100xi32, #tpu.memory_space<vmem>>
      %dma_wait3A_859 = arith.constant 0 : i32
      %dma_wait3A_860 = arith.constant 0 : i32
      %dma_wait3A_861 = tpu.memref_slice %arg11[%dma_wait3A_859, %dma_wait3A_860] : memref<10112x16xf32, #tpu.memory_space<vmem_shared>> -> memref<10112x16xf32, #tpu.memory_space<vmem_shared>>
      tpu.wait_indirect_dma semaphore(%arg14 : memref<!tpu.dma_semaphore, #tpu.memory_space<semaphore_mem>>) src(%dma_wait3A_855 : memref<100x16xf32, #tpu.memory_space<vmem>>) dst(%dma_wait3A_861 : memref<10112x16xf32, #tpu.memory_space<vmem_shared>>)
      %dma_wait3A_862 = arith.constant 9 : i32
      %dma_wait3A_863 = arith.constant 0 : i32
      %dma_wait3A_864 = arith.constant 0 : i32
      %dma_wait3A_865 = tpu.memref_slice %arg8[%dma_wait3A_862, %dma_wait3A_863, %dma_wait3A_864] : memref<10x100x16xf32, #tpu.memory_space<vmem>> -> memref<1x100x16xf32, #tpu.memory_space<vmem>>
      %dma_wait3A_866 = tpu.memref_squeeze %dma_wait3A_865 : memref<1x100x16xf32, #tpu.memory_space<vmem>> -> memref<100x16xf32, #tpu.memory_space<vmem>>
      %dma_wait3A_867 = arith.constant 0 : i32
      %dma_wait3A_868 = tpu.memref_slice %arg7[%add3A_511, %dma_wait3A_867] : memref<100x100xi32, #tpu.memory_space<vmem>> -> memref<1x100xi32, #tpu.memory_space<vmem>>
      %dma_wait3A_869 = tpu.memref_squeeze %dma_wait3A_868 : memref<1x100xi32, #tpu.memory_space<vmem>> -> memref<100xi32, #tpu.memory_space<vmem>>
      %dma_wait3A_870 = arith.constant 0 : i32
      %dma_wait3A_871 = arith.constant 0 : i32
      %dma_wait3A_872 = tpu.memref_slice %arg11[%dma_wait3A_870, %dma_wait3A_871] : memref<10112x16xf32, #tpu.memory_space<vmem_shared>> -> memref<10112x16xf32, #tpu.memory_space<vmem_shared>>
      tpu.wait_indirect_dma semaphore(%arg14 : memref<!tpu.dma_semaphore, #tpu.memory_space<semaphore_mem>>) src(%dma_wait3A_866 : memref<100x16xf32, #tpu.memory_space<vmem>>) dst(%dma_wait3A_872 : memref<10112x16xf32, #tpu.memory_space<vmem_shared>>)
      %dma_wait3A_873 = arith.constant 0 : i32
      %dma_wait3A_874 = arith.constant 0 : i32
      %dma_wait3A_875 = arith.constant 0 : i32
      %dma_wait3A_876 = tpu.memref_slice %arg9[%dma_wait3A_873, %dma_wait3A_874, %dma_wait3A_875] : memref<10x100x16xf32, #tpu.memory_space<vmem>> -> memref<1x100x16xf32, #tpu.memory_space<vmem>>
      %dma_wait3A_877 = tpu.memref_squeeze %dma_wait3A_876 : memref<1x100x16xf32, #tpu.memory_space<vmem>> -> memref<100x16xf32, #tpu.memory_space<vmem>>
      %dma_wait3A_878 = arith.constant 0 : i32
      %dma_wait3A_879 = tpu.memref_slice %arg7[%add3A_634, %dma_wait3A_878] : memref<100x100xi32, #tpu.memory_space<vmem>> -> memref<1x100xi32, #tpu.memory_space<vmem>>
      %dma_wait3A_880 = tpu.memref_squeeze %dma_wait3A_879 : memref<1x100xi32, #tpu.memory_space<vmem>> -> memref<100xi32, #tpu.memory_space<vmem>>
      %dma_wait3A_881 = arith.constant 0 : i32
      %dma_wait3A_882 = arith.constant 0 : i32
      %dma_wait3A_883 = tpu.memref_slice %arg11[%dma_wait3A_881, %dma_wait3A_882] : memref<10112x16xf32, #tpu.memory_space<vmem_shared>> -> memref<10112x16xf32, #tpu.memory_space<vmem_shared>>
      tpu.wait_indirect_dma semaphore(%arg15 : memref<!tpu.dma_semaphore, #tpu.memory_space<semaphore_mem>>) src(%dma_wait3A_877 : memref<100x16xf32, #tpu.memory_space<vmem>>) dst(%dma_wait3A_883 : memref<10112x16xf32, #tpu.memory_space<vmem_shared>>)
      %dma_wait3A_884 = arith.constant 1 : i32
      %dma_wait3A_885 = arith.constant 0 : i32
      %dma_wait3A_886 = arith.constant 0 : i32
      %dma_wait3A_887 = tpu.memref_slice %arg9[%dma_wait3A_884, %dma_wait3A_885, %dma_wait3A_886] : memref<10x100x16xf32, #tpu.memory_space<vmem>> -> memref<1x100x16xf32, #tpu.memory_space<vmem>>
      %dma_wait3A_888 = tpu.memref_squeeze %dma_wait3A_887 : memref<1x100x16xf32, #tpu.memory_space<vmem>> -> memref<100x16xf32, #tpu.memory_space<vmem>>
      %dma_wait3A_889 = arith.constant 0 : i32
      %dma_wait3A_890 = tpu.memref_slice %arg7[%add3A_647, %dma_wait3A_889] : memref<100x100xi32, #tpu.memory_space<vmem>> -> memref<1x100xi32, #tpu.memory_space<vmem>>
      %dma_wait3A_891 = tpu.memref_squeeze %dma_wait3A_890 : memref<1x100xi32, #tpu.memory_space<vmem>> -> memref<100xi32, #tpu.memory_space<vmem>>
      %dma_wait3A_892 = arith.constant 0 : i32
      %dma_wait3A_893 = arith.constant 0 : i32
      %dma_wait3A_894 = tpu.memref_slice %arg11[%dma_wait3A_892, %dma_wait3A_893] : memref<10112x16xf32, #tpu.memory_space<vmem_shared>> -> memref<10112x16xf32, #tpu.memory_space<vmem_shared>>
      tpu.wait_indirect_dma semaphore(%arg15 : memref<!tpu.dma_semaphore, #tpu.memory_space<semaphore_mem>>) src(%dma_wait3A_888 : memref<100x16xf32, #tpu.memory_space<vmem>>) dst(%dma_wait3A_894 : memref<10112x16xf32, #tpu.memory_space<vmem_shared>>)
      %dma_wait3A_895 = arith.constant 2 : i32
      %dma_wait3A_896 = arith.constant 0 : i32
      %dma_wait3A_897 = arith.constant 0 : i32
      %dma_wait3A_898 = tpu.memref_slice %arg9[%dma_wait3A_895, %dma_wait3A_896, %dma_wait3A_897] : memref<10x100x16xf32, #tpu.memory_space<vmem>> -> memref<1x100x16xf32, #tpu.memory_space<vmem>>
      %dma_wait3A_899 = tpu.memref_squeeze %dma_wait3A_898 : memref<1x100x16xf32, #tpu.memory_space<vmem>> -> memref<100x16xf32, #tpu.memory_space<vmem>>
      %dma_wait3A_900 = arith.constant 0 : i32
      %dma_wait3A_901 = tpu.memref_slice %arg7[%add3A_660, %dma_wait3A_900] : memref<100x100xi32, #tpu.memory_space<vmem>> -> memref<1x100xi32, #tpu.memory_space<vmem>>
      %dma_wait3A_902 = tpu.memref_squeeze %dma_wait3A_901 : memref<1x100xi32, #tpu.memory_space<vmem>> -> memref<100xi32, #tpu.memory_space<vmem>>
      %dma_wait3A_903 = arith.constant 0 : i32
      %dma_wait3A_904 = arith.constant 0 : i32
      %dma_wait3A_905 = tpu.memref_slice %arg11[%dma_wait3A_903, %dma_wait3A_904] : memref<10112x16xf32, #tpu.memory_space<vmem_shared>> -> memref<10112x16xf32, #tpu.memory_space<vmem_shared>>
      tpu.wait_indirect_dma semaphore(%arg15 : memref<!tpu.dma_semaphore, #tpu.memory_space<semaphore_mem>>) src(%dma_wait3A_899 : memref<100x16xf32, #tpu.memory_space<vmem>>) dst(%dma_wait3A_905 : memref<10112x16xf32, #tpu.memory_space<vmem_shared>>)
      %dma_wait3A_906 = arith.constant 3 : i32
      %dma_wait3A_907 = arith.constant 0 : i32
      %dma_wait3A_908 = arith.constant 0 : i32
      %dma_wait3A_909 = tpu.memref_slice %arg9[%dma_wait3A_906, %dma_wait3A_907, %dma_wait3A_908] : memref<10x100x16xf32, #tpu.memory_space<vmem>> -> memref<1x100x16xf32, #tpu.memory_space<vmem>>
      %dma_wait3A_910 = tpu.memref_squeeze %dma_wait3A_909 : memref<1x100x16xf32, #tpu.memory_space<vmem>> -> memref<100x16xf32, #tpu.memory_space<vmem>>
      %dma_wait3A_911 = arith.constant 0 : i32
      %dma_wait3A_912 = tpu.memref_slice %arg7[%add3A_673, %dma_wait3A_911] : memref<100x100xi32, #tpu.memory_space<vmem>> -> memref<1x100xi32, #tpu.memory_space<vmem>>
      %dma_wait3A_913 = tpu.memref_squeeze %dma_wait3A_912 : memref<1x100xi32, #tpu.memory_space<vmem>> -> memref<100xi32, #tpu.memory_space<vmem>>
      %dma_wait3A_914 = arith.constant 0 : i32
      %dma_wait3A_915 = arith.constant 0 : i32
      %dma_wait3A_916 = tpu.memref_slice %arg11[%dma_wait3A_914, %dma_wait3A_915] : memref<10112x16xf32, #tpu.memory_space<vmem_shared>> -> memref<10112x16xf32, #tpu.memory_space<vmem_shared>>
      tpu.wait_indirect_dma semaphore(%arg15 : memref<!tpu.dma_semaphore, #tpu.memory_space<semaphore_mem>>) src(%dma_wait3A_910 : memref<100x16xf32, #tpu.memory_space<vmem>>) dst(%dma_wait3A_916 : memref<10112x16xf32, #tpu.memory_space<vmem_shared>>)
      %dma_wait3A_917 = arith.constant 4 : i32
      %dma_wait3A_918 = arith.constant 0 : i32
      %dma_wait3A_919 = arith.constant 0 : i32
      %dma_wait3A_920 = tpu.memref_slice %arg9[%dma_wait3A_917, %dma_wait3A_918, %dma_wait3A_919] : memref<10x100x16xf32, #tpu.memory_space<vmem>> -> memref<1x100x16xf32, #tpu.memory_space<vmem>>
      %dma_wait3A_921 = tpu.memref_squeeze %dma_wait3A_920 : memref<1x100x16xf32, #tpu.memory_space<vmem>> -> memref<100x16xf32, #tpu.memory_space<vmem>>
      %dma_wait3A_922 = arith.constant 0 : i32
      %dma_wait3A_923 = tpu.memref_slice %arg7[%add3A_686, %dma_wait3A_922] : memref<100x100xi32, #tpu.memory_space<vmem>> -> memref<1x100xi32, #tpu.memory_space<vmem>>
      %dma_wait3A_924 = tpu.memref_squeeze %dma_wait3A_923 : memref<1x100xi32, #tpu.memory_space<vmem>> -> memref<100xi32, #tpu.memory_space<vmem>>
      %dma_wait3A_925 = arith.constant 0 : i32
      %dma_wait3A_926 = arith.constant 0 : i32
      %dma_wait3A_927 = tpu.memref_slice %arg11[%dma_wait3A_925, %dma_wait3A_926] : memref<10112x16xf32, #tpu.memory_space<vmem_shared>> -> memref<10112x16xf32, #tpu.memory_space<vmem_shared>>
      tpu.wait_indirect_dma semaphore(%arg15 : memref<!tpu.dma_semaphore, #tpu.memory_space<semaphore_mem>>) src(%dma_wait3A_921 : memref<100x16xf32, #tpu.memory_space<vmem>>) dst(%dma_wait3A_927 : memref<10112x16xf32, #tpu.memory_space<vmem_shared>>)
      %dma_wait3A_928 = arith.constant 5 : i32
      %dma_wait3A_929 = arith.constant 0 : i32
      %dma_wait3A_930 = arith.constant 0 : i32
      %dma_wait3A_931 = tpu.memref_slice %arg9[%dma_wait3A_928, %dma_wait3A_929, %dma_wait3A_930] : memref<10x100x16xf32, #tpu.memory_space<vmem>> -> memref<1x100x16xf32, #tpu.memory_space<vmem>>
      %dma_wait3A_932 = tpu.memref_squeeze %dma_wait3A_931 : memref<1x100x16xf32, #tpu.memory_space<vmem>> -> memref<100x16xf32, #tpu.memory_space<vmem>>
      %dma_wait3A_933 = arith.constant 0 : i32
      %dma_wait3A_934 = tpu.memref_slice %arg7[%add3A_699, %dma_wait3A_933] : memref<100x100xi32, #tpu.memory_space<vmem>> -> memref<1x100xi32, #tpu.memory_space<vmem>>
      %dma_wait3A_935 = tpu.memref_squeeze %dma_wait3A_934 : memref<1x100xi32, #tpu.memory_space<vmem>> -> memref<100xi32, #tpu.memory_space<vmem>>
      %dma_wait3A_936 = arith.constant 0 : i32
      %dma_wait3A_937 = arith.constant 0 : i32
      %dma_wait3A_938 = tpu.memref_slice %arg11[%dma_wait3A_936, %dma_wait3A_937] : memref<10112x16xf32, #tpu.memory_space<vmem_shared>> -> memref<10112x16xf32, #tpu.memory_space<vmem_shared>>
      tpu.wait_indirect_dma semaphore(%arg15 : memref<!tpu.dma_semaphore, #tpu.memory_space<semaphore_mem>>) src(%dma_wait3A_932 : memref<100x16xf32, #tpu.memory_space<vmem>>) dst(%dma_wait3A_938 : memref<10112x16xf32, #tpu.memory_space<vmem_shared>>)
      %dma_wait3A_939 = arith.constant 6 : i32
      %dma_wait3A_940 = arith.constant 0 : i32
      %dma_wait3A_941 = arith.constant 0 : i32
      %dma_wait3A_942 = tpu.memref_slice %arg9[%dma_wait3A_939, %dma_wait3A_940, %dma_wait3A_941] : memref<10x100x16xf32, #tpu.memory_space<vmem>> -> memref<1x100x16xf32, #tpu.memory_space<vmem>>
      %dma_wait3A_943 = tpu.memref_squeeze %dma_wait3A_942 : memref<1x100x16xf32, #tpu.memory_space<vmem>> -> memref<100x16xf32, #tpu.memory_space<vmem>>
      %dma_wait3A_944 = arith.constant 0 : i32
      %dma_wait3A_945 = tpu.memref_slice %arg7[%add3A_712, %dma_wait3A_944] : memref<100x100xi32, #tpu.memory_space<vmem>> -> memref<1x100xi32, #tpu.memory_space<vmem>>
      %dma_wait3A_946 = tpu.memref_squeeze %dma_wait3A_945 : memref<1x100xi32, #tpu.memory_space<vmem>> -> memref<100xi32, #tpu.memory_space<vmem>>
      %dma_wait3A_947 = arith.constant 0 : i32
      %dma_wait3A_948 = arith.constant 0 : i32
      %dma_wait3A_949 = tpu.memref_slice %arg11[%dma_wait3A_947, %dma_wait3A_948] : memref<10112x16xf32, #tpu.memory_space<vmem_shared>> -> memref<10112x16xf32, #tpu.memory_space<vmem_shared>>
      tpu.wait_indirect_dma semaphore(%arg15 : memref<!tpu.dma_semaphore, #tpu.memory_space<semaphore_mem>>) src(%dma_wait3A_943 : memref<100x16xf32, #tpu.memory_space<vmem>>) dst(%dma_wait3A_949 : memref<10112x16xf32, #tpu.memory_space<vmem_shared>>)
      %dma_wait3A_950 = arith.constant 7 : i32
      %dma_wait3A_951 = arith.constant 0 : i32
      %dma_wait3A_952 = arith.constant 0 : i32
      %dma_wait3A_953 = tpu.memref_slice %arg9[%dma_wait3A_950, %dma_wait3A_951, %dma_wait3A_952] : memref<10x100x16xf32, #tpu.memory_space<vmem>> -> memref<1x100x16xf32, #tpu.memory_space<vmem>>
      %dma_wait3A_954 = tpu.memref_squeeze %dma_wait3A_953 : memref<1x100x16xf32, #tpu.memory_space<vmem>> -> memref<100x16xf32, #tpu.memory_space<vmem>>
      %dma_wait3A_955 = arith.constant 0 : i32
      %dma_wait3A_956 = tpu.memref_slice %arg7[%add3A_725, %dma_wait3A_955] : memref<100x100xi32, #tpu.memory_space<vmem>> -> memref<1x100xi32, #tpu.memory_space<vmem>>
      %dma_wait3A_957 = tpu.memref_squeeze %dma_wait3A_956 : memref<1x100xi32, #tpu.memory_space<vmem>> -> memref<100xi32, #tpu.memory_space<vmem>>
      %dma_wait3A_958 = arith.constant 0 : i32
      %dma_wait3A_959 = arith.constant 0 : i32
      %dma_wait3A_960 = tpu.memref_slice %arg11[%dma_wait3A_958, %dma_wait3A_959] : memref<10112x16xf32, #tpu.memory_space<vmem_shared>> -> memref<10112x16xf32, #tpu.memory_space<vmem_shared>>
      tpu.wait_indirect_dma semaphore(%arg15 : memref<!tpu.dma_semaphore, #tpu.memory_space<semaphore_mem>>) src(%dma_wait3A_954 : memref<100x16xf32, #tpu.memory_space<vmem>>) dst(%dma_wait3A_960 : memref<10112x16xf32, #tpu.memory_space<vmem_shared>>)
      %dma_wait3A_961 = arith.constant 8 : i32
      %dma_wait3A_962 = arith.constant 0 : i32
      %dma_wait3A_963 = arith.constant 0 : i32
      %dma_wait3A_964 = tpu.memref_slice %arg9[%dma_wait3A_961, %dma_wait3A_962, %dma_wait3A_963] : memref<10x100x16xf32, #tpu.memory_space<vmem>> -> memref<1x100x16xf32, #tpu.memory_space<vmem>>
      %dma_wait3A_965 = tpu.memref_squeeze %dma_wait3A_964 : memref<1x100x16xf32, #tpu.memory_space<vmem>> -> memref<100x16xf32, #tpu.memory_space<vmem>>
      %dma_wait3A_966 = arith.constant 0 : i32
      %dma_wait3A_967 = tpu.memref_slice %arg7[%add3A_738, %dma_wait3A_966] : memref<100x100xi32, #tpu.memory_space<vmem>> -> memref<1x100xi32, #tpu.memory_space<vmem>>
      %dma_wait3A_968 = tpu.memref_squeeze %dma_wait3A_967 : memref<1x100xi32, #tpu.memory_space<vmem>> -> memref<100xi32, #tpu.memory_space<vmem>>
      %dma_wait3A_969 = arith.constant 0 : i32
      %dma_wait3A_970 = arith.constant 0 : i32
      %dma_wait3A_971 = tpu.memref_slice %arg11[%dma_wait3A_969, %dma_wait3A_970] : memref<10112x16xf32, #tpu.memory_space<vmem_shared>> -> memref<10112x16xf32, #tpu.memory_space<vmem_shared>>
      tpu.wait_indirect_dma semaphore(%arg15 : memref<!tpu.dma_semaphore, #tpu.memory_space<semaphore_mem>>) src(%dma_wait3A_965 : memref<100x16xf32, #tpu.memory_space<vmem>>) dst(%dma_wait3A_971 : memref<10112x16xf32, #tpu.memory_space<vmem_shared>>)
      %dma_wait3A_972 = arith.constant 9 : i32
      %dma_wait3A_973 = arith.constant 0 : i32
      %dma_wait3A_974 = arith.constant 0 : i32
      %dma_wait3A_975 = tpu.memref_slice %arg9[%dma_wait3A_972, %dma_wait3A_973, %dma_wait3A_974] : memref<10x100x16xf32, #tpu.memory_space<vmem>> -> memref<1x100x16xf32, #tpu.memory_space<vmem>>
      %dma_wait3A_976 = tpu.memref_squeeze %dma_wait3A_975 : memref<1x100x16xf32, #tpu.memory_space<vmem>> -> memref<100x16xf32, #tpu.memory_space<vmem>>
      %dma_wait3A_977 = arith.constant 0 : i32
      %dma_wait3A_978 = tpu.memref_slice %arg7[%add3A_751, %dma_wait3A_977] : memref<100x100xi32, #tpu.memory_space<vmem>> -> memref<1x100xi32, #tpu.memory_space<vmem>>
      %dma_wait3A_979 = tpu.memref_squeeze %dma_wait3A_978 : memref<1x100xi32, #tpu.memory_space<vmem>> -> memref<100xi32, #tpu.memory_space<vmem>>
      %dma_wait3A_980 = arith.constant 0 : i32
      %dma_wait3A_981 = arith.constant 0 : i32
      %dma_wait3A_982 = tpu.memref_slice %arg11[%dma_wait3A_980, %dma_wait3A_981] : memref<10112x16xf32, #tpu.memory_space<vmem_shared>> -> memref<10112x16xf32, #tpu.memory_space<vmem_shared>>
      tpu.wait_indirect_dma semaphore(%arg15 : memref<!tpu.dma_semaphore, #tpu.memory_space<semaphore_mem>>) src(%dma_wait3A_976 : memref<100x16xf32, #tpu.memory_space<vmem>>) dst(%dma_wait3A_982 : memref<10112x16xf32, #tpu.memory_space<vmem_shared>>)
    }
    %scan3A_12 = arith.constant 5 : i32
    %barrier3A_13 = arith.constant 0 : index
    tpu.barrier barrier_id(%barrier3A_13)
    %mul3A_14 = arith.constant 632 : i32
    %mul3A_15 = arith.muli %arg1, %mul3A_14 : i32
    "tpu.region"() ({
      %run_scoped3A_18 = tpu.sem_alloc : memref<!tpu.dma_semaphore, #tpu.memory_space<semaphore_mem>>
      %dma_start3A = arith.constant 0 : i32
      %dma_start3A_19 = tpu.memref_slice %arg11[%mul3A_15, %dma_start3A] : memref<10112x16xf32, #tpu.memory_space<vmem_shared>> -> memref<632x16xf32, #tpu.memory_space<vmem_shared>>
      %dma_start3A_20 = arith.constant 0 : i32
      %dma_start3A_21 = tpu.memref_slice %arg11[%mul3A_15, %dma_start3A_20] : memref<10112x16xf32, #tpu.memory_space<vmem_shared>> -> memref<632x16xf32, #tpu.memory_space<vmem_shared>>
      tpu.enqueue_dma source(%dma_start3A_21 : memref<632x16xf32, #tpu.memory_space<vmem_shared>>) target(%arg10 : memref<632x16xf32, #tpu.memory_space<vmem>>) target_semaphore(%run_scoped3A_18 : memref<!tpu.dma_semaphore, #tpu.memory_space<semaphore_mem>>)
      %dma_wait3A = arith.constant 0 : i32
      %dma_wait3A_22 = tpu.memref_slice %arg11[%mul3A_15, %dma_wait3A] : memref<10112x16xf32, #tpu.memory_space<vmem_shared>> -> memref<632x16xf32, #tpu.memory_space<vmem_shared>>
      %dma_wait3A_23 = arith.constant 0 : i32
      %dma_wait3A_24 = tpu.memref_slice %arg11[%mul3A_15, %dma_wait3A_23] : memref<10112x16xf32, #tpu.memory_space<vmem_shared>> -> memref<632x16xf32, #tpu.memory_space<vmem_shared>>
      tpu.wait_dma2 semaphore(%run_scoped3A_18 : memref<!tpu.dma_semaphore, #tpu.memory_space<semaphore_mem>>) src(%dma_wait3A_24 : memref<632x16xf32, #tpu.memory_space<vmem_shared>>) dst(%arg10 : memref<632x16xf32, #tpu.memory_space<vmem>>)
      tpu.yield
    }) : () -> ()
    %mul3A_16 = arith.constant 632 : i32
    %mul3A_17 = arith.muli %arg1, %mul3A_16 : i32
    %multiple_of3A = tpu.assume_multiple %mul3A_17, 8 : i32
    "tpu.region"() ({
      %run_scoped3A_18 = tpu.sem_alloc : memref<!tpu.dma_semaphore, #tpu.memory_space<semaphore_mem>>
      %dma_start3A = arith.constant 0 : i32
      %dma_start3A_19 = tpu.memref_slice %arg5[%arg0, %multiple_of3A, %dma_start3A] : memref<2x10112x16xf32, #tpu.memory_space<hbm>> -> memref<1x632x16xf32, #tpu.memory_space<hbm>>
      %dma_start3A_20 = tpu.memref_squeeze %dma_start3A_19 : memref<1x632x16xf32, #tpu.memory_space<hbm>> -> memref<632x16xf32, #tpu.memory_space<hbm>>
      %dma_start3A_21 = arith.constant 0 : i32
      %dma_start3A_22 = tpu.memref_slice %arg5[%arg0, %multiple_of3A, %dma_start3A_21] : memref<2x10112x16xf32, #tpu.memory_space<hbm>> -> memref<1x632x16xf32, #tpu.memory_space<hbm>>
      %dma_start3A_23 = tpu.memref_squeeze %dma_start3A_22 : memref<1x632x16xf32, #tpu.memory_space<hbm>> -> memref<632x16xf32, #tpu.memory_space<hbm>>
      tpu.enqueue_dma source(%arg10 : memref<632x16xf32, #tpu.memory_space<vmem>>) target(%dma_start3A_23 : memref<632x16xf32, #tpu.memory_space<hbm>>) target_semaphore(%run_scoped3A_18 : memref<!tpu.dma_semaphore, #tpu.memory_space<semaphore_mem>>)
      %dma_wait3A = arith.constant 0 : i32
      %dma_wait3A_24 = tpu.memref_slice %arg5[%arg0, %multiple_of3A, %dma_wait3A] : memref<2x10112x16xf32, #tpu.memory_space<hbm>> -> memref<1x632x16xf32, #tpu.memory_space<hbm>>
      %dma_wait3A_25 = tpu.memref_squeeze %dma_wait3A_24 : memref<1x632x16xf32, #tpu.memory_space<hbm>> -> memref<632x16xf32, #tpu.memory_space<hbm>>
      %dma_wait3A_26 = arith.constant 0 : i32
      %dma_wait3A_27 = tpu.memref_slice %arg5[%arg0, %multiple_of3A, %dma_wait3A_26] : memref<2x10112x16xf32, #tpu.memory_space<hbm>> -> memref<1x632x16xf32, #tpu.memory_space<hbm>>
      %dma_wait3A_28 = tpu.memref_squeeze %dma_wait3A_27 : memref<1x632x16xf32, #tpu.memory_space<hbm>> -> memref<632x16xf32, #tpu.memory_space<hbm>>
      tpu.wait_dma2 semaphore(%run_scoped3A_18 : memref<!tpu.dma_semaphore, #tpu.memory_space<semaphore_mem>>) src(%arg10 : memref<632x16xf32, #tpu.memory_space<vmem>>) dst(%dma_wait3A_28 : memref<632x16xf32, #tpu.memory_space<hbm>>)
      tpu.yield
    }) : () -> ()
    return
  }
}

#map = affine_map<(d0, d1) -> (0, 0, 0)>
#map1 = affine_map<(d0, d1) -> (0, 0)>
module attributes {stable_mosaic.version = 14 : i64} {
  func.func @body(%arg0: i32, %arg1: i32, %arg2: memref<2x3200x100xi32, #tpu.memory_space<hbm>>, %arg3: memref<10112x16xf32, #tpu.memory_space<hbm>>, %arg4: memref<632x16xf32, #tpu.memory_space<hbm>>, %arg5: memref<2x10112x16xf32, #tpu.memory_space<hbm>>, %arg6: memref<100x100xi32, #tpu.memory_space<vmem>>, %arg7: memref<100x100xi32, #tpu.memory_space<vmem>>, %arg8: memref<10x100x16xf32, #tpu.memory_space<vmem>>, %arg9: memref<10x100x16xf32, #tpu.memory_space<vmem>>, %arg10: memref<632x16xf32, #tpu.memory_space<vmem>>, %arg11: memref<10112x16xf32, #tpu.memory_space<vmem_shared>>, %arg12: memref<!tpu.dma_semaphore, #tpu.memory_space<semaphore_mem>>, %arg13: memref<!tpu.dma_semaphore, #tpu.memory_space<semaphore_mem>>, %arg14: memref<!tpu.dma_semaphore, #tpu.memory_space<semaphore_mem>>, %arg15: memref<!tpu.dma_semaphore, #tpu.memory_space<semaphore_mem>>) attributes {dimension_semantics = [#tpu.dimension_semantics<core_parallel>, #tpu.dimension_semantics<subcore_parallel>], iteration_bounds = array<i64: 2, 16>, scalar_prefetch = 0 : i64, scratch_operands = 10 : i64, tpu.core_type = #tpu.core_type<sc_vector_subcore>, window_params = [{transform_indices = #map}, {transform_indices = #map1}, {transform_indices = #map1}, {transform_indices = #map}]} {
    %mul3A = arith.constant 16 : i32
    %mul3A_0 = arith.muli %arg0, %mul3A : i32
    %add3A = arith.addi %mul3A_0, %arg1 : i32
    "tpu.region"() ({
      %run_scoped3A_18 = tpu.sem_alloc : memref<!tpu.dma_semaphore, #tpu.memory_space<semaphore_mem>>
      tpu.enqueue_dma source(%arg4 : memref<632x16xf32, #tpu.memory_space<hbm>>) target(%arg10 : memref<632x16xf32, #tpu.memory_space<vmem>>) target_semaphore(%run_scoped3A_18 : memref<!tpu.dma_semaphore, #tpu.memory_space<semaphore_mem>>)
      tpu.wait_dma2 semaphore(%run_scoped3A_18 : memref<!tpu.dma_semaphore, #tpu.memory_space<semaphore_mem>>) src(%arg4 : memref<632x16xf32, #tpu.memory_space<hbm>>) dst(%arg10 : memref<632x16xf32, #tpu.memory_space<vmem>>)
      tpu.yield
    }) : () -> ()
    %mul3A_1 = arith.constant 632 : i32
    %mul3A_2 = arith.muli %arg1, %mul3A_1 : i32
    "tpu.region"() ({
      %run_scoped3A_18 = tpu.sem_alloc : memref<!tpu.dma_semaphore, #tpu.memory_space<semaphore_mem>>
      %dma_start3A = arith.constant 0 : i32
      %dma_start3A_19 = tpu.memref_slice %arg11[%mul3A_2, %dma_start3A] : memref<10112x16xf32, #tpu.memory_space<vmem_shared>> -> memref<632x16xf32, #tpu.memory_space<vmem_shared>>
      %dma_start3A_20 = arith.constant 0 : i32
      %dma_start3A_21 = tpu.memref_slice %arg11[%mul3A_2, %dma_start3A_20] : memref<10112x16xf32, #tpu.memory_space<vmem_shared>> -> memref<632x16xf32, #tpu.memory_space<vmem_shared>>
      tpu.enqueue_dma source(%arg10 : memref<632x16xf32, #tpu.memory_space<vmem>>) target(%dma_start3A_21 : memref<632x16xf32, #tpu.memory_space<vmem_shared>>) target_semaphore(%run_scoped3A_18 : memref<!tpu.dma_semaphore, #tpu.memory_space<semaphore_mem>>)
      %dma_wait3A = arith.constant 0 : i32
      %dma_wait3A_22 = tpu.memref_slice %arg11[%mul3A_2, %dma_wait3A] : memref<10112x16xf32, #tpu.memory_space<vmem_shared>> -> memref<632x16xf32, #tpu.memory_space<vmem_shared>>
      %dma_wait3A_23 = arith.constant 0 : i32
      %dma_wait3A_24 = tpu.memref_slice %arg11[%mul3A_2, %dma_wait3A_23] : memref<10112x16xf32, #tpu.memory_space<vmem_shared>> -> memref<632x16xf32, #tpu.memory_space<vmem_shared>>
      tpu.wait_dma2 semaphore(%run_scoped3A_18 : memref<!tpu.dma_semaphore, #tpu.memory_space<semaphore_mem>>) src(%arg10 : memref<632x16xf32, #tpu.memory_space<vmem>>) dst(%dma_wait3A_24 : memref<632x16xf32, #tpu.memory_space<vmem_shared>>)
      tpu.yield
    }) : () -> ()
    %mul3A_3 = arith.constant 100 : i32
    %mul3A_4 = arith.muli %add3A, %mul3A_3 : i32
    %run_scoped3A = arith.constant 0 : i32
    "tpu.region"() ({
      %run_scoped3A_18 = tpu.sem_alloc : memref<!tpu.dma_semaphore, #tpu.memory_space<semaphore_mem>>
      %dma_start3A = arith.constant 0 : i32
      %dma_start3A_19 = arith.constant 0 : i32
      %dma_start3A_20 = tpu.memref_slice %arg2[%run_scoped3A, %dma_start3A, %dma_start3A_19] : memref<2x3200x100xi32, #tpu.memory_space<hbm>> -> memref<1x3200x100xi32, #tpu.memory_space<hbm>>
      %dma_start3A_21 = tpu.memref_squeeze %dma_start3A_20 : memref<1x3200x100xi32, #tpu.memory_space<hbm>> -> memref<3200x100xi32, #tpu.memory_space<hbm>>
      %dma_start3A_22 = arith.constant 0 : i32
      %dma_start3A_23 = tpu.memref_slice %dma_start3A_21[%mul3A_4, %dma_start3A_22] : memref<3200x100xi32, #tpu.memory_space<hbm>> -> memref<100x100xi32, #tpu.memory_space<hbm>>
      %dma_start3A_24 = arith.constant 0 : i32
      %dma_start3A_25 = arith.constant 0 : i32
      %dma_start3A_26 = tpu.memref_slice %arg2[%run_scoped3A, %dma_start3A_24, %dma_start3A_25] : memref<2x3200x100xi32, #tpu.memory_space<hbm>> -> memref<1x3200x100xi32, #tpu.memory_space<hbm>>
      %dma_start3A_27 = tpu.memref_squeeze %dma_start3A_26 : memref<1x3200x100xi32, #tpu.memory_space<hbm>> -> memref<3200x100xi32, #tpu.memory_space<hbm>>
      %dma_start3A_28 = arith.constant 0 : i32
      %dma_start3A_29 = tpu.memref_slice %dma_start3A_27[%mul3A_4, %dma_start3A_28] : memref<3200x100xi32, #tpu.memory_space<hbm>> -> memref<100x100xi32, #tpu.memory_space<hbm>>
      tpu.enqueue_dma source(%dma_start3A_29 : memref<100x100xi32, #tpu.memory_space<hbm>>) target(%arg6 : memref<100x100xi32, #tpu.memory_space<vmem>>) target_semaphore(%run_scoped3A_18 : memref<!tpu.dma_semaphore, #tpu.memory_space<semaphore_mem>>)
      %dma_wait3A = arith.constant 0 : i32
      %dma_wait3A_30 = arith.constant 0 : i32
      %dma_wait3A_31 = tpu.memref_slice %arg2[%run_scoped3A, %dma_wait3A, %dma_wait3A_30] : memref<2x3200x100xi32, #tpu.memory_space<hbm>> -> memref<1x3200x100xi32, #tpu.memory_space<hbm>>
      %dma_wait3A_32 = tpu.memref_squeeze %dma_wait3A_31 : memref<1x3200x100xi32, #tpu.memory_space<hbm>> -> memref<3200x100xi32, #tpu.memory_space<hbm>>
      %dma_wait3A_33 = arith.constant 0 : i32
      %dma_wait3A_34 = tpu.memref_slice %dma_wait3A_32[%mul3A_4, %dma_wait3A_33] : memref<3200x100xi32, #tpu.memory_space<hbm>> -> memref<100x100xi32, #tpu.memory_space<hbm>>
      %dma_wait3A_35 = arith.constant 0 : i32
      %dma_wait3A_36 = arith.constant 0 : i32
      %dma_wait3A_37 = tpu.memref_slice %arg2[%run_scoped3A, %dma_wait3A_35, %dma_wait3A_36] : memref<2x3200x100xi32, #tpu.memory_space<hbm>> -> memref<1x3200x100xi32, #tpu.memory_space<hbm>>
      %dma_wait3A_38 = tpu.memref_squeeze %dma_wait3A_37 : memref<1x3200x100xi32, #tpu.memory_space<hbm>> -> memref<3200x100xi32, #tpu.memory_space<hbm>>
      %dma_wait3A_39 = arith.constant 0 : i32
      %dma_wait3A_40 = tpu.memref_slice %dma_wait3A_38[%mul3A_4, %dma_wait3A_39] : memref<3200x100xi32, #tpu.memory_space<hbm>> -> memref<100x100xi32, #tpu.memory_space<hbm>>
      tpu.wait_dma2 semaphore(%run_scoped3A_18 : memref<!tpu.dma_semaphore, #tpu.memory_space<semaphore_mem>>) src(%dma_wait3A_40 : memref<100x100xi32, #tpu.memory_space<hbm>>) dst(%arg6 : memref<100x100xi32, #tpu.memory_space<vmem>>)
      tpu.yield
    }) : () -> ()
    %mul3A_5 = arith.constant 100 : i32
    %mul3A_6 = arith.muli %add3A, %mul3A_5 : i32
    %run_scoped3A_7 = arith.constant 1 : i32
    "tpu.region"() ({
      %run_scoped3A_18 = tpu.sem_alloc : memref<!tpu.dma_semaphore, #tpu.memory_space<semaphore_mem>>
      %dma_start3A = arith.constant 0 : i32
      %dma_start3A_19 = arith.constant 0 : i32
      %dma_start3A_20 = tpu.memref_slice %arg2[%run_scoped3A_7, %dma_start3A, %dma_start3A_19] : memref<2x3200x100xi32, #tpu.memory_space<hbm>> -> memref<1x3200x100xi32, #tpu.memory_space<hbm>>
      %dma_start3A_21 = tpu.memref_squeeze %dma_start3A_20 : memref<1x3200x100xi32, #tpu.memory_space<hbm>> -> memref<3200x100xi32, #tpu.memory_space<hbm>>
      %dma_start3A_22 = arith.constant 0 : i32
      %dma_start3A_23 = tpu.memref_slice %dma_start3A_21[%mul3A_6, %dma_start3A_22] : memref<3200x100xi32, #tpu.memory_space<hbm>> -> memref<100x100xi32, #tpu.memory_space<hbm>>
      %dma_start3A_24 = arith.constant 0 : i32
      %dma_start3A_25 = arith.constant 0 : i32
      %dma_start3A_26 = tpu.memref_slice %arg2[%run_scoped3A_7, %dma_start3A_24, %dma_start3A_25] : memref<2x3200x100xi32, #tpu.memory_space<hbm>> -> memref<1x3200x100xi32, #tpu.memory_space<hbm>>
      %dma_start3A_27 = tpu.memref_squeeze %dma_start3A_26 : memref<1x3200x100xi32, #tpu.memory_space<hbm>> -> memref<3200x100xi32, #tpu.memory_space<hbm>>
      %dma_start3A_28 = arith.constant 0 : i32
      %dma_start3A_29 = tpu.memref_slice %dma_start3A_27[%mul3A_6, %dma_start3A_28] : memref<3200x100xi32, #tpu.memory_space<hbm>> -> memref<100x100xi32, #tpu.memory_space<hbm>>
      tpu.enqueue_dma source(%dma_start3A_29 : memref<100x100xi32, #tpu.memory_space<hbm>>) target(%arg7 : memref<100x100xi32, #tpu.memory_space<vmem>>) target_semaphore(%run_scoped3A_18 : memref<!tpu.dma_semaphore, #tpu.memory_space<semaphore_mem>>)
      %dma_wait3A = arith.constant 0 : i32
      %dma_wait3A_30 = arith.constant 0 : i32
      %dma_wait3A_31 = tpu.memref_slice %arg2[%run_scoped3A_7, %dma_wait3A, %dma_wait3A_30] : memref<2x3200x100xi32, #tpu.memory_space<hbm>> -> memref<1x3200x100xi32, #tpu.memory_space<hbm>>
      %dma_wait3A_32 = tpu.memref_squeeze %dma_wait3A_31 : memref<1x3200x100xi32, #tpu.memory_space<hbm>> -> memref<3200x100xi32, #tpu.memory_space<hbm>>
      %dma_wait3A_33 = arith.constant 0 : i32
      %dma_wait3A_34 = tpu.memref_slice %dma_wait3A_32[%mul3A_6, %dma_wait3A_33] : memref<3200x100xi32, #tpu.memory_space<hbm>> -> memref<100x100xi32, #tpu.memory_space<hbm>>
      %dma_wait3A_35 = arith.constant 0 : i32
      %dma_wait3A_36 = arith.constant 0 : i32
      %dma_wait3A_37 = tpu.memref_slice %arg2[%run_scoped3A_7, %dma_wait3A_35, %dma_wait3A_36] : memref<2x3200x100xi32, #tpu.memory_space<hbm>> -> memref<1x3200x100xi32, #tpu.memory_space<hbm>>
      %dma_wait3A_38 = tpu.memref_squeeze %dma_wait3A_37 : memref<1x3200x100xi32, #tpu.memory_space<hbm>> -> memref<3200x100xi32, #tpu.memory_space<hbm>>
      %dma_wait3A_39 = arith.constant 0 : i32
      %dma_wait3A_40 = tpu.memref_slice %dma_wait3A_38[%mul3A_6, %dma_wait3A_39] : memref<3200x100xi32, #tpu.memory_space<hbm>> -> memref<100x100xi32, #tpu.memory_space<hbm>>
      tpu.wait_dma2 semaphore(%run_scoped3A_18 : memref<!tpu.dma_semaphore, #tpu.memory_space<semaphore_mem>>) src(%dma_wait3A_40 : memref<100x100xi32, #tpu.memory_space<hbm>>) dst(%arg7 : memref<100x100xi32, #tpu.memory_space<vmem>>)
      tpu.yield
    }) : () -> ()
    %barrier3A = arith.constant 0 : index
    tpu.barrier barrier_id(%barrier3A)
    %scan3A = arith.constant 0 : i32
    %scan3A_8 = arith.constant 0 : i32
    %scan3A_9 = arith.constant 5 : i32
    %scan3A_10 = arith.addi %scan3A_8, %scan3A_9 : i32
    %scan3A_11 = arith.constant 1 : i32
    scf.for %scan3A_18 = %scan3A_8 to %scan3A_10 step %scan3A_11  : i32 {
      %mul3A_19 = arith.constant 2 : i32
      %mul3A_20 = arith.muli %scan3A_18, %mul3A_19 : i32
      %mul3A_21 = arith.constant 10 : i32
      %mul3A_22 = arith.muli %mul3A_20, %mul3A_21 : i32
      %add3A_23 = arith.constant 10 : i32
      %add3A_24 = arith.addi %mul3A_22, %add3A_23 : i32
      %add3A_25 = arith.constant 0 : i32
      %add3A_26 = arith.addi %mul3A_22, %add3A_25 : i32
      %dma_start3A = arith.constant 0 : i32
      %dma_start3A_27 = arith.constant 0 : i32
      %dma_start3A_28 = arith.constant 0 : i32
      %dma_start3A_29 = tpu.memref_slice %arg8[%dma_start3A, %dma_start3A_27, %dma_start3A_28] : memref<10x100x16xf32, #tpu.memory_space<vmem>> -> memref<1x100x16xf32, #tpu.memory_space<vmem>>
      %dma_start3A_30 = tpu.memref_squeeze %dma_start3A_29 : memref<1x100x16xf32, #tpu.memory_space<vmem>> -> memref<100x16xf32, #tpu.memory_space<vmem>>
      %dma_start3A_31 = arith.constant 0 : i32
      %dma_start3A_32 = tpu.memref_slice %arg6[%add3A_26, %dma_start3A_31] : memref<100x100xi32, #tpu.memory_space<vmem>> -> memref<1x100xi32, #tpu.memory_space<vmem>>
      %dma_start3A_33 = tpu.memref_squeeze %dma_start3A_32 : memref<1x100xi32, #tpu.memory_space<vmem>> -> memref<100xi32, #tpu.memory_space<vmem>>
      %dma_start3A_34 = arith.constant 0 : i32
      %dma_start3A_35 = arith.constant 0 : i32
      %dma_start3A_36 = tpu.memref_slice %arg3[%dma_start3A_34, %dma_start3A_35] : memref<10112x16xf32, #tpu.memory_space<hbm>> -> memref<10112x16xf32, #tpu.memory_space<hbm>>
      tpu.enqueue_indirect_dma source(%dma_start3A_36 : memref<10112x16xf32, #tpu.memory_space<hbm>>) target(%dma_start3A_30 : memref<100x16xf32, #tpu.memory_space<vmem>>) offsets(%dma_start3A_33 : memref<100xi32, #tpu.memory_space<vmem>>) semaphore(%arg12 : memref<!tpu.dma_semaphore, #tpu.memory_space<semaphore_mem>>)
      %add3A_37 = arith.constant 1 : i32
      %add3A_38 = arith.addi %mul3A_22, %add3A_37 : i32
      %dma_start3A_39 = arith.constant 1 : i32
      %dma_start3A_40 = arith.constant 0 : i32
      %dma_start3A_41 = arith.constant 0 : i32
      %dma_start3A_42 = tpu.memref_slice %arg8[%dma_start3A_39, %dma_start3A_40, %dma_start3A_41] : memref<10x100x16xf32, #tpu.memory_space<vmem>> -> memref<1x100x16xf32, #tpu.memory_space<vmem>>
      %dma_start3A_43 = tpu.memref_squeeze %dma_start3A_42 : memref<1x100x16xf32, #tpu.memory_space<vmem>> -> memref<100x16xf32, #tpu.memory_space<vmem>>
      %dma_start3A_44 = arith.constant 0 : i32
      %dma_start3A_45 = tpu.memref_slice %arg6[%add3A_38, %dma_start3A_44] : memref<100x100xi32, #tpu.memory_space<vmem>> -> memref<1x100xi32, #tpu.memory_space<vmem>>
      %dma_start3A_46 = tpu.memref_squeeze %dma_start3A_45 : memref<1x100xi32, #tpu.memory_space<vmem>> -> memref<100xi32, #tpu.memory_space<vmem>>
      %dma_start3A_47 = arith.constant 0 : i32
      %dma_start3A_48 = arith.constant 0 : i32
      %dma_start3A_49 = tpu.memref_slice %arg3[%dma_start3A_47, %dma_start3A_48] : memref<10112x16xf32, #tpu.memory_space<hbm>> -> memref<10112x16xf32, #tpu.memory_space<hbm>>
      tpu.enqueue_indirect_dma source(%dma_start3A_49 : memref<10112x16xf32, #tpu.memory_space<hbm>>) target(%dma_start3A_43 : memref<100x16xf32, #tpu.memory_space<vmem>>) offsets(%dma_start3A_46 : memref<100xi32, #tpu.memory_space<vmem>>) semaphore(%arg12 : memref<!tpu.dma_semaphore, #tpu.memory_space<semaphore_mem>>)
      %add3A_50 = arith.constant 2 : i32
      %add3A_51 = arith.addi %mul3A_22, %add3A_50 : i32
      %dma_start3A_52 = arith.constant 2 : i32
      %dma_start3A_53 = arith.constant 0 : i32
      %dma_start3A_54 = arith.constant 0 : i32
      %dma_start3A_55 = tpu.memref_slice %arg8[%dma_start3A_52, %dma_start3A_53, %dma_start3A_54] : memref<10x100x16xf32, #tpu.memory_space<vmem>> -> memref<1x100x16xf32, #tpu.memory_space<vmem>>
      %dma_start3A_56 = tpu.memref_squeeze %dma_start3A_55 : memref<1x100x16xf32, #tpu.memory_space<vmem>> -> memref<100x16xf32, #tpu.memory_space<vmem>>
      %dma_start3A_57 = arith.constant 0 : i32
      %dma_start3A_58 = tpu.memref_slice %arg6[%add3A_51, %dma_start3A_57] : memref<100x100xi32, #tpu.memory_space<vmem>> -> memref<1x100xi32, #tpu.memory_space<vmem>>
      %dma_start3A_59 = tpu.memref_squeeze %dma_start3A_58 : memref<1x100xi32, #tpu.memory_space<vmem>> -> memref<100xi32, #tpu.memory_space<vmem>>
      %dma_start3A_60 = arith.constant 0 : i32
      %dma_start3A_61 = arith.constant 0 : i32
      %dma_start3A_62 = tpu.memref_slice %arg3[%dma_start3A_60, %dma_start3A_61] : memref<10112x16xf32, #tpu.memory_space<hbm>> -> memref<10112x16xf32, #tpu.memory_space<hbm>>
      tpu.enqueue_indirect_dma source(%dma_start3A_62 : memref<10112x16xf32, #tpu.memory_space<hbm>>) target(%dma_start3A_56 : memref<100x16xf32, #tpu.memory_space<vmem>>) offsets(%dma_start3A_59 : memref<100xi32, #tpu.memory_space<vmem>>) semaphore(%arg12 : memref<!tpu.dma_semaphore, #tpu.memory_space<semaphore_mem>>)
      %add3A_63 = arith.constant 3 : i32
      %add3A_64 = arith.addi %mul3A_22, %add3A_63 : i32
      %dma_start3A_65 = arith.constant 3 : i32
      %dma_start3A_66 = arith.constant 0 : i32
      %dma_start3A_67 = arith.constant 0 : i32
      %dma_start3A_68 = tpu.memref_slice %arg8[%dma_start3A_65, %dma_start3A_66, %dma_start3A_67] : memref<10x100x16xf32, #tpu.memory_space<vmem>> -> memref<1x100x16xf32, #tpu.memory_space<vmem>>
      %dma_start3A_69 = tpu.memref_squeeze %dma_start3A_68 : memref<1x100x16xf32, #tpu.memory_space<vmem>> -> memref<100x16xf32, #tpu.memory_space<vmem>>
      %dma_start3A_70 = arith.constant 0 : i32
      %dma_start3A_71 = tpu.memref_slice %arg6[%add3A_64, %dma_start3A_70] : memref<100x100xi32, #tpu.memory_space<vmem>> -> memref<1x100xi32, #tpu.memory_space<vmem>>
      %dma_start3A_72 = tpu.memref_squeeze %dma_start3A_71 : memref<1x100xi32, #tpu.memory_space<vmem>> -> memref<100xi32, #tpu.memory_space<vmem>>
      %dma_start3A_73 = arith.constant 0 : i32
      %dma_start3A_74 = arith.constant 0 : i32
      %dma_start3A_75 = tpu.memref_slice %arg3[%dma_start3A_73, %dma_start3A_74] : memref<10112x16xf32, #tpu.memory_space<hbm>> -> memref<10112x16xf32, #tpu.memory_space<hbm>>
      tpu.enqueue_indirect_dma source(%dma_start3A_75 : memref<10112x16xf32, #tpu.memory_space<hbm>>) target(%dma_start3A_69 : memref<100x16xf32, #tpu.memory_space<vmem>>) offsets(%dma_start3A_72 : memref<100xi32, #tpu.memory_space<vmem>>) semaphore(%arg12 : memref<!tpu.dma_semaphore, #tpu.memory_space<semaphore_mem>>)
      %add3A_76 = arith.constant 4 : i32
      %add3A_77 = arith.addi %mul3A_22, %add3A_76 : i32
      %dma_start3A_78 = arith.constant 4 : i32
      %dma_start3A_79 = arith.constant 0 : i32
      %dma_start3A_80 = arith.constant 0 : i32
      %dma_start3A_81 = tpu.memref_slice %arg8[%dma_start3A_78, %dma_start3A_79, %dma_start3A_80] : memref<10x100x16xf32, #tpu.memory_space<vmem>> -> memref<1x100x16xf32, #tpu.memory_space<vmem>>
      %dma_start3A_82 = tpu.memref_squeeze %dma_start3A_81 : memref<1x100x16xf32, #tpu.memory_space<vmem>> -> memref<100x16xf32, #tpu.memory_space<vmem>>
      %dma_start3A_83 = arith.constant 0 : i32
      %dma_start3A_84 = tpu.memref_slice %arg6[%add3A_77, %dma_start3A_83] : memref<100x100xi32, #tpu.memory_space<vmem>> -> memref<1x100xi32, #tpu.memory_space<vmem>>
      %dma_start3A_85 = tpu.memref_squeeze %dma_start3A_84 : memref<1x100xi32, #tpu.memory_space<vmem>> -> memref<100xi32, #tpu.memory_space<vmem>>
      %dma_start3A_86 = arith.constant 0 : i32
      %dma_start3A_87 = arith.constant 0 : i32
      %dma_start3A_88 = tpu.memref_slice %arg3[%dma_start3A_86, %dma_start3A_87] : memref<10112x16xf32, #tpu.memory_space<hbm>> -> memref<10112x16xf32, #tpu.memory_space<hbm>>
      tpu.enqueue_indirect_dma source(%dma_start3A_88 : memref<10112x16xf32, #tpu.memory_space<hbm>>) target(%dma_start3A_82 : memref<100x16xf32, #tpu.memory_space<vmem>>) offsets(%dma_start3A_85 : memref<100xi32, #tpu.memory_space<vmem>>) semaphore(%arg12 : memref<!tpu.dma_semaphore, #tpu.memory_space<semaphore_mem>>)
      %add3A_89 = arith.constant 5 : i32
      %add3A_90 = arith.addi %mul3A_22, %add3A_89 : i32
      %dma_start3A_91 = arith.constant 5 : i32
      %dma_start3A_92 = arith.constant 0 : i32
      %dma_start3A_93 = arith.constant 0 : i32
      %dma_start3A_94 = tpu.memref_slice %arg8[%dma_start3A_91, %dma_start3A_92, %dma_start3A_93] : memref<10x100x16xf32, #tpu.memory_space<vmem>> -> memref<1x100x16xf32, #tpu.memory_space<vmem>>
      %dma_start3A_95 = tpu.memref_squeeze %dma_start3A_94 : memref<1x100x16xf32, #tpu.memory_space<vmem>> -> memref<100x16xf32, #tpu.memory_space<vmem>>
      %dma_start3A_96 = arith.constant 0 : i32
      %dma_start3A_97 = tpu.memref_slice %arg6[%add3A_90, %dma_start3A_96] : memref<100x100xi32, #tpu.memory_space<vmem>> -> memref<1x100xi32, #tpu.memory_space<vmem>>
      %dma_start3A_98 = tpu.memref_squeeze %dma_start3A_97 : memref<1x100xi32, #tpu.memory_space<vmem>> -> memref<100xi32, #tpu.memory_space<vmem>>
      %dma_start3A_99 = arith.constant 0 : i32
      %dma_start3A_100 = arith.constant 0 : i32
      %dma_start3A_101 = tpu.memref_slice %arg3[%dma_start3A_99, %dma_start3A_100] : memref<10112x16xf32, #tpu.memory_space<hbm>> -> memref<10112x16xf32, #tpu.memory_space<hbm>>
      tpu.enqueue_indirect_dma source(%dma_start3A_101 : memref<10112x16xf32, #tpu.memory_space<hbm>>) target(%dma_start3A_95 : memref<100x16xf32, #tpu.memory_space<vmem>>) offsets(%dma_start3A_98 : memref<100xi32, #tpu.memory_space<vmem>>) semaphore(%arg12 : memref<!tpu.dma_semaphore, #tpu.memory_space<semaphore_mem>>)
      %add3A_102 = arith.constant 6 : i32
      %add3A_103 = arith.addi %mul3A_22, %add3A_102 : i32
      %dma_start3A_104 = arith.constant 6 : i32
      %dma_start3A_105 = arith.constant 0 : i32
      %dma_start3A_106 = arith.constant 0 : i32
      %dma_start3A_107 = tpu.memref_slice %arg8[%dma_start3A_104, %dma_start3A_105, %dma_start3A_106] : memref<10x100x16xf32, #tpu.memory_space<vmem>> -> memref<1x100x16xf32, #tpu.memory_space<vmem>>
      %dma_start3A_108 = tpu.memref_squeeze %dma_start3A_107 : memref<1x100x16xf32, #tpu.memory_space<vmem>> -> memref<100x16xf32, #tpu.memory_space<vmem>>
      %dma_start3A_109 = arith.constant 0 : i32
      %dma_start3A_110 = tpu.memref_slice %arg6[%add3A_103, %dma_start3A_109] : memref<100x100xi32, #tpu.memory_space<vmem>> -> memref<1x100xi32, #tpu.memory_space<vmem>>
      %dma_start3A_111 = tpu.memref_squeeze %dma_start3A_110 : memref<1x100xi32, #tpu.memory_space<vmem>> -> memref<100xi32, #tpu.memory_space<vmem>>
      %dma_start3A_112 = arith.constant 0 : i32
      %dma_start3A_113 = arith.constant 0 : i32
      %dma_start3A_114 = tpu.memref_slice %arg3[%dma_start3A_112, %dma_start3A_113] : memref<10112x16xf32, #tpu.memory_space<hbm>> -> memref<10112x16xf32, #tpu.memory_space<hbm>>
      tpu.enqueue_indirect_dma source(%dma_start3A_114 : memref<10112x16xf32, #tpu.memory_space<hbm>>) target(%dma_start3A_108 : memref<100x16xf32, #tpu.memory_space<vmem>>) offsets(%dma_start3A_111 : memref<100xi32, #tpu.memory_space<vmem>>) semaphore(%arg12 : memref<!tpu.dma_semaphore, #tpu.memory_space<semaphore_mem>>)
      %add3A_115 = arith.constant 7 : i32
      %add3A_116 = arith.addi %mul3A_22, %add3A_115 : i32
      %dma_start3A_117 = arith.constant 7 : i32
      %dma_start3A_118 = arith.constant 0 : i32
      %dma_start3A_119 = arith.constant 0 : i32
      %dma_start3A_120 = tpu.memref_slice %arg8[%dma_start3A_117, %dma_start3A_118, %dma_start3A_119] : memref<10x100x16xf32, #tpu.memory_space<vmem>> -> memref<1x100x16xf32, #tpu.memory_space<vmem>>
      %dma_start3A_121 = tpu.memref_squeeze %dma_start3A_120 : memref<1x100x16xf32, #tpu.memory_space<vmem>> -> memref<100x16xf32, #tpu.memory_space<vmem>>
      %dma_start3A_122 = arith.constant 0 : i32
      %dma_start3A_123 = tpu.memref_slice %arg6[%add3A_116, %dma_start3A_122] : memref<100x100xi32, #tpu.memory_space<vmem>> -> memref<1x100xi32, #tpu.memory_space<vmem>>
      %dma_start3A_124 = tpu.memref_squeeze %dma_start3A_123 : memref<1x100xi32, #tpu.memory_space<vmem>> -> memref<100xi32, #tpu.memory_space<vmem>>
      %dma_start3A_125 = arith.constant 0 : i32
      %dma_start3A_126 = arith.constant 0 : i32
      %dma_start3A_127 = tpu.memref_slice %arg3[%dma_start3A_125, %dma_start3A_126] : memref<10112x16xf32, #tpu.memory_space<hbm>> -> memref<10112x16xf32, #tpu.memory_space<hbm>>
      tpu.enqueue_indirect_dma source(%dma_start3A_127 : memref<10112x16xf32, #tpu.memory_space<hbm>>) target(%dma_start3A_121 : memref<100x16xf32, #tpu.memory_space<vmem>>) offsets(%dma_start3A_124 : memref<100xi32, #tpu.memory_space<vmem>>) semaphore(%arg12 : memref<!tpu.dma_semaphore, #tpu.memory_space<semaphore_mem>>)
      %add3A_128 = arith.constant 8 : i32
      %add3A_129 = arith.addi %mul3A_22, %add3A_128 : i32
      %dma_start3A_130 = arith.constant 8 : i32
      %dma_start3A_131 = arith.constant 0 : i32
      %dma_start3A_132 = arith.constant 0 : i32
      %dma_start3A_133 = tpu.memref_slice %arg8[%dma_start3A_130, %dma_start3A_131, %dma_start3A_132] : memref<10x100x16xf32, #tpu.memory_space<vmem>> -> memref<1x100x16xf32, #tpu.memory_space<vmem>>
      %dma_start3A_134 = tpu.memref_squeeze %dma_start3A_133 : memref<1x100x16xf32, #tpu.memory_space<vmem>> -> memref<100x16xf32, #tpu.memory_space<vmem>>
      %dma_start3A_135 = arith.constant 0 : i32
      %dma_start3A_136 = tpu.memref_slice %arg6[%add3A_129, %dma_start3A_135] : memref<100x100xi32, #tpu.memory_space<vmem>> -> memref<1x100xi32, #tpu.memory_space<vmem>>
      %dma_start3A_137 = tpu.memref_squeeze %dma_start3A_136 : memref<1x100xi32, #tpu.memory_space<vmem>> -> memref<100xi32, #tpu.memory_space<vmem>>
      %dma_start3A_138 = arith.constant 0 : i32
      %dma_start3A_139 = arith.constant 0 : i32
      %dma_start3A_140 = tpu.memref_slice %arg3[%dma_start3A_138, %dma_start3A_139] : memref<10112x16xf32, #tpu.memory_space<hbm>> -> memref<10112x16xf32, #tpu.memory_space<hbm>>
      tpu.enqueue_indirect_dma source(%dma_start3A_140 : memref<10112x16xf32, #tpu.memory_space<hbm>>) target(%dma_start3A_134 : memref<100x16xf32, #tpu.memory_space<vmem>>) offsets(%dma_start3A_137 : memref<100xi32, #tpu.memory_space<vmem>>) semaphore(%arg12 : memref<!tpu.dma_semaphore, #tpu.memory_space<semaphore_mem>>)
      %add3A_141 = arith.constant 9 : i32
      %add3A_142 = arith.addi %mul3A_22, %add3A_141 : i32
      %dma_start3A_143 = arith.constant 9 : i32
      %dma_start3A_144 = arith.constant 0 : i32
      %dma_start3A_145 = arith.constant 0 : i32
      %dma_start3A_146 = tpu.memref_slice %arg8[%dma_start3A_143, %dma_start3A_144, %dma_start3A_145] : memref<10x100x16xf32, #tpu.memory_space<vmem>> -> memref<1x100x16xf32, #tpu.memory_space<vmem>>
      %dma_start3A_147 = tpu.memref_squeeze %dma_start3A_146 : memref<1x100x16xf32, #tpu.memory_space<vmem>> -> memref<100x16xf32, #tpu.memory_space<vmem>>
      %dma_start3A_148 = arith.constant 0 : i32
      %dma_start3A_149 = tpu.memref_slice %arg6[%add3A_142, %dma_start3A_148] : memref<100x100xi32, #tpu.memory_space<vmem>> -> memref<1x100xi32, #tpu.memory_space<vmem>>
      %dma_start3A_150 = tpu.memref_squeeze %dma_start3A_149 : memref<1x100xi32, #tpu.memory_space<vmem>> -> memref<100xi32, #tpu.memory_space<vmem>>
      %dma_start3A_151 = arith.constant 0 : i32
      %dma_start3A_152 = arith.constant 0 : i32
      %dma_start3A_153 = tpu.memref_slice %arg3[%dma_start3A_151, %dma_start3A_152] : memref<10112x16xf32, #tpu.memory_space<hbm>> -> memref<10112x16xf32, #tpu.memory_space<hbm>>
      tpu.enqueue_indirect_dma source(%dma_start3A_153 : memref<10112x16xf32, #tpu.memory_space<hbm>>) target(%dma_start3A_147 : memref<100x16xf32, #tpu.memory_space<vmem>>) offsets(%dma_start3A_150 : memref<100xi32, #tpu.memory_space<vmem>>) semaphore(%arg12 : memref<!tpu.dma_semaphore, #tpu.memory_space<semaphore_mem>>)
      %add3A_154 = arith.constant 0 : i32
      %add3A_155 = arith.addi %add3A_24, %add3A_154 : i32
      %dma_start3A_156 = arith.constant 0 : i32
      %dma_start3A_157 = arith.constant 0 : i32
      %dma_start3A_158 = arith.constant 0 : i32
      %dma_start3A_159 = tpu.memref_slice %arg9[%dma_start3A_156, %dma_start3A_157, %dma_start3A_158] : memref<10x100x16xf32, #tpu.memory_space<vmem>> -> memref<1x100x16xf32, #tpu.memory_space<vmem>>
      %dma_start3A_160 = tpu.memref_squeeze %dma_start3A_159 : memref<1x100x16xf32, #tpu.memory_space<vmem>> -> memref<100x16xf32, #tpu.memory_space<vmem>>
      %dma_start3A_161 = arith.constant 0 : i32
      %dma_start3A_162 = tpu.memref_slice %arg6[%add3A_155, %dma_start3A_161] : memref<100x100xi32, #tpu.memory_space<vmem>> -> memref<1x100xi32, #tpu.memory_space<vmem>>
      %dma_start3A_163 = tpu.memref_squeeze %dma_start3A_162 : memref<1x100xi32, #tpu.memory_space<vmem>> -> memref<100xi32, #tpu.memory_space<vmem>>
      %dma_start3A_164 = arith.constant 0 : i32
      %dma_start3A_165 = arith.constant 0 : i32
      %dma_start3A_166 = tpu.memref_slice %arg3[%dma_start3A_164, %dma_start3A_165] : memref<10112x16xf32, #tpu.memory_space<hbm>> -> memref<10112x16xf32, #tpu.memory_space<hbm>>
      tpu.enqueue_indirect_dma source(%dma_start3A_166 : memref<10112x16xf32, #tpu.memory_space<hbm>>) target(%dma_start3A_160 : memref<100x16xf32, #tpu.memory_space<vmem>>) offsets(%dma_start3A_163 : memref<100xi32, #tpu.memory_space<vmem>>) semaphore(%arg13 : memref<!tpu.dma_semaphore, #tpu.memory_space<semaphore_mem>>)
      %add3A_167 = arith.constant 1 : i32
      %add3A_168 = arith.addi %add3A_24, %add3A_167 : i32
      %dma_start3A_169 = arith.constant 1 : i32
      %dma_start3A_170 = arith.constant 0 : i32
      %dma_start3A_171 = arith.constant 0 : i32
      %dma_start3A_172 = tpu.memref_slice %arg9[%dma_start3A_169, %dma_start3A_170, %dma_start3A_171] : memref<10x100x16xf32, #tpu.memory_space<vmem>> -> memref<1x100x16xf32, #tpu.memory_space<vmem>>
      %dma_start3A_173 = tpu.memref_squeeze %dma_start3A_172 : memref<1x100x16xf32, #tpu.memory_space<vmem>> -> memref<100x16xf32, #tpu.memory_space<vmem>>
      %dma_start3A_174 = arith.constant 0 : i32
      %dma_start3A_175 = tpu.memref_slice %arg6[%add3A_168, %dma_start3A_174] : memref<100x100xi32, #tpu.memory_space<vmem>> -> memref<1x100xi32, #tpu.memory_space<vmem>>
      %dma_start3A_176 = tpu.memref_squeeze %dma_start3A_175 : memref<1x100xi32, #tpu.memory_space<vmem>> -> memref<100xi32, #tpu.memory_space<vmem>>
      %dma_start3A_177 = arith.constant 0 : i32
      %dma_start3A_178 = arith.constant 0 : i32
      %dma_start3A_179 = tpu.memref_slice %arg3[%dma_start3A_177, %dma_start3A_178] : memref<10112x16xf32, #tpu.memory_space<hbm>> -> memref<10112x16xf32, #tpu.memory_space<hbm>>
      tpu.enqueue_indirect_dma source(%dma_start3A_179 : memref<10112x16xf32, #tpu.memory_space<hbm>>) target(%dma_start3A_173 : memref<100x16xf32, #tpu.memory_space<vmem>>) offsets(%dma_start3A_176 : memref<100xi32, #tpu.memory_space<vmem>>) semaphore(%arg13 : memref<!tpu.dma_semaphore, #tpu.memory_space<semaphore_mem>>)
      %add3A_180 = arith.constant 2 : i32
      %add3A_181 = arith.addi %add3A_24, %add3A_180 : i32
      %dma_start3A_182 = arith.constant 2 : i32
      %dma_start3A_183 = arith.constant 0 : i32
      %dma_start3A_184 = arith.constant 0 : i32
      %dma_start3A_185 = tpu.memref_slice %arg9[%dma_start3A_182, %dma_start3A_183, %dma_start3A_184] : memref<10x100x16xf32, #tpu.memory_space<vmem>> -> memref<1x100x16xf32, #tpu.memory_space<vmem>>
      %dma_start3A_186 = tpu.memref_squeeze %dma_start3A_185 : memref<1x100x16xf32, #tpu.memory_space<vmem>> -> memref<100x16xf32, #tpu.memory_space<vmem>>
      %dma_start3A_187 = arith.constant 0 : i32
      %dma_start3A_188 = tpu.memref_slice %arg6[%add3A_181, %dma_start3A_187] : memref<100x100xi32, #tpu.memory_space<vmem>> -> memref<1x100xi32, #tpu.memory_space<vmem>>
      %dma_start3A_189 = tpu.memref_squeeze %dma_start3A_188 : memref<1x100xi32, #tpu.memory_space<vmem>> -> memref<100xi32, #tpu.memory_space<vmem>>
      %dma_start3A_190 = arith.constant 0 : i32
      %dma_start3A_191 = arith.constant 0 : i32
      %dma_start3A_192 = tpu.memref_slice %arg3[%dma_start3A_190, %dma_start3A_191] : memref<10112x16xf32, #tpu.memory_space<hbm>> -> memref<10112x16xf32, #tpu.memory_space<hbm>>
      tpu.enqueue_indirect_dma source(%dma_start3A_192 : memref<10112x16xf32, #tpu.memory_space<hbm>>) target(%dma_start3A_186 : memref<100x16xf32, #tpu.memory_space<vmem>>) offsets(%dma_start3A_189 : memref<100xi32, #tpu.memory_space<vmem>>) semaphore(%arg13 : memref<!tpu.dma_semaphore, #tpu.memory_space<semaphore_mem>>)
      %add3A_193 = arith.constant 3 : i32
      %add3A_194 = arith.addi %add3A_24, %add3A_193 : i32
      %dma_start3A_195 = arith.constant 3 : i32
      %dma_start3A_196 = arith.constant 0 : i32
      %dma_start3A_197 = arith.constant 0 : i32
      %dma_start3A_198 = tpu.memref_slice %arg9[%dma_start3A_195, %dma_start3A_196, %dma_start3A_197] : memref<10x100x16xf32, #tpu.memory_space<vmem>> -> memref<1x100x16xf32, #tpu.memory_space<vmem>>
      %dma_start3A_199 = tpu.memref_squeeze %dma_start3A_198 : memref<1x100x16xf32, #tpu.memory_space<vmem>> -> memref<100x16xf32, #tpu.memory_space<vmem>>
      %dma_start3A_200 = arith.constant 0 : i32
      %dma_start3A_201 = tpu.memref_slice %arg6[%add3A_194, %dma_start3A_200] : memref<100x100xi32, #tpu.memory_space<vmem>> -> memref<1x100xi32, #tpu.memory_space<vmem>>
      %dma_start3A_202 = tpu.memref_squeeze %dma_start3A_201 : memref<1x100xi32, #tpu.memory_space<vmem>> -> memref<100xi32, #tpu.memory_space<vmem>>
      %dma_start3A_203 = arith.constant 0 : i32
      %dma_start3A_204 = arith.constant 0 : i32
      %dma_start3A_205 = tpu.memref_slice %arg3[%dma_start3A_203, %dma_start3A_204] : memref<10112x16xf32, #tpu.memory_space<hbm>> -> memref<10112x16xf32, #tpu.memory_space<hbm>>
      tpu.enqueue_indirect_dma source(%dma_start3A_205 : memref<10112x16xf32, #tpu.memory_space<hbm>>) target(%dma_start3A_199 : memref<100x16xf32, #tpu.memory_space<vmem>>) offsets(%dma_start3A_202 : memref<100xi32, #tpu.memory_space<vmem>>) semaphore(%arg13 : memref<!tpu.dma_semaphore, #tpu.memory_space<semaphore_mem>>)
      %add3A_206 = arith.constant 4 : i32
      %add3A_207 = arith.addi %add3A_24, %add3A_206 : i32
      %dma_start3A_208 = arith.constant 4 : i32
      %dma_start3A_209 = arith.constant 0 : i32
      %dma_start3A_210 = arith.constant 0 : i32
      %dma_start3A_211 = tpu.memref_slice %arg9[%dma_start3A_208, %dma_start3A_209, %dma_start3A_210] : memref<10x100x16xf32, #tpu.memory_space<vmem>> -> memref<1x100x16xf32, #tpu.memory_space<vmem>>
      %dma_start3A_212 = tpu.memref_squeeze %dma_start3A_211 : memref<1x100x16xf32, #tpu.memory_space<vmem>> -> memref<100x16xf32, #tpu.memory_space<vmem>>
      %dma_start3A_213 = arith.constant 0 : i32
      %dma_start3A_214 = tpu.memref_slice %arg6[%add3A_207, %dma_start3A_213] : memref<100x100xi32, #tpu.memory_space<vmem>> -> memref<1x100xi32, #tpu.memory_space<vmem>>
      %dma_start3A_215 = tpu.memref_squeeze %dma_start3A_214 : memref<1x100xi32, #tpu.memory_space<vmem>> -> memref<100xi32, #tpu.memory_space<vmem>>
      %dma_start3A_216 = arith.constant 0 : i32
      %dma_start3A_217 = arith.constant 0 : i32
      %dma_start3A_218 = tpu.memref_slice %arg3[%dma_start3A_216, %dma_start3A_217] : memref<10112x16xf32, #tpu.memory_space<hbm>> -> memref<10112x16xf32, #tpu.memory_space<hbm>>
      tpu.enqueue_indirect_dma source(%dma_start3A_218 : memref<10112x16xf32, #tpu.memory_space<hbm>>) target(%dma_start3A_212 : memref<100x16xf32, #tpu.memory_space<vmem>>) offsets(%dma_start3A_215 : memref<100xi32, #tpu.memory_space<vmem>>) semaphore(%arg13 : memref<!tpu.dma_semaphore, #tpu.memory_space<semaphore_mem>>)
      %add3A_219 = arith.constant 5 : i32
      %add3A_220 = arith.addi %add3A_24, %add3A_219 : i32
      %dma_start3A_221 = arith.constant 5 : i32
      %dma_start3A_222 = arith.constant 0 : i32
      %dma_start3A_223 = arith.constant 0 : i32
      %dma_start3A_224 = tpu.memref_slice %arg9[%dma_start3A_221, %dma_start3A_222, %dma_start3A_223] : memref<10x100x16xf32, #tpu.memory_space<vmem>> -> memref<1x100x16xf32, #tpu.memory_space<vmem>>
      %dma_start3A_225 = tpu.memref_squeeze %dma_start3A_224 : memref<1x100x16xf32, #tpu.memory_space<vmem>> -> memref<100x16xf32, #tpu.memory_space<vmem>>
      %dma_start3A_226 = arith.constant 0 : i32
      %dma_start3A_227 = tpu.memref_slice %arg6[%add3A_220, %dma_start3A_226] : memref<100x100xi32, #tpu.memory_space<vmem>> -> memref<1x100xi32, #tpu.memory_space<vmem>>
      %dma_start3A_228 = tpu.memref_squeeze %dma_start3A_227 : memref<1x100xi32, #tpu.memory_space<vmem>> -> memref<100xi32, #tpu.memory_space<vmem>>
      %dma_start3A_229 = arith.constant 0 : i32
      %dma_start3A_230 = arith.constant 0 : i32
      %dma_start3A_231 = tpu.memref_slice %arg3[%dma_start3A_229, %dma_start3A_230] : memref<10112x16xf32, #tpu.memory_space<hbm>> -> memref<10112x16xf32, #tpu.memory_space<hbm>>
      tpu.enqueue_indirect_dma source(%dma_start3A_231 : memref<10112x16xf32, #tpu.memory_space<hbm>>) target(%dma_start3A_225 : memref<100x16xf32, #tpu.memory_space<vmem>>) offsets(%dma_start3A_228 : memref<100xi32, #tpu.memory_space<vmem>>) semaphore(%arg13 : memref<!tpu.dma_semaphore, #tpu.memory_space<semaphore_mem>>)
      %add3A_232 = arith.constant 6 : i32
      %add3A_233 = arith.addi %add3A_24, %add3A_232 : i32
      %dma_start3A_234 = arith.constant 6 : i32
      %dma_start3A_235 = arith.constant 0 : i32
      %dma_start3A_236 = arith.constant 0 : i32
      %dma_start3A_237 = tpu.memref_slice %arg9[%dma_start3A_234, %dma_start3A_235, %dma_start3A_236] : memref<10x100x16xf32, #tpu.memory_space<vmem>> -> memref<1x100x16xf32, #tpu.memory_space<vmem>>
      %dma_start3A_238 = tpu.memref_squeeze %dma_start3A_237 : memref<1x100x16xf32, #tpu.memory_space<vmem>> -> memref<100x16xf32, #tpu.memory_space<vmem>>
      %dma_start3A_239 = arith.constant 0 : i32
      %dma_start3A_240 = tpu.memref_slice %arg6[%add3A_233, %dma_start3A_239] : memref<100x100xi32, #tpu.memory_space<vmem>> -> memref<1x100xi32, #tpu.memory_space<vmem>>
      %dma_start3A_241 = tpu.memref_squeeze %dma_start3A_240 : memref<1x100xi32, #tpu.memory_space<vmem>> -> memref<100xi32, #tpu.memory_space<vmem>>
      %dma_start3A_242 = arith.constant 0 : i32
      %dma_start3A_243 = arith.constant 0 : i32
      %dma_start3A_244 = tpu.memref_slice %arg3[%dma_start3A_242, %dma_start3A_243] : memref<10112x16xf32, #tpu.memory_space<hbm>> -> memref<10112x16xf32, #tpu.memory_space<hbm>>
      tpu.enqueue_indirect_dma source(%dma_start3A_244 : memref<10112x16xf32, #tpu.memory_space<hbm>>) target(%dma_start3A_238 : memref<100x16xf32, #tpu.memory_space<vmem>>) offsets(%dma_start3A_241 : memref<100xi32, #tpu.memory_space<vmem>>) semaphore(%arg13 : memref<!tpu.dma_semaphore, #tpu.memory_space<semaphore_mem>>)
      %add3A_245 = arith.constant 7 : i32
      %add3A_246 = arith.addi %add3A_24, %add3A_245 : i32
      %dma_start3A_247 = arith.constant 7 : i32
      %dma_start3A_248 = arith.constant 0 : i32
      %dma_start3A_249 = arith.constant 0 : i32
      %dma_start3A_250 = tpu.memref_slice %arg9[%dma_start3A_247, %dma_start3A_248, %dma_start3A_249] : memref<10x100x16xf32, #tpu.memory_space<vmem>> -> memref<1x100x16xf32, #tpu.memory_space<vmem>>
      %dma_start3A_251 = tpu.memref_squeeze %dma_start3A_250 : memref<1x100x16xf32, #tpu.memory_space<vmem>> -> memref<100x16xf32, #tpu.memory_space<vmem>>
      %dma_start3A_252 = arith.constant 0 : i32
      %dma_start3A_253 = tpu.memref_slice %arg6[%add3A_246, %dma_start3A_252] : memref<100x100xi32, #tpu.memory_space<vmem>> -> memref<1x100xi32, #tpu.memory_space<vmem>>
      %dma_start3A_254 = tpu.memref_squeeze %dma_start3A_253 : memref<1x100xi32, #tpu.memory_space<vmem>> -> memref<100xi32, #tpu.memory_space<vmem>>
      %dma_start3A_255 = arith.constant 0 : i32
      %dma_start3A_256 = arith.constant 0 : i32
      %dma_start3A_257 = tpu.memref_slice %arg3[%dma_start3A_255, %dma_start3A_256] : memref<10112x16xf32, #tpu.memory_space<hbm>> -> memref<10112x16xf32, #tpu.memory_space<hbm>>
      tpu.enqueue_indirect_dma source(%dma_start3A_257 : memref<10112x16xf32, #tpu.memory_space<hbm>>) target(%dma_start3A_251 : memref<100x16xf32, #tpu.memory_space<vmem>>) offsets(%dma_start3A_254 : memref<100xi32, #tpu.memory_space<vmem>>) semaphore(%arg13 : memref<!tpu.dma_semaphore, #tpu.memory_space<semaphore_mem>>)
      %add3A_258 = arith.constant 8 : i32
      %add3A_259 = arith.addi %add3A_24, %add3A_258 : i32
      %dma_start3A_260 = arith.constant 8 : i32
      %dma_start3A_261 = arith.constant 0 : i32
      %dma_start3A_262 = arith.constant 0 : i32
      %dma_start3A_263 = tpu.memref_slice %arg9[%dma_start3A_260, %dma_start3A_261, %dma_start3A_262] : memref<10x100x16xf32, #tpu.memory_space<vmem>> -> memref<1x100x16xf32, #tpu.memory_space<vmem>>
      %dma_start3A_264 = tpu.memref_squeeze %dma_start3A_263 : memref<1x100x16xf32, #tpu.memory_space<vmem>> -> memref<100x16xf32, #tpu.memory_space<vmem>>
      %dma_start3A_265 = arith.constant 0 : i32
      %dma_start3A_266 = tpu.memref_slice %arg6[%add3A_259, %dma_start3A_265] : memref<100x100xi32, #tpu.memory_space<vmem>> -> memref<1x100xi32, #tpu.memory_space<vmem>>
      %dma_start3A_267 = tpu.memref_squeeze %dma_start3A_266 : memref<1x100xi32, #tpu.memory_space<vmem>> -> memref<100xi32, #tpu.memory_space<vmem>>
      %dma_start3A_268 = arith.constant 0 : i32
      %dma_start3A_269 = arith.constant 0 : i32
      %dma_start3A_270 = tpu.memref_slice %arg3[%dma_start3A_268, %dma_start3A_269] : memref<10112x16xf32, #tpu.memory_space<hbm>> -> memref<10112x16xf32, #tpu.memory_space<hbm>>
      tpu.enqueue_indirect_dma source(%dma_start3A_270 : memref<10112x16xf32, #tpu.memory_space<hbm>>) target(%dma_start3A_264 : memref<100x16xf32, #tpu.memory_space<vmem>>) offsets(%dma_start3A_267 : memref<100xi32, #tpu.memory_space<vmem>>) semaphore(%arg13 : memref<!tpu.dma_semaphore, #tpu.memory_space<semaphore_mem>>)
      %add3A_271 = arith.constant 9 : i32
      %add3A_272 = arith.addi %add3A_24, %add3A_271 : i32
      %dma_start3A_273 = arith.constant 9 : i32
      %dma_start3A_274 = arith.constant 0 : i32
      %dma_start3A_275 = arith.constant 0 : i32
      %dma_start3A_276 = tpu.memref_slice %arg9[%dma_start3A_273, %dma_start3A_274, %dma_start3A_275] : memref<10x100x16xf32, #tpu.memory_space<vmem>> -> memref<1x100x16xf32, #tpu.memory_space<vmem>>
      %dma_start3A_277 = tpu.memref_squeeze %dma_start3A_276 : memref<1x100x16xf32, #tpu.memory_space<vmem>> -> memref<100x16xf32, #tpu.memory_space<vmem>>
      %dma_start3A_278 = arith.constant 0 : i32
      %dma_start3A_279 = tpu.memref_slice %arg6[%add3A_272, %dma_start3A_278] : memref<100x100xi32, #tpu.memory_space<vmem>> -> memref<1x100xi32, #tpu.memory_space<vmem>>
      %dma_start3A_280 = tpu.memref_squeeze %dma_start3A_279 : memref<1x100xi32, #tpu.memory_space<vmem>> -> memref<100xi32, #tpu.memory_space<vmem>>
      %dma_start3A_281 = arith.constant 0 : i32
      %dma_start3A_282 = arith.constant 0 : i32
      %dma_start3A_283 = tpu.memref_slice %arg3[%dma_start3A_281, %dma_start3A_282] : memref<10112x16xf32, #tpu.memory_space<hbm>> -> memref<10112x16xf32, #tpu.memory_space<hbm>>
      tpu.enqueue_indirect_dma source(%dma_start3A_283 : memref<10112x16xf32, #tpu.memory_space<hbm>>) target(%dma_start3A_277 : memref<100x16xf32, #tpu.memory_space<vmem>>) offsets(%dma_start3A_280 : memref<100xi32, #tpu.memory_space<vmem>>) semaphore(%arg13 : memref<!tpu.dma_semaphore, #tpu.memory_space<semaphore_mem>>)
      %dma_wait3A = arith.constant 0 : i32
      %dma_wait3A_284 = arith.constant 0 : i32
      %dma_wait3A_285 = arith.constant 0 : i32
      %dma_wait3A_286 = tpu.memref_slice %arg8[%dma_wait3A, %dma_wait3A_284, %dma_wait3A_285] : memref<10x100x16xf32, #tpu.memory_space<vmem>> -> memref<1x100x16xf32, #tpu.memory_space<vmem>>
      %dma_wait3A_287 = tpu.memref_squeeze %dma_wait3A_286 : memref<1x100x16xf32, #tpu.memory_space<vmem>> -> memref<100x16xf32, #tpu.memory_space<vmem>>
      %dma_wait3A_288 = arith.constant 0 : i32
      %dma_wait3A_289 = tpu.memref_slice %arg6[%add3A_26, %dma_wait3A_288] : memref<100x100xi32, #tpu.memory_space<vmem>> -> memref<1x100xi32, #tpu.memory_space<vmem>>
      %dma_wait3A_290 = tpu.memref_squeeze %dma_wait3A_289 : memref<1x100xi32, #tpu.memory_space<vmem>> -> memref<100xi32, #tpu.memory_space<vmem>>
      %dma_wait3A_291 = arith.constant 0 : i32
      %dma_wait3A_292 = arith.constant 0 : i32
      %dma_wait3A_293 = tpu.memref_slice %arg3[%dma_wait3A_291, %dma_wait3A_292] : memref<10112x16xf32, #tpu.memory_space<hbm>> -> memref<10112x16xf32, #tpu.memory_space<hbm>>
      tpu.wait_indirect_dma semaphore(%arg12 : memref<!tpu.dma_semaphore, #tpu.memory_space<semaphore_mem>>) src(%dma_wait3A_293 : memref<10112x16xf32, #tpu.memory_space<hbm>>) dst(%dma_wait3A_287 : memref<100x16xf32, #tpu.memory_space<vmem>>)
      %dma_wait3A_294 = arith.constant 1 : i32
      %dma_wait3A_295 = arith.constant 0 : i32
      %dma_wait3A_296 = arith.constant 0 : i32
      %dma_wait3A_297 = tpu.memref_slice %arg8[%dma_wait3A_294, %dma_wait3A_295, %dma_wait3A_296] : memref<10x100x16xf32, #tpu.memory_space<vmem>> -> memref<1x100x16xf32, #tpu.memory_space<vmem>>
      %dma_wait3A_298 = tpu.memref_squeeze %dma_wait3A_297 : memref<1x100x16xf32, #tpu.memory_space<vmem>> -> memref<100x16xf32, #tpu.memory_space<vmem>>
      %dma_wait3A_299 = arith.constant 0 : i32
      %dma_wait3A_300 = tpu.memref_slice %arg6[%add3A_38, %dma_wait3A_299] : memref<100x100xi32, #tpu.memory_space<vmem>> -> memref<1x100xi32, #tpu.memory_space<vmem>>
      %dma_wait3A_301 = tpu.memref_squeeze %dma_wait3A_300 : memref<1x100xi32, #tpu.memory_space<vmem>> -> memref<100xi32, #tpu.memory_space<vmem>>
      %dma_wait3A_302 = arith.constant 0 : i32
      %dma_wait3A_303 = arith.constant 0 : i32
      %dma_wait3A_304 = tpu.memref_slice %arg3[%dma_wait3A_302, %dma_wait3A_303] : memref<10112x16xf32, #tpu.memory_space<hbm>> -> memref<10112x16xf32, #tpu.memory_space<hbm>>
      tpu.wait_indirect_dma semaphore(%arg12 : memref<!tpu.dma_semaphore, #tpu.memory_space<semaphore_mem>>) src(%dma_wait3A_304 : memref<10112x16xf32, #tpu.memory_space<hbm>>) dst(%dma_wait3A_298 : memref<100x16xf32, #tpu.memory_space<vmem>>)
      %dma_wait3A_305 = arith.constant 2 : i32
      %dma_wait3A_306 = arith.constant 0 : i32
      %dma_wait3A_307 = arith.constant 0 : i32
      %dma_wait3A_308 = tpu.memref_slice %arg8[%dma_wait3A_305, %dma_wait3A_306, %dma_wait3A_307] : memref<10x100x16xf32, #tpu.memory_space<vmem>> -> memref<1x100x16xf32, #tpu.memory_space<vmem>>
      %dma_wait3A_309 = tpu.memref_squeeze %dma_wait3A_308 : memref<1x100x16xf32, #tpu.memory_space<vmem>> -> memref<100x16xf32, #tpu.memory_space<vmem>>
      %dma_wait3A_310 = arith.constant 0 : i32
      %dma_wait3A_311 = tpu.memref_slice %arg6[%add3A_51, %dma_wait3A_310] : memref<100x100xi32, #tpu.memory_space<vmem>> -> memref<1x100xi32, #tpu.memory_space<vmem>>
      %dma_wait3A_312 = tpu.memref_squeeze %dma_wait3A_311 : memref<1x100xi32, #tpu.memory_space<vmem>> -> memref<100xi32, #tpu.memory_space<vmem>>
      %dma_wait3A_313 = arith.constant 0 : i32
      %dma_wait3A_314 = arith.constant 0 : i32
      %dma_wait3A_315 = tpu.memref_slice %arg3[%dma_wait3A_313, %dma_wait3A_314] : memref<10112x16xf32, #tpu.memory_space<hbm>> -> memref<10112x16xf32, #tpu.memory_space<hbm>>
      tpu.wait_indirect_dma semaphore(%arg12 : memref<!tpu.dma_semaphore, #tpu.memory_space<semaphore_mem>>) src(%dma_wait3A_315 : memref<10112x16xf32, #tpu.memory_space<hbm>>) dst(%dma_wait3A_309 : memref<100x16xf32, #tpu.memory_space<vmem>>)
      %dma_wait3A_316 = arith.constant 3 : i32
      %dma_wait3A_317 = arith.constant 0 : i32
      %dma_wait3A_318 = arith.constant 0 : i32
      %dma_wait3A_319 = tpu.memref_slice %arg8[%dma_wait3A_316, %dma_wait3A_317, %dma_wait3A_318] : memref<10x100x16xf32, #tpu.memory_space<vmem>> -> memref<1x100x16xf32, #tpu.memory_space<vmem>>
      %dma_wait3A_320 = tpu.memref_squeeze %dma_wait3A_319 : memref<1x100x16xf32, #tpu.memory_space<vmem>> -> memref<100x16xf32, #tpu.memory_space<vmem>>
      %dma_wait3A_321 = arith.constant 0 : i32
      %dma_wait3A_322 = tpu.memref_slice %arg6[%add3A_64, %dma_wait3A_321] : memref<100x100xi32, #tpu.memory_space<vmem>> -> memref<1x100xi32, #tpu.memory_space<vmem>>
      %dma_wait3A_323 = tpu.memref_squeeze %dma_wait3A_322 : memref<1x100xi32, #tpu.memory_space<vmem>> -> memref<100xi32, #tpu.memory_space<vmem>>
      %dma_wait3A_324 = arith.constant 0 : i32
      %dma_wait3A_325 = arith.constant 0 : i32
      %dma_wait3A_326 = tpu.memref_slice %arg3[%dma_wait3A_324, %dma_wait3A_325] : memref<10112x16xf32, #tpu.memory_space<hbm>> -> memref<10112x16xf32, #tpu.memory_space<hbm>>
      tpu.wait_indirect_dma semaphore(%arg12 : memref<!tpu.dma_semaphore, #tpu.memory_space<semaphore_mem>>) src(%dma_wait3A_326 : memref<10112x16xf32, #tpu.memory_space<hbm>>) dst(%dma_wait3A_320 : memref<100x16xf32, #tpu.memory_space<vmem>>)
      %dma_wait3A_327 = arith.constant 4 : i32
      %dma_wait3A_328 = arith.constant 0 : i32
      %dma_wait3A_329 = arith.constant 0 : i32
      %dma_wait3A_330 = tpu.memref_slice %arg8[%dma_wait3A_327, %dma_wait3A_328, %dma_wait3A_329] : memref<10x100x16xf32, #tpu.memory_space<vmem>> -> memref<1x100x16xf32, #tpu.memory_space<vmem>>
      %dma_wait3A_331 = tpu.memref_squeeze %dma_wait3A_330 : memref<1x100x16xf32, #tpu.memory_space<vmem>> -> memref<100x16xf32, #tpu.memory_space<vmem>>
      %dma_wait3A_332 = arith.constant 0 : i32
      %dma_wait3A_333 = tpu.memref_slice %arg6[%add3A_77, %dma_wait3A_332] : memref<100x100xi32, #tpu.memory_space<vmem>> -> memref<1x100xi32, #tpu.memory_space<vmem>>
      %dma_wait3A_334 = tpu.memref_squeeze %dma_wait3A_333 : memref<1x100xi32, #tpu.memory_space<vmem>> -> memref<100xi32, #tpu.memory_space<vmem>>
      %dma_wait3A_335 = arith.constant 0 : i32
      %dma_wait3A_336 = arith.constant 0 : i32
      %dma_wait3A_337 = tpu.memref_slice %arg3[%dma_wait3A_335, %dma_wait3A_336] : memref<10112x16xf32, #tpu.memory_space<hbm>> -> memref<10112x16xf32, #tpu.memory_space<hbm>>
      tpu.wait_indirect_dma semaphore(%arg12 : memref<!tpu.dma_semaphore, #tpu.memory_space<semaphore_mem>>) src(%dma_wait3A_337 : memref<10112x16xf32, #tpu.memory_space<hbm>>) dst(%dma_wait3A_331 : memref<100x16xf32, #tpu.memory_space<vmem>>)
      %dma_wait3A_338 = arith.constant 5 : i32
      %dma_wait3A_339 = arith.constant 0 : i32
      %dma_wait3A_340 = arith.constant 0 : i32
      %dma_wait3A_341 = tpu.memref_slice %arg8[%dma_wait3A_338, %dma_wait3A_339, %dma_wait3A_340] : memref<10x100x16xf32, #tpu.memory_space<vmem>> -> memref<1x100x16xf32, #tpu.memory_space<vmem>>
      %dma_wait3A_342 = tpu.memref_squeeze %dma_wait3A_341 : memref<1x100x16xf32, #tpu.memory_space<vmem>> -> memref<100x16xf32, #tpu.memory_space<vmem>>
      %dma_wait3A_343 = arith.constant 0 : i32
      %dma_wait3A_344 = tpu.memref_slice %arg6[%add3A_90, %dma_wait3A_343] : memref<100x100xi32, #tpu.memory_space<vmem>> -> memref<1x100xi32, #tpu.memory_space<vmem>>
      %dma_wait3A_345 = tpu.memref_squeeze %dma_wait3A_344 : memref<1x100xi32, #tpu.memory_space<vmem>> -> memref<100xi32, #tpu.memory_space<vmem>>
      %dma_wait3A_346 = arith.constant 0 : i32
      %dma_wait3A_347 = arith.constant 0 : i32
      %dma_wait3A_348 = tpu.memref_slice %arg3[%dma_wait3A_346, %dma_wait3A_347] : memref<10112x16xf32, #tpu.memory_space<hbm>> -> memref<10112x16xf32, #tpu.memory_space<hbm>>
      tpu.wait_indirect_dma semaphore(%arg12 : memref<!tpu.dma_semaphore, #tpu.memory_space<semaphore_mem>>) src(%dma_wait3A_348 : memref<10112x16xf32, #tpu.memory_space<hbm>>) dst(%dma_wait3A_342 : memref<100x16xf32, #tpu.memory_space<vmem>>)
      %dma_wait3A_349 = arith.constant 6 : i32
      %dma_wait3A_350 = arith.constant 0 : i32
      %dma_wait3A_351 = arith.constant 0 : i32
      %dma_wait3A_352 = tpu.memref_slice %arg8[%dma_wait3A_349, %dma_wait3A_350, %dma_wait3A_351] : memref<10x100x16xf32, #tpu.memory_space<vmem>> -> memref<1x100x16xf32, #tpu.memory_space<vmem>>
      %dma_wait3A_353 = tpu.memref_squeeze %dma_wait3A_352 : memref<1x100x16xf32, #tpu.memory_space<vmem>> -> memref<100x16xf32, #tpu.memory_space<vmem>>
      %dma_wait3A_354 = arith.constant 0 : i32
      %dma_wait3A_355 = tpu.memref_slice %arg6[%add3A_103, %dma_wait3A_354] : memref<100x100xi32, #tpu.memory_space<vmem>> -> memref<1x100xi32, #tpu.memory_space<vmem>>
      %dma_wait3A_356 = tpu.memref_squeeze %dma_wait3A_355 : memref<1x100xi32, #tpu.memory_space<vmem>> -> memref<100xi32, #tpu.memory_space<vmem>>
      %dma_wait3A_357 = arith.constant 0 : i32
      %dma_wait3A_358 = arith.constant 0 : i32
      %dma_wait3A_359 = tpu.memref_slice %arg3[%dma_wait3A_357, %dma_wait3A_358] : memref<10112x16xf32, #tpu.memory_space<hbm>> -> memref<10112x16xf32, #tpu.memory_space<hbm>>
      tpu.wait_indirect_dma semaphore(%arg12 : memref<!tpu.dma_semaphore, #tpu.memory_space<semaphore_mem>>) src(%dma_wait3A_359 : memref<10112x16xf32, #tpu.memory_space<hbm>>) dst(%dma_wait3A_353 : memref<100x16xf32, #tpu.memory_space<vmem>>)
      %dma_wait3A_360 = arith.constant 7 : i32
      %dma_wait3A_361 = arith.constant 0 : i32
      %dma_wait3A_362 = arith.constant 0 : i32
      %dma_wait3A_363 = tpu.memref_slice %arg8[%dma_wait3A_360, %dma_wait3A_361, %dma_wait3A_362] : memref<10x100x16xf32, #tpu.memory_space<vmem>> -> memref<1x100x16xf32, #tpu.memory_space<vmem>>
      %dma_wait3A_364 = tpu.memref_squeeze %dma_wait3A_363 : memref<1x100x16xf32, #tpu.memory_space<vmem>> -> memref<100x16xf32, #tpu.memory_space<vmem>>
      %dma_wait3A_365 = arith.constant 0 : i32
      %dma_wait3A_366 = tpu.memref_slice %arg6[%add3A_116, %dma_wait3A_365] : memref<100x100xi32, #tpu.memory_space<vmem>> -> memref<1x100xi32, #tpu.memory_space<vmem>>
      %dma_wait3A_367 = tpu.memref_squeeze %dma_wait3A_366 : memref<1x100xi32, #tpu.memory_space<vmem>> -> memref<100xi32, #tpu.memory_space<vmem>>
      %dma_wait3A_368 = arith.constant 0 : i32
      %dma_wait3A_369 = arith.constant 0 : i32
      %dma_wait3A_370 = tpu.memref_slice %arg3[%dma_wait3A_368, %dma_wait3A_369] : memref<10112x16xf32, #tpu.memory_space<hbm>> -> memref<10112x16xf32, #tpu.memory_space<hbm>>
      tpu.wait_indirect_dma semaphore(%arg12 : memref<!tpu.dma_semaphore, #tpu.memory_space<semaphore_mem>>) src(%dma_wait3A_370 : memref<10112x16xf32, #tpu.memory_space<hbm>>) dst(%dma_wait3A_364 : memref<100x16xf32, #tpu.memory_space<vmem>>)
      %dma_wait3A_371 = arith.constant 8 : i32
      %dma_wait3A_372 = arith.constant 0 : i32
      %dma_wait3A_373 = arith.constant 0 : i32
      %dma_wait3A_374 = tpu.memref_slice %arg8[%dma_wait3A_371, %dma_wait3A_372, %dma_wait3A_373] : memref<10x100x16xf32, #tpu.memory_space<vmem>> -> memref<1x100x16xf32, #tpu.memory_space<vmem>>
      %dma_wait3A_375 = tpu.memref_squeeze %dma_wait3A_374 : memref<1x100x16xf32, #tpu.memory_space<vmem>> -> memref<100x16xf32, #tpu.memory_space<vmem>>
      %dma_wait3A_376 = arith.constant 0 : i32
      %dma_wait3A_377 = tpu.memref_slice %arg6[%add3A_129, %dma_wait3A_376] : memref<100x100xi32, #tpu.memory_space<vmem>> -> memref<1x100xi32, #tpu.memory_space<vmem>>
      %dma_wait3A_378 = tpu.memref_squeeze %dma_wait3A_377 : memref<1x100xi32, #tpu.memory_space<vmem>> -> memref<100xi32, #tpu.memory_space<vmem>>
      %dma_wait3A_379 = arith.constant 0 : i32
      %dma_wait3A_380 = arith.constant 0 : i32
      %dma_wait3A_381 = tpu.memref_slice %arg3[%dma_wait3A_379, %dma_wait3A_380] : memref<10112x16xf32, #tpu.memory_space<hbm>> -> memref<10112x16xf32, #tpu.memory_space<hbm>>
      tpu.wait_indirect_dma semaphore(%arg12 : memref<!tpu.dma_semaphore, #tpu.memory_space<semaphore_mem>>) src(%dma_wait3A_381 : memref<10112x16xf32, #tpu.memory_space<hbm>>) dst(%dma_wait3A_375 : memref<100x16xf32, #tpu.memory_space<vmem>>)
      %dma_wait3A_382 = arith.constant 9 : i32
      %dma_wait3A_383 = arith.constant 0 : i32
      %dma_wait3A_384 = arith.constant 0 : i32
      %dma_wait3A_385 = tpu.memref_slice %arg8[%dma_wait3A_382, %dma_wait3A_383, %dma_wait3A_384] : memref<10x100x16xf32, #tpu.memory_space<vmem>> -> memref<1x100x16xf32, #tpu.memory_space<vmem>>
      %dma_wait3A_386 = tpu.memref_squeeze %dma_wait3A_385 : memref<1x100x16xf32, #tpu.memory_space<vmem>> -> memref<100x16xf32, #tpu.memory_space<vmem>>
      %dma_wait3A_387 = arith.constant 0 : i32
      %dma_wait3A_388 = tpu.memref_slice %arg6[%add3A_142, %dma_wait3A_387] : memref<100x100xi32, #tpu.memory_space<vmem>> -> memref<1x100xi32, #tpu.memory_space<vmem>>
      %dma_wait3A_389 = tpu.memref_squeeze %dma_wait3A_388 : memref<1x100xi32, #tpu.memory_space<vmem>> -> memref<100xi32, #tpu.memory_space<vmem>>
      %dma_wait3A_390 = arith.constant 0 : i32
      %dma_wait3A_391 = arith.constant 0 : i32
      %dma_wait3A_392 = tpu.memref_slice %arg3[%dma_wait3A_390, %dma_wait3A_391] : memref<10112x16xf32, #tpu.memory_space<hbm>> -> memref<10112x16xf32, #tpu.memory_space<hbm>>
      tpu.wait_indirect_dma semaphore(%arg12 : memref<!tpu.dma_semaphore, #tpu.memory_space<semaphore_mem>>) src(%dma_wait3A_392 : memref<10112x16xf32, #tpu.memory_space<hbm>>) dst(%dma_wait3A_386 : memref<100x16xf32, #tpu.memory_space<vmem>>)
      %add3A_393 = arith.constant 0 : i32
      %add3A_394 = arith.addi %mul3A_22, %add3A_393 : i32
      %dma_start3A_395 = arith.constant 0 : i32
      %dma_start3A_396 = arith.constant 0 : i32
      %dma_start3A_397 = arith.constant 0 : i32
      %dma_start3A_398 = tpu.memref_slice %arg8[%dma_start3A_395, %dma_start3A_396, %dma_start3A_397] : memref<10x100x16xf32, #tpu.memory_space<vmem>> -> memref<1x100x16xf32, #tpu.memory_space<vmem>>
      %dma_start3A_399 = tpu.memref_squeeze %dma_start3A_398 : memref<1x100x16xf32, #tpu.memory_space<vmem>> -> memref<100x16xf32, #tpu.memory_space<vmem>>
      %dma_start3A_400 = arith.constant 0 : i32
      %dma_start3A_401 = tpu.memref_slice %arg7[%add3A_394, %dma_start3A_400] : memref<100x100xi32, #tpu.memory_space<vmem>> -> memref<1x100xi32, #tpu.memory_space<vmem>>
      %dma_start3A_402 = tpu.memref_squeeze %dma_start3A_401 : memref<1x100xi32, #tpu.memory_space<vmem>> -> memref<100xi32, #tpu.memory_space<vmem>>
      %dma_start3A_403 = arith.constant 0 : i32
      %dma_start3A_404 = arith.constant 0 : i32
      %dma_start3A_405 = tpu.memref_slice %arg11[%dma_start3A_403, %dma_start3A_404] : memref<10112x16xf32, #tpu.memory_space<vmem_shared>> -> memref<10112x16xf32, #tpu.memory_space<vmem_shared>>
      tpu.enqueue_indirect_dma source(%dma_start3A_399 : memref<100x16xf32, #tpu.memory_space<vmem>>) target(%dma_start3A_405 : memref<10112x16xf32, #tpu.memory_space<vmem_shared>>) offsets(%dma_start3A_402 : memref<100xi32, #tpu.memory_space<vmem>>) semaphore(%arg14 : memref<!tpu.dma_semaphore, #tpu.memory_space<semaphore_mem>>) {add = true}
      %add3A_406 = arith.constant 1 : i32
      %add3A_407 = arith.addi %mul3A_22, %add3A_406 : i32
      %dma_start3A_408 = arith.constant 1 : i32
      %dma_start3A_409 = arith.constant 0 : i32
      %dma_start3A_410 = arith.constant 0 : i32
      %dma_start3A_411 = tpu.memref_slice %arg8[%dma_start3A_408, %dma_start3A_409, %dma_start3A_410] : memref<10x100x16xf32, #tpu.memory_space<vmem>> -> memref<1x100x16xf32, #tpu.memory_space<vmem>>
      %dma_start3A_412 = tpu.memref_squeeze %dma_start3A_411 : memref<1x100x16xf32, #tpu.memory_space<vmem>> -> memref<100x16xf32, #tpu.memory_space<vmem>>
      %dma_start3A_413 = arith.constant 0 : i32
      %dma_start3A_414 = tpu.memref_slice %arg7[%add3A_407, %dma_start3A_413] : memref<100x100xi32, #tpu.memory_space<vmem>> -> memref<1x100xi32, #tpu.memory_space<vmem>>
      %dma_start3A_415 = tpu.memref_squeeze %dma_start3A_414 : memref<1x100xi32, #tpu.memory_space<vmem>> -> memref<100xi32, #tpu.memory_space<vmem>>
      %dma_start3A_416 = arith.constant 0 : i32
      %dma_start3A_417 = arith.constant 0 : i32
      %dma_start3A_418 = tpu.memref_slice %arg11[%dma_start3A_416, %dma_start3A_417] : memref<10112x16xf32, #tpu.memory_space<vmem_shared>> -> memref<10112x16xf32, #tpu.memory_space<vmem_shared>>
      tpu.enqueue_indirect_dma source(%dma_start3A_412 : memref<100x16xf32, #tpu.memory_space<vmem>>) target(%dma_start3A_418 : memref<10112x16xf32, #tpu.memory_space<vmem_shared>>) offsets(%dma_start3A_415 : memref<100xi32, #tpu.memory_space<vmem>>) semaphore(%arg14 : memref<!tpu.dma_semaphore, #tpu.memory_space<semaphore_mem>>) {add = true}
      %add3A_419 = arith.constant 2 : i32
      %add3A_420 = arith.addi %mul3A_22, %add3A_419 : i32
      %dma_start3A_421 = arith.constant 2 : i32
      %dma_start3A_422 = arith.constant 0 : i32
      %dma_start3A_423 = arith.constant 0 : i32
      %dma_start3A_424 = tpu.memref_slice %arg8[%dma_start3A_421, %dma_start3A_422, %dma_start3A_423] : memref<10x100x16xf32, #tpu.memory_space<vmem>> -> memref<1x100x16xf32, #tpu.memory_space<vmem>>
      %dma_start3A_425 = tpu.memref_squeeze %dma_start3A_424 : memref<1x100x16xf32, #tpu.memory_space<vmem>> -> memref<100x16xf32, #tpu.memory_space<vmem>>
      %dma_start3A_426 = arith.constant 0 : i32
      %dma_start3A_427 = tpu.memref_slice %arg7[%add3A_420, %dma_start3A_426] : memref<100x100xi32, #tpu.memory_space<vmem>> -> memref<1x100xi32, #tpu.memory_space<vmem>>
      %dma_start3A_428 = tpu.memref_squeeze %dma_start3A_427 : memref<1x100xi32, #tpu.memory_space<vmem>> -> memref<100xi32, #tpu.memory_space<vmem>>
      %dma_start3A_429 = arith.constant 0 : i32
      %dma_start3A_430 = arith.constant 0 : i32
      %dma_start3A_431 = tpu.memref_slice %arg11[%dma_start3A_429, %dma_start3A_430] : memref<10112x16xf32, #tpu.memory_space<vmem_shared>> -> memref<10112x16xf32, #tpu.memory_space<vmem_shared>>
      tpu.enqueue_indirect_dma source(%dma_start3A_425 : memref<100x16xf32, #tpu.memory_space<vmem>>) target(%dma_start3A_431 : memref<10112x16xf32, #tpu.memory_space<vmem_shared>>) offsets(%dma_start3A_428 : memref<100xi32, #tpu.memory_space<vmem>>) semaphore(%arg14 : memref<!tpu.dma_semaphore, #tpu.memory_space<semaphore_mem>>) {add = true}
      %add3A_432 = arith.constant 3 : i32
      %add3A_433 = arith.addi %mul3A_22, %add3A_432 : i32
      %dma_start3A_434 = arith.constant 3 : i32
      %dma_start3A_435 = arith.constant 0 : i32
      %dma_start3A_436 = arith.constant 0 : i32
      %dma_start3A_437 = tpu.memref_slice %arg8[%dma_start3A_434, %dma_start3A_435, %dma_start3A_436] : memref<10x100x16xf32, #tpu.memory_space<vmem>> -> memref<1x100x16xf32, #tpu.memory_space<vmem>>
      %dma_start3A_438 = tpu.memref_squeeze %dma_start3A_437 : memref<1x100x16xf32, #tpu.memory_space<vmem>> -> memref<100x16xf32, #tpu.memory_space<vmem>>
      %dma_start3A_439 = arith.constant 0 : i32
      %dma_start3A_440 = tpu.memref_slice %arg7[%add3A_433, %dma_start3A_439] : memref<100x100xi32, #tpu.memory_space<vmem>> -> memref<1x100xi32, #tpu.memory_space<vmem>>
      %dma_start3A_441 = tpu.memref_squeeze %dma_start3A_440 : memref<1x100xi32, #tpu.memory_space<vmem>> -> memref<100xi32, #tpu.memory_space<vmem>>
      %dma_start3A_442 = arith.constant 0 : i32
      %dma_start3A_443 = arith.constant 0 : i32
      %dma_start3A_444 = tpu.memref_slice %arg11[%dma_start3A_442, %dma_start3A_443] : memref<10112x16xf32, #tpu.memory_space<vmem_shared>> -> memref<10112x16xf32, #tpu.memory_space<vmem_shared>>
      tpu.enqueue_indirect_dma source(%dma_start3A_438 : memref<100x16xf32, #tpu.memory_space<vmem>>) target(%dma_start3A_444 : memref<10112x16xf32, #tpu.memory_space<vmem_shared>>) offsets(%dma_start3A_441 : memref<100xi32, #tpu.memory_space<vmem>>) semaphore(%arg14 : memref<!tpu.dma_semaphore, #tpu.memory_space<semaphore_mem>>) {add = true}
      %add3A_445 = arith.constant 4 : i32
      %add3A_446 = arith.addi %mul3A_22, %add3A_445 : i32
      %dma_start3A_447 = arith.constant 4 : i32
      %dma_start3A_448 = arith.constant 0 : i32
      %dma_start3A_449 = arith.constant 0 : i32
      %dma_start3A_450 = tpu.memref_slice %arg8[%dma_start3A_447, %dma_start3A_448, %dma_start3A_449] : memref<10x100x16xf32, #tpu.memory_space<vmem>> -> memref<1x100x16xf32, #tpu.memory_space<vmem>>
      %dma_start3A_451 = tpu.memref_squeeze %dma_start3A_450 : memref<1x100x16xf32, #tpu.memory_space<vmem>> -> memref<100x16xf32, #tpu.memory_space<vmem>>
      %dma_start3A_452 = arith.constant 0 : i32
      %dma_start3A_453 = tpu.memref_slice %arg7[%add3A_446, %dma_start3A_452] : memref<100x100xi32, #tpu.memory_space<vmem>> -> memref<1x100xi32, #tpu.memory_space<vmem>>
      %dma_start3A_454 = tpu.memref_squeeze %dma_start3A_453 : memref<1x100xi32, #tpu.memory_space<vmem>> -> memref<100xi32, #tpu.memory_space<vmem>>
      %dma_start3A_455 = arith.constant 0 : i32
      %dma_start3A_456 = arith.constant 0 : i32
      %dma_start3A_457 = tpu.memref_slice %arg11[%dma_start3A_455, %dma_start3A_456] : memref<10112x16xf32, #tpu.memory_space<vmem_shared>> -> memref<10112x16xf32, #tpu.memory_space<vmem_shared>>
      tpu.enqueue_indirect_dma source(%dma_start3A_451 : memref<100x16xf32, #tpu.memory_space<vmem>>) target(%dma_start3A_457 : memref<10112x16xf32, #tpu.memory_space<vmem_shared>>) offsets(%dma_start3A_454 : memref<100xi32, #tpu.memory_space<vmem>>) semaphore(%arg14 : memref<!tpu.dma_semaphore, #tpu.memory_space<semaphore_mem>>) {add = true}
      %add3A_458 = arith.constant 5 : i32
      %add3A_459 = arith.addi %mul3A_22, %add3A_458 : i32
      %dma_start3A_460 = arith.constant 5 : i32
      %dma_start3A_461 = arith.constant 0 : i32
      %dma_start3A_462 = arith.constant 0 : i32
      %dma_start3A_463 = tpu.memref_slice %arg8[%dma_start3A_460, %dma_start3A_461, %dma_start3A_462] : memref<10x100x16xf32, #tpu.memory_space<vmem>> -> memref<1x100x16xf32, #tpu.memory_space<vmem>>
      %dma_start3A_464 = tpu.memref_squeeze %dma_start3A_463 : memref<1x100x16xf32, #tpu.memory_space<vmem>> -> memref<100x16xf32, #tpu.memory_space<vmem>>
      %dma_start3A_465 = arith.constant 0 : i32
      %dma_start3A_466 = tpu.memref_slice %arg7[%add3A_459, %dma_start3A_465] : memref<100x100xi32, #tpu.memory_space<vmem>> -> memref<1x100xi32, #tpu.memory_space<vmem>>
      %dma_start3A_467 = tpu.memref_squeeze %dma_start3A_466 : memref<1x100xi32, #tpu.memory_space<vmem>> -> memref<100xi32, #tpu.memory_space<vmem>>
      %dma_start3A_468 = arith.constant 0 : i32
      %dma_start3A_469 = arith.constant 0 : i32
      %dma_start3A_470 = tpu.memref_slice %arg11[%dma_start3A_468, %dma_start3A_469] : memref<10112x16xf32, #tpu.memory_space<vmem_shared>> -> memref<10112x16xf32, #tpu.memory_space<vmem_shared>>
      tpu.enqueue_indirect_dma source(%dma_start3A_464 : memref<100x16xf32, #tpu.memory_space<vmem>>) target(%dma_start3A_470 : memref<10112x16xf32, #tpu.memory_space<vmem_shared>>) offsets(%dma_start3A_467 : memref<100xi32, #tpu.memory_space<vmem>>) semaphore(%arg14 : memref<!tpu.dma_semaphore, #tpu.memory_space<semaphore_mem>>) {add = true}
      %add3A_471 = arith.constant 6 : i32
      %add3A_472 = arith.addi %mul3A_22, %add3A_471 : i32
      %dma_start3A_473 = arith.constant 6 : i32
      %dma_start3A_474 = arith.constant 0 : i32
      %dma_start3A_475 = arith.constant 0 : i32
      %dma_start3A_476 = tpu.memref_slice %arg8[%dma_start3A_473, %dma_start3A_474, %dma_start3A_475] : memref<10x100x16xf32, #tpu.memory_space<vmem>> -> memref<1x100x16xf32, #tpu.memory_space<vmem>>
      %dma_start3A_477 = tpu.memref_squeeze %dma_start3A_476 : memref<1x100x16xf32, #tpu.memory_space<vmem>> -> memref<100x16xf32, #tpu.memory_space<vmem>>
      %dma_start3A_478 = arith.constant 0 : i32
      %dma_start3A_479 = tpu.memref_slice %arg7[%add3A_472, %dma_start3A_478] : memref<100x100xi32, #tpu.memory_space<vmem>> -> memref<1x100xi32, #tpu.memory_space<vmem>>
      %dma_start3A_480 = tpu.memref_squeeze %dma_start3A_479 : memref<1x100xi32, #tpu.memory_space<vmem>> -> memref<100xi32, #tpu.memory_space<vmem>>
      %dma_start3A_481 = arith.constant 0 : i32
      %dma_start3A_482 = arith.constant 0 : i32
      %dma_start3A_483 = tpu.memref_slice %arg11[%dma_start3A_481, %dma_start3A_482] : memref<10112x16xf32, #tpu.memory_space<vmem_shared>> -> memref<10112x16xf32, #tpu.memory_space<vmem_shared>>
      tpu.enqueue_indirect_dma source(%dma_start3A_477 : memref<100x16xf32, #tpu.memory_space<vmem>>) target(%dma_start3A_483 : memref<10112x16xf32, #tpu.memory_space<vmem_shared>>) offsets(%dma_start3A_480 : memref<100xi32, #tpu.memory_space<vmem>>) semaphore(%arg14 : memref<!tpu.dma_semaphore, #tpu.memory_space<semaphore_mem>>) {add = true}
      %add3A_484 = arith.constant 7 : i32
      %add3A_485 = arith.addi %mul3A_22, %add3A_484 : i32
      %dma_start3A_486 = arith.constant 7 : i32
      %dma_start3A_487 = arith.constant 0 : i32
      %dma_start3A_488 = arith.constant 0 : i32
      %dma_start3A_489 = tpu.memref_slice %arg8[%dma_start3A_486, %dma_start3A_487, %dma_start3A_488] : memref<10x100x16xf32, #tpu.memory_space<vmem>> -> memref<1x100x16xf32, #tpu.memory_space<vmem>>
      %dma_start3A_490 = tpu.memref_squeeze %dma_start3A_489 : memref<1x100x16xf32, #tpu.memory_space<vmem>> -> memref<100x16xf32, #tpu.memory_space<vmem>>
      %dma_start3A_491 = arith.constant 0 : i32
      %dma_start3A_492 = tpu.memref_slice %arg7[%add3A_485, %dma_start3A_491] : memref<100x100xi32, #tpu.memory_space<vmem>> -> memref<1x100xi32, #tpu.memory_space<vmem>>
      %dma_start3A_493 = tpu.memref_squeeze %dma_start3A_492 : memref<1x100xi32, #tpu.memory_space<vmem>> -> memref<100xi32, #tpu.memory_space<vmem>>
      %dma_start3A_494 = arith.constant 0 : i32
      %dma_start3A_495 = arith.constant 0 : i32
      %dma_start3A_496 = tpu.memref_slice %arg11[%dma_start3A_494, %dma_start3A_495] : memref<10112x16xf32, #tpu.memory_space<vmem_shared>> -> memref<10112x16xf32, #tpu.memory_space<vmem_shared>>
      tpu.enqueue_indirect_dma source(%dma_start3A_490 : memref<100x16xf32, #tpu.memory_space<vmem>>) target(%dma_start3A_496 : memref<10112x16xf32, #tpu.memory_space<vmem_shared>>) offsets(%dma_start3A_493 : memref<100xi32, #tpu.memory_space<vmem>>) semaphore(%arg14 : memref<!tpu.dma_semaphore, #tpu.memory_space<semaphore_mem>>) {add = true}
      %add3A_497 = arith.constant 8 : i32
      %add3A_498 = arith.addi %mul3A_22, %add3A_497 : i32
      %dma_start3A_499 = arith.constant 8 : i32
      %dma_start3A_500 = arith.constant 0 : i32
      %dma_start3A_501 = arith.constant 0 : i32
      %dma_start3A_502 = tpu.memref_slice %arg8[%dma_start3A_499, %dma_start3A_500, %dma_start3A_501] : memref<10x100x16xf32, #tpu.memory_space<vmem>> -> memref<1x100x16xf32, #tpu.memory_space<vmem>>
      %dma_start3A_503 = tpu.memref_squeeze %dma_start3A_502 : memref<1x100x16xf32, #tpu.memory_space<vmem>> -> memref<100x16xf32, #tpu.memory_space<vmem>>
      %dma_start3A_504 = arith.constant 0 : i32
      %dma_start3A_505 = tpu.memref_slice %arg7[%add3A_498, %dma_start3A_504] : memref<100x100xi32, #tpu.memory_space<vmem>> -> memref<1x100xi32, #tpu.memory_space<vmem>>
      %dma_start3A_506 = tpu.memref_squeeze %dma_start3A_505 : memref<1x100xi32, #tpu.memory_space<vmem>> -> memref<100xi32, #tpu.memory_space<vmem>>
      %dma_start3A_507 = arith.constant 0 : i32
      %dma_start3A_508 = arith.constant 0 : i32
      %dma_start3A_509 = tpu.memref_slice %arg11[%dma_start3A_507, %dma_start3A_508] : memref<10112x16xf32, #tpu.memory_space<vmem_shared>> -> memref<10112x16xf32, #tpu.memory_space<vmem_shared>>
      tpu.enqueue_indirect_dma source(%dma_start3A_503 : memref<100x16xf32, #tpu.memory_space<vmem>>) target(%dma_start3A_509 : memref<10112x16xf32, #tpu.memory_space<vmem_shared>>) offsets(%dma_start3A_506 : memref<100xi32, #tpu.memory_space<vmem>>) semaphore(%arg14 : memref<!tpu.dma_semaphore, #tpu.memory_space<semaphore_mem>>) {add = true}
      %add3A_510 = arith.constant 9 : i32
      %add3A_511 = arith.addi %mul3A_22, %add3A_510 : i32
      %dma_start3A_512 = arith.constant 9 : i32
      %dma_start3A_513 = arith.constant 0 : i32
      %dma_start3A_514 = arith.constant 0 : i32
      %dma_start3A_515 = tpu.memref_slice %arg8[%dma_start3A_512, %dma_start3A_513, %dma_start3A_514] : memref<10x100x16xf32, #tpu.memory_space<vmem>> -> memref<1x100x16xf32, #tpu.memory_space<vmem>>
      %dma_start3A_516 = tpu.memref_squeeze %dma_start3A_515 : memref<1x100x16xf32, #tpu.memory_space<vmem>> -> memref<100x16xf32, #tpu.memory_space<vmem>>
      %dma_start3A_517 = arith.constant 0 : i32
      %dma_start3A_518 = tpu.memref_slice %arg7[%add3A_511, %dma_start3A_517] : memref<100x100xi32, #tpu.memory_space<vmem>> -> memref<1x100xi32, #tpu.memory_space<vmem>>
      %dma_start3A_519 = tpu.memref_squeeze %dma_start3A_518 : memref<1x100xi32, #tpu.memory_space<vmem>> -> memref<100xi32, #tpu.memory_space<vmem>>
      %dma_start3A_520 = arith.constant 0 : i32
      %dma_start3A_521 = arith.constant 0 : i32
      %dma_start3A_522 = tpu.memref_slice %arg11[%dma_start3A_520, %dma_start3A_521] : memref<10112x16xf32, #tpu.memory_space<vmem_shared>> -> memref<10112x16xf32, #tpu.memory_space<vmem_shared>>
      tpu.enqueue_indirect_dma source(%dma_start3A_516 : memref<100x16xf32, #tpu.memory_space<vmem>>) target(%dma_start3A_522 : memref<10112x16xf32, #tpu.memory_space<vmem_shared>>) offsets(%dma_start3A_519 : memref<100xi32, #tpu.memory_space<vmem>>) semaphore(%arg14 : memref<!tpu.dma_semaphore, #tpu.memory_space<semaphore_mem>>) {add = true}
      %dma_wait3A_523 = arith.constant 0 : i32
      %dma_wait3A_524 = arith.constant 0 : i32
      %dma_wait3A_525 = arith.constant 0 : i32
      %dma_wait3A_526 = tpu.memref_slice %arg9[%dma_wait3A_523, %dma_wait3A_524, %dma_wait3A_525] : memref<10x100x16xf32, #tpu.memory_space<vmem>> -> memref<1x100x16xf32, #tpu.memory_space<vmem>>
      %dma_wait3A_527 = tpu.memref_squeeze %dma_wait3A_526 : memref<1x100x16xf32, #tpu.memory_space<vmem>> -> memref<100x16xf32, #tpu.memory_space<vmem>>
      %dma_wait3A_528 = arith.constant 0 : i32
      %dma_wait3A_529 = tpu.memref_slice %arg6[%add3A_155, %dma_wait3A_528] : memref<100x100xi32, #tpu.memory_space<vmem>> -> memref<1x100xi32, #tpu.memory_space<vmem>>
      %dma_wait3A_530 = tpu.memref_squeeze %dma_wait3A_529 : memref<1x100xi32, #tpu.memory_space<vmem>> -> memref<100xi32, #tpu.memory_space<vmem>>
      %dma_wait3A_531 = arith.constant 0 : i32
      %dma_wait3A_532 = arith.constant 0 : i32
      %dma_wait3A_533 = tpu.memref_slice %arg3[%dma_wait3A_531, %dma_wait3A_532] : memref<10112x16xf32, #tpu.memory_space<hbm>> -> memref<10112x16xf32, #tpu.memory_space<hbm>>
      tpu.wait_indirect_dma semaphore(%arg13 : memref<!tpu.dma_semaphore, #tpu.memory_space<semaphore_mem>>) src(%dma_wait3A_533 : memref<10112x16xf32, #tpu.memory_space<hbm>>) dst(%dma_wait3A_527 : memref<100x16xf32, #tpu.memory_space<vmem>>)
      %dma_wait3A_534 = arith.constant 1 : i32
      %dma_wait3A_535 = arith.constant 0 : i32
      %dma_wait3A_536 = arith.constant 0 : i32
      %dma_wait3A_537 = tpu.memref_slice %arg9[%dma_wait3A_534, %dma_wait3A_535, %dma_wait3A_536] : memref<10x100x16xf32, #tpu.memory_space<vmem>> -> memref<1x100x16xf32, #tpu.memory_space<vmem>>
      %dma_wait3A_538 = tpu.memref_squeeze %dma_wait3A_537 : memref<1x100x16xf32, #tpu.memory_space<vmem>> -> memref<100x16xf32, #tpu.memory_space<vmem>>
      %dma_wait3A_539 = arith.constant 0 : i32
      %dma_wait3A_540 = tpu.memref_slice %arg6[%add3A_168, %dma_wait3A_539] : memref<100x100xi32, #tpu.memory_space<vmem>> -> memref<1x100xi32, #tpu.memory_space<vmem>>
      %dma_wait3A_541 = tpu.memref_squeeze %dma_wait3A_540 : memref<1x100xi32, #tpu.memory_space<vmem>> -> memref<100xi32, #tpu.memory_space<vmem>>
      %dma_wait3A_542 = arith.constant 0 : i32
      %dma_wait3A_543 = arith.constant 0 : i32
      %dma_wait3A_544 = tpu.memref_slice %arg3[%dma_wait3A_542, %dma_wait3A_543] : memref<10112x16xf32, #tpu.memory_space<hbm>> -> memref<10112x16xf32, #tpu.memory_space<hbm>>
      tpu.wait_indirect_dma semaphore(%arg13 : memref<!tpu.dma_semaphore, #tpu.memory_space<semaphore_mem>>) src(%dma_wait3A_544 : memref<10112x16xf32, #tpu.memory_space<hbm>>) dst(%dma_wait3A_538 : memref<100x16xf32, #tpu.memory_space<vmem>>)
      %dma_wait3A_545 = arith.constant 2 : i32
      %dma_wait3A_546 = arith.constant 0 : i32
      %dma_wait3A_547 = arith.constant 0 : i32
      %dma_wait3A_548 = tpu.memref_slice %arg9[%dma_wait3A_545, %dma_wait3A_546, %dma_wait3A_547] : memref<10x100x16xf32, #tpu.memory_space<vmem>> -> memref<1x100x16xf32, #tpu.memory_space<vmem>>
      %dma_wait3A_549 = tpu.memref_squeeze %dma_wait3A_548 : memref<1x100x16xf32, #tpu.memory_space<vmem>> -> memref<100x16xf32, #tpu.memory_space<vmem>>
      %dma_wait3A_550 = arith.constant 0 : i32
      %dma_wait3A_551 = tpu.memref_slice %arg6[%add3A_181, %dma_wait3A_550] : memref<100x100xi32, #tpu.memory_space<vmem>> -> memref<1x100xi32, #tpu.memory_space<vmem>>
      %dma_wait3A_552 = tpu.memref_squeeze %dma_wait3A_551 : memref<1x100xi32, #tpu.memory_space<vmem>> -> memref<100xi32, #tpu.memory_space<vmem>>
      %dma_wait3A_553 = arith.constant 0 : i32
      %dma_wait3A_554 = arith.constant 0 : i32
      %dma_wait3A_555 = tpu.memref_slice %arg3[%dma_wait3A_553, %dma_wait3A_554] : memref<10112x16xf32, #tpu.memory_space<hbm>> -> memref<10112x16xf32, #tpu.memory_space<hbm>>
      tpu.wait_indirect_dma semaphore(%arg13 : memref<!tpu.dma_semaphore, #tpu.memory_space<semaphore_mem>>) src(%dma_wait3A_555 : memref<10112x16xf32, #tpu.memory_space<hbm>>) dst(%dma_wait3A_549 : memref<100x16xf32, #tpu.memory_space<vmem>>)
      %dma_wait3A_556 = arith.constant 3 : i32
      %dma_wait3A_557 = arith.constant 0 : i32
      %dma_wait3A_558 = arith.constant 0 : i32
      %dma_wait3A_559 = tpu.memref_slice %arg9[%dma_wait3A_556, %dma_wait3A_557, %dma_wait3A_558] : memref<10x100x16xf32, #tpu.memory_space<vmem>> -> memref<1x100x16xf32, #tpu.memory_space<vmem>>
      %dma_wait3A_560 = tpu.memref_squeeze %dma_wait3A_559 : memref<1x100x16xf32, #tpu.memory_space<vmem>> -> memref<100x16xf32, #tpu.memory_space<vmem>>
      %dma_wait3A_561 = arith.constant 0 : i32
      %dma_wait3A_562 = tpu.memref_slice %arg6[%add3A_194, %dma_wait3A_561] : memref<100x100xi32, #tpu.memory_space<vmem>> -> memref<1x100xi32, #tpu.memory_space<vmem>>
      %dma_wait3A_563 = tpu.memref_squeeze %dma_wait3A_562 : memref<1x100xi32, #tpu.memory_space<vmem>> -> memref<100xi32, #tpu.memory_space<vmem>>
      %dma_wait3A_564 = arith.constant 0 : i32
      %dma_wait3A_565 = arith.constant 0 : i32
      %dma_wait3A_566 = tpu.memref_slice %arg3[%dma_wait3A_564, %dma_wait3A_565] : memref<10112x16xf32, #tpu.memory_space<hbm>> -> memref<10112x16xf32, #tpu.memory_space<hbm>>
      tpu.wait_indirect_dma semaphore(%arg13 : memref<!tpu.dma_semaphore, #tpu.memory_space<semaphore_mem>>) src(%dma_wait3A_566 : memref<10112x16xf32, #tpu.memory_space<hbm>>) dst(%dma_wait3A_560 : memref<100x16xf32, #tpu.memory_space<vmem>>)
      %dma_wait3A_567 = arith.constant 4 : i32
      %dma_wait3A_568 = arith.constant 0 : i32
      %dma_wait3A_569 = arith.constant 0 : i32
      %dma_wait3A_570 = tpu.memref_slice %arg9[%dma_wait3A_567, %dma_wait3A_568, %dma_wait3A_569] : memref<10x100x16xf32, #tpu.memory_space<vmem>> -> memref<1x100x16xf32, #tpu.memory_space<vmem>>
      %dma_wait3A_571 = tpu.memref_squeeze %dma_wait3A_570 : memref<1x100x16xf32, #tpu.memory_space<vmem>> -> memref<100x16xf32, #tpu.memory_space<vmem>>
      %dma_wait3A_572 = arith.constant 0 : i32
      %dma_wait3A_573 = tpu.memref_slice %arg6[%add3A_207, %dma_wait3A_572] : memref<100x100xi32, #tpu.memory_space<vmem>> -> memref<1x100xi32, #tpu.memory_space<vmem>>
      %dma_wait3A_574 = tpu.memref_squeeze %dma_wait3A_573 : memref<1x100xi32, #tpu.memory_space<vmem>> -> memref<100xi32, #tpu.memory_space<vmem>>
      %dma_wait3A_575 = arith.constant 0 : i32
      %dma_wait3A_576 = arith.constant 0 : i32
      %dma_wait3A_577 = tpu.memref_slice %arg3[%dma_wait3A_575, %dma_wait3A_576] : memref<10112x16xf32, #tpu.memory_space<hbm>> -> memref<10112x16xf32, #tpu.memory_space<hbm>>
      tpu.wait_indirect_dma semaphore(%arg13 : memref<!tpu.dma_semaphore, #tpu.memory_space<semaphore_mem>>) src(%dma_wait3A_577 : memref<10112x16xf32, #tpu.memory_space<hbm>>) dst(%dma_wait3A_571 : memref<100x16xf32, #tpu.memory_space<vmem>>)
      %dma_wait3A_578 = arith.constant 5 : i32
      %dma_wait3A_579 = arith.constant 0 : i32
      %dma_wait3A_580 = arith.constant 0 : i32
      %dma_wait3A_581 = tpu.memref_slice %arg9[%dma_wait3A_578, %dma_wait3A_579, %dma_wait3A_580] : memref<10x100x16xf32, #tpu.memory_space<vmem>> -> memref<1x100x16xf32, #tpu.memory_space<vmem>>
      %dma_wait3A_582 = tpu.memref_squeeze %dma_wait3A_581 : memref<1x100x16xf32, #tpu.memory_space<vmem>> -> memref<100x16xf32, #tpu.memory_space<vmem>>
      %dma_wait3A_583 = arith.constant 0 : i32
      %dma_wait3A_584 = tpu.memref_slice %arg6[%add3A_220, %dma_wait3A_583] : memref<100x100xi32, #tpu.memory_space<vmem>> -> memref<1x100xi32, #tpu.memory_space<vmem>>
      %dma_wait3A_585 = tpu.memref_squeeze %dma_wait3A_584 : memref<1x100xi32, #tpu.memory_space<vmem>> -> memref<100xi32, #tpu.memory_space<vmem>>
      %dma_wait3A_586 = arith.constant 0 : i32
      %dma_wait3A_587 = arith.constant 0 : i32
      %dma_wait3A_588 = tpu.memref_slice %arg3[%dma_wait3A_586, %dma_wait3A_587] : memref<10112x16xf32, #tpu.memory_space<hbm>> -> memref<10112x16xf32, #tpu.memory_space<hbm>>
      tpu.wait_indirect_dma semaphore(%arg13 : memref<!tpu.dma_semaphore, #tpu.memory_space<semaphore_mem>>) src(%dma_wait3A_588 : memref<10112x16xf32, #tpu.memory_space<hbm>>) dst(%dma_wait3A_582 : memref<100x16xf32, #tpu.memory_space<vmem>>)
      %dma_wait3A_589 = arith.constant 6 : i32
      %dma_wait3A_590 = arith.constant 0 : i32
      %dma_wait3A_591 = arith.constant 0 : i32
      %dma_wait3A_592 = tpu.memref_slice %arg9[%dma_wait3A_589, %dma_wait3A_590, %dma_wait3A_591] : memref<10x100x16xf32, #tpu.memory_space<vmem>> -> memref<1x100x16xf32, #tpu.memory_space<vmem>>
      %dma_wait3A_593 = tpu.memref_squeeze %dma_wait3A_592 : memref<1x100x16xf32, #tpu.memory_space<vmem>> -> memref<100x16xf32, #tpu.memory_space<vmem>>
      %dma_wait3A_594 = arith.constant 0 : i32
      %dma_wait3A_595 = tpu.memref_slice %arg6[%add3A_233, %dma_wait3A_594] : memref<100x100xi32, #tpu.memory_space<vmem>> -> memref<1x100xi32, #tpu.memory_space<vmem>>
      %dma_wait3A_596 = tpu.memref_squeeze %dma_wait3A_595 : memref<1x100xi32, #tpu.memory_space<vmem>> -> memref<100xi32, #tpu.memory_space<vmem>>
      %dma_wait3A_597 = arith.constant 0 : i32
      %dma_wait3A_598 = arith.constant 0 : i32
      %dma_wait3A_599 = tpu.memref_slice %arg3[%dma_wait3A_597, %dma_wait3A_598] : memref<10112x16xf32, #tpu.memory_space<hbm>> -> memref<10112x16xf32, #tpu.memory_space<hbm>>
      tpu.wait_indirect_dma semaphore(%arg13 : memref<!tpu.dma_semaphore, #tpu.memory_space<semaphore_mem>>) src(%dma_wait3A_599 : memref<10112x16xf32, #tpu.memory_space<hbm>>) dst(%dma_wait3A_593 : memref<100x16xf32, #tpu.memory_space<vmem>>)
      %dma_wait3A_600 = arith.constant 7 : i32
      %dma_wait3A_601 = arith.constant 0 : i32
      %dma_wait3A_602 = arith.constant 0 : i32
      %dma_wait3A_603 = tpu.memref_slice %arg9[%dma_wait3A_600, %dma_wait3A_601, %dma_wait3A_602] : memref<10x100x16xf32, #tpu.memory_space<vmem>> -> memref<1x100x16xf32, #tpu.memory_space<vmem>>
      %dma_wait3A_604 = tpu.memref_squeeze %dma_wait3A_603 : memref<1x100x16xf32, #tpu.memory_space<vmem>> -> memref<100x16xf32, #tpu.memory_space<vmem>>
      %dma_wait3A_605 = arith.constant 0 : i32
      %dma_wait3A_606 = tpu.memref_slice %arg6[%add3A_246, %dma_wait3A_605] : memref<100x100xi32, #tpu.memory_space<vmem>> -> memref<1x100xi32, #tpu.memory_space<vmem>>
      %dma_wait3A_607 = tpu.memref_squeeze %dma_wait3A_606 : memref<1x100xi32, #tpu.memory_space<vmem>> -> memref<100xi32, #tpu.memory_space<vmem>>
      %dma_wait3A_608 = arith.constant 0 : i32
      %dma_wait3A_609 = arith.constant 0 : i32
      %dma_wait3A_610 = tpu.memref_slice %arg3[%dma_wait3A_608, %dma_wait3A_609] : memref<10112x16xf32, #tpu.memory_space<hbm>> -> memref<10112x16xf32, #tpu.memory_space<hbm>>
      tpu.wait_indirect_dma semaphore(%arg13 : memref<!tpu.dma_semaphore, #tpu.memory_space<semaphore_mem>>) src(%dma_wait3A_610 : memref<10112x16xf32, #tpu.memory_space<hbm>>) dst(%dma_wait3A_604 : memref<100x16xf32, #tpu.memory_space<vmem>>)
      %dma_wait3A_611 = arith.constant 8 : i32
      %dma_wait3A_612 = arith.constant 0 : i32
      %dma_wait3A_613 = arith.constant 0 : i32
      %dma_wait3A_614 = tpu.memref_slice %arg9[%dma_wait3A_611, %dma_wait3A_612, %dma_wait3A_613] : memref<10x100x16xf32, #tpu.memory_space<vmem>> -> memref<1x100x16xf32, #tpu.memory_space<vmem>>
      %dma_wait3A_615 = tpu.memref_squeeze %dma_wait3A_614 : memref<1x100x16xf32, #tpu.memory_space<vmem>> -> memref<100x16xf32, #tpu.memory_space<vmem>>
      %dma_wait3A_616 = arith.constant 0 : i32
      %dma_wait3A_617 = tpu.memref_slice %arg6[%add3A_259, %dma_wait3A_616] : memref<100x100xi32, #tpu.memory_space<vmem>> -> memref<1x100xi32, #tpu.memory_space<vmem>>
      %dma_wait3A_618 = tpu.memref_squeeze %dma_wait3A_617 : memref<1x100xi32, #tpu.memory_space<vmem>> -> memref<100xi32, #tpu.memory_space<vmem>>
      %dma_wait3A_619 = arith.constant 0 : i32
      %dma_wait3A_620 = arith.constant 0 : i32
      %dma_wait3A_621 = tpu.memref_slice %arg3[%dma_wait3A_619, %dma_wait3A_620] : memref<10112x16xf32, #tpu.memory_space<hbm>> -> memref<10112x16xf32, #tpu.memory_space<hbm>>
      tpu.wait_indirect_dma semaphore(%arg13 : memref<!tpu.dma_semaphore, #tpu.memory_space<semaphore_mem>>) src(%dma_wait3A_621 : memref<10112x16xf32, #tpu.memory_space<hbm>>) dst(%dma_wait3A_615 : memref<100x16xf32, #tpu.memory_space<vmem>>)
      %dma_wait3A_622 = arith.constant 9 : i32
      %dma_wait3A_623 = arith.constant 0 : i32
      %dma_wait3A_624 = arith.constant 0 : i32
      %dma_wait3A_625 = tpu.memref_slice %arg9[%dma_wait3A_622, %dma_wait3A_623, %dma_wait3A_624] : memref<10x100x16xf32, #tpu.memory_space<vmem>> -> memref<1x100x16xf32, #tpu.memory_space<vmem>>
      %dma_wait3A_626 = tpu.memref_squeeze %dma_wait3A_625 : memref<1x100x16xf32, #tpu.memory_space<vmem>> -> memref<100x16xf32, #tpu.memory_space<vmem>>
      %dma_wait3A_627 = arith.constant 0 : i32
      %dma_wait3A_628 = tpu.memref_slice %arg6[%add3A_272, %dma_wait3A_627] : memref<100x100xi32, #tpu.memory_space<vmem>> -> memref<1x100xi32, #tpu.memory_space<vmem>>
      %dma_wait3A_629 = tpu.memref_squeeze %dma_wait3A_628 : memref<1x100xi32, #tpu.memory_space<vmem>> -> memref<100xi32, #tpu.memory_space<vmem>>
      %dma_wait3A_630 = arith.constant 0 : i32
      %dma_wait3A_631 = arith.constant 0 : i32
      %dma_wait3A_632 = tpu.memref_slice %arg3[%dma_wait3A_630, %dma_wait3A_631] : memref<10112x16xf32, #tpu.memory_space<hbm>> -> memref<10112x16xf32, #tpu.memory_space<hbm>>
      tpu.wait_indirect_dma semaphore(%arg13 : memref<!tpu.dma_semaphore, #tpu.memory_space<semaphore_mem>>) src(%dma_wait3A_632 : memref<10112x16xf32, #tpu.memory_space<hbm>>) dst(%dma_wait3A_626 : memref<100x16xf32, #tpu.memory_space<vmem>>)
      %add3A_633 = arith.constant 0 : i32
      %add3A_634 = arith.addi %add3A_24, %add3A_633 : i32
      %dma_start3A_635 = arith.constant 0 : i32
      %dma_start3A_636 = arith.constant 0 : i32
      %dma_start3A_637 = arith.constant 0 : i32
      %dma_start3A_638 = tpu.memref_slice %arg9[%dma_start3A_635, %dma_start3A_636, %dma_start3A_637] : memref<10x100x16xf32, #tpu.memory_space<vmem>> -> memref<1x100x16xf32, #tpu.memory_space<vmem>>
      %dma_start3A_639 = tpu.memref_squeeze %dma_start3A_638 : memref<1x100x16xf32, #tpu.memory_space<vmem>> -> memref<100x16xf32, #tpu.memory_space<vmem>>
      %dma_start3A_640 = arith.constant 0 : i32
      %dma_start3A_641 = tpu.memref_slice %arg7[%add3A_634, %dma_start3A_640] : memref<100x100xi32, #tpu.memory_space<vmem>> -> memref<1x100xi32, #tpu.memory_space<vmem>>
      %dma_start3A_642 = tpu.memref_squeeze %dma_start3A_641 : memref<1x100xi32, #tpu.memory_space<vmem>> -> memref<100xi32, #tpu.memory_space<vmem>>
      %dma_start3A_643 = arith.constant 0 : i32
      %dma_start3A_644 = arith.constant 0 : i32
      %dma_start3A_645 = tpu.memref_slice %arg11[%dma_start3A_643, %dma_start3A_644] : memref<10112x16xf32, #tpu.memory_space<vmem_shared>> -> memref<10112x16xf32, #tpu.memory_space<vmem_shared>>
      tpu.enqueue_indirect_dma source(%dma_start3A_639 : memref<100x16xf32, #tpu.memory_space<vmem>>) target(%dma_start3A_645 : memref<10112x16xf32, #tpu.memory_space<vmem_shared>>) offsets(%dma_start3A_642 : memref<100xi32, #tpu.memory_space<vmem>>) semaphore(%arg15 : memref<!tpu.dma_semaphore, #tpu.memory_space<semaphore_mem>>) {add = true}
      %add3A_646 = arith.constant 1 : i32
      %add3A_647 = arith.addi %add3A_24, %add3A_646 : i32
      %dma_start3A_648 = arith.constant 1 : i32
      %dma_start3A_649 = arith.constant 0 : i32
      %dma_start3A_650 = arith.constant 0 : i32
      %dma_start3A_651 = tpu.memref_slice %arg9[%dma_start3A_648, %dma_start3A_649, %dma_start3A_650] : memref<10x100x16xf32, #tpu.memory_space<vmem>> -> memref<1x100x16xf32, #tpu.memory_space<vmem>>
      %dma_start3A_652 = tpu.memref_squeeze %dma_start3A_651 : memref<1x100x16xf32, #tpu.memory_space<vmem>> -> memref<100x16xf32, #tpu.memory_space<vmem>>
      %dma_start3A_653 = arith.constant 0 : i32
      %dma_start3A_654 = tpu.memref_slice %arg7[%add3A_647, %dma_start3A_653] : memref<100x100xi32, #tpu.memory_space<vmem>> -> memref<1x100xi32, #tpu.memory_space<vmem>>
      %dma_start3A_655 = tpu.memref_squeeze %dma_start3A_654 : memref<1x100xi32, #tpu.memory_space<vmem>> -> memref<100xi32, #tpu.memory_space<vmem>>
      %dma_start3A_656 = arith.constant 0 : i32
      %dma_start3A_657 = arith.constant 0 : i32
      %dma_start3A_658 = tpu.memref_slice %arg11[%dma_start3A_656, %dma_start3A_657] : memref<10112x16xf32, #tpu.memory_space<vmem_shared>> -> memref<10112x16xf32, #tpu.memory_space<vmem_shared>>
      tpu.enqueue_indirect_dma source(%dma_start3A_652 : memref<100x16xf32, #tpu.memory_space<vmem>>) target(%dma_start3A_658 : memref<10112x16xf32, #tpu.memory_space<vmem_shared>>) offsets(%dma_start3A_655 : memref<100xi32, #tpu.memory_space<vmem>>) semaphore(%arg15 : memref<!tpu.dma_semaphore, #tpu.memory_space<semaphore_mem>>) {add = true}
      %add3A_659 = arith.constant 2 : i32
      %add3A_660 = arith.addi %add3A_24, %add3A_659 : i32
      %dma_start3A_661 = arith.constant 2 : i32
      %dma_start3A_662 = arith.constant 0 : i32
      %dma_start3A_663 = arith.constant 0 : i32
      %dma_start3A_664 = tpu.memref_slice %arg9[%dma_start3A_661, %dma_start3A_662, %dma_start3A_663] : memref<10x100x16xf32, #tpu.memory_space<vmem>> -> memref<1x100x16xf32, #tpu.memory_space<vmem>>
      %dma_start3A_665 = tpu.memref_squeeze %dma_start3A_664 : memref<1x100x16xf32, #tpu.memory_space<vmem>> -> memref<100x16xf32, #tpu.memory_space<vmem>>
      %dma_start3A_666 = arith.constant 0 : i32
      %dma_start3A_667 = tpu.memref_slice %arg7[%add3A_660, %dma_start3A_666] : memref<100x100xi32, #tpu.memory_space<vmem>> -> memref<1x100xi32, #tpu.memory_space<vmem>>
      %dma_start3A_668 = tpu.memref_squeeze %dma_start3A_667 : memref<1x100xi32, #tpu.memory_space<vmem>> -> memref<100xi32, #tpu.memory_space<vmem>>
      %dma_start3A_669 = arith.constant 0 : i32
      %dma_start3A_670 = arith.constant 0 : i32
      %dma_start3A_671 = tpu.memref_slice %arg11[%dma_start3A_669, %dma_start3A_670] : memref<10112x16xf32, #tpu.memory_space<vmem_shared>> -> memref<10112x16xf32, #tpu.memory_space<vmem_shared>>
      tpu.enqueue_indirect_dma source(%dma_start3A_665 : memref<100x16xf32, #tpu.memory_space<vmem>>) target(%dma_start3A_671 : memref<10112x16xf32, #tpu.memory_space<vmem_shared>>) offsets(%dma_start3A_668 : memref<100xi32, #tpu.memory_space<vmem>>) semaphore(%arg15 : memref<!tpu.dma_semaphore, #tpu.memory_space<semaphore_mem>>) {add = true}
      %add3A_672 = arith.constant 3 : i32
      %add3A_673 = arith.addi %add3A_24, %add3A_672 : i32
      %dma_start3A_674 = arith.constant 3 : i32
      %dma_start3A_675 = arith.constant 0 : i32
      %dma_start3A_676 = arith.constant 0 : i32
      %dma_start3A_677 = tpu.memref_slice %arg9[%dma_start3A_674, %dma_start3A_675, %dma_start3A_676] : memref<10x100x16xf32, #tpu.memory_space<vmem>> -> memref<1x100x16xf32, #tpu.memory_space<vmem>>
      %dma_start3A_678 = tpu.memref_squeeze %dma_start3A_677 : memref<1x100x16xf32, #tpu.memory_space<vmem>> -> memref<100x16xf32, #tpu.memory_space<vmem>>
      %dma_start3A_679 = arith.constant 0 : i32
      %dma_start3A_680 = tpu.memref_slice %arg7[%add3A_673, %dma_start3A_679] : memref<100x100xi32, #tpu.memory_space<vmem>> -> memref<1x100xi32, #tpu.memory_space<vmem>>
      %dma_start3A_681 = tpu.memref_squeeze %dma_start3A_680 : memref<1x100xi32, #tpu.memory_space<vmem>> -> memref<100xi32, #tpu.memory_space<vmem>>
      %dma_start3A_682 = arith.constant 0 : i32
      %dma_start3A_683 = arith.constant 0 : i32
      %dma_start3A_684 = tpu.memref_slice %arg11[%dma_start3A_682, %dma_start3A_683] : memref<10112x16xf32, #tpu.memory_space<vmem_shared>> -> memref<10112x16xf32, #tpu.memory_space<vmem_shared>>
      tpu.enqueue_indirect_dma source(%dma_start3A_678 : memref<100x16xf32, #tpu.memory_space<vmem>>) target(%dma_start3A_684 : memref<10112x16xf32, #tpu.memory_space<vmem_shared>>) offsets(%dma_start3A_681 : memref<100xi32, #tpu.memory_space<vmem>>) semaphore(%arg15 : memref<!tpu.dma_semaphore, #tpu.memory_space<semaphore_mem>>) {add = true}
      %add3A_685 = arith.constant 4 : i32
      %add3A_686 = arith.addi %add3A_24, %add3A_685 : i32
      %dma_start3A_687 = arith.constant 4 : i32
      %dma_start3A_688 = arith.constant 0 : i32
      %dma_start3A_689 = arith.constant 0 : i32
      %dma_start3A_690 = tpu.memref_slice %arg9[%dma_start3A_687, %dma_start3A_688, %dma_start3A_689] : memref<10x100x16xf32, #tpu.memory_space<vmem>> -> memref<1x100x16xf32, #tpu.memory_space<vmem>>
      %dma_start3A_691 = tpu.memref_squeeze %dma_start3A_690 : memref<1x100x16xf32, #tpu.memory_space<vmem>> -> memref<100x16xf32, #tpu.memory_space<vmem>>
      %dma_start3A_692 = arith.constant 0 : i32
      %dma_start3A_693 = tpu.memref_slice %arg7[%add3A_686, %dma_start3A_692] : memref<100x100xi32, #tpu.memory_space<vmem>> -> memref<1x100xi32, #tpu.memory_space<vmem>>
      %dma_start3A_694 = tpu.memref_squeeze %dma_start3A_693 : memref<1x100xi32, #tpu.memory_space<vmem>> -> memref<100xi32, #tpu.memory_space<vmem>>
      %dma_start3A_695 = arith.constant 0 : i32
      %dma_start3A_696 = arith.constant 0 : i32
      %dma_start3A_697 = tpu.memref_slice %arg11[%dma_start3A_695, %dma_start3A_696] : memref<10112x16xf32, #tpu.memory_space<vmem_shared>> -> memref<10112x16xf32, #tpu.memory_space<vmem_shared>>
      tpu.enqueue_indirect_dma source(%dma_start3A_691 : memref<100x16xf32, #tpu.memory_space<vmem>>) target(%dma_start3A_697 : memref<10112x16xf32, #tpu.memory_space<vmem_shared>>) offsets(%dma_start3A_694 : memref<100xi32, #tpu.memory_space<vmem>>) semaphore(%arg15 : memref<!tpu.dma_semaphore, #tpu.memory_space<semaphore_mem>>) {add = true}
      %add3A_698 = arith.constant 5 : i32
      %add3A_699 = arith.addi %add3A_24, %add3A_698 : i32
      %dma_start3A_700 = arith.constant 5 : i32
      %dma_start3A_701 = arith.constant 0 : i32
      %dma_start3A_702 = arith.constant 0 : i32
      %dma_start3A_703 = tpu.memref_slice %arg9[%dma_start3A_700, %dma_start3A_701, %dma_start3A_702] : memref<10x100x16xf32, #tpu.memory_space<vmem>> -> memref<1x100x16xf32, #tpu.memory_space<vmem>>
      %dma_start3A_704 = tpu.memref_squeeze %dma_start3A_703 : memref<1x100x16xf32, #tpu.memory_space<vmem>> -> memref<100x16xf32, #tpu.memory_space<vmem>>
      %dma_start3A_705 = arith.constant 0 : i32
      %dma_start3A_706 = tpu.memref_slice %arg7[%add3A_699, %dma_start3A_705] : memref<100x100xi32, #tpu.memory_space<vmem>> -> memref<1x100xi32, #tpu.memory_space<vmem>>
      %dma_start3A_707 = tpu.memref_squeeze %dma_start3A_706 : memref<1x100xi32, #tpu.memory_space<vmem>> -> memref<100xi32, #tpu.memory_space<vmem>>
      %dma_start3A_708 = arith.constant 0 : i32
      %dma_start3A_709 = arith.constant 0 : i32
      %dma_start3A_710 = tpu.memref_slice %arg11[%dma_start3A_708, %dma_start3A_709] : memref<10112x16xf32, #tpu.memory_space<vmem_shared>> -> memref<10112x16xf32, #tpu.memory_space<vmem_shared>>
      tpu.enqueue_indirect_dma source(%dma_start3A_704 : memref<100x16xf32, #tpu.memory_space<vmem>>) target(%dma_start3A_710 : memref<10112x16xf32, #tpu.memory_space<vmem_shared>>) offsets(%dma_start3A_707 : memref<100xi32, #tpu.memory_space<vmem>>) semaphore(%arg15 : memref<!tpu.dma_semaphore, #tpu.memory_space<semaphore_mem>>) {add = true}
      %add3A_711 = arith.constant 6 : i32
      %add3A_712 = arith.addi %add3A_24, %add3A_711 : i32
      %dma_start3A_713 = arith.constant 6 : i32
      %dma_start3A_714 = arith.constant 0 : i32
      %dma_start3A_715 = arith.constant 0 : i32
      %dma_start3A_716 = tpu.memref_slice %arg9[%dma_start3A_713, %dma_start3A_714, %dma_start3A_715] : memref<10x100x16xf32, #tpu.memory_space<vmem>> -> memref<1x100x16xf32, #tpu.memory_space<vmem>>
      %dma_start3A_717 = tpu.memref_squeeze %dma_start3A_716 : memref<1x100x16xf32, #tpu.memory_space<vmem>> -> memref<100x16xf32, #tpu.memory_space<vmem>>
      %dma_start3A_718 = arith.constant 0 : i32
      %dma_start3A_719 = tpu.memref_slice %arg7[%add3A_712, %dma_start3A_718] : memref<100x100xi32, #tpu.memory_space<vmem>> -> memref<1x100xi32, #tpu.memory_space<vmem>>
      %dma_start3A_720 = tpu.memref_squeeze %dma_start3A_719 : memref<1x100xi32, #tpu.memory_space<vmem>> -> memref<100xi32, #tpu.memory_space<vmem>>
      %dma_start3A_721 = arith.constant 0 : i32
      %dma_start3A_722 = arith.constant 0 : i32
      %dma_start3A_723 = tpu.memref_slice %arg11[%dma_start3A_721, %dma_start3A_722] : memref<10112x16xf32, #tpu.memory_space<vmem_shared>> -> memref<10112x16xf32, #tpu.memory_space<vmem_shared>>
      tpu.enqueue_indirect_dma source(%dma_start3A_717 : memref<100x16xf32, #tpu.memory_space<vmem>>) target(%dma_start3A_723 : memref<10112x16xf32, #tpu.memory_space<vmem_shared>>) offsets(%dma_start3A_720 : memref<100xi32, #tpu.memory_space<vmem>>) semaphore(%arg15 : memref<!tpu.dma_semaphore, #tpu.memory_space<semaphore_mem>>) {add = true}
      %add3A_724 = arith.constant 7 : i32
      %add3A_725 = arith.addi %add3A_24, %add3A_724 : i32
      %dma_start3A_726 = arith.constant 7 : i32
      %dma_start3A_727 = arith.constant 0 : i32
      %dma_start3A_728 = arith.constant 0 : i32
      %dma_start3A_729 = tpu.memref_slice %arg9[%dma_start3A_726, %dma_start3A_727, %dma_start3A_728] : memref<10x100x16xf32, #tpu.memory_space<vmem>> -> memref<1x100x16xf32, #tpu.memory_space<vmem>>
      %dma_start3A_730 = tpu.memref_squeeze %dma_start3A_729 : memref<1x100x16xf32, #tpu.memory_space<vmem>> -> memref<100x16xf32, #tpu.memory_space<vmem>>
      %dma_start3A_731 = arith.constant 0 : i32
      %dma_start3A_732 = tpu.memref_slice %arg7[%add3A_725, %dma_start3A_731] : memref<100x100xi32, #tpu.memory_space<vmem>> -> memref<1x100xi32, #tpu.memory_space<vmem>>
      %dma_start3A_733 = tpu.memref_squeeze %dma_start3A_732 : memref<1x100xi32, #tpu.memory_space<vmem>> -> memref<100xi32, #tpu.memory_space<vmem>>
      %dma_start3A_734 = arith.constant 0 : i32
      %dma_start3A_735 = arith.constant 0 : i32
      %dma_start3A_736 = tpu.memref_slice %arg11[%dma_start3A_734, %dma_start3A_735] : memref<10112x16xf32, #tpu.memory_space<vmem_shared>> -> memref<10112x16xf32, #tpu.memory_space<vmem_shared>>
      tpu.enqueue_indirect_dma source(%dma_start3A_730 : memref<100x16xf32, #tpu.memory_space<vmem>>) target(%dma_start3A_736 : memref<10112x16xf32, #tpu.memory_space<vmem_shared>>) offsets(%dma_start3A_733 : memref<100xi32, #tpu.memory_space<vmem>>) semaphore(%arg15 : memref<!tpu.dma_semaphore, #tpu.memory_space<semaphore_mem>>) {add = true}
      %add3A_737 = arith.constant 8 : i32
      %add3A_738 = arith.addi %add3A_24, %add3A_737 : i32
      %dma_start3A_739 = arith.constant 8 : i32
      %dma_start3A_740 = arith.constant 0 : i32
      %dma_start3A_741 = arith.constant 0 : i32
      %dma_start3A_742 = tpu.memref_slice %arg9[%dma_start3A_739, %dma_start3A_740, %dma_start3A_741] : memref<10x100x16xf32, #tpu.memory_space<vmem>> -> memref<1x100x16xf32, #tpu.memory_space<vmem>>
      %dma_start3A_743 = tpu.memref_squeeze %dma_start3A_742 : memref<1x100x16xf32, #tpu.memory_space<vmem>> -> memref<100x16xf32, #tpu.memory_space<vmem>>
      %dma_start3A_744 = arith.constant 0 : i32
      %dma_start3A_745 = tpu.memref_slice %arg7[%add3A_738, %dma_start3A_744] : memref<100x100xi32, #tpu.memory_space<vmem>> -> memref<1x100xi32, #tpu.memory_space<vmem>>
      %dma_start3A_746 = tpu.memref_squeeze %dma_start3A_745 : memref<1x100xi32, #tpu.memory_space<vmem>> -> memref<100xi32, #tpu.memory_space<vmem>>
      %dma_start3A_747 = arith.constant 0 : i32
      %dma_start3A_748 = arith.constant 0 : i32
      %dma_start3A_749 = tpu.memref_slice %arg11[%dma_start3A_747, %dma_start3A_748] : memref<10112x16xf32, #tpu.memory_space<vmem_shared>> -> memref<10112x16xf32, #tpu.memory_space<vmem_shared>>
      tpu.enqueue_indirect_dma source(%dma_start3A_743 : memref<100x16xf32, #tpu.memory_space<vmem>>) target(%dma_start3A_749 : memref<10112x16xf32, #tpu.memory_space<vmem_shared>>) offsets(%dma_start3A_746 : memref<100xi32, #tpu.memory_space<vmem>>) semaphore(%arg15 : memref<!tpu.dma_semaphore, #tpu.memory_space<semaphore_mem>>) {add = true}
      %add3A_750 = arith.constant 9 : i32
      %add3A_751 = arith.addi %add3A_24, %add3A_750 : i32
      %dma_start3A_752 = arith.constant 9 : i32
      %dma_start3A_753 = arith.constant 0 : i32
      %dma_start3A_754 = arith.constant 0 : i32
      %dma_start3A_755 = tpu.memref_slice %arg9[%dma_start3A_752, %dma_start3A_753, %dma_start3A_754] : memref<10x100x16xf32, #tpu.memory_space<vmem>> -> memref<1x100x16xf32, #tpu.memory_space<vmem>>
      %dma_start3A_756 = tpu.memref_squeeze %dma_start3A_755 : memref<1x100x16xf32, #tpu.memory_space<vmem>> -> memref<100x16xf32, #tpu.memory_space<vmem>>
      %dma_start3A_757 = arith.constant 0 : i32
      %dma_start3A_758 = tpu.memref_slice %arg7[%add3A_751, %dma_start3A_757] : memref<100x100xi32, #tpu.memory_space<vmem>> -> memref<1x100xi32, #tpu.memory_space<vmem>>
      %dma_start3A_759 = tpu.memref_squeeze %dma_start3A_758 : memref<1x100xi32, #tpu.memory_space<vmem>> -> memref<100xi32, #tpu.memory_space<vmem>>
      %dma_start3A_760 = arith.constant 0 : i32
      %dma_start3A_761 = arith.constant 0 : i32
      %dma_start3A_762 = tpu.memref_slice %arg11[%dma_start3A_760, %dma_start3A_761] : memref<10112x16xf32, #tpu.memory_space<vmem_shared>> -> memref<10112x16xf32, #tpu.memory_space<vmem_shared>>
      tpu.enqueue_indirect_dma source(%dma_start3A_756 : memref<100x16xf32, #tpu.memory_space<vmem>>) target(%dma_start3A_762 : memref<10112x16xf32, #tpu.memory_space<vmem_shared>>) offsets(%dma_start3A_759 : memref<100xi32, #tpu.memory_space<vmem>>) semaphore(%arg15 : memref<!tpu.dma_semaphore, #tpu.memory_space<semaphore_mem>>) {add = true}
      %dma_wait3A_763 = arith.constant 0 : i32
      %dma_wait3A_764 = arith.constant 0 : i32
      %dma_wait3A_765 = arith.constant 0 : i32
      %dma_wait3A_766 = tpu.memref_slice %arg8[%dma_wait3A_763, %dma_wait3A_764, %dma_wait3A_765] : memref<10x100x16xf32, #tpu.memory_space<vmem>> -> memref<1x100x16xf32, #tpu.memory_space<vmem>>
      %dma_wait3A_767 = tpu.memref_squeeze %dma_wait3A_766 : memref<1x100x16xf32, #tpu.memory_space<vmem>> -> memref<100x16xf32, #tpu.memory_space<vmem>>
      %dma_wait3A_768 = arith.constant 0 : i32
      %dma_wait3A_769 = tpu.memref_slice %arg7[%add3A_394, %dma_wait3A_768] : memref<100x100xi32, #tpu.memory_space<vmem>> -> memref<1x100xi32, #tpu.memory_space<vmem>>
      %dma_wait3A_770 = tpu.memref_squeeze %dma_wait3A_769 : memref<1x100xi32, #tpu.memory_space<vmem>> -> memref<100xi32, #tpu.memory_space<vmem>>
      %dma_wait3A_771 = arith.constant 0 : i32
      %dma_wait3A_772 = arith.constant 0 : i32
      %dma_wait3A_773 = tpu.memref_slice %arg11[%dma_wait3A_771, %dma_wait3A_772] : memref<10112x16xf32, #tpu.memory_space<vmem_shared>> -> memref<10112x16xf32, #tpu.memory_space<vmem_shared>>
      tpu.wait_indirect_dma semaphore(%arg14 : memref<!tpu.dma_semaphore, #tpu.memory_space<semaphore_mem>>) src(%dma_wait3A_767 : memref<100x16xf32, #tpu.memory_space<vmem>>) dst(%dma_wait3A_773 : memref<10112x16xf32, #tpu.memory_space<vmem_shared>>)
      %dma_wait3A_774 = arith.constant 1 : i32
      %dma_wait3A_775 = arith.constant 0 : i32
      %dma_wait3A_776 = arith.constant 0 : i32
      %dma_wait3A_777 = tpu.memref_slice %arg8[%dma_wait3A_774, %dma_wait3A_775, %dma_wait3A_776] : memref<10x100x16xf32, #tpu.memory_space<vmem>> -> memref<1x100x16xf32, #tpu.memory_space<vmem>>
      %dma_wait3A_778 = tpu.memref_squeeze %dma_wait3A_777 : memref<1x100x16xf32, #tpu.memory_space<vmem>> -> memref<100x16xf32, #tpu.memory_space<vmem>>
      %dma_wait3A_779 = arith.constant 0 : i32
      %dma_wait3A_780 = tpu.memref_slice %arg7[%add3A_407, %dma_wait3A_779] : memref<100x100xi32, #tpu.memory_space<vmem>> -> memref<1x100xi32, #tpu.memory_space<vmem>>
      %dma_wait3A_781 = tpu.memref_squeeze %dma_wait3A_780 : memref<1x100xi32, #tpu.memory_space<vmem>> -> memref<100xi32, #tpu.memory_space<vmem>>
      %dma_wait3A_782 = arith.constant 0 : i32
      %dma_wait3A_783 = arith.constant 0 : i32
      %dma_wait3A_784 = tpu.memref_slice %arg11[%dma_wait3A_782, %dma_wait3A_783] : memref<10112x16xf32, #tpu.memory_space<vmem_shared>> -> memref<10112x16xf32, #tpu.memory_space<vmem_shared>>
      tpu.wait_indirect_dma semaphore(%arg14 : memref<!tpu.dma_semaphore, #tpu.memory_space<semaphore_mem>>) src(%dma_wait3A_778 : memref<100x16xf32, #tpu.memory_space<vmem>>) dst(%dma_wait3A_784 : memref<10112x16xf32, #tpu.memory_space<vmem_shared>>)
      %dma_wait3A_785 = arith.constant 2 : i32
      %dma_wait3A_786 = arith.constant 0 : i32
      %dma_wait3A_787 = arith.constant 0 : i32
      %dma_wait3A_788 = tpu.memref_slice %arg8[%dma_wait3A_785, %dma_wait3A_786, %dma_wait3A_787] : memref<10x100x16xf32, #tpu.memory_space<vmem>> -> memref<1x100x16xf32, #tpu.memory_space<vmem>>
      %dma_wait3A_789 = tpu.memref_squeeze %dma_wait3A_788 : memref<1x100x16xf32, #tpu.memory_space<vmem>> -> memref<100x16xf32, #tpu.memory_space<vmem>>
      %dma_wait3A_790 = arith.constant 0 : i32
      %dma_wait3A_791 = tpu.memref_slice %arg7[%add3A_420, %dma_wait3A_790] : memref<100x100xi32, #tpu.memory_space<vmem>> -> memref<1x100xi32, #tpu.memory_space<vmem>>
      %dma_wait3A_792 = tpu.memref_squeeze %dma_wait3A_791 : memref<1x100xi32, #tpu.memory_space<vmem>> -> memref<100xi32, #tpu.memory_space<vmem>>
      %dma_wait3A_793 = arith.constant 0 : i32
      %dma_wait3A_794 = arith.constant 0 : i32
      %dma_wait3A_795 = tpu.memref_slice %arg11[%dma_wait3A_793, %dma_wait3A_794] : memref<10112x16xf32, #tpu.memory_space<vmem_shared>> -> memref<10112x16xf32, #tpu.memory_space<vmem_shared>>
      tpu.wait_indirect_dma semaphore(%arg14 : memref<!tpu.dma_semaphore, #tpu.memory_space<semaphore_mem>>) src(%dma_wait3A_789 : memref<100x16xf32, #tpu.memory_space<vmem>>) dst(%dma_wait3A_795 : memref<10112x16xf32, #tpu.memory_space<vmem_shared>>)
      %dma_wait3A_796 = arith.constant 3 : i32
      %dma_wait3A_797 = arith.constant 0 : i32
      %dma_wait3A_798 = arith.constant 0 : i32
      %dma_wait3A_799 = tpu.memref_slice %arg8[%dma_wait3A_796, %dma_wait3A_797, %dma_wait3A_798] : memref<10x100x16xf32, #tpu.memory_space<vmem>> -> memref<1x100x16xf32, #tpu.memory_space<vmem>>
      %dma_wait3A_800 = tpu.memref_squeeze %dma_wait3A_799 : memref<1x100x16xf32, #tpu.memory_space<vmem>> -> memref<100x16xf32, #tpu.memory_space<vmem>>
      %dma_wait3A_801 = arith.constant 0 : i32
      %dma_wait3A_802 = tpu.memref_slice %arg7[%add3A_433, %dma_wait3A_801] : memref<100x100xi32, #tpu.memory_space<vmem>> -> memref<1x100xi32, #tpu.memory_space<vmem>>
      %dma_wait3A_803 = tpu.memref_squeeze %dma_wait3A_802 : memref<1x100xi32, #tpu.memory_space<vmem>> -> memref<100xi32, #tpu.memory_space<vmem>>
      %dma_wait3A_804 = arith.constant 0 : i32
      %dma_wait3A_805 = arith.constant 0 : i32
      %dma_wait3A_806 = tpu.memref_slice %arg11[%dma_wait3A_804, %dma_wait3A_805] : memref<10112x16xf32, #tpu.memory_space<vmem_shared>> -> memref<10112x16xf32, #tpu.memory_space<vmem_shared>>
      tpu.wait_indirect_dma semaphore(%arg14 : memref<!tpu.dma_semaphore, #tpu.memory_space<semaphore_mem>>) src(%dma_wait3A_800 : memref<100x16xf32, #tpu.memory_space<vmem>>) dst(%dma_wait3A_806 : memref<10112x16xf32, #tpu.memory_space<vmem_shared>>)
      %dma_wait3A_807 = arith.constant 4 : i32
      %dma_wait3A_808 = arith.constant 0 : i32
      %dma_wait3A_809 = arith.constant 0 : i32
      %dma_wait3A_810 = tpu.memref_slice %arg8[%dma_wait3A_807, %dma_wait3A_808, %dma_wait3A_809] : memref<10x100x16xf32, #tpu.memory_space<vmem>> -> memref<1x100x16xf32, #tpu.memory_space<vmem>>
      %dma_wait3A_811 = tpu.memref_squeeze %dma_wait3A_810 : memref<1x100x16xf32, #tpu.memory_space<vmem>> -> memref<100x16xf32, #tpu.memory_space<vmem>>
      %dma_wait3A_812 = arith.constant 0 : i32
      %dma_wait3A_813 = tpu.memref_slice %arg7[%add3A_446, %dma_wait3A_812] : memref<100x100xi32, #tpu.memory_space<vmem>> -> memref<1x100xi32, #tpu.memory_space<vmem>>
      %dma_wait3A_814 = tpu.memref_squeeze %dma_wait3A_813 : memref<1x100xi32, #tpu.memory_space<vmem>> -> memref<100xi32, #tpu.memory_space<vmem>>
      %dma_wait3A_815 = arith.constant 0 : i32
      %dma_wait3A_816 = arith.constant 0 : i32
      %dma_wait3A_817 = tpu.memref_slice %arg11[%dma_wait3A_815, %dma_wait3A_816] : memref<10112x16xf32, #tpu.memory_space<vmem_shared>> -> memref<10112x16xf32, #tpu.memory_space<vmem_shared>>
      tpu.wait_indirect_dma semaphore(%arg14 : memref<!tpu.dma_semaphore, #tpu.memory_space<semaphore_mem>>) src(%dma_wait3A_811 : memref<100x16xf32, #tpu.memory_space<vmem>>) dst(%dma_wait3A_817 : memref<10112x16xf32, #tpu.memory_space<vmem_shared>>)
      %dma_wait3A_818 = arith.constant 5 : i32
      %dma_wait3A_819 = arith.constant 0 : i32
      %dma_wait3A_820 = arith.constant 0 : i32
      %dma_wait3A_821 = tpu.memref_slice %arg8[%dma_wait3A_818, %dma_wait3A_819, %dma_wait3A_820] : memref<10x100x16xf32, #tpu.memory_space<vmem>> -> memref<1x100x16xf32, #tpu.memory_space<vmem>>
      %dma_wait3A_822 = tpu.memref_squeeze %dma_wait3A_821 : memref<1x100x16xf32, #tpu.memory_space<vmem>> -> memref<100x16xf32, #tpu.memory_space<vmem>>
      %dma_wait3A_823 = arith.constant 0 : i32
      %dma_wait3A_824 = tpu.memref_slice %arg7[%add3A_459, %dma_wait3A_823] : memref<100x100xi32, #tpu.memory_space<vmem>> -> memref<1x100xi32, #tpu.memory_space<vmem>>
      %dma_wait3A_825 = tpu.memref_squeeze %dma_wait3A_824 : memref<1x100xi32, #tpu.memory_space<vmem>> -> memref<100xi32, #tpu.memory_space<vmem>>
      %dma_wait3A_826 = arith.constant 0 : i32
      %dma_wait3A_827 = arith.constant 0 : i32
      %dma_wait3A_828 = tpu.memref_slice %arg11[%dma_wait3A_826, %dma_wait3A_827] : memref<10112x16xf32, #tpu.memory_space<vmem_shared>> -> memref<10112x16xf32, #tpu.memory_space<vmem_shared>>
      tpu.wait_indirect_dma semaphore(%arg14 : memref<!tpu.dma_semaphore, #tpu.memory_space<semaphore_mem>>) src(%dma_wait3A_822 : memref<100x16xf32, #tpu.memory_space<vmem>>) dst(%dma_wait3A_828 : memref<10112x16xf32, #tpu.memory_space<vmem_shared>>)
      %dma_wait3A_829 = arith.constant 6 : i32
      %dma_wait3A_830 = arith.constant 0 : i32
      %dma_wait3A_831 = arith.constant 0 : i32
      %dma_wait3A_832 = tpu.memref_slice %arg8[%dma_wait3A_829, %dma_wait3A_830, %dma_wait3A_831] : memref<10x100x16xf32, #tpu.memory_space<vmem>> -> memref<1x100x16xf32, #tpu.memory_space<vmem>>
      %dma_wait3A_833 = tpu.memref_squeeze %dma_wait3A_832 : memref<1x100x16xf32, #tpu.memory_space<vmem>> -> memref<100x16xf32, #tpu.memory_space<vmem>>
      %dma_wait3A_834 = arith.constant 0 : i32
      %dma_wait3A_835 = tpu.memref_slice %arg7[%add3A_472, %dma_wait3A_834] : memref<100x100xi32, #tpu.memory_space<vmem>> -> memref<1x100xi32, #tpu.memory_space<vmem>>
      %dma_wait3A_836 = tpu.memref_squeeze %dma_wait3A_835 : memref<1x100xi32, #tpu.memory_space<vmem>> -> memref<100xi32, #tpu.memory_space<vmem>>
      %dma_wait3A_837 = arith.constant 0 : i32
      %dma_wait3A_838 = arith.constant 0 : i32
      %dma_wait3A_839 = tpu.memref_slice %arg11[%dma_wait3A_837, %dma_wait3A_838] : memref<10112x16xf32, #tpu.memory_space<vmem_shared>> -> memref<10112x16xf32, #tpu.memory_space<vmem_shared>>
      tpu.wait_indirect_dma semaphore(%arg14 : memref<!tpu.dma_semaphore, #tpu.memory_space<semaphore_mem>>) src(%dma_wait3A_833 : memref<100x16xf32, #tpu.memory_space<vmem>>) dst(%dma_wait3A_839 : memref<10112x16xf32, #tpu.memory_space<vmem_shared>>)
      %dma_wait3A_840 = arith.constant 7 : i32
      %dma_wait3A_841 = arith.constant 0 : i32
      %dma_wait3A_842 = arith.constant 0 : i32
      %dma_wait3A_843 = tpu.memref_slice %arg8[%dma_wait3A_840, %dma_wait3A_841, %dma_wait3A_842] : memref<10x100x16xf32, #tpu.memory_space<vmem>> -> memref<1x100x16xf32, #tpu.memory_space<vmem>>
      %dma_wait3A_844 = tpu.memref_squeeze %dma_wait3A_843 : memref<1x100x16xf32, #tpu.memory_space<vmem>> -> memref<100x16xf32, #tpu.memory_space<vmem>>
      %dma_wait3A_845 = arith.constant 0 : i32
      %dma_wait3A_846 = tpu.memref_slice %arg7[%add3A_485, %dma_wait3A_845] : memref<100x100xi32, #tpu.memory_space<vmem>> -> memref<1x100xi32, #tpu.memory_space<vmem>>
      %dma_wait3A_847 = tpu.memref_squeeze %dma_wait3A_846 : memref<1x100xi32, #tpu.memory_space<vmem>> -> memref<100xi32, #tpu.memory_space<vmem>>
      %dma_wait3A_848 = arith.constant 0 : i32
      %dma_wait3A_849 = arith.constant 0 : i32
      %dma_wait3A_850 = tpu.memref_slice %arg11[%dma_wait3A_848, %dma_wait3A_849] : memref<10112x16xf32, #tpu.memory_space<vmem_shared>> -> memref<10112x16xf32, #tpu.memory_space<vmem_shared>>
      tpu.wait_indirect_dma semaphore(%arg14 : memref<!tpu.dma_semaphore, #tpu.memory_space<semaphore_mem>>) src(%dma_wait3A_844 : memref<100x16xf32, #tpu.memory_space<vmem>>) dst(%dma_wait3A_850 : memref<10112x16xf32, #tpu.memory_space<vmem_shared>>)
      %dma_wait3A_851 = arith.constant 8 : i32
      %dma_wait3A_852 = arith.constant 0 : i32
      %dma_wait3A_853 = arith.constant 0 : i32
      %dma_wait3A_854 = tpu.memref_slice %arg8[%dma_wait3A_851, %dma_wait3A_852, %dma_wait3A_853] : memref<10x100x16xf32, #tpu.memory_space<vmem>> -> memref<1x100x16xf32, #tpu.memory_space<vmem>>
      %dma_wait3A_855 = tpu.memref_squeeze %dma_wait3A_854 : memref<1x100x16xf32, #tpu.memory_space<vmem>> -> memref<100x16xf32, #tpu.memory_space<vmem>>
      %dma_wait3A_856 = arith.constant 0 : i32
      %dma_wait3A_857 = tpu.memref_slice %arg7[%add3A_498, %dma_wait3A_856] : memref<100x100xi32, #tpu.memory_space<vmem>> -> memref<1x100xi32, #tpu.memory_space<vmem>>
      %dma_wait3A_858 = tpu.memref_squeeze %dma_wait3A_857 : memref<1x100xi32, #tpu.memory_space<vmem>> -> memref<100xi32, #tpu.memory_space<vmem>>
      %dma_wait3A_859 = arith.constant 0 : i32
      %dma_wait3A_860 = arith.constant 0 : i32
      %dma_wait3A_861 = tpu.memref_slice %arg11[%dma_wait3A_859, %dma_wait3A_860] : memref<10112x16xf32, #tpu.memory_space<vmem_shared>> -> memref<10112x16xf32, #tpu.memory_space<vmem_shared>>
      tpu.wait_indirect_dma semaphore(%arg14 : memref<!tpu.dma_semaphore, #tpu.memory_space<semaphore_mem>>) src(%dma_wait3A_855 : memref<100x16xf32, #tpu.memory_space<vmem>>) dst(%dma_wait3A_861 : memref<10112x16xf32, #tpu.memory_space<vmem_shared>>)
      %dma_wait3A_862 = arith.constant 9 : i32
      %dma_wait3A_863 = arith.constant 0 : i32
      %dma_wait3A_864 = arith.constant 0 : i32
      %dma_wait3A_865 = tpu.memref_slice %arg8[%dma_wait3A_862, %dma_wait3A_863, %dma_wait3A_864] : memref<10x100x16xf32, #tpu.memory_space<vmem>> -> memref<1x100x16xf32, #tpu.memory_space<vmem>>
      %dma_wait3A_866 = tpu.memref_squeeze %dma_wait3A_865 : memref<1x100x16xf32, #tpu.memory_space<vmem>> -> memref<100x16xf32, #tpu.memory_space<vmem>>
      %dma_wait3A_867 = arith.constant 0 : i32
      %dma_wait3A_868 = tpu.memref_slice %arg7[%add3A_511, %dma_wait3A_867] : memref<100x100xi32, #tpu.memory_space<vmem>> -> memref<1x100xi32, #tpu.memory_space<vmem>>
      %dma_wait3A_869 = tpu.memref_squeeze %dma_wait3A_868 : memref<1x100xi32, #tpu.memory_space<vmem>> -> memref<100xi32, #tpu.memory_space<vmem>>
      %dma_wait3A_870 = arith.constant 0 : i32
      %dma_wait3A_871 = arith.constant 0 : i32
      %dma_wait3A_872 = tpu.memref_slice %arg11[%dma_wait3A_870, %dma_wait3A_871] : memref<10112x16xf32, #tpu.memory_space<vmem_shared>> -> memref<10112x16xf32, #tpu.memory_space<vmem_shared>>
      tpu.wait_indirect_dma semaphore(%arg14 : memref<!tpu.dma_semaphore, #tpu.memory_space<semaphore_mem>>) src(%dma_wait3A_866 : memref<100x16xf32, #tpu.memory_space<vmem>>) dst(%dma_wait3A_872 : memref<10112x16xf32, #tpu.memory_space<vmem_shared>>)
      %dma_wait3A_873 = arith.constant 0 : i32
      %dma_wait3A_874 = arith.constant 0 : i32
      %dma_wait3A_875 = arith.constant 0 : i32
      %dma_wait3A_876 = tpu.memref_slice %arg9[%dma_wait3A_873, %dma_wait3A_874, %dma_wait3A_875] : memref<10x100x16xf32, #tpu.memory_space<vmem>> -> memref<1x100x16xf32, #tpu.memory_space<vmem>>
      %dma_wait3A_877 = tpu.memref_squeeze %dma_wait3A_876 : memref<1x100x16xf32, #tpu.memory_space<vmem>> -> memref<100x16xf32, #tpu.memory_space<vmem>>
      %dma_wait3A_878 = arith.constant 0 : i32
      %dma_wait3A_879 = tpu.memref_slice %arg7[%add3A_634, %dma_wait3A_878] : memref<100x100xi32, #tpu.memory_space<vmem>> -> memref<1x100xi32, #tpu.memory_space<vmem>>
      %dma_wait3A_880 = tpu.memref_squeeze %dma_wait3A_879 : memref<1x100xi32, #tpu.memory_space<vmem>> -> memref<100xi32, #tpu.memory_space<vmem>>
      %dma_wait3A_881 = arith.constant 0 : i32
      %dma_wait3A_882 = arith.constant 0 : i32
      %dma_wait3A_883 = tpu.memref_slice %arg11[%dma_wait3A_881, %dma_wait3A_882] : memref<10112x16xf32, #tpu.memory_space<vmem_shared>> -> memref<10112x16xf32, #tpu.memory_space<vmem_shared>>
      tpu.wait_indirect_dma semaphore(%arg15 : memref<!tpu.dma_semaphore, #tpu.memory_space<semaphore_mem>>) src(%dma_wait3A_877 : memref<100x16xf32, #tpu.memory_space<vmem>>) dst(%dma_wait3A_883 : memref<10112x16xf32, #tpu.memory_space<vmem_shared>>)
      %dma_wait3A_884 = arith.constant 1 : i32
      %dma_wait3A_885 = arith.constant 0 : i32
      %dma_wait3A_886 = arith.constant 0 : i32
      %dma_wait3A_887 = tpu.memref_slice %arg9[%dma_wait3A_884, %dma_wait3A_885, %dma_wait3A_886] : memref<10x100x16xf32, #tpu.memory_space<vmem>> -> memref<1x100x16xf32, #tpu.memory_space<vmem>>
      %dma_wait3A_888 = tpu.memref_squeeze %dma_wait3A_887 : memref<1x100x16xf32, #tpu.memory_space<vmem>> -> memref<100x16xf32, #tpu.memory_space<vmem>>
      %dma_wait3A_889 = arith.constant 0 : i32
      %dma_wait3A_890 = tpu.memref_slice %arg7[%add3A_647, %dma_wait3A_889] : memref<100x100xi32, #tpu.memory_space<vmem>> -> memref<1x100xi32, #tpu.memory_space<vmem>>
      %dma_wait3A_891 = tpu.memref_squeeze %dma_wait3A_890 : memref<1x100xi32, #tpu.memory_space<vmem>> -> memref<100xi32, #tpu.memory_space<vmem>>
      %dma_wait3A_892 = arith.constant 0 : i32
      %dma_wait3A_893 = arith.constant 0 : i32
      %dma_wait3A_894 = tpu.memref_slice %arg11[%dma_wait3A_892, %dma_wait3A_893] : memref<10112x16xf32, #tpu.memory_space<vmem_shared>> -> memref<10112x16xf32, #tpu.memory_space<vmem_shared>>
      tpu.wait_indirect_dma semaphore(%arg15 : memref<!tpu.dma_semaphore, #tpu.memory_space<semaphore_mem>>) src(%dma_wait3A_888 : memref<100x16xf32, #tpu.memory_space<vmem>>) dst(%dma_wait3A_894 : memref<10112x16xf32, #tpu.memory_space<vmem_shared>>)
      %dma_wait3A_895 = arith.constant 2 : i32
      %dma_wait3A_896 = arith.constant 0 : i32
      %dma_wait3A_897 = arith.constant 0 : i32
      %dma_wait3A_898 = tpu.memref_slice %arg9[%dma_wait3A_895, %dma_wait3A_896, %dma_wait3A_897] : memref<10x100x16xf32, #tpu.memory_space<vmem>> -> memref<1x100x16xf32, #tpu.memory_space<vmem>>
      %dma_wait3A_899 = tpu.memref_squeeze %dma_wait3A_898 : memref<1x100x16xf32, #tpu.memory_space<vmem>> -> memref<100x16xf32, #tpu.memory_space<vmem>>
      %dma_wait3A_900 = arith.constant 0 : i32
      %dma_wait3A_901 = tpu.memref_slice %arg7[%add3A_660, %dma_wait3A_900] : memref<100x100xi32, #tpu.memory_space<vmem>> -> memref<1x100xi32, #tpu.memory_space<vmem>>
      %dma_wait3A_902 = tpu.memref_squeeze %dma_wait3A_901 : memref<1x100xi32, #tpu.memory_space<vmem>> -> memref<100xi32, #tpu.memory_space<vmem>>
      %dma_wait3A_903 = arith.constant 0 : i32
      %dma_wait3A_904 = arith.constant 0 : i32
      %dma_wait3A_905 = tpu.memref_slice %arg11[%dma_wait3A_903, %dma_wait3A_904] : memref<10112x16xf32, #tpu.memory_space<vmem_shared>> -> memref<10112x16xf32, #tpu.memory_space<vmem_shared>>
      tpu.wait_indirect_dma semaphore(%arg15 : memref<!tpu.dma_semaphore, #tpu.memory_space<semaphore_mem>>) src(%dma_wait3A_899 : memref<100x16xf32, #tpu.memory_space<vmem>>) dst(%dma_wait3A_905 : memref<10112x16xf32, #tpu.memory_space<vmem_shared>>)
      %dma_wait3A_906 = arith.constant 3 : i32
      %dma_wait3A_907 = arith.constant 0 : i32
      %dma_wait3A_908 = arith.constant 0 : i32
      %dma_wait3A_909 = tpu.memref_slice %arg9[%dma_wait3A_906, %dma_wait3A_907, %dma_wait3A_908] : memref<10x100x16xf32, #tpu.memory_space<vmem>> -> memref<1x100x16xf32, #tpu.memory_space<vmem>>
      %dma_wait3A_910 = tpu.memref_squeeze %dma_wait3A_909 : memref<1x100x16xf32, #tpu.memory_space<vmem>> -> memref<100x16xf32, #tpu.memory_space<vmem>>
      %dma_wait3A_911 = arith.constant 0 : i32
      %dma_wait3A_912 = tpu.memref_slice %arg7[%add3A_673, %dma_wait3A_911] : memref<100x100xi32, #tpu.memory_space<vmem>> -> memref<1x100xi32, #tpu.memory_space<vmem>>
      %dma_wait3A_913 = tpu.memref_squeeze %dma_wait3A_912 : memref<1x100xi32, #tpu.memory_space<vmem>> -> memref<100xi32, #tpu.memory_space<vmem>>
      %dma_wait3A_914 = arith.constant 0 : i32
      %dma_wait3A_915 = arith.constant 0 : i32
      %dma_wait3A_916 = tpu.memref_slice %arg11[%dma_wait3A_914, %dma_wait3A_915] : memref<10112x16xf32, #tpu.memory_space<vmem_shared>> -> memref<10112x16xf32, #tpu.memory_space<vmem_shared>>
      tpu.wait_indirect_dma semaphore(%arg15 : memref<!tpu.dma_semaphore, #tpu.memory_space<semaphore_mem>>) src(%dma_wait3A_910 : memref<100x16xf32, #tpu.memory_space<vmem>>) dst(%dma_wait3A_916 : memref<10112x16xf32, #tpu.memory_space<vmem_shared>>)
      %dma_wait3A_917 = arith.constant 4 : i32
      %dma_wait3A_918 = arith.constant 0 : i32
      %dma_wait3A_919 = arith.constant 0 : i32
      %dma_wait3A_920 = tpu.memref_slice %arg9[%dma_wait3A_917, %dma_wait3A_918, %dma_wait3A_919] : memref<10x100x16xf32, #tpu.memory_space<vmem>> -> memref<1x100x16xf32, #tpu.memory_space<vmem>>
      %dma_wait3A_921 = tpu.memref_squeeze %dma_wait3A_920 : memref<1x100x16xf32, #tpu.memory_space<vmem>> -> memref<100x16xf32, #tpu.memory_space<vmem>>
      %dma_wait3A_922 = arith.constant 0 : i32
      %dma_wait3A_923 = tpu.memref_slice %arg7[%add3A_686, %dma_wait3A_922] : memref<100x100xi32, #tpu.memory_space<vmem>> -> memref<1x100xi32, #tpu.memory_space<vmem>>
      %dma_wait3A_924 = tpu.memref_squeeze %dma_wait3A_923 : memref<1x100xi32, #tpu.memory_space<vmem>> -> memref<100xi32, #tpu.memory_space<vmem>>
      %dma_wait3A_925 = arith.constant 0 : i32
      %dma_wait3A_926 = arith.constant 0 : i32
      %dma_wait3A_927 = tpu.memref_slice %arg11[%dma_wait3A_925, %dma_wait3A_926] : memref<10112x16xf32, #tpu.memory_space<vmem_shared>> -> memref<10112x16xf32, #tpu.memory_space<vmem_shared>>
      tpu.wait_indirect_dma semaphore(%arg15 : memref<!tpu.dma_semaphore, #tpu.memory_space<semaphore_mem>>) src(%dma_wait3A_921 : memref<100x16xf32, #tpu.memory_space<vmem>>) dst(%dma_wait3A_927 : memref<10112x16xf32, #tpu.memory_space<vmem_shared>>)
      %dma_wait3A_928 = arith.constant 5 : i32
      %dma_wait3A_929 = arith.constant 0 : i32
      %dma_wait3A_930 = arith.constant 0 : i32
      %dma_wait3A_931 = tpu.memref_slice %arg9[%dma_wait3A_928, %dma_wait3A_929, %dma_wait3A_930] : memref<10x100x16xf32, #tpu.memory_space<vmem>> -> memref<1x100x16xf32, #tpu.memory_space<vmem>>
      %dma_wait3A_932 = tpu.memref_squeeze %dma_wait3A_931 : memref<1x100x16xf32, #tpu.memory_space<vmem>> -> memref<100x16xf32, #tpu.memory_space<vmem>>
      %dma_wait3A_933 = arith.constant 0 : i32
      %dma_wait3A_934 = tpu.memref_slice %arg7[%add3A_699, %dma_wait3A_933] : memref<100x100xi32, #tpu.memory_space<vmem>> -> memref<1x100xi32, #tpu.memory_space<vmem>>
      %dma_wait3A_935 = tpu.memref_squeeze %dma_wait3A_934 : memref<1x100xi32, #tpu.memory_space<vmem>> -> memref<100xi32, #tpu.memory_space<vmem>>
      %dma_wait3A_936 = arith.constant 0 : i32
      %dma_wait3A_937 = arith.constant 0 : i32
      %dma_wait3A_938 = tpu.memref_slice %arg11[%dma_wait3A_936, %dma_wait3A_937] : memref<10112x16xf32, #tpu.memory_space<vmem_shared>> -> memref<10112x16xf32, #tpu.memory_space<vmem_shared>>
      tpu.wait_indirect_dma semaphore(%arg15 : memref<!tpu.dma_semaphore, #tpu.memory_space<semaphore_mem>>) src(%dma_wait3A_932 : memref<100x16xf32, #tpu.memory_space<vmem>>) dst(%dma_wait3A_938 : memref<10112x16xf32, #tpu.memory_space<vmem_shared>>)
      %dma_wait3A_939 = arith.constant 6 : i32
      %dma_wait3A_940 = arith.constant 0 : i32
      %dma_wait3A_941 = arith.constant 0 : i32
      %dma_wait3A_942 = tpu.memref_slice %arg9[%dma_wait3A_939, %dma_wait3A_940, %dma_wait3A_941] : memref<10x100x16xf32, #tpu.memory_space<vmem>> -> memref<1x100x16xf32, #tpu.memory_space<vmem>>
      %dma_wait3A_943 = tpu.memref_squeeze %dma_wait3A_942 : memref<1x100x16xf32, #tpu.memory_space<vmem>> -> memref<100x16xf32, #tpu.memory_space<vmem>>
      %dma_wait3A_944 = arith.constant 0 : i32
      %dma_wait3A_945 = tpu.memref_slice %arg7[%add3A_712, %dma_wait3A_944] : memref<100x100xi32, #tpu.memory_space<vmem>> -> memref<1x100xi32, #tpu.memory_space<vmem>>
      %dma_wait3A_946 = tpu.memref_squeeze %dma_wait3A_945 : memref<1x100xi32, #tpu.memory_space<vmem>> -> memref<100xi32, #tpu.memory_space<vmem>>
      %dma_wait3A_947 = arith.constant 0 : i32
      %dma_wait3A_948 = arith.constant 0 : i32
      %dma_wait3A_949 = tpu.memref_slice %arg11[%dma_wait3A_947, %dma_wait3A_948] : memref<10112x16xf32, #tpu.memory_space<vmem_shared>> -> memref<10112x16xf32, #tpu.memory_space<vmem_shared>>
      tpu.wait_indirect_dma semaphore(%arg15 : memref<!tpu.dma_semaphore, #tpu.memory_space<semaphore_mem>>) src(%dma_wait3A_943 : memref<100x16xf32, #tpu.memory_space<vmem>>) dst(%dma_wait3A_949 : memref<10112x16xf32, #tpu.memory_space<vmem_shared>>)
      %dma_wait3A_950 = arith.constant 7 : i32
      %dma_wait3A_951 = arith.constant 0 : i32
      %dma_wait3A_952 = arith.constant 0 : i32
      %dma_wait3A_953 = tpu.memref_slice %arg9[%dma_wait3A_950, %dma_wait3A_951, %dma_wait3A_952] : memref<10x100x16xf32, #tpu.memory_space<vmem>> -> memref<1x100x16xf32, #tpu.memory_space<vmem>>
      %dma_wait3A_954 = tpu.memref_squeeze %dma_wait3A_953 : memref<1x100x16xf32, #tpu.memory_space<vmem>> -> memref<100x16xf32, #tpu.memory_space<vmem>>
      %dma_wait3A_955 = arith.constant 0 : i32
      %dma_wait3A_956 = tpu.memref_slice %arg7[%add3A_725, %dma_wait3A_955] : memref<100x100xi32, #tpu.memory_space<vmem>> -> memref<1x100xi32, #tpu.memory_space<vmem>>
      %dma_wait3A_957 = tpu.memref_squeeze %dma_wait3A_956 : memref<1x100xi32, #tpu.memory_space<vmem>> -> memref<100xi32, #tpu.memory_space<vmem>>
      %dma_wait3A_958 = arith.constant 0 : i32
      %dma_wait3A_959 = arith.constant 0 : i32
      %dma_wait3A_960 = tpu.memref_slice %arg11[%dma_wait3A_958, %dma_wait3A_959] : memref<10112x16xf32, #tpu.memory_space<vmem_shared>> -> memref<10112x16xf32, #tpu.memory_space<vmem_shared>>
      tpu.wait_indirect_dma semaphore(%arg15 : memref<!tpu.dma_semaphore, #tpu.memory_space<semaphore_mem>>) src(%dma_wait3A_954 : memref<100x16xf32, #tpu.memory_space<vmem>>) dst(%dma_wait3A_960 : memref<10112x16xf32, #tpu.memory_space<vmem_shared>>)
      %dma_wait3A_961 = arith.constant 8 : i32
      %dma_wait3A_962 = arith.constant 0 : i32
      %dma_wait3A_963 = arith.constant 0 : i32
      %dma_wait3A_964 = tpu.memref_slice %arg9[%dma_wait3A_961, %dma_wait3A_962, %dma_wait3A_963] : memref<10x100x16xf32, #tpu.memory_space<vmem>> -> memref<1x100x16xf32, #tpu.memory_space<vmem>>
      %dma_wait3A_965 = tpu.memref_squeeze %dma_wait3A_964 : memref<1x100x16xf32, #tpu.memory_space<vmem>> -> memref<100x16xf32, #tpu.memory_space<vmem>>
      %dma_wait3A_966 = arith.constant 0 : i32
      %dma_wait3A_967 = tpu.memref_slice %arg7[%add3A_738, %dma_wait3A_966] : memref<100x100xi32, #tpu.memory_space<vmem>> -> memref<1x100xi32, #tpu.memory_space<vmem>>
      %dma_wait3A_968 = tpu.memref_squeeze %dma_wait3A_967 : memref<1x100xi32, #tpu.memory_space<vmem>> -> memref<100xi32, #tpu.memory_space<vmem>>
      %dma_wait3A_969 = arith.constant 0 : i32
      %dma_wait3A_970 = arith.constant 0 : i32
      %dma_wait3A_971 = tpu.memref_slice %arg11[%dma_wait3A_969, %dma_wait3A_970] : memref<10112x16xf32, #tpu.memory_space<vmem_shared>> -> memref<10112x16xf32, #tpu.memory_space<vmem_shared>>
      tpu.wait_indirect_dma semaphore(%arg15 : memref<!tpu.dma_semaphore, #tpu.memory_space<semaphore_mem>>) src(%dma_wait3A_965 : memref<100x16xf32, #tpu.memory_space<vmem>>) dst(%dma_wait3A_971 : memref<10112x16xf32, #tpu.memory_space<vmem_shared>>)
      %dma_wait3A_972 = arith.constant 9 : i32
      %dma_wait3A_973 = arith.constant 0 : i32
      %dma_wait3A_974 = arith.constant 0 : i32
      %dma_wait3A_975 = tpu.memref_slice %arg9[%dma_wait3A_972, %dma_wait3A_973, %dma_wait3A_974] : memref<10x100x16xf32, #tpu.memory_space<vmem>> -> memref<1x100x16xf32, #tpu.memory_space<vmem>>
      %dma_wait3A_976 = tpu.memref_squeeze %dma_wait3A_975 : memref<1x100x16xf32, #tpu.memory_space<vmem>> -> memref<100x16xf32, #tpu.memory_space<vmem>>
      %dma_wait3A_977 = arith.constant 0 : i32
      %dma_wait3A_978 = tpu.memref_slice %arg7[%add3A_751, %dma_wait3A_977] : memref<100x100xi32, #tpu.memory_space<vmem>> -> memref<1x100xi32, #tpu.memory_space<vmem>>
      %dma_wait3A_979 = tpu.memref_squeeze %dma_wait3A_978 : memref<1x100xi32, #tpu.memory_space<vmem>> -> memref<100xi32, #tpu.memory_space<vmem>>
      %dma_wait3A_980 = arith.constant 0 : i32
      %dma_wait3A_981 = arith.constant 0 : i32
      %dma_wait3A_982 = tpu.memref_slice %arg11[%dma_wait3A_980, %dma_wait3A_981] : memref<10112x16xf32, #tpu.memory_space<vmem_shared>> -> memref<10112x16xf32, #tpu.memory_space<vmem_shared>>
      tpu.wait_indirect_dma semaphore(%arg15 : memref<!tpu.dma_semaphore, #tpu.memory_space<semaphore_mem>>) src(%dma_wait3A_976 : memref<100x16xf32, #tpu.memory_space<vmem>>) dst(%dma_wait3A_982 : memref<10112x16xf32, #tpu.memory_space<vmem_shared>>)
    }
    %scan3A_12 = arith.constant 5 : i32
    %barrier3A_13 = arith.constant 0 : index
    tpu.barrier barrier_id(%barrier3A_13)
    %mul3A_14 = arith.constant 632 : i32
    %mul3A_15 = arith.muli %arg1, %mul3A_14 : i32
    "tpu.region"() ({
      %run_scoped3A_18 = tpu.sem_alloc : memref<!tpu.dma_semaphore, #tpu.memory_space<semaphore_mem>>
      %dma_start3A = arith.constant 0 : i32
      %dma_start3A_19 = tpu.memref_slice %arg11[%mul3A_15, %dma_start3A] : memref<10112x16xf32, #tpu.memory_space<vmem_shared>> -> memref<632x16xf32, #tpu.memory_space<vmem_shared>>
      %dma_start3A_20 = arith.constant 0 : i32
      %dma_start3A_21 = tpu.memref_slice %arg11[%mul3A_15, %dma_start3A_20] : memref<10112x16xf32, #tpu.memory_space<vmem_shared>> -> memref<632x16xf32, #tpu.memory_space<vmem_shared>>
      tpu.enqueue_dma source(%dma_start3A_21 : memref<632x16xf32, #tpu.memory_space<vmem_shared>>) target(%arg10 : memref<632x16xf32, #tpu.memory_space<vmem>>) target_semaphore(%run_scoped3A_18 : memref<!tpu.dma_semaphore, #tpu.memory_space<semaphore_mem>>)
      %dma_wait3A = arith.constant 0 : i32
      %dma_wait3A_22 = tpu.memref_slice %arg11[%mul3A_15, %dma_wait3A] : memref<10112x16xf32, #tpu.memory_space<vmem_shared>> -> memref<632x16xf32, #tpu.memory_space<vmem_shared>>
      %dma_wait3A_23 = arith.constant 0 : i32
      %dma_wait3A_24 = tpu.memref_slice %arg11[%mul3A_15, %dma_wait3A_23] : memref<10112x16xf32, #tpu.memory_space<vmem_shared>> -> memref<632x16xf32, #tpu.memory_space<vmem_shared>>
      tpu.wait_dma2 semaphore(%run_scoped3A_18 : memref<!tpu.dma_semaphore, #tpu.memory_space<semaphore_mem>>) src(%dma_wait3A_24 : memref<632x16xf32, #tpu.memory_space<vmem_shared>>) dst(%arg10 : memref<632x16xf32, #tpu.memory_space<vmem>>)
      tpu.yield
    }) : () -> ()
    %mul3A_16 = arith.constant 632 : i32
    %mul3A_17 = arith.muli %arg1, %mul3A_16 : i32
    %multiple_of3A = tpu.assume_multiple %mul3A_17, 8 : i32
    "tpu.region"() ({
      %run_scoped3A_18 = tpu.sem_alloc : memref<!tpu.dma_semaphore, #tpu.memory_space<semaphore_mem>>
      %dma_start3A = arith.constant 0 : i32
      %dma_start3A_19 = tpu.memref_slice %arg5[%arg0, %multiple_of3A, %dma_start3A] : memref<2x10112x16xf32, #tpu.memory_space<hbm>> -> memref<1x632x16xf32, #tpu.memory_space<hbm>>
      %dma_start3A_20 = tpu.memref_squeeze %dma_start3A_19 : memref<1x632x16xf32, #tpu.memory_space<hbm>> -> memref<632x16xf32, #tpu.memory_space<hbm>>
      %dma_start3A_21 = arith.constant 0 : i32
      %dma_start3A_22 = tpu.memref_slice %arg5[%arg0, %multiple_of3A, %dma_start3A_21] : memref<2x10112x16xf32, #tpu.memory_space<hbm>> -> memref<1x632x16xf32, #tpu.memory_space<hbm>>
      %dma_start3A_23 = tpu.memref_squeeze %dma_start3A_22 : memref<1x632x16xf32, #tpu.memory_space<hbm>> -> memref<632x16xf32, #tpu.memory_space<hbm>>
      tpu.enqueue_dma source(%arg10 : memref<632x16xf32, #tpu.memory_space<vmem>>) target(%dma_start3A_23 : memref<632x16xf32, #tpu.memory_space<hbm>>) target_semaphore(%run_scoped3A_18 : memref<!tpu.dma_semaphore, #tpu.memory_space<semaphore_mem>>)
      %dma_wait3A = arith.constant 0 : i32
      %dma_wait3A_24 = tpu.memref_slice %arg5[%arg0, %multiple_of3A, %dma_wait3A] : memref<2x10112x16xf32, #tpu.memory_space<hbm>> -> memref<1x632x16xf32, #tpu.memory_space<hbm>>
      %dma_wait3A_25 = tpu.memref_squeeze %dma_wait3A_24 : memref<1x632x16xf32, #tpu.memory_space<hbm>> -> memref<632x16xf32, #tpu.memory_space<hbm>>
      %dma_wait3A_26 = arith.constant 0 : i32
      %dma_wait3A_27 = tpu.memref_slice %arg5[%arg0, %multiple_of3A, %dma_wait3A_26] : memref<2x10112x16xf32, #tpu.memory_space<hbm>> -> memref<1x632x16xf32, #tpu.memory_space<hbm>>
      %dma_wait3A_28 = tpu.memref_squeeze %dma_wait3A_27 : memref<1x632x16xf32, #tpu.memory_space<hbm>> -> memref<632x16xf32, #tpu.memory_space<hbm>>
      tpu.wait_dma2 semaphore(%run_scoped3A_18 : memref<!tpu.dma_semaphore, #tpu.memory_space<semaphore_mem>>) src(%arg10 : memref<632x16xf32, #tpu.memory_space<vmem>>) dst(%dma_wait3A_28 : memref<632x16xf32, #tpu.memory_space<hbm>>)
      tpu.yield
    }) : () -> ()
    return
  }
}

#map = affine_map<(d0, d1) -> (0, 0, 0)>
#map1 = affine_map<(d0, d1) -> (0)>
module attributes {stable_mosaic.version = 14 : i64} {
  func.func @body(%arg0: i32, %arg1: i32, %arg2: memref<2x3200x100xi32, #tpu.memory_space<hbm>>, %arg3: memref<632xf32, #tpu.memory_space<hbm>>, %arg4: memref<100xf32, #tpu.memory_space<hbm>>, %arg5: memref<20224xf32, #tpu.memory_space<hbm>>, %arg6: memref<100x100xi32, #tpu.memory_space<vmem>>, %arg7: memref<100xf32, #tpu.memory_space<vmem>>, %arg8: memref<632xf32, #tpu.memory_space<vmem>>, %arg9: memref<10112xf32, #tpu.memory_space<vmem_shared>>, %arg10: memref<!tpu.dma_semaphore, #tpu.memory_space<semaphore_mem>>) attributes {dimension_semantics = [#tpu.dimension_semantics<core_parallel>, #tpu.dimension_semantics<subcore_parallel>], iteration_bounds = array<i64: 2, 16>, scalar_prefetch = 0 : i64, scratch_operands = 5 : i64, tpu.core_type = #tpu.core_type<sc_vector_subcore>, window_params = [{transform_indices = #map}, {transform_indices = #map1}, {transform_indices = #map1}, {transform_indices = #map1}]} {
    %mul3A = arith.constant 16 : i32
    %mul3A_0 = arith.muli %arg0, %mul3A : i32
    %add3A = arith.addi %mul3A_0, %arg1 : i32
    "tpu.region"() ({
      %run_scoped3A_18 = tpu.sem_alloc : memref<!tpu.dma_semaphore, #tpu.memory_space<semaphore_mem>>
      tpu.enqueue_dma source(%arg3 : memref<632xf32, #tpu.memory_space<hbm>>) target(%arg8 : memref<632xf32, #tpu.memory_space<vmem>>) target_semaphore(%run_scoped3A_18 : memref<!tpu.dma_semaphore, #tpu.memory_space<semaphore_mem>>)
      tpu.wait_dma2 semaphore(%run_scoped3A_18 : memref<!tpu.dma_semaphore, #tpu.memory_space<semaphore_mem>>) src(%arg3 : memref<632xf32, #tpu.memory_space<hbm>>) dst(%arg8 : memref<632xf32, #tpu.memory_space<vmem>>)
      tpu.yield
    }) : () -> ()
    %mul3A_1 = arith.constant 632 : i32
    %mul3A_2 = arith.muli %arg1, %mul3A_1 : i32
    "tpu.region"() ({
      %run_scoped3A_18 = tpu.sem_alloc : memref<!tpu.dma_semaphore, #tpu.memory_space<semaphore_mem>>
      %dma_start3A = tpu.memref_slice %arg9[%mul3A_2] : memref<10112xf32, #tpu.memory_space<vmem_shared>> -> memref<632xf32, #tpu.memory_space<vmem_shared>>
      %dma_start3A_19 = tpu.memref_slice %arg9[%mul3A_2] : memref<10112xf32, #tpu.memory_space<vmem_shared>> -> memref<632xf32, #tpu.memory_space<vmem_shared>>
      tpu.enqueue_dma source(%arg8 : memref<632xf32, #tpu.memory_space<vmem>>) target(%dma_start3A_19 : memref<632xf32, #tpu.memory_space<vmem_shared>>) target_semaphore(%run_scoped3A_18 : memref<!tpu.dma_semaphore, #tpu.memory_space<semaphore_mem>>)
      %dma_wait3A = tpu.memref_slice %arg9[%mul3A_2] : memref<10112xf32, #tpu.memory_space<vmem_shared>> -> memref<632xf32, #tpu.memory_space<vmem_shared>>
      %dma_wait3A_20 = tpu.memref_slice %arg9[%mul3A_2] : memref<10112xf32, #tpu.memory_space<vmem_shared>> -> memref<632xf32, #tpu.memory_space<vmem_shared>>
      tpu.wait_dma2 semaphore(%run_scoped3A_18 : memref<!tpu.dma_semaphore, #tpu.memory_space<semaphore_mem>>) src(%arg8 : memref<632xf32, #tpu.memory_space<vmem>>) dst(%dma_wait3A_20 : memref<632xf32, #tpu.memory_space<vmem_shared>>)
      tpu.yield
    }) : () -> ()
    "tpu.region"() ({
      %run_scoped3A_18 = tpu.sem_alloc : memref<!tpu.dma_semaphore, #tpu.memory_space<semaphore_mem>>
      tpu.enqueue_dma source(%arg4 : memref<100xf32, #tpu.memory_space<hbm>>) target(%arg7 : memref<100xf32, #tpu.memory_space<vmem>>) target_semaphore(%run_scoped3A_18 : memref<!tpu.dma_semaphore, #tpu.memory_space<semaphore_mem>>)
      tpu.wait_dma2 semaphore(%run_scoped3A_18 : memref<!tpu.dma_semaphore, #tpu.memory_space<semaphore_mem>>) src(%arg4 : memref<100xf32, #tpu.memory_space<hbm>>) dst(%arg7 : memref<100xf32, #tpu.memory_space<vmem>>)
      tpu.yield
    }) : () -> ()
    %mul3A_3 = arith.constant 100 : i32
    %mul3A_4 = arith.muli %add3A, %mul3A_3 : i32
    %run_scoped3A = arith.constant 1 : i32
    "tpu.region"() ({
      %run_scoped3A_18 = tpu.sem_alloc : memref<!tpu.dma_semaphore, #tpu.memory_space<semaphore_mem>>
      %dma_start3A = arith.constant 0 : i32
      %dma_start3A_19 = arith.constant 0 : i32
      %dma_start3A_20 = tpu.memref_slice %arg2[%run_scoped3A, %dma_start3A, %dma_start3A_19] : memref<2x3200x100xi32, #tpu.memory_space<hbm>> -> memref<1x3200x100xi32, #tpu.memory_space<hbm>>
      %dma_start3A_21 = tpu.memref_squeeze %dma_start3A_20 : memref<1x3200x100xi32, #tpu.memory_space<hbm>> -> memref<3200x100xi32, #tpu.memory_space<hbm>>
      %dma_start3A_22 = arith.constant 0 : i32
      %dma_start3A_23 = tpu.memref_slice %dma_start3A_21[%mul3A_4, %dma_start3A_22] : memref<3200x100xi32, #tpu.memory_space<hbm>> -> memref<100x100xi32, #tpu.memory_space<hbm>>
      %dma_start3A_24 = arith.constant 0 : i32
      %dma_start3A_25 = arith.constant 0 : i32
      %dma_start3A_26 = tpu.memref_slice %arg2[%run_scoped3A, %dma_start3A_24, %dma_start3A_25] : memref<2x3200x100xi32, #tpu.memory_space<hbm>> -> memref<1x3200x100xi32, #tpu.memory_space<hbm>>
      %dma_start3A_27 = tpu.memref_squeeze %dma_start3A_26 : memref<1x3200x100xi32, #tpu.memory_space<hbm>> -> memref<3200x100xi32, #tpu.memory_space<hbm>>
      %dma_start3A_28 = arith.constant 0 : i32
      %dma_start3A_29 = tpu.memref_slice %dma_start3A_27[%mul3A_4, %dma_start3A_28] : memref<3200x100xi32, #tpu.memory_space<hbm>> -> memref<100x100xi32, #tpu.memory_space<hbm>>
      tpu.enqueue_dma source(%dma_start3A_29 : memref<100x100xi32, #tpu.memory_space<hbm>>) target(%arg6 : memref<100x100xi32, #tpu.memory_space<vmem>>) target_semaphore(%run_scoped3A_18 : memref<!tpu.dma_semaphore, #tpu.memory_space<semaphore_mem>>)
      %dma_wait3A = arith.constant 0 : i32
      %dma_wait3A_30 = arith.constant 0 : i32
      %dma_wait3A_31 = tpu.memref_slice %arg2[%run_scoped3A, %dma_wait3A, %dma_wait3A_30] : memref<2x3200x100xi32, #tpu.memory_space<hbm>> -> memref<1x3200x100xi32, #tpu.memory_space<hbm>>
      %dma_wait3A_32 = tpu.memref_squeeze %dma_wait3A_31 : memref<1x3200x100xi32, #tpu.memory_space<hbm>> -> memref<3200x100xi32, #tpu.memory_space<hbm>>
      %dma_wait3A_33 = arith.constant 0 : i32
      %dma_wait3A_34 = tpu.memref_slice %dma_wait3A_32[%mul3A_4, %dma_wait3A_33] : memref<3200x100xi32, #tpu.memory_space<hbm>> -> memref<100x100xi32, #tpu.memory_space<hbm>>
      %dma_wait3A_35 = arith.constant 0 : i32
      %dma_wait3A_36 = arith.constant 0 : i32
      %dma_wait3A_37 = tpu.memref_slice %arg2[%run_scoped3A, %dma_wait3A_35, %dma_wait3A_36] : memref<2x3200x100xi32, #tpu.memory_space<hbm>> -> memref<1x3200x100xi32, #tpu.memory_space<hbm>>
      %dma_wait3A_38 = tpu.memref_squeeze %dma_wait3A_37 : memref<1x3200x100xi32, #tpu.memory_space<hbm>> -> memref<3200x100xi32, #tpu.memory_space<hbm>>
      %dma_wait3A_39 = arith.constant 0 : i32
      %dma_wait3A_40 = tpu.memref_slice %dma_wait3A_38[%mul3A_4, %dma_wait3A_39] : memref<3200x100xi32, #tpu.memory_space<hbm>> -> memref<100x100xi32, #tpu.memory_space<hbm>>
      tpu.wait_dma2 semaphore(%run_scoped3A_18 : memref<!tpu.dma_semaphore, #tpu.memory_space<semaphore_mem>>) src(%dma_wait3A_40 : memref<100x100xi32, #tpu.memory_space<hbm>>) dst(%arg6 : memref<100x100xi32, #tpu.memory_space<vmem>>)
      tpu.yield
    }) : () -> ()
    %barrier3A = arith.constant 0 : index
    tpu.barrier barrier_id(%barrier3A)
    %scan3A = arith.constant 0 : i32
    %scan3A_5 = arith.constant 0 : i32
    %scan3A_6 = arith.constant 5 : i32
    %scan3A_7 = arith.addi %scan3A_5, %scan3A_6 : i32
    %scan3A_8 = arith.constant 1 : i32
    scf.for %scan3A_18 = %scan3A_5 to %scan3A_7 step %scan3A_8  : i32 {
      %mul3A_19 = arith.constant 2 : i32
      %mul3A_20 = arith.muli %scan3A_18, %mul3A_19 : i32
      %mul3A_21 = arith.constant 10 : i32
      %mul3A_22 = arith.muli %mul3A_20, %mul3A_21 : i32
      %add3A_23 = arith.constant 0 : i32
      %add3A_24 = arith.addi %mul3A_22, %add3A_23 : i32
      %dma_start3A = arith.constant 0 : i32
      %dma_start3A_25 = tpu.memref_slice %arg6[%add3A_24, %dma_start3A] : memref<100x100xi32, #tpu.memory_space<vmem>> -> memref<1x100xi32, #tpu.memory_space<vmem>>
      %dma_start3A_26 = tpu.memref_squeeze %dma_start3A_25 : memref<1x100xi32, #tpu.memory_space<vmem>> -> memref<100xi32, #tpu.memory_space<vmem>>
      %dma_start3A_27 = arith.constant 0 : i32
      %dma_start3A_28 = tpu.memref_slice %arg9[%dma_start3A_27] : memref<10112xf32, #tpu.memory_space<vmem_shared>> -> memref<10112xf32, #tpu.memory_space<vmem_shared>>
      tpu.enqueue_indirect_dma source(%arg7 : memref<100xf32, #tpu.memory_space<vmem>>) target(%dma_start3A_28 : memref<10112xf32, #tpu.memory_space<vmem_shared>>) offsets(%dma_start3A_26 : memref<100xi32, #tpu.memory_space<vmem>>) semaphore(%arg10 : memref<!tpu.dma_semaphore, #tpu.memory_space<semaphore_mem>>) {add = true}
      %mul3A_29 = arith.constant 2 : i32
      %mul3A_30 = arith.muli %scan3A_18, %mul3A_29 : i32
      %mul3A_31 = arith.constant 10 : i32
      %mul3A_32 = arith.muli %mul3A_30, %mul3A_31 : i32
      %add3A_33 = arith.constant 1 : i32
      %add3A_34 = arith.addi %mul3A_32, %add3A_33 : i32
      %dma_start3A_35 = arith.constant 0 : i32
      %dma_start3A_36 = tpu.memref_slice %arg6[%add3A_34, %dma_start3A_35] : memref<100x100xi32, #tpu.memory_space<vmem>> -> memref<1x100xi32, #tpu.memory_space<vmem>>
      %dma_start3A_37 = tpu.memref_squeeze %dma_start3A_36 : memref<1x100xi32, #tpu.memory_space<vmem>> -> memref<100xi32, #tpu.memory_space<vmem>>
      %dma_start3A_38 = arith.constant 0 : i32
      %dma_start3A_39 = tpu.memref_slice %arg9[%dma_start3A_38] : memref<10112xf32, #tpu.memory_space<vmem_shared>> -> memref<10112xf32, #tpu.memory_space<vmem_shared>>
      tpu.enqueue_indirect_dma source(%arg7 : memref<100xf32, #tpu.memory_space<vmem>>) target(%dma_start3A_39 : memref<10112xf32, #tpu.memory_space<vmem_shared>>) offsets(%dma_start3A_37 : memref<100xi32, #tpu.memory_space<vmem>>) semaphore(%arg10 : memref<!tpu.dma_semaphore, #tpu.memory_space<semaphore_mem>>) {add = true}
      %mul3A_40 = arith.constant 2 : i32
      %mul3A_41 = arith.muli %scan3A_18, %mul3A_40 : i32
      %mul3A_42 = arith.constant 10 : i32
      %mul3A_43 = arith.muli %mul3A_41, %mul3A_42 : i32
      %add3A_44 = arith.constant 2 : i32
      %add3A_45 = arith.addi %mul3A_43, %add3A_44 : i32
      %dma_start3A_46 = arith.constant 0 : i32
      %dma_start3A_47 = tpu.memref_slice %arg6[%add3A_45, %dma_start3A_46] : memref<100x100xi32, #tpu.memory_space<vmem>> -> memref<1x100xi32, #tpu.memory_space<vmem>>
      %dma_start3A_48 = tpu.memref_squeeze %dma_start3A_47 : memref<1x100xi32, #tpu.memory_space<vmem>> -> memref<100xi32, #tpu.memory_space<vmem>>
      %dma_start3A_49 = arith.constant 0 : i32
      %dma_start3A_50 = tpu.memref_slice %arg9[%dma_start3A_49] : memref<10112xf32, #tpu.memory_space<vmem_shared>> -> memref<10112xf32, #tpu.memory_space<vmem_shared>>
      tpu.enqueue_indirect_dma source(%arg7 : memref<100xf32, #tpu.memory_space<vmem>>) target(%dma_start3A_50 : memref<10112xf32, #tpu.memory_space<vmem_shared>>) offsets(%dma_start3A_48 : memref<100xi32, #tpu.memory_space<vmem>>) semaphore(%arg10 : memref<!tpu.dma_semaphore, #tpu.memory_space<semaphore_mem>>) {add = true}
      %mul3A_51 = arith.constant 2 : i32
      %mul3A_52 = arith.muli %scan3A_18, %mul3A_51 : i32
      %mul3A_53 = arith.constant 10 : i32
      %mul3A_54 = arith.muli %mul3A_52, %mul3A_53 : i32
      %add3A_55 = arith.constant 3 : i32
      %add3A_56 = arith.addi %mul3A_54, %add3A_55 : i32
      %dma_start3A_57 = arith.constant 0 : i32
      %dma_start3A_58 = tpu.memref_slice %arg6[%add3A_56, %dma_start3A_57] : memref<100x100xi32, #tpu.memory_space<vmem>> -> memref<1x100xi32, #tpu.memory_space<vmem>>
      %dma_start3A_59 = tpu.memref_squeeze %dma_start3A_58 : memref<1x100xi32, #tpu.memory_space<vmem>> -> memref<100xi32, #tpu.memory_space<vmem>>
      %dma_start3A_60 = arith.constant 0 : i32
      %dma_start3A_61 = tpu.memref_slice %arg9[%dma_start3A_60] : memref<10112xf32, #tpu.memory_space<vmem_shared>> -> memref<10112xf32, #tpu.memory_space<vmem_shared>>
      tpu.enqueue_indirect_dma source(%arg7 : memref<100xf32, #tpu.memory_space<vmem>>) target(%dma_start3A_61 : memref<10112xf32, #tpu.memory_space<vmem_shared>>) offsets(%dma_start3A_59 : memref<100xi32, #tpu.memory_space<vmem>>) semaphore(%arg10 : memref<!tpu.dma_semaphore, #tpu.memory_space<semaphore_mem>>) {add = true}
      %mul3A_62 = arith.constant 2 : i32
      %mul3A_63 = arith.muli %scan3A_18, %mul3A_62 : i32
      %mul3A_64 = arith.constant 10 : i32
      %mul3A_65 = arith.muli %mul3A_63, %mul3A_64 : i32
      %add3A_66 = arith.constant 4 : i32
      %add3A_67 = arith.addi %mul3A_65, %add3A_66 : i32
      %dma_start3A_68 = arith.constant 0 : i32
      %dma_start3A_69 = tpu.memref_slice %arg6[%add3A_67, %dma_start3A_68] : memref<100x100xi32, #tpu.memory_space<vmem>> -> memref<1x100xi32, #tpu.memory_space<vmem>>
      %dma_start3A_70 = tpu.memref_squeeze %dma_start3A_69 : memref<1x100xi32, #tpu.memory_space<vmem>> -> memref<100xi32, #tpu.memory_space<vmem>>
      %dma_start3A_71 = arith.constant 0 : i32
      %dma_start3A_72 = tpu.memref_slice %arg9[%dma_start3A_71] : memref<10112xf32, #tpu.memory_space<vmem_shared>> -> memref<10112xf32, #tpu.memory_space<vmem_shared>>
      tpu.enqueue_indirect_dma source(%arg7 : memref<100xf32, #tpu.memory_space<vmem>>) target(%dma_start3A_72 : memref<10112xf32, #tpu.memory_space<vmem_shared>>) offsets(%dma_start3A_70 : memref<100xi32, #tpu.memory_space<vmem>>) semaphore(%arg10 : memref<!tpu.dma_semaphore, #tpu.memory_space<semaphore_mem>>) {add = true}
      %mul3A_73 = arith.constant 2 : i32
      %mul3A_74 = arith.muli %scan3A_18, %mul3A_73 : i32
      %mul3A_75 = arith.constant 10 : i32
      %mul3A_76 = arith.muli %mul3A_74, %mul3A_75 : i32
      %add3A_77 = arith.constant 5 : i32
      %add3A_78 = arith.addi %mul3A_76, %add3A_77 : i32
      %dma_start3A_79 = arith.constant 0 : i32
      %dma_start3A_80 = tpu.memref_slice %arg6[%add3A_78, %dma_start3A_79] : memref<100x100xi32, #tpu.memory_space<vmem>> -> memref<1x100xi32, #tpu.memory_space<vmem>>
      %dma_start3A_81 = tpu.memref_squeeze %dma_start3A_80 : memref<1x100xi32, #tpu.memory_space<vmem>> -> memref<100xi32, #tpu.memory_space<vmem>>
      %dma_start3A_82 = arith.constant 0 : i32
      %dma_start3A_83 = tpu.memref_slice %arg9[%dma_start3A_82] : memref<10112xf32, #tpu.memory_space<vmem_shared>> -> memref<10112xf32, #tpu.memory_space<vmem_shared>>
      tpu.enqueue_indirect_dma source(%arg7 : memref<100xf32, #tpu.memory_space<vmem>>) target(%dma_start3A_83 : memref<10112xf32, #tpu.memory_space<vmem_shared>>) offsets(%dma_start3A_81 : memref<100xi32, #tpu.memory_space<vmem>>) semaphore(%arg10 : memref<!tpu.dma_semaphore, #tpu.memory_space<semaphore_mem>>) {add = true}
      %mul3A_84 = arith.constant 2 : i32
      %mul3A_85 = arith.muli %scan3A_18, %mul3A_84 : i32
      %mul3A_86 = arith.constant 10 : i32
      %mul3A_87 = arith.muli %mul3A_85, %mul3A_86 : i32
      %add3A_88 = arith.constant 6 : i32
      %add3A_89 = arith.addi %mul3A_87, %add3A_88 : i32
      %dma_start3A_90 = arith.constant 0 : i32
      %dma_start3A_91 = tpu.memref_slice %arg6[%add3A_89, %dma_start3A_90] : memref<100x100xi32, #tpu.memory_space<vmem>> -> memref<1x100xi32, #tpu.memory_space<vmem>>
      %dma_start3A_92 = tpu.memref_squeeze %dma_start3A_91 : memref<1x100xi32, #tpu.memory_space<vmem>> -> memref<100xi32, #tpu.memory_space<vmem>>
      %dma_start3A_93 = arith.constant 0 : i32
      %dma_start3A_94 = tpu.memref_slice %arg9[%dma_start3A_93] : memref<10112xf32, #tpu.memory_space<vmem_shared>> -> memref<10112xf32, #tpu.memory_space<vmem_shared>>
      tpu.enqueue_indirect_dma source(%arg7 : memref<100xf32, #tpu.memory_space<vmem>>) target(%dma_start3A_94 : memref<10112xf32, #tpu.memory_space<vmem_shared>>) offsets(%dma_start3A_92 : memref<100xi32, #tpu.memory_space<vmem>>) semaphore(%arg10 : memref<!tpu.dma_semaphore, #tpu.memory_space<semaphore_mem>>) {add = true}
      %mul3A_95 = arith.constant 2 : i32
      %mul3A_96 = arith.muli %scan3A_18, %mul3A_95 : i32
      %mul3A_97 = arith.constant 10 : i32
      %mul3A_98 = arith.muli %mul3A_96, %mul3A_97 : i32
      %add3A_99 = arith.constant 7 : i32
      %add3A_100 = arith.addi %mul3A_98, %add3A_99 : i32
      %dma_start3A_101 = arith.constant 0 : i32
      %dma_start3A_102 = tpu.memref_slice %arg6[%add3A_100, %dma_start3A_101] : memref<100x100xi32, #tpu.memory_space<vmem>> -> memref<1x100xi32, #tpu.memory_space<vmem>>
      %dma_start3A_103 = tpu.memref_squeeze %dma_start3A_102 : memref<1x100xi32, #tpu.memory_space<vmem>> -> memref<100xi32, #tpu.memory_space<vmem>>
      %dma_start3A_104 = arith.constant 0 : i32
      %dma_start3A_105 = tpu.memref_slice %arg9[%dma_start3A_104] : memref<10112xf32, #tpu.memory_space<vmem_shared>> -> memref<10112xf32, #tpu.memory_space<vmem_shared>>
      tpu.enqueue_indirect_dma source(%arg7 : memref<100xf32, #tpu.memory_space<vmem>>) target(%dma_start3A_105 : memref<10112xf32, #tpu.memory_space<vmem_shared>>) offsets(%dma_start3A_103 : memref<100xi32, #tpu.memory_space<vmem>>) semaphore(%arg10 : memref<!tpu.dma_semaphore, #tpu.memory_space<semaphore_mem>>) {add = true}
      %mul3A_106 = arith.constant 2 : i32
      %mul3A_107 = arith.muli %scan3A_18, %mul3A_106 : i32
      %mul3A_108 = arith.constant 10 : i32
      %mul3A_109 = arith.muli %mul3A_107, %mul3A_108 : i32
      %add3A_110 = arith.constant 8 : i32
      %add3A_111 = arith.addi %mul3A_109, %add3A_110 : i32
      %dma_start3A_112 = arith.constant 0 : i32
      %dma_start3A_113 = tpu.memref_slice %arg6[%add3A_111, %dma_start3A_112] : memref<100x100xi32, #tpu.memory_space<vmem>> -> memref<1x100xi32, #tpu.memory_space<vmem>>
      %dma_start3A_114 = tpu.memref_squeeze %dma_start3A_113 : memref<1x100xi32, #tpu.memory_space<vmem>> -> memref<100xi32, #tpu.memory_space<vmem>>
      %dma_start3A_115 = arith.constant 0 : i32
      %dma_start3A_116 = tpu.memref_slice %arg9[%dma_start3A_115] : memref<10112xf32, #tpu.memory_space<vmem_shared>> -> memref<10112xf32, #tpu.memory_space<vmem_shared>>
      tpu.enqueue_indirect_dma source(%arg7 : memref<100xf32, #tpu.memory_space<vmem>>) target(%dma_start3A_116 : memref<10112xf32, #tpu.memory_space<vmem_shared>>) offsets(%dma_start3A_114 : memref<100xi32, #tpu.memory_space<vmem>>) semaphore(%arg10 : memref<!tpu.dma_semaphore, #tpu.memory_space<semaphore_mem>>) {add = true}
      %mul3A_117 = arith.constant 2 : i32
      %mul3A_118 = arith.muli %scan3A_18, %mul3A_117 : i32
      %mul3A_119 = arith.constant 10 : i32
      %mul3A_120 = arith.muli %mul3A_118, %mul3A_119 : i32
      %add3A_121 = arith.constant 9 : i32
      %add3A_122 = arith.addi %mul3A_120, %add3A_121 : i32
      %dma_start3A_123 = arith.constant 0 : i32
      %dma_start3A_124 = tpu.memref_slice %arg6[%add3A_122, %dma_start3A_123] : memref<100x100xi32, #tpu.memory_space<vmem>> -> memref<1x100xi32, #tpu.memory_space<vmem>>
      %dma_start3A_125 = tpu.memref_squeeze %dma_start3A_124 : memref<1x100xi32, #tpu.memory_space<vmem>> -> memref<100xi32, #tpu.memory_space<vmem>>
      %dma_start3A_126 = arith.constant 0 : i32
      %dma_start3A_127 = tpu.memref_slice %arg9[%dma_start3A_126] : memref<10112xf32, #tpu.memory_space<vmem_shared>> -> memref<10112xf32, #tpu.memory_space<vmem_shared>>
      tpu.enqueue_indirect_dma source(%arg7 : memref<100xf32, #tpu.memory_space<vmem>>) target(%dma_start3A_127 : memref<10112xf32, #tpu.memory_space<vmem_shared>>) offsets(%dma_start3A_125 : memref<100xi32, #tpu.memory_space<vmem>>) semaphore(%arg10 : memref<!tpu.dma_semaphore, #tpu.memory_space<semaphore_mem>>) {add = true}
      %mul3A_128 = arith.constant 2 : i32
      %mul3A_129 = arith.muli %scan3A_18, %mul3A_128 : i32
      %mul3A_130 = arith.constant 10 : i32
      %mul3A_131 = arith.muli %mul3A_129, %mul3A_130 : i32
      %add3A_132 = arith.constant 10 : i32
      %add3A_133 = arith.addi %mul3A_131, %add3A_132 : i32
      %dma_start3A_134 = arith.constant 0 : i32
      %dma_start3A_135 = tpu.memref_slice %arg6[%add3A_133, %dma_start3A_134] : memref<100x100xi32, #tpu.memory_space<vmem>> -> memref<1x100xi32, #tpu.memory_space<vmem>>
      %dma_start3A_136 = tpu.memref_squeeze %dma_start3A_135 : memref<1x100xi32, #tpu.memory_space<vmem>> -> memref<100xi32, #tpu.memory_space<vmem>>
      %dma_start3A_137 = arith.constant 0 : i32
      %dma_start3A_138 = tpu.memref_slice %arg9[%dma_start3A_137] : memref<10112xf32, #tpu.memory_space<vmem_shared>> -> memref<10112xf32, #tpu.memory_space<vmem_shared>>
      tpu.enqueue_indirect_dma source(%arg7 : memref<100xf32, #tpu.memory_space<vmem>>) target(%dma_start3A_138 : memref<10112xf32, #tpu.memory_space<vmem_shared>>) offsets(%dma_start3A_136 : memref<100xi32, #tpu.memory_space<vmem>>) semaphore(%arg10 : memref<!tpu.dma_semaphore, #tpu.memory_space<semaphore_mem>>) {add = true}
      %mul3A_139 = arith.constant 2 : i32
      %mul3A_140 = arith.muli %scan3A_18, %mul3A_139 : i32
      %mul3A_141 = arith.constant 10 : i32
      %mul3A_142 = arith.muli %mul3A_140, %mul3A_141 : i32
      %add3A_143 = arith.constant 11 : i32
      %add3A_144 = arith.addi %mul3A_142, %add3A_143 : i32
      %dma_start3A_145 = arith.constant 0 : i32
      %dma_start3A_146 = tpu.memref_slice %arg6[%add3A_144, %dma_start3A_145] : memref<100x100xi32, #tpu.memory_space<vmem>> -> memref<1x100xi32, #tpu.memory_space<vmem>>
      %dma_start3A_147 = tpu.memref_squeeze %dma_start3A_146 : memref<1x100xi32, #tpu.memory_space<vmem>> -> memref<100xi32, #tpu.memory_space<vmem>>
      %dma_start3A_148 = arith.constant 0 : i32
      %dma_start3A_149 = tpu.memref_slice %arg9[%dma_start3A_148] : memref<10112xf32, #tpu.memory_space<vmem_shared>> -> memref<10112xf32, #tpu.memory_space<vmem_shared>>
      tpu.enqueue_indirect_dma source(%arg7 : memref<100xf32, #tpu.memory_space<vmem>>) target(%dma_start3A_149 : memref<10112xf32, #tpu.memory_space<vmem_shared>>) offsets(%dma_start3A_147 : memref<100xi32, #tpu.memory_space<vmem>>) semaphore(%arg10 : memref<!tpu.dma_semaphore, #tpu.memory_space<semaphore_mem>>) {add = true}
      %mul3A_150 = arith.constant 2 : i32
      %mul3A_151 = arith.muli %scan3A_18, %mul3A_150 : i32
      %mul3A_152 = arith.constant 10 : i32
      %mul3A_153 = arith.muli %mul3A_151, %mul3A_152 : i32
      %add3A_154 = arith.constant 12 : i32
      %add3A_155 = arith.addi %mul3A_153, %add3A_154 : i32
      %dma_start3A_156 = arith.constant 0 : i32
      %dma_start3A_157 = tpu.memref_slice %arg6[%add3A_155, %dma_start3A_156] : memref<100x100xi32, #tpu.memory_space<vmem>> -> memref<1x100xi32, #tpu.memory_space<vmem>>
      %dma_start3A_158 = tpu.memref_squeeze %dma_start3A_157 : memref<1x100xi32, #tpu.memory_space<vmem>> -> memref<100xi32, #tpu.memory_space<vmem>>
      %dma_start3A_159 = arith.constant 0 : i32
      %dma_start3A_160 = tpu.memref_slice %arg9[%dma_start3A_159] : memref<10112xf32, #tpu.memory_space<vmem_shared>> -> memref<10112xf32, #tpu.memory_space<vmem_shared>>
      tpu.enqueue_indirect_dma source(%arg7 : memref<100xf32, #tpu.memory_space<vmem>>) target(%dma_start3A_160 : memref<10112xf32, #tpu.memory_space<vmem_shared>>) offsets(%dma_start3A_158 : memref<100xi32, #tpu.memory_space<vmem>>) semaphore(%arg10 : memref<!tpu.dma_semaphore, #tpu.memory_space<semaphore_mem>>) {add = true}
      %mul3A_161 = arith.constant 2 : i32
      %mul3A_162 = arith.muli %scan3A_18, %mul3A_161 : i32
      %mul3A_163 = arith.constant 10 : i32
      %mul3A_164 = arith.muli %mul3A_162, %mul3A_163 : i32
      %add3A_165 = arith.constant 13 : i32
      %add3A_166 = arith.addi %mul3A_164, %add3A_165 : i32
      %dma_start3A_167 = arith.constant 0 : i32
      %dma_start3A_168 = tpu.memref_slice %arg6[%add3A_166, %dma_start3A_167] : memref<100x100xi32, #tpu.memory_space<vmem>> -> memref<1x100xi32, #tpu.memory_space<vmem>>
      %dma_start3A_169 = tpu.memref_squeeze %dma_start3A_168 : memref<1x100xi32, #tpu.memory_space<vmem>> -> memref<100xi32, #tpu.memory_space<vmem>>
      %dma_start3A_170 = arith.constant 0 : i32
      %dma_start3A_171 = tpu.memref_slice %arg9[%dma_start3A_170] : memref<10112xf32, #tpu.memory_space<vmem_shared>> -> memref<10112xf32, #tpu.memory_space<vmem_shared>>
      tpu.enqueue_indirect_dma source(%arg7 : memref<100xf32, #tpu.memory_space<vmem>>) target(%dma_start3A_171 : memref<10112xf32, #tpu.memory_space<vmem_shared>>) offsets(%dma_start3A_169 : memref<100xi32, #tpu.memory_space<vmem>>) semaphore(%arg10 : memref<!tpu.dma_semaphore, #tpu.memory_space<semaphore_mem>>) {add = true}
      %mul3A_172 = arith.constant 2 : i32
      %mul3A_173 = arith.muli %scan3A_18, %mul3A_172 : i32
      %mul3A_174 = arith.constant 10 : i32
      %mul3A_175 = arith.muli %mul3A_173, %mul3A_174 : i32
      %add3A_176 = arith.constant 14 : i32
      %add3A_177 = arith.addi %mul3A_175, %add3A_176 : i32
      %dma_start3A_178 = arith.constant 0 : i32
      %dma_start3A_179 = tpu.memref_slice %arg6[%add3A_177, %dma_start3A_178] : memref<100x100xi32, #tpu.memory_space<vmem>> -> memref<1x100xi32, #tpu.memory_space<vmem>>
      %dma_start3A_180 = tpu.memref_squeeze %dma_start3A_179 : memref<1x100xi32, #tpu.memory_space<vmem>> -> memref<100xi32, #tpu.memory_space<vmem>>
      %dma_start3A_181 = arith.constant 0 : i32
      %dma_start3A_182 = tpu.memref_slice %arg9[%dma_start3A_181] : memref<10112xf32, #tpu.memory_space<vmem_shared>> -> memref<10112xf32, #tpu.memory_space<vmem_shared>>
      tpu.enqueue_indirect_dma source(%arg7 : memref<100xf32, #tpu.memory_space<vmem>>) target(%dma_start3A_182 : memref<10112xf32, #tpu.memory_space<vmem_shared>>) offsets(%dma_start3A_180 : memref<100xi32, #tpu.memory_space<vmem>>) semaphore(%arg10 : memref<!tpu.dma_semaphore, #tpu.memory_space<semaphore_mem>>) {add = true}
      %mul3A_183 = arith.constant 2 : i32
      %mul3A_184 = arith.muli %scan3A_18, %mul3A_183 : i32
      %mul3A_185 = arith.constant 10 : i32
      %mul3A_186 = arith.muli %mul3A_184, %mul3A_185 : i32
      %add3A_187 = arith.constant 15 : i32
      %add3A_188 = arith.addi %mul3A_186, %add3A_187 : i32
      %dma_start3A_189 = arith.constant 0 : i32
      %dma_start3A_190 = tpu.memref_slice %arg6[%add3A_188, %dma_start3A_189] : memref<100x100xi32, #tpu.memory_space<vmem>> -> memref<1x100xi32, #tpu.memory_space<vmem>>
      %dma_start3A_191 = tpu.memref_squeeze %dma_start3A_190 : memref<1x100xi32, #tpu.memory_space<vmem>> -> memref<100xi32, #tpu.memory_space<vmem>>
      %dma_start3A_192 = arith.constant 0 : i32
      %dma_start3A_193 = tpu.memref_slice %arg9[%dma_start3A_192] : memref<10112xf32, #tpu.memory_space<vmem_shared>> -> memref<10112xf32, #tpu.memory_space<vmem_shared>>
      tpu.enqueue_indirect_dma source(%arg7 : memref<100xf32, #tpu.memory_space<vmem>>) target(%dma_start3A_193 : memref<10112xf32, #tpu.memory_space<vmem_shared>>) offsets(%dma_start3A_191 : memref<100xi32, #tpu.memory_space<vmem>>) semaphore(%arg10 : memref<!tpu.dma_semaphore, #tpu.memory_space<semaphore_mem>>) {add = true}
      %mul3A_194 = arith.constant 2 : i32
      %mul3A_195 = arith.muli %scan3A_18, %mul3A_194 : i32
      %mul3A_196 = arith.constant 10 : i32
      %mul3A_197 = arith.muli %mul3A_195, %mul3A_196 : i32
      %add3A_198 = arith.constant 16 : i32
      %add3A_199 = arith.addi %mul3A_197, %add3A_198 : i32
      %dma_start3A_200 = arith.constant 0 : i32
      %dma_start3A_201 = tpu.memref_slice %arg6[%add3A_199, %dma_start3A_200] : memref<100x100xi32, #tpu.memory_space<vmem>> -> memref<1x100xi32, #tpu.memory_space<vmem>>
      %dma_start3A_202 = tpu.memref_squeeze %dma_start3A_201 : memref<1x100xi32, #tpu.memory_space<vmem>> -> memref<100xi32, #tpu.memory_space<vmem>>
      %dma_start3A_203 = arith.constant 0 : i32
      %dma_start3A_204 = tpu.memref_slice %arg9[%dma_start3A_203] : memref<10112xf32, #tpu.memory_space<vmem_shared>> -> memref<10112xf32, #tpu.memory_space<vmem_shared>>
      tpu.enqueue_indirect_dma source(%arg7 : memref<100xf32, #tpu.memory_space<vmem>>) target(%dma_start3A_204 : memref<10112xf32, #tpu.memory_space<vmem_shared>>) offsets(%dma_start3A_202 : memref<100xi32, #tpu.memory_space<vmem>>) semaphore(%arg10 : memref<!tpu.dma_semaphore, #tpu.memory_space<semaphore_mem>>) {add = true}
      %mul3A_205 = arith.constant 2 : i32
      %mul3A_206 = arith.muli %scan3A_18, %mul3A_205 : i32
      %mul3A_207 = arith.constant 10 : i32
      %mul3A_208 = arith.muli %mul3A_206, %mul3A_207 : i32
      %add3A_209 = arith.constant 17 : i32
      %add3A_210 = arith.addi %mul3A_208, %add3A_209 : i32
      %dma_start3A_211 = arith.constant 0 : i32
      %dma_start3A_212 = tpu.memref_slice %arg6[%add3A_210, %dma_start3A_211] : memref<100x100xi32, #tpu.memory_space<vmem>> -> memref<1x100xi32, #tpu.memory_space<vmem>>
      %dma_start3A_213 = tpu.memref_squeeze %dma_start3A_212 : memref<1x100xi32, #tpu.memory_space<vmem>> -> memref<100xi32, #tpu.memory_space<vmem>>
      %dma_start3A_214 = arith.constant 0 : i32
      %dma_start3A_215 = tpu.memref_slice %arg9[%dma_start3A_214] : memref<10112xf32, #tpu.memory_space<vmem_shared>> -> memref<10112xf32, #tpu.memory_space<vmem_shared>>
      tpu.enqueue_indirect_dma source(%arg7 : memref<100xf32, #tpu.memory_space<vmem>>) target(%dma_start3A_215 : memref<10112xf32, #tpu.memory_space<vmem_shared>>) offsets(%dma_start3A_213 : memref<100xi32, #tpu.memory_space<vmem>>) semaphore(%arg10 : memref<!tpu.dma_semaphore, #tpu.memory_space<semaphore_mem>>) {add = true}
      %mul3A_216 = arith.constant 2 : i32
      %mul3A_217 = arith.muli %scan3A_18, %mul3A_216 : i32
      %mul3A_218 = arith.constant 10 : i32
      %mul3A_219 = arith.muli %mul3A_217, %mul3A_218 : i32
      %add3A_220 = arith.constant 18 : i32
      %add3A_221 = arith.addi %mul3A_219, %add3A_220 : i32
      %dma_start3A_222 = arith.constant 0 : i32
      %dma_start3A_223 = tpu.memref_slice %arg6[%add3A_221, %dma_start3A_222] : memref<100x100xi32, #tpu.memory_space<vmem>> -> memref<1x100xi32, #tpu.memory_space<vmem>>
      %dma_start3A_224 = tpu.memref_squeeze %dma_start3A_223 : memref<1x100xi32, #tpu.memory_space<vmem>> -> memref<100xi32, #tpu.memory_space<vmem>>
      %dma_start3A_225 = arith.constant 0 : i32
      %dma_start3A_226 = tpu.memref_slice %arg9[%dma_start3A_225] : memref<10112xf32, #tpu.memory_space<vmem_shared>> -> memref<10112xf32, #tpu.memory_space<vmem_shared>>
      tpu.enqueue_indirect_dma source(%arg7 : memref<100xf32, #tpu.memory_space<vmem>>) target(%dma_start3A_226 : memref<10112xf32, #tpu.memory_space<vmem_shared>>) offsets(%dma_start3A_224 : memref<100xi32, #tpu.memory_space<vmem>>) semaphore(%arg10 : memref<!tpu.dma_semaphore, #tpu.memory_space<semaphore_mem>>) {add = true}
      %mul3A_227 = arith.constant 2 : i32
      %mul3A_228 = arith.muli %scan3A_18, %mul3A_227 : i32
      %mul3A_229 = arith.constant 10 : i32
      %mul3A_230 = arith.muli %mul3A_228, %mul3A_229 : i32
      %add3A_231 = arith.constant 19 : i32
      %add3A_232 = arith.addi %mul3A_230, %add3A_231 : i32
      %dma_start3A_233 = arith.constant 0 : i32
      %dma_start3A_234 = tpu.memref_slice %arg6[%add3A_232, %dma_start3A_233] : memref<100x100xi32, #tpu.memory_space<vmem>> -> memref<1x100xi32, #tpu.memory_space<vmem>>
      %dma_start3A_235 = tpu.memref_squeeze %dma_start3A_234 : memref<1x100xi32, #tpu.memory_space<vmem>> -> memref<100xi32, #tpu.memory_space<vmem>>
      %dma_start3A_236 = arith.constant 0 : i32
      %dma_start3A_237 = tpu.memref_slice %arg9[%dma_start3A_236] : memref<10112xf32, #tpu.memory_space<vmem_shared>> -> memref<10112xf32, #tpu.memory_space<vmem_shared>>
      tpu.enqueue_indirect_dma source(%arg7 : memref<100xf32, #tpu.memory_space<vmem>>) target(%dma_start3A_237 : memref<10112xf32, #tpu.memory_space<vmem_shared>>) offsets(%dma_start3A_235 : memref<100xi32, #tpu.memory_space<vmem>>) semaphore(%arg10 : memref<!tpu.dma_semaphore, #tpu.memory_space<semaphore_mem>>) {add = true}
      %dma_wait3A = arith.constant 0 : i32
      %dma_wait3A_238 = tpu.memref_slice %arg6[%add3A_24, %dma_wait3A] : memref<100x100xi32, #tpu.memory_space<vmem>> -> memref<1x100xi32, #tpu.memory_space<vmem>>
      %dma_wait3A_239 = tpu.memref_squeeze %dma_wait3A_238 : memref<1x100xi32, #tpu.memory_space<vmem>> -> memref<100xi32, #tpu.memory_space<vmem>>
      %dma_wait3A_240 = arith.constant 0 : i32
      %dma_wait3A_241 = tpu.memref_slice %arg9[%dma_wait3A_240] : memref<10112xf32, #tpu.memory_space<vmem_shared>> -> memref<10112xf32, #tpu.memory_space<vmem_shared>>
      tpu.wait_indirect_dma semaphore(%arg10 : memref<!tpu.dma_semaphore, #tpu.memory_space<semaphore_mem>>) src(%arg7 : memref<100xf32, #tpu.memory_space<vmem>>) dst(%dma_wait3A_241 : memref<10112xf32, #tpu.memory_space<vmem_shared>>)
      %dma_wait3A_242 = arith.constant 0 : i32
      %dma_wait3A_243 = tpu.memref_slice %arg6[%add3A_34, %dma_wait3A_242] : memref<100x100xi32, #tpu.memory_space<vmem>> -> memref<1x100xi32, #tpu.memory_space<vmem>>
      %dma_wait3A_244 = tpu.memref_squeeze %dma_wait3A_243 : memref<1x100xi32, #tpu.memory_space<vmem>> -> memref<100xi32, #tpu.memory_space<vmem>>
      %dma_wait3A_245 = arith.constant 0 : i32
      %dma_wait3A_246 = tpu.memref_slice %arg9[%dma_wait3A_245] : memref<10112xf32, #tpu.memory_space<vmem_shared>> -> memref<10112xf32, #tpu.memory_space<vmem_shared>>
      tpu.wait_indirect_dma semaphore(%arg10 : memref<!tpu.dma_semaphore, #tpu.memory_space<semaphore_mem>>) src(%arg7 : memref<100xf32, #tpu.memory_space<vmem>>) dst(%dma_wait3A_246 : memref<10112xf32, #tpu.memory_space<vmem_shared>>)
      %dma_wait3A_247 = arith.constant 0 : i32
      %dma_wait3A_248 = tpu.memref_slice %arg6[%add3A_45, %dma_wait3A_247] : memref<100x100xi32, #tpu.memory_space<vmem>> -> memref<1x100xi32, #tpu.memory_space<vmem>>
      %dma_wait3A_249 = tpu.memref_squeeze %dma_wait3A_248 : memref<1x100xi32, #tpu.memory_space<vmem>> -> memref<100xi32, #tpu.memory_space<vmem>>
      %dma_wait3A_250 = arith.constant 0 : i32
      %dma_wait3A_251 = tpu.memref_slice %arg9[%dma_wait3A_250] : memref<10112xf32, #tpu.memory_space<vmem_shared>> -> memref<10112xf32, #tpu.memory_space<vmem_shared>>
      tpu.wait_indirect_dma semaphore(%arg10 : memref<!tpu.dma_semaphore, #tpu.memory_space<semaphore_mem>>) src(%arg7 : memref<100xf32, #tpu.memory_space<vmem>>) dst(%dma_wait3A_251 : memref<10112xf32, #tpu.memory_space<vmem_shared>>)
      %dma_wait3A_252 = arith.constant 0 : i32
      %dma_wait3A_253 = tpu.memref_slice %arg6[%add3A_56, %dma_wait3A_252] : memref<100x100xi32, #tpu.memory_space<vmem>> -> memref<1x100xi32, #tpu.memory_space<vmem>>
      %dma_wait3A_254 = tpu.memref_squeeze %dma_wait3A_253 : memref<1x100xi32, #tpu.memory_space<vmem>> -> memref<100xi32, #tpu.memory_space<vmem>>
      %dma_wait3A_255 = arith.constant 0 : i32
      %dma_wait3A_256 = tpu.memref_slice %arg9[%dma_wait3A_255] : memref<10112xf32, #tpu.memory_space<vmem_shared>> -> memref<10112xf32, #tpu.memory_space<vmem_shared>>
      tpu.wait_indirect_dma semaphore(%arg10 : memref<!tpu.dma_semaphore, #tpu.memory_space<semaphore_mem>>) src(%arg7 : memref<100xf32, #tpu.memory_space<vmem>>) dst(%dma_wait3A_256 : memref<10112xf32, #tpu.memory_space<vmem_shared>>)
      %dma_wait3A_257 = arith.constant 0 : i32
      %dma_wait3A_258 = tpu.memref_slice %arg6[%add3A_67, %dma_wait3A_257] : memref<100x100xi32, #tpu.memory_space<vmem>> -> memref<1x100xi32, #tpu.memory_space<vmem>>
      %dma_wait3A_259 = tpu.memref_squeeze %dma_wait3A_258 : memref<1x100xi32, #tpu.memory_space<vmem>> -> memref<100xi32, #tpu.memory_space<vmem>>
      %dma_wait3A_260 = arith.constant 0 : i32
      %dma_wait3A_261 = tpu.memref_slice %arg9[%dma_wait3A_260] : memref<10112xf32, #tpu.memory_space<vmem_shared>> -> memref<10112xf32, #tpu.memory_space<vmem_shared>>
      tpu.wait_indirect_dma semaphore(%arg10 : memref<!tpu.dma_semaphore, #tpu.memory_space<semaphore_mem>>) src(%arg7 : memref<100xf32, #tpu.memory_space<vmem>>) dst(%dma_wait3A_261 : memref<10112xf32, #tpu.memory_space<vmem_shared>>)
      %dma_wait3A_262 = arith.constant 0 : i32
      %dma_wait3A_263 = tpu.memref_slice %arg6[%add3A_78, %dma_wait3A_262] : memref<100x100xi32, #tpu.memory_space<vmem>> -> memref<1x100xi32, #tpu.memory_space<vmem>>
      %dma_wait3A_264 = tpu.memref_squeeze %dma_wait3A_263 : memref<1x100xi32, #tpu.memory_space<vmem>> -> memref<100xi32, #tpu.memory_space<vmem>>
      %dma_wait3A_265 = arith.constant 0 : i32
      %dma_wait3A_266 = tpu.memref_slice %arg9[%dma_wait3A_265] : memref<10112xf32, #tpu.memory_space<vmem_shared>> -> memref<10112xf32, #tpu.memory_space<vmem_shared>>
      tpu.wait_indirect_dma semaphore(%arg10 : memref<!tpu.dma_semaphore, #tpu.memory_space<semaphore_mem>>) src(%arg7 : memref<100xf32, #tpu.memory_space<vmem>>) dst(%dma_wait3A_266 : memref<10112xf32, #tpu.memory_space<vmem_shared>>)
      %dma_wait3A_267 = arith.constant 0 : i32
      %dma_wait3A_268 = tpu.memref_slice %arg6[%add3A_89, %dma_wait3A_267] : memref<100x100xi32, #tpu.memory_space<vmem>> -> memref<1x100xi32, #tpu.memory_space<vmem>>
      %dma_wait3A_269 = tpu.memref_squeeze %dma_wait3A_268 : memref<1x100xi32, #tpu.memory_space<vmem>> -> memref<100xi32, #tpu.memory_space<vmem>>
      %dma_wait3A_270 = arith.constant 0 : i32
      %dma_wait3A_271 = tpu.memref_slice %arg9[%dma_wait3A_270] : memref<10112xf32, #tpu.memory_space<vmem_shared>> -> memref<10112xf32, #tpu.memory_space<vmem_shared>>
      tpu.wait_indirect_dma semaphore(%arg10 : memref<!tpu.dma_semaphore, #tpu.memory_space<semaphore_mem>>) src(%arg7 : memref<100xf32, #tpu.memory_space<vmem>>) dst(%dma_wait3A_271 : memref<10112xf32, #tpu.memory_space<vmem_shared>>)
      %dma_wait3A_272 = arith.constant 0 : i32
      %dma_wait3A_273 = tpu.memref_slice %arg6[%add3A_100, %dma_wait3A_272] : memref<100x100xi32, #tpu.memory_space<vmem>> -> memref<1x100xi32, #tpu.memory_space<vmem>>
      %dma_wait3A_274 = tpu.memref_squeeze %dma_wait3A_273 : memref<1x100xi32, #tpu.memory_space<vmem>> -> memref<100xi32, #tpu.memory_space<vmem>>
      %dma_wait3A_275 = arith.constant 0 : i32
      %dma_wait3A_276 = tpu.memref_slice %arg9[%dma_wait3A_275] : memref<10112xf32, #tpu.memory_space<vmem_shared>> -> memref<10112xf32, #tpu.memory_space<vmem_shared>>
      tpu.wait_indirect_dma semaphore(%arg10 : memref<!tpu.dma_semaphore, #tpu.memory_space<semaphore_mem>>) src(%arg7 : memref<100xf32, #tpu.memory_space<vmem>>) dst(%dma_wait3A_276 : memref<10112xf32, #tpu.memory_space<vmem_shared>>)
      %dma_wait3A_277 = arith.constant 0 : i32
      %dma_wait3A_278 = tpu.memref_slice %arg6[%add3A_111, %dma_wait3A_277] : memref<100x100xi32, #tpu.memory_space<vmem>> -> memref<1x100xi32, #tpu.memory_space<vmem>>
      %dma_wait3A_279 = tpu.memref_squeeze %dma_wait3A_278 : memref<1x100xi32, #tpu.memory_space<vmem>> -> memref<100xi32, #tpu.memory_space<vmem>>
      %dma_wait3A_280 = arith.constant 0 : i32
      %dma_wait3A_281 = tpu.memref_slice %arg9[%dma_wait3A_280] : memref<10112xf32, #tpu.memory_space<vmem_shared>> -> memref<10112xf32, #tpu.memory_space<vmem_shared>>
      tpu.wait_indirect_dma semaphore(%arg10 : memref<!tpu.dma_semaphore, #tpu.memory_space<semaphore_mem>>) src(%arg7 : memref<100xf32, #tpu.memory_space<vmem>>) dst(%dma_wait3A_281 : memref<10112xf32, #tpu.memory_space<vmem_shared>>)
      %dma_wait3A_282 = arith.constant 0 : i32
      %dma_wait3A_283 = tpu.memref_slice %arg6[%add3A_122, %dma_wait3A_282] : memref<100x100xi32, #tpu.memory_space<vmem>> -> memref<1x100xi32, #tpu.memory_space<vmem>>
      %dma_wait3A_284 = tpu.memref_squeeze %dma_wait3A_283 : memref<1x100xi32, #tpu.memory_space<vmem>> -> memref<100xi32, #tpu.memory_space<vmem>>
      %dma_wait3A_285 = arith.constant 0 : i32
      %dma_wait3A_286 = tpu.memref_slice %arg9[%dma_wait3A_285] : memref<10112xf32, #tpu.memory_space<vmem_shared>> -> memref<10112xf32, #tpu.memory_space<vmem_shared>>
      tpu.wait_indirect_dma semaphore(%arg10 : memref<!tpu.dma_semaphore, #tpu.memory_space<semaphore_mem>>) src(%arg7 : memref<100xf32, #tpu.memory_space<vmem>>) dst(%dma_wait3A_286 : memref<10112xf32, #tpu.memory_space<vmem_shared>>)
      %dma_wait3A_287 = arith.constant 0 : i32
      %dma_wait3A_288 = tpu.memref_slice %arg6[%add3A_133, %dma_wait3A_287] : memref<100x100xi32, #tpu.memory_space<vmem>> -> memref<1x100xi32, #tpu.memory_space<vmem>>
      %dma_wait3A_289 = tpu.memref_squeeze %dma_wait3A_288 : memref<1x100xi32, #tpu.memory_space<vmem>> -> memref<100xi32, #tpu.memory_space<vmem>>
      %dma_wait3A_290 = arith.constant 0 : i32
      %dma_wait3A_291 = tpu.memref_slice %arg9[%dma_wait3A_290] : memref<10112xf32, #tpu.memory_space<vmem_shared>> -> memref<10112xf32, #tpu.memory_space<vmem_shared>>
      tpu.wait_indirect_dma semaphore(%arg10 : memref<!tpu.dma_semaphore, #tpu.memory_space<semaphore_mem>>) src(%arg7 : memref<100xf32, #tpu.memory_space<vmem>>) dst(%dma_wait3A_291 : memref<10112xf32, #tpu.memory_space<vmem_shared>>)
      %dma_wait3A_292 = arith.constant 0 : i32
      %dma_wait3A_293 = tpu.memref_slice %arg6[%add3A_144, %dma_wait3A_292] : memref<100x100xi32, #tpu.memory_space<vmem>> -> memref<1x100xi32, #tpu.memory_space<vmem>>
      %dma_wait3A_294 = tpu.memref_squeeze %dma_wait3A_293 : memref<1x100xi32, #tpu.memory_space<vmem>> -> memref<100xi32, #tpu.memory_space<vmem>>
      %dma_wait3A_295 = arith.constant 0 : i32
      %dma_wait3A_296 = tpu.memref_slice %arg9[%dma_wait3A_295] : memref<10112xf32, #tpu.memory_space<vmem_shared>> -> memref<10112xf32, #tpu.memory_space<vmem_shared>>
      tpu.wait_indirect_dma semaphore(%arg10 : memref<!tpu.dma_semaphore, #tpu.memory_space<semaphore_mem>>) src(%arg7 : memref<100xf32, #tpu.memory_space<vmem>>) dst(%dma_wait3A_296 : memref<10112xf32, #tpu.memory_space<vmem_shared>>)
      %dma_wait3A_297 = arith.constant 0 : i32
      %dma_wait3A_298 = tpu.memref_slice %arg6[%add3A_155, %dma_wait3A_297] : memref<100x100xi32, #tpu.memory_space<vmem>> -> memref<1x100xi32, #tpu.memory_space<vmem>>
      %dma_wait3A_299 = tpu.memref_squeeze %dma_wait3A_298 : memref<1x100xi32, #tpu.memory_space<vmem>> -> memref<100xi32, #tpu.memory_space<vmem>>
      %dma_wait3A_300 = arith.constant 0 : i32
      %dma_wait3A_301 = tpu.memref_slice %arg9[%dma_wait3A_300] : memref<10112xf32, #tpu.memory_space<vmem_shared>> -> memref<10112xf32, #tpu.memory_space<vmem_shared>>
      tpu.wait_indirect_dma semaphore(%arg10 : memref<!tpu.dma_semaphore, #tpu.memory_space<semaphore_mem>>) src(%arg7 : memref<100xf32, #tpu.memory_space<vmem>>) dst(%dma_wait3A_301 : memref<10112xf32, #tpu.memory_space<vmem_shared>>)
      %dma_wait3A_302 = arith.constant 0 : i32
      %dma_wait3A_303 = tpu.memref_slice %arg6[%add3A_166, %dma_wait3A_302] : memref<100x100xi32, #tpu.memory_space<vmem>> -> memref<1x100xi32, #tpu.memory_space<vmem>>
      %dma_wait3A_304 = tpu.memref_squeeze %dma_wait3A_303 : memref<1x100xi32, #tpu.memory_space<vmem>> -> memref<100xi32, #tpu.memory_space<vmem>>
      %dma_wait3A_305 = arith.constant 0 : i32
      %dma_wait3A_306 = tpu.memref_slice %arg9[%dma_wait3A_305] : memref<10112xf32, #tpu.memory_space<vmem_shared>> -> memref<10112xf32, #tpu.memory_space<vmem_shared>>
      tpu.wait_indirect_dma semaphore(%arg10 : memref<!tpu.dma_semaphore, #tpu.memory_space<semaphore_mem>>) src(%arg7 : memref<100xf32, #tpu.memory_space<vmem>>) dst(%dma_wait3A_306 : memref<10112xf32, #tpu.memory_space<vmem_shared>>)
      %dma_wait3A_307 = arith.constant 0 : i32
      %dma_wait3A_308 = tpu.memref_slice %arg6[%add3A_177, %dma_wait3A_307] : memref<100x100xi32, #tpu.memory_space<vmem>> -> memref<1x100xi32, #tpu.memory_space<vmem>>
      %dma_wait3A_309 = tpu.memref_squeeze %dma_wait3A_308 : memref<1x100xi32, #tpu.memory_space<vmem>> -> memref<100xi32, #tpu.memory_space<vmem>>
      %dma_wait3A_310 = arith.constant 0 : i32
      %dma_wait3A_311 = tpu.memref_slice %arg9[%dma_wait3A_310] : memref<10112xf32, #tpu.memory_space<vmem_shared>> -> memref<10112xf32, #tpu.memory_space<vmem_shared>>
      tpu.wait_indirect_dma semaphore(%arg10 : memref<!tpu.dma_semaphore, #tpu.memory_space<semaphore_mem>>) src(%arg7 : memref<100xf32, #tpu.memory_space<vmem>>) dst(%dma_wait3A_311 : memref<10112xf32, #tpu.memory_space<vmem_shared>>)
      %dma_wait3A_312 = arith.constant 0 : i32
      %dma_wait3A_313 = tpu.memref_slice %arg6[%add3A_188, %dma_wait3A_312] : memref<100x100xi32, #tpu.memory_space<vmem>> -> memref<1x100xi32, #tpu.memory_space<vmem>>
      %dma_wait3A_314 = tpu.memref_squeeze %dma_wait3A_313 : memref<1x100xi32, #tpu.memory_space<vmem>> -> memref<100xi32, #tpu.memory_space<vmem>>
      %dma_wait3A_315 = arith.constant 0 : i32
      %dma_wait3A_316 = tpu.memref_slice %arg9[%dma_wait3A_315] : memref<10112xf32, #tpu.memory_space<vmem_shared>> -> memref<10112xf32, #tpu.memory_space<vmem_shared>>
      tpu.wait_indirect_dma semaphore(%arg10 : memref<!tpu.dma_semaphore, #tpu.memory_space<semaphore_mem>>) src(%arg7 : memref<100xf32, #tpu.memory_space<vmem>>) dst(%dma_wait3A_316 : memref<10112xf32, #tpu.memory_space<vmem_shared>>)
      %dma_wait3A_317 = arith.constant 0 : i32
      %dma_wait3A_318 = tpu.memref_slice %arg6[%add3A_199, %dma_wait3A_317] : memref<100x100xi32, #tpu.memory_space<vmem>> -> memref<1x100xi32, #tpu.memory_space<vmem>>
      %dma_wait3A_319 = tpu.memref_squeeze %dma_wait3A_318 : memref<1x100xi32, #tpu.memory_space<vmem>> -> memref<100xi32, #tpu.memory_space<vmem>>
      %dma_wait3A_320 = arith.constant 0 : i32
      %dma_wait3A_321 = tpu.memref_slice %arg9[%dma_wait3A_320] : memref<10112xf32, #tpu.memory_space<vmem_shared>> -> memref<10112xf32, #tpu.memory_space<vmem_shared>>
      tpu.wait_indirect_dma semaphore(%arg10 : memref<!tpu.dma_semaphore, #tpu.memory_space<semaphore_mem>>) src(%arg7 : memref<100xf32, #tpu.memory_space<vmem>>) dst(%dma_wait3A_321 : memref<10112xf32, #tpu.memory_space<vmem_shared>>)
      %dma_wait3A_322 = arith.constant 0 : i32
      %dma_wait3A_323 = tpu.memref_slice %arg6[%add3A_210, %dma_wait3A_322] : memref<100x100xi32, #tpu.memory_space<vmem>> -> memref<1x100xi32, #tpu.memory_space<vmem>>
      %dma_wait3A_324 = tpu.memref_squeeze %dma_wait3A_323 : memref<1x100xi32, #tpu.memory_space<vmem>> -> memref<100xi32, #tpu.memory_space<vmem>>
      %dma_wait3A_325 = arith.constant 0 : i32
      %dma_wait3A_326 = tpu.memref_slice %arg9[%dma_wait3A_325] : memref<10112xf32, #tpu.memory_space<vmem_shared>> -> memref<10112xf32, #tpu.memory_space<vmem_shared>>
      tpu.wait_indirect_dma semaphore(%arg10 : memref<!tpu.dma_semaphore, #tpu.memory_space<semaphore_mem>>) src(%arg7 : memref<100xf32, #tpu.memory_space<vmem>>) dst(%dma_wait3A_326 : memref<10112xf32, #tpu.memory_space<vmem_shared>>)
      %dma_wait3A_327 = arith.constant 0 : i32
      %dma_wait3A_328 = tpu.memref_slice %arg6[%add3A_221, %dma_wait3A_327] : memref<100x100xi32, #tpu.memory_space<vmem>> -> memref<1x100xi32, #tpu.memory_space<vmem>>
      %dma_wait3A_329 = tpu.memref_squeeze %dma_wait3A_328 : memref<1x100xi32, #tpu.memory_space<vmem>> -> memref<100xi32, #tpu.memory_space<vmem>>
      %dma_wait3A_330 = arith.constant 0 : i32
      %dma_wait3A_331 = tpu.memref_slice %arg9[%dma_wait3A_330] : memref<10112xf32, #tpu.memory_space<vmem_shared>> -> memref<10112xf32, #tpu.memory_space<vmem_shared>>
      tpu.wait_indirect_dma semaphore(%arg10 : memref<!tpu.dma_semaphore, #tpu.memory_space<semaphore_mem>>) src(%arg7 : memref<100xf32, #tpu.memory_space<vmem>>) dst(%dma_wait3A_331 : memref<10112xf32, #tpu.memory_space<vmem_shared>>)
      %dma_wait3A_332 = arith.constant 0 : i32
      %dma_wait3A_333 = tpu.memref_slice %arg6[%add3A_232, %dma_wait3A_332] : memref<100x100xi32, #tpu.memory_space<vmem>> -> memref<1x100xi32, #tpu.memory_space<vmem>>
      %dma_wait3A_334 = tpu.memref_squeeze %dma_wait3A_333 : memref<1x100xi32, #tpu.memory_space<vmem>> -> memref<100xi32, #tpu.memory_space<vmem>>
      %dma_wait3A_335 = arith.constant 0 : i32
      %dma_wait3A_336 = tpu.memref_slice %arg9[%dma_wait3A_335] : memref<10112xf32, #tpu.memory_space<vmem_shared>> -> memref<10112xf32, #tpu.memory_space<vmem_shared>>
      tpu.wait_indirect_dma semaphore(%arg10 : memref<!tpu.dma_semaphore, #tpu.memory_space<semaphore_mem>>) src(%arg7 : memref<100xf32, #tpu.memory_space<vmem>>) dst(%dma_wait3A_336 : memref<10112xf32, #tpu.memory_space<vmem_shared>>)
    }
    %scan3A_9 = arith.constant 5 : i32
    %barrier3A_10 = arith.constant 0 : index
    tpu.barrier barrier_id(%barrier3A_10)
    %mul3A_11 = arith.constant 632 : i32
    %mul3A_12 = arith.muli %arg1, %mul3A_11 : i32
    "tpu.region"() ({
      %run_scoped3A_18 = tpu.sem_alloc : memref<!tpu.dma_semaphore, #tpu.memory_space<semaphore_mem>>
      %dma_start3A = tpu.memref_slice %arg9[%mul3A_12] : memref<10112xf32, #tpu.memory_space<vmem_shared>> -> memref<632xf32, #tpu.memory_space<vmem_shared>>
      %dma_start3A_19 = tpu.memref_slice %arg9[%mul3A_12] : memref<10112xf32, #tpu.memory_space<vmem_shared>> -> memref<632xf32, #tpu.memory_space<vmem_shared>>
      tpu.enqueue_dma source(%dma_start3A_19 : memref<632xf32, #tpu.memory_space<vmem_shared>>) target(%arg8 : memref<632xf32, #tpu.memory_space<vmem>>) target_semaphore(%run_scoped3A_18 : memref<!tpu.dma_semaphore, #tpu.memory_space<semaphore_mem>>)
      %dma_wait3A = tpu.memref_slice %arg9[%mul3A_12] : memref<10112xf32, #tpu.memory_space<vmem_shared>> -> memref<632xf32, #tpu.memory_space<vmem_shared>>
      %dma_wait3A_20 = tpu.memref_slice %arg9[%mul3A_12] : memref<10112xf32, #tpu.memory_space<vmem_shared>> -> memref<632xf32, #tpu.memory_space<vmem_shared>>
      tpu.wait_dma2 semaphore(%run_scoped3A_18 : memref<!tpu.dma_semaphore, #tpu.memory_space<semaphore_mem>>) src(%dma_wait3A_20 : memref<632xf32, #tpu.memory_space<vmem_shared>>) dst(%arg8 : memref<632xf32, #tpu.memory_space<vmem>>)
      tpu.yield
    }) : () -> ()
    %mul3A_13 = arith.constant 10112 : i32
    %mul3A_14 = arith.muli %arg0, %mul3A_13 : i32
    %mul3A_15 = arith.constant 632 : i32
    %mul3A_16 = arith.muli %arg1, %mul3A_15 : i32
    %add3A_17 = arith.addi %mul3A_14, %mul3A_16 : i32
    %multiple_of3A = tpu.assume_multiple %add3A_17, 8 : i32
    "tpu.region"() ({
      %run_scoped3A_18 = tpu.sem_alloc : memref<!tpu.dma_semaphore, #tpu.memory_space<semaphore_mem>>
      %dma_start3A = tpu.memref_slice %arg5[%multiple_of3A] : memref<20224xf32, #tpu.memory_space<hbm>> -> memref<632xf32, #tpu.memory_space<hbm>>
      %dma_start3A_19 = tpu.memref_slice %arg5[%multiple_of3A] : memref<20224xf32, #tpu.memory_space<hbm>> -> memref<632xf32, #tpu.memory_space<hbm>>
      tpu.enqueue_dma source(%arg8 : memref<632xf32, #tpu.memory_space<vmem>>) target(%dma_start3A_19 : memref<632xf32, #tpu.memory_space<hbm>>) target_semaphore(%run_scoped3A_18 : memref<!tpu.dma_semaphore, #tpu.memory_space<semaphore_mem>>)
      %dma_wait3A = tpu.memref_slice %arg5[%multiple_of3A] : memref<20224xf32, #tpu.memory_space<hbm>> -> memref<632xf32, #tpu.memory_space<hbm>>
      %dma_wait3A_20 = tpu.memref_slice %arg5[%multiple_of3A] : memref<20224xf32, #tpu.memory_space<hbm>> -> memref<632xf32, #tpu.memory_space<hbm>>
      tpu.wait_dma2 semaphore(%run_scoped3A_18 : memref<!tpu.dma_semaphore, #tpu.memory_space<semaphore_mem>>) src(%arg8 : memref<632xf32, #tpu.memory_space<vmem>>) dst(%dma_wait3A_20 : memref<632xf32, #tpu.memory_space<hbm>>)
      tpu.yield
    }) : () -> ()
    return
  }
}

module attributes {stable_mosaic.version = 14 : i64} {
  func.func @body(%arg0: memref<10000x128xf32, #tpu.memory_space<vmem>>, %arg1: memref<128x16xf32, #tpu.memory_space<vmem>>, %arg2: memref<10112x1xf32, #tpu.memory_space<vmem>>, %arg3: memref<10112x16xf32, #tpu.memory_space<vmem>>, %arg4: memref<10112x1xf32, #tpu.memory_space<vmem>>) attributes {dimension_semantics = [], scalar_prefetch = 0 : i64, scratch_operands = 0 : i64, tpu.core_type = #tpu.core_type<tc>} {
    %get3A = arith.constant 0 : index
    %get3A_0 = arith.constant 0 : index
    %get3A_1 = vector.load %arg2[%get3A, %get3A_0] : memref<10112x1xf32, #tpu.memory_space<vmem>>, vector<10112x1xf32>
    %add3A = arith.constant 1.000000e+00 : f32
    %add3A_2 = vector.broadcast %add3A : f32 to vector<10112x1xf32>
    %add3A_3 = arith.addf %add3A_2, %get3A_1 : vector<10112x1xf32>
    %rsqrt3A = math.rsqrt %add3A_3 : vector<10112x1xf32>
    %get3A_4 = arith.constant 0 : index
    %get3A_5 = arith.constant 0 : index
    %get3A_6 = vector.load %arg0[%get3A_4, %get3A_5] : memref<10000x128xf32, #tpu.memory_space<vmem>>, vector<10000x128xf32>
    %get3A_7 = arith.constant 0 : index
    %get3A_8 = arith.constant 0 : index
    %get3A_9 = vector.load %arg1[%get3A_7, %get3A_8] : memref<128x16xf32, #tpu.memory_space<vmem>>, vector<128x16xf32>
    %dot_general3A = arith.constant dense<0.000000e+00> : vector<10000x16xf32>
    %dot_general3A_10 = tpu.matmul %get3A_6, %get3A_9, %dot_general3A {dimension_numbers = #tpu.dot_dimension_numbers<[1], [0], [0], [1], [0, 0, 1, 1], [], []>, transpose_lhs_hint = false} : vector<10000x128xf32>, vector<128x16xf32>, vector<10000x16xf32> -> vector<10000x16xf32>
    %slice3A = vector.extract_strided_slice %rsqrt3A {offsets = [0, 0], sizes = [10000, 1], strides = [1, 1]} : vector<10112x1xf32> to vector<10000x1xf32>
    %mul3A = vector.broadcast %slice3A : vector<10000x1xf32> to vector<10000x16xf32>
    %mul3A_11 = arith.mulf %dot_general3A_10, %mul3A : vector<10000x16xf32>
    %broadcast_in_dim3A = arith.constant 0.000000e+00 : f32
    %broadcast_in_dim3A_12 = vector.broadcast %broadcast_in_dim3A : f32 to vector<112x16xf32>
    %concatenate3A = tpu.concatenate %mul3A_11, %broadcast_in_dim3A_12 in 0 : vector<10000x16xf32>, vector<112x16xf32> -> vector<10112x16xf32>
    %swap3A = arith.constant 0 : index
    %swap3A_13 = arith.constant 0 : index
    %swap3A_14 = vector.load %arg3[%swap3A, %swap3A_13] : memref<10112x16xf32, #tpu.memory_space<vmem>>, vector<10112x16xf32>
    tpu.vector_store %arg3[%swap3A, %swap3A_13], %concatenate3A {strides = array<i32>} : memref<10112x16xf32, #tpu.memory_space<vmem>>, vector<10112x16xf32>,
    %swap3A_15 = arith.constant 0 : index
    %swap3A_16 = arith.constant 0 : index
    %swap3A_17 = vector.load %arg4[%swap3A_15, %swap3A_16] : memref<10112x1xf32, #tpu.memory_space<vmem>>, vector<10112x1xf32>
    tpu.vector_store %arg4[%swap3A_15, %swap3A_16], %rsqrt3A {strides = array<i32>} : memref<10112x1xf32, #tpu.memory_space<vmem>>, vector<10112x1xf32>,
    return
  }
}

module attributes {stable_mosaic.version = 14 : i64} {
  func.func @body(%arg0: memref<10112x16xf32, #tpu.memory_space<vmem>>, %arg1: memref<2x10112x16xf32, #tpu.memory_space<vmem>>, %arg2: memref<10112x1xf32, #tpu.memory_space<vmem>>, %arg3: memref<1x16xf32, #tpu.memory_space<vmem>>, %arg4: memref<10112x16xf32, #tpu.memory_space<vmem>>) attributes {dimension_semantics = [], scalar_prefetch = 0 : i64, scratch_operands = 0 : i64, tpu.core_type = #tpu.core_type<tc>} {
    %get3A = arith.constant 0 : index
    %get3A_0 = arith.constant 0 : index
    %get3A_1 = vector.load %arg0[%get3A, %get3A_0] : memref<10112x16xf32, #tpu.memory_space<vmem>>, vector<10112x16xf32>
    %get3A_2 = arith.constant 0 : index
    %get3A_3 = arith.constant 0 : index
    %get3A_4 = arith.constant 0 : index
    %get3A_5 = vector.load %arg1[%get3A_2, %get3A_3, %get3A_4] : memref<2x10112x16xf32, #tpu.memory_space<vmem>>, vector<2x10112x16xf32>
    %reduce_sum3A = arith.constant dense<0.000000e+00> : vector<10112x16xf32>
    %reduce_sum3A_6 = vector.multi_reduction <add>, %get3A_5, %reduce_sum3A [0] : vector<2x10112x16xf32> to vector<10112x16xf32>
    %add3A = arith.addf %get3A_1, %reduce_sum3A_6 : vector<10112x16xf32>
    %get3A_7 = arith.constant 0 : index
    %get3A_8 = arith.constant 0 : index
    %get3A_9 = vector.load %arg2[%get3A_7, %get3A_8] : memref<10112x1xf32, #tpu.memory_space<vmem>>, vector<10112x1xf32>
    %mul3A = vector.broadcast %get3A_9 : vector<10112x1xf32> to vector<10112x16xf32>
    %mul3A_10 = arith.mulf %add3A, %mul3A : vector<10112x16xf32>
    %get3A_11 = arith.constant 0 : index
    %get3A_12 = arith.constant 0 : index
    %get3A_13 = vector.load %arg3[%get3A_11, %get3A_12] : memref<1x16xf32, #tpu.memory_space<vmem>>, vector<1x16xf32>
    %add3A_14 = vector.broadcast %get3A_13 : vector<1x16xf32> to vector<10112x16xf32>
    %add3A_15 = arith.addf %mul3A_10, %add3A_14 : vector<10112x16xf32>
    %max3A = arith.constant 0.000000e+00 : f32
    %max3A_16 = vector.broadcast %max3A : f32 to vector<10112x16xf32>
    %max3A_17 = arith.maximumf %add3A_15, %max3A_16 : vector<10112x16xf32>
    %mul3A_18 = vector.broadcast %get3A_9 : vector<10112x1xf32> to vector<10112x16xf32>
    %mul3A_19 = arith.mulf %max3A_17, %mul3A_18 : vector<10112x16xf32>
    %swap3A = arith.constant 0 : index
    %swap3A_20 = arith.constant 0 : index
    %swap3A_21 = vector.load %arg4[%swap3A, %swap3A_20] : memref<10112x16xf32, #tpu.memory_space<vmem>>, vector<10112x16xf32>
    tpu.vector_store %arg4[%swap3A, %swap3A_20], %mul3A_19 {strides = array<i32>} : memref<10112x16xf32, #tpu.memory_space<vmem>>, vector<10112x16xf32>,
    return
  }
}

module attributes {stable_mosaic.version = 14 : i64} {
  func.func @body(%arg0: memref<10112x16xf32, #tpu.memory_space<vmem>>, %arg1: memref<2x10112x16xf32, #tpu.memory_space<vmem>>, %arg2: memref<10112x1xf32, #tpu.memory_space<vmem>>, %arg3: memref<16x128xf32, #tpu.memory_space<vmem>>, %arg4: memref<1x128xf32, #tpu.memory_space<vmem>>, %arg5: memref<10000x128xf32, #tpu.memory_space<vmem>>) attributes {dimension_semantics = [], scalar_prefetch = 0 : i64, scratch_operands = 0 : i64, tpu.core_type = #tpu.core_type<tc>} {
    %get3A = arith.constant 0 : index
    %get3A_0 = arith.constant 0 : index
    %get3A_1 = vector.load %arg0[%get3A, %get3A_0] : memref<10112x16xf32, #tpu.memory_space<vmem>>, vector<10112x16xf32>
    %get3A_2 = arith.constant 0 : index
    %get3A_3 = arith.constant 0 : index
    %get3A_4 = arith.constant 0 : index
    %get3A_5 = vector.load %arg1[%get3A_2, %get3A_3, %get3A_4] : memref<2x10112x16xf32, #tpu.memory_space<vmem>>, vector<2x10112x16xf32>
    %reduce_sum3A = arith.constant dense<0.000000e+00> : vector<10112x16xf32>
    %reduce_sum3A_6 = vector.multi_reduction <add>, %get3A_5, %reduce_sum3A [0] : vector<2x10112x16xf32> to vector<10112x16xf32>
    %add3A = arith.addf %get3A_1, %reduce_sum3A_6 : vector<10112x16xf32>
    %get3A_7 = arith.constant 0 : index
    %get3A_8 = arith.constant 0 : index
    %get3A_9 = vector.load %arg2[%get3A_7, %get3A_8] : memref<10112x1xf32, #tpu.memory_space<vmem>>, vector<10112x1xf32>
    %mul3A = vector.broadcast %get3A_9 : vector<10112x1xf32> to vector<10112x16xf32>
    %mul3A_10 = arith.mulf %add3A, %mul3A : vector<10112x16xf32>
    %slice3A = vector.extract_strided_slice %mul3A_10 {offsets = [0, 0], sizes = [10000, 16], strides = [1, 1]} : vector<10112x16xf32> to vector<10000x16xf32>
    %get3A_11 = arith.constant 0 : index
    %get3A_12 = arith.constant 0 : index
    %get3A_13 = vector.load %arg3[%get3A_11, %get3A_12] : memref<16x128xf32, #tpu.memory_space<vmem>>, vector<16x128xf32>
    %dot_general3A = arith.constant dense<0.000000e+00> : vector<10000x128xf32>
    %dot_general3A_14 = tpu.matmul %slice3A, %get3A_13, %dot_general3A {dimension_numbers = #tpu.dot_dimension_numbers<[1], [0], [0], [1], [0, 0, 1, 1], [], []>, transpose_lhs_hint = false} : vector<10000x16xf32>, vector<16x128xf32>, vector<10000x128xf32> -> vector<10000x128xf32>
    %get3A_15 = arith.constant 0 : index
    %get3A_16 = arith.constant 0 : index
    %get3A_17 = vector.load %arg4[%get3A_15, %get3A_16] : memref<1x128xf32, #tpu.memory_space<vmem>>, vector<1x128xf32>
    %add3A_18 = vector.broadcast %get3A_17 : vector<1x128xf32> to vector<10000x128xf32>
    %add3A_19 = arith.addf %dot_general3A_14, %add3A_18 : vector<10000x128xf32>
    %swap3A = arith.constant 0 : index
    %swap3A_20 = arith.constant 0 : index
    %swap3A_21 = vector.load %arg5[%swap3A, %swap3A_20] : memref<10000x128xf32, #tpu.memory_space<vmem>>, vector<10000x128xf32>
    tpu.vector_store %arg5[%swap3A, %swap3A_20], %add3A_19 {strides = array<i32>} : memref<10000x128xf32, #tpu.memory_space<vmem>>, vector<10000x128xf32>,
    return
  }
}

</mosaic_0001>

<sc_bundles>
// kernel: kernel.11.cloned.1.call-start
scs
__scs_entry_jumppad:
0x0: {  	(pc) =	sbr.rel $0x88, $3  }
0x1: {  	(tag) =	ssettag $0x0;
	lr =	simm.s32 $0x1  }
0x2: {  	[smem:$0x3F9B] =	sst lr;
	_ =	strace $0xD0000000  }
0x3: {  	_ = 	snop  }
0x4: {  	_ = 	snop  }
0x5: {  	_ = 	snop  }
0x6: {  	_ = 	snop  }
0x7: {  	_ = 	snop  }
__scs_overlays_trampoline_lowered:
0x8: {  	[smem:$0x3FAA] =	sst s0  }
0x9: {  	[smem:$0x3FAB] =	sst s1  }
0xa: {  	[smem:$0x3FAC] =	sst s2  }
0xb: {  	[smem:$0x3FAD] =	sst s3  }
0xc: {  	[smem:$0x3FAE] =	sst s4  }
0xd: {  	[smem:$0x3FAF] =	sst s5  }
0xe: {  	[smem:$0x3FB0] =	sst s6  }
0xf: {  	[smem:$0x3FB1] =	sst s7  }
0x10: {  	[smem:$0x3FB2] =	sst s8  }
0x11: {  	[smem:$0x3FB3] =	sst s9;
	s0 =	simm.s32 @!p0 $0x0  }
0x12: {  	s1 =	sld [smem:$0x3F99];
	s0 =	simm.s32 @p0 $0x1  }
0x13: {  	[smem:$0x3FB4] =	sst s0;
	s0 =	simm.s32 @!p1 $0x0  }
0x14: {  	s2 =	sld [smem:$0x3F98];
	s0 =	simm.s32 @p1 $0x1  }
0x15: {  	[smem:$0x3FB5] =	sst s0;
	s0 =	simm.s32 @!p2 $0x0  }
0x16: {  	s3 =	sld [smem:$0x3FDB];
	s0 =	simm.s32 @p2 $0x1  }
0x17: {  	s4 =	simm.s32 $0x1BF5;
	[smem:$0x3FB7] =	sst s0  }
0x18: {  	s0 =	sld [smem:$0x3F9A];
	_ =	swait.ge [sflag:s4], $0x0  }
0x19: {  	s7 =	sld [smem:$0x3F9B]  }
0x1a: {  	s8 =	sadd.s32 $0xFFFFE003, lr  }
0x1b: {  	s9 =	sadd.s32 $0xFFFFFEF7, lr;
	s5 =	simm.s32 $0xFFFFFFFF;
	p2 =	slt.u32 s8, $0xFFFFF086  }
0x1c: {  	p1 =	slt.u32 s9, $0xF7A;
	s5 =	simm.s32 @!p2 $0x0  }
0x1d: {  	s5 =	simm.s32 @p1 $0x1;
	p0 =	seq.s32 s7, s2  }
0x1e: {  	s7 =	smul.u32 @!p0 $0xF7A, s2;
	p2 =	seq.s32 @!p0 s5, $0x0  }
0x1f: {  	s9 =	smul.u32 $0xF7A, s1;
	s8 =	simm.s32 @!p0 $0x1BF5;
	p2 =	por !p2, p0  }
0x20: {  	[sflag:s8] =	ssyncset.s32 @!p0 $0xFFFFF086;
	s6 =	sadd.s32 @!p0 s3, s7;
	s7 =	simm.s32 @!p0 $0x108  }
0x21: {  	s3 =	sadd.s32 s3, s9;
	s6 =	sadd.s32 @!p0 $0x88, s6;
	s7 =	simm.s32 @p2 $0x1082  }
0x22: {  	[simem:s7], [sflag:s8] =	dma.local @!p0 [hbm:s6], $0xF7A  }
0x23: {  	s9 =	sor.u32 $0xD0000000, s2;
	s6 =	simm.s32 $0x108;
	_ =	swait.ge @!p0 [sflag:s8], $0x0  }
0x24: {  	s3 =	sadd.s32 $0x88, s3;
	s6 =	simm.s32 @!p1 $0x1082;
	[sflag:s4] =	ssyncset.s32 $0xFFFFF086  }
0x25: {  	[simem:s6], [sflag:s4] =	dma.local [hbm:s3], $0xF7A  }
0x26: {  	[smem:$0x3F9B] =	sst s1;
	(tag) =	ssettag s2;
	_ =	strace s9  }
0x27: {  	s1 =	sld [smem:$0x3FAB]  }
0x28: {  	s2 =	sld [smem:$0x3FAC]  }
0x29: {  	s4 =	sld [smem:$0x3FAE]  }
0x2a: {  	p0 =	seq.s32 s5, $0x0;
	s5 =	sld [smem:$0x3FAF]  }
0x2b: {  	s6 =	sld [smem:$0x3FB0]  }
0x2c: {  	s7 =	sld [smem:$0x3FB1]  }
0x2d: {  	s3 =	simm.s32 $0x108;
	s8 =	sld [smem:$0x3FB2]  }
0x2e: {  	s3 =	simm.s32 @!p0 $0x1082;
	s9 =	sld [smem:$0x3FB3]  }
0x2f: {  	lr =	sadd.s32 s0, s3;
	s0 =	sld [smem:$0x3FAA]  }
0x30: {  	s3 =	sld [smem:$0x3FAD]  }
0x31: {  	[smem:$0x3FB6] =	sst s10  }
0x32: {  	s10 =	sld [smem:$0x3FB4];
	_ =	sdelay $0x3  }
0x33: {  	p0 =	seq.s32 s10, $0x1;
	s10 =	sld [smem:$0x3FB6];
	_ =	sdelay $0x3  }
0x34: {  	[smem:$0x3FB6] =	sst s10  }
0x35: {  	s10 =	sld [smem:$0x3FB5];
	_ =	sdelay $0x3  }
0x36: {  	p1 =	seq.s32 s10, $0x1;
	s10 =	sld [smem:$0x3FB6];
	_ =	sdelay $0x3  }
0x37: {  	[smem:$0x3FB6] =	sst s10  }
0x38: {  	s10 =	sld [smem:$0x3FB7]  }
0x39: {  	_ = 	snop;
	(pc) =	sbr.ind lr, $3  }
0x3a: {  	_ = 	snop  }
0x3b: {  	_ = 	snop  }
0x3c: {  	p2 =	seq.s32 s10, $0x1;
	s10 =	sld [smem:$0x3FB6]  }
0x3d: {  	_ =	shalt  }
0x3e: {  	_ =	shalt  }
0x3f: {  	_ =	shalt  }
0x40: {  	_ =	shalt  }
0x41: {  	_ =	shalt  }
0x42: {  	_ =	shalt  }
0x43: {  	_ =	shalt  }
0x44: {  	_ =	shalt  }
0x45: {  	_ =	shalt  }
0x46: {  	_ =	shalt  }
0x47: {  	_ =	shalt  }
0x48: {  	_ =	shalt  }
0x49: {  	_ =	shalt  }
0x4a: {  	_ =	shalt  }
0x4b: {  	_ =	shalt  }
0x4c: {  	_ =	shalt  }
0x4d: {  	_ =	shalt  }
0x4e: {  	_ =	shalt  }
0x4f: {  	_ =	shalt  }
0x50: {  	_ =	shalt  }
0x51: {  	_ =	shalt  }
0x52: {  	_ =	shalt  }
0x53: {  	_ =	shalt  }
0x54: {  	_ =	shalt  }
0x55: {  	_ =	shalt  }
0x56: {  	_ =	shalt  }
0x57: {  	_ =	shalt  }
0x58: {  	_ =	shalt  }
0x59: {  	_ =	shalt  }
0x5a: {  	_ =	shalt  }
0x5b: {  	_ =	shalt  }
0x5c: {  	_ =	shalt  }
0x5d: {  	_ =	shalt  }
0x5e: {  	_ =	shalt  }
0x5f: {  	_ =	shalt  }
0x60: {  	_ =	shalt  }
0x61: {  	_ =	shalt  }
0x62: {  	_ =	shalt  }
0x63: {  	_ =	shalt  }
0x64: {  	_ =	shalt  }
0x65: {  	_ =	shalt  }
0x66: {  	_ =	shalt  }
0x67: {  	_ =	shalt  }
0x68: {  	_ =	shalt  }
0x69: {  	_ =	shalt  }
0x6a: {  	_ =	shalt  }
0x6b: {  	_ =	shalt  }
0x6c: {  	_ =	shalt  }
0x6d: {  	_ =	shalt  }
0x6e: {  	_ =	shalt  }
0x6f: {  	_ =	shalt  }
0x70: {  	_ =	shalt  }
0x71: {  	_ =	shalt  }
0x72: {  	_ =	shalt  }
0x73: {  	_ =	shalt  }
0x74: {  	_ =	shalt  }
0x75: {  	_ =	shalt  }
0x76: {  	_ =	shalt  }
0x77: {  	_ =	shalt  }
0x78: {  	_ =	shalt  }
0x79: {  	_ =	shalt  }
0x7a: {  	_ =	shalt  }
0x7b: {  	_ =	shalt  }
0x7c: {  	_ =	shalt  }
0x7d: {  	_ =	shalt  }
0x7e: {  	_ =	shalt  }
0x7f: {  	_ =	shalt  }
0x80: {  	_ =	shalt  }
0x81: {  	_ =	shalt  }
0x82: {  	_ =	shalt  }
0x83: {  	_ =	shalt  }
0x84: {  	_ =	shalt  }
0x85: {  	_ =	shalt  }
0x86: {  	_ =	shalt  }
0x87: {  	_ =	shalt  }
.Lfunc_end0:
.L_simem_size_0:
called_computation.1_lowered:
.L_overlay_start_0:
0x88: {  	s2 =	sld [smem:$0x3FD9]  }
0x89: {  	s3 =	sld [smem:$0x3FFE];
	_ =	sdelay $0x1  }
0x8a: {  	s1 =	srdreg.scid  }
0x8b: {  	s0 =	sand.u32 $0x1, s1  }
0x8c: {  	s17 =	sshll.u32 s0, $0xA;
	s2 =	sadd.s32 s3, s2  }
0x8d: {  	s2 =	sadd.s32 s2, s17  }
0x8e: {  	[smem:$0x3FC2] =	sst s2  }
0x8f: {  	_ = 	snop  }
0x90: {  	s2 =	sld [smem:$0x3FD0];
	(tm) =	ssettm $0x1  }
0x91: {  	s18 =	sld [smem:$0x3FFB];
	_ =	sdelay $0x3  }
0x92: {  	_ =	strace s18  }
0x93: {  	s3 =	sld [smem:$0x3FFC];
	_ =	sdelay $0x3  }
0x94: {  	_ =	strace s3  }
0x95: {  	s3 =	sld [smem:$0x3FFD];
	_ =	sdelay $0x3  }
0x96: {  	_ =	strace s3  }
0x97: {  	_ =	strace $0x8FFFFFFF  }
0x98: {  	s19 =	sld [smem:$0x3FDB];
	_ =	sdelay $0x1  }
0x99: {  	s4 =	simm.s32 $_scs_section_size  }
0x9a: {  	s5 =	simm.s32 $_size__tile_overlayer_lowered;
	s6 =	simm.s32 $_tile_overlayer_lowered  }
0x9b: {  	s22 =	simm.s32 $0x1BFF;
	s21 =	sshll.u32 s6, $0x1;
	s3 =	sadd.s32 s4, s19  }
0x9c: {  	s7 =	simm.s32 $0x0;
	s20 =	sshll.u32 s5, $0x1;
	s5 =	sadd.s32 s21, s3  }
0x9d: {  	[timem:s7], [sflag:s22] =	dma.local [hbm:s5], s20  }
0x9e: {  	_ =	swait.ge [sflag:s22], s20  }
0x9f: {  	s4 =	ssub.s32 $0x0, s20;
	[sflag:s22] =	ssyncset.done $0x0  }
0xa0: {  	[sflag:s22] =	ssyncadd.s32 s4;
	_ =	sdelay $0x1  }
0xa1: {  	s23 =	simm.s32 $0x1B8B  }
0xa2: {  	_ =	swait.ge [sflag:s23], $0x1  }
0xa3: {  	[sflag:s23] =	ssyncset.done $0x0  }
0xa4: {  	s25 =	simm.s32 $0x1B8E;
	s24 =	sld [smem:$0x3FFE];
	[sflag:s23] =	ssyncadd.s32 $0xFFFFFFFF  }
0xa5: {  	s26 =	simm.s32 $execute0_lowered;
	[smem:$0x3FD2] =	sst s25  }
0xa6: {  	s5 =	sshll.u32 s26, $0x1;
	_ =	strace $0x80000049;
	[dreg:$0x1] =	wrdreg $0xFFFFFFFF  }
0xa7: {  	s28 =	simm.s32 $_size_execute0_lowered;
	s3 =	sadd.s32 s3, s5;
	[dreg:$0x0] =	wrdreg $0x0  }
0xa8: {  	s5 =	sshll.u32 s28, $0x1;
	[dreg:$0x2] =	wrdreg s3  }
0xa9: {  	[dreg:$0x3] =	wrdreg s5  }
0xaa: {  	[dreg:$0x4] =	wrdreg $0xC0  }
0xab: {  	_ =	task [dreg:s7], $0x5FFFF  }
0xac: {  	[dreg:$0x1] =	wrdreg $0xFFFFFFFF  }
0xad: {  	[dreg:$0x0] =	wrdreg $0x60  }
0xae: {  	[dreg:$0x2] =	wrdreg s2  }
0xaf: {  	[dreg:$0x3] =	wrdreg s24  }
0xb0: {  	[dreg:$0x4] =	wrdreg $0xF5C00  }
0xb1: {  	[dreg:$0x5] =	wrdreg $0x9  }
0xb2: {  	_ =	task.clear_ibuf [dreg:s7], $0x6FFFF;
	_ =	strace $0x90000049  }
0xb3: {  	s29 =	simm.s32 $0x9;
	_ =	strace $0x8000004B  }
0xb4: {  	_ =	swait.ge [sflag:s29], $0x1  }
0xb5: {  	[sflag:s29] =	ssyncadd.s32 $0xFFFFFFFF  }
0xb6: {  	_ =	strace $0x9000004B  }
0xb7: {  	_ =	sfence  }
0xb8: {  	s30 =	sld [smem:$0x0];
	_ =	sdelay $0x2  }
0xb9: {  	s31 =	sshll.u32 s1, $0xD;
	s1 =	sshrl.u32 s1, $0x2  }
0xba: {  	s3 =	sand.u32 $0x4000, s31;
	s1 =	sadd.s32 s1, s30  }
0xbb: {  	s0 =	sor.u32 s3, s0;
	s1 =	sshll.u32 s1, $0x11  }
0xbc: {  	s0 =	sor.u32 s1, s0  }
0xbd: {  	s0 =	sadd.s32 $0x8F2B, s0  }
0xbe: {  	[sflag:s0] =	ssyncadd.remote.s32 $0x1  }
0xbf: {  	_ =	sfence.sel $0xFFFF  }
0xc0: {  	[dreg:$0x0] =	wrdreg $0xFFFFFFFF;
	(pc) =	sbr.abs _section_cstart, $3  }
0xc1: {  	[dreg:$0x1] =	wrdreg $0xFFFFFFFF  }
0xc2: {  	_ =	task.clear_ibuf [dreg:s7], $0x2FFFF;
	_ =	strace $0x9FFFFFFF  }
0xc3: {  	(tm) =	ssettm $0x7FFFFFFF  }
tec
execute0_lowered:
.L_overlay_start_1:
0x0: {  	(tag) =	ssettag $0x1  }
0x1: {  	s0 =	rddreg [dreg:$0x0]  }
0x2: {  	s1 =	rddreg [dreg:$0x1]  }
0x3: {  	s2 =	rddreg [dreg:$0x2]  }
0x4: {  	s3 =	srdreg.scid;
	s8 =	stileid.u32  }
0x5: {  	s4 =	simm.s32 $0x0;
	s11 =	simm.s32 $0xCE40;
	s14 =	simm.s32 $0x64  }
0x6: {  	s15 =	simm.s32 $0x5140;
	s16 =	simm.s32 $0x5780;
	s17 =	simm.s32 $0x5DC0  }
0x7: {  	s18 =	simm.s32 $0x6400;
	s19 =	simm.s32 $0x6A40;
	s20 =	simm.s32 $0x7080  }
0x8: {  	s21 =	simm.s32 $0x76C0;
	s22 =	simm.s32 $0x7D00;
	s23 =	simm.s32 $0x8340  }
0x9: {  	s24 =	simm.s32 $0x8980;
	s28 =	simm.s32 $0x9C40;
	s29 =	simm.s32 $0xA280  }
0xa: {  	s30 =	simm.s32 $0xA8C0;
	s31 =	simm.s32 $0xAF00;
	s13 =	simm.s32 $0xC1C0  }
0xb: {  	s12 =	simm.s32 $0x4;
	s10 =	simm.s32 $0x0;
	s3 =	sand.u32 $0x1, s3  }
0xc: {  	s5 =	smul.u32 $0x2780, s8;
	[smem:$0x7FF] =	sst s4;
	s4 =	sadd.s32 $0x1E00, s1  }
0xd: {  	s25 =	sadd.s32 $0x6E00, s1;
	s6 =	smul.u32 $0x27800, s3;
	_ =	strace $0x8000004A  }
0xe: {  	s7 =	sshll.u32 s3, $0x4;
	s3 =	ssub.s32 $0x2, s3;
	[dreg:$0x4] =	wrdreg s25  }
0xf: {  	s25 =	simm.s32 $0x8FC0;
	[dreg:$0xa] =	wrdreg s10;
	s7 =	sor.u32 s8, s7  }
0x10: {  	s26 =	sshrl.u32 s3, $0x1;
	s6 =	sadd.s32 s5, s6;
	s7 =	smul.u32 $0x514, s7  }
0x11: {  	s3 =	ssub.s32 s3, s26;
	s5 =	sadd.s32 s5, s2;
	s26 =	simm.s32 $0x9600  }
0x12: {  	s6 =	sshrl.u32 s6, $0x3;
	[dreg:$0x5] =	wrdreg s5;
	s9 =	smax.u32 s3, $0x1  }
0x13: {  	s5 =	simm.s32 $0xC800;
	s1 =	sadd.s32 s6, s1;
	s8 =	sadd.s32 s0, s7  }
0x14: {  	s0 =	sadd.s32 $0xA280, s0;
	[dreg:$0x8] =	wrdreg s9;
	s9 =	simm.s32 $0x3  }
0x15: {  	[dreg:$0x6] =	wrdreg s8;
	s1 =	sadd.s32 $0x7400, s1;
	s0 =	sadd.s32 s7, s0  }
0x16: {  	s7 =	simm.s32 $0x1;
	s8 =	simm.s32 $0x2;
	[dreg:$0x7] =	wrdreg s1  }
0x17: {  	[dreg:$0x9] =	wrdreg s0;
	s0 =	simm.s32 $0xB540;
	s1 =	simm.s32 $0xBB80  }
.LBB2_1:
0x18: {  	s10 =	simm.s32 $0x5;
	s3 =	rddreg [dreg:$0x4];
	s6 =	simm.s32 $0x0  }
0x19: {  	[tilespmem:s11], [sflag:$0x5] =	stream.linear.gather [hbm4b:s3+s6], $0x2780, $0x38;
	[tilespmem:$0x11D40] =	vst v63  }
0x1a: {  	_ =	swait.ge [sflag:s10], $0x2780  }
0x1b: {  	[sflag:s10] =	ssyncset.done $0x0  }
0x1c: {  	s6 =	rddreg [dreg:$0x5];
	[sflag:s10] =	ssyncadd.s32 $0xFFFFD880  }
0x1d: {  	[spmem:s6] =	stream.linear.scatter [tilespmem:s11], [sflag:$0x5], $0x2780, $0x38;
	[tilespmem:$0x11D40] =	vst v63  }
0x1e: {  	_ =	swait.ge [sflag:s10], $0x2780  }
0x1f: {  	[sflag:s10] =	ssyncset.done $0x0  }
0x20: {  	s11 =	simm.s32 $0x0;
	s6 =	rddreg [dreg:$0x6];
	[sflag:s10] =	ssyncadd.s32 $0xFFFFD880  }
0x21: {  	[tilespmem:s11], [sflag:$0x5] =	stream.linear.gather [hbm4b:s6+s11], $0x28A0, $0x38;
	[tilespmem:$0x11D40] =	vst v63  }
0x22: {  	_ =	swait.ge [sflag:s10], $0x28A0  }
0x23: {  	s11 =	simm.s32 $0x0;
	[sflag:s10] =	ssyncset.done $0x0  }
0x24: {  	s6 =	simm.s32 $0x28A0;
	s3 =	rddreg [dreg:$0x9];
	[sflag:s10] =	ssyncadd.s32 $0xFFFFD760  }
0x25: {  	[tilespmem:s6], [sflag:$0x5] =	stream.linear.gather [hbm4b:s3+s11], $0x28A0, $0x38;
	[tilespmem:$0x11D40] =	vst v63  }
0x26: {  	_ =	swait.ge [sflag:s10], $0x28A0  }
0x27: {  	[sflag:s10] =	ssyncset.done $0x0  }
0x28: {  	[sflag:s10] =	ssyncadd.s32 $0xFFFFD760  }
0x29: {  	s11 =	simm.s32 $0x0;
	[bflag:$0x0] =	sbarrier.arrive $0xFFFF  }
0x2a: {  	[tilespmem:s15], [sflag:$0x1] =	stream.indirect.gather [hbm4b:s4+s14], $0x10, s11, s14, $0xb8;
	[tilespmem:$0x11D40] =	vst v63  }
0x2b: {  	s6 =	simm.s32 $0x68  }
0x2c: {  	[tilespmem:s16], [sflag:$0x1] =	stream.indirect.gather [hbm4b:s4+s14], $0x10, s6, s14, $0xb8;
	[tilespmem:$0x11D40] =	vst v63  }
0x2d: {  	s10 =	simm.s32 $0xD0  }
0x2e: {  	[tilespmem:s17], [sflag:$0x1] =	stream.indirect.gather [hbm4b:s4+s14], $0x10, s10, s14, $0xb8;
	[tilespmem:$0x11D40] =	vst v63  }
0x2f: {  	s11 =	simm.s32 $0x138  }
0x30: {  	[tilespmem:s18], [sflag:$0x1] =	stream.indirect.gather [hbm4b:s4+s14], $0x10, s11, s14, $0xb8;
	[tilespmem:$0x11D40] =	vst v63  }
0x31: {  	s6 =	simm.s32 $0x1A0  }
0x32: {  	[tilespmem:s19], [sflag:$0x1] =	stream.indirect.gather [hbm4b:s4+s14], $0x10, s6, s14, $0xb8;
	[tilespmem:$0x11D40] =	vst v63  }
0x33: {  	s10 =	simm.s32 $0x208  }
0x34: {  	[tilespmem:s20], [sflag:$0x1] =	stream.indirect.gather [hbm4b:s4+s14], $0x10, s10, s14, $0xb8;
	[tilespmem:$0x11D40] =	vst v63  }
0x35: {  	s11 =	simm.s32 $0x270  }
0x36: {  	[tilespmem:s21], [sflag:$0x1] =	stream.indirect.gather [hbm4b:s4+s14], $0x10, s11, s14, $0xb8;
	[tilespmem:$0x11D40] =	vst v63  }
0x37: {  	s6 =	simm.s32 $0x2D8  }
0x38: {  	[tilespmem:s22], [sflag:$0x1] =	stream.indirect.gather [hbm4b:s4+s14], $0x10, s6, s14, $0xb8;
	[tilespmem:$0x11D40] =	vst v63  }
0x39: {  	s10 =	simm.s32 $0x340  }
0x3a: {  	[tilespmem:s23], [sflag:$0x1] =	stream.indirect.gather [hbm4b:s4+s14], $0x10, s10, s14, $0xb8;
	[tilespmem:$0x11D40] =	vst v63  }
0x3b: {  	s11 =	simm.s32 $0x3A8  }
0x3c: {  	[tilespmem:s24], [sflag:$0x1] =	stream.indirect.gather [hbm4b:s4+s14], $0x10, s11, s14, $0xb8;
	[tilespmem:$0x11D40] =	vst v63  }
0x3d: {  	s6 =	simm.s32 $0x410  }
0x3e: {  	[tilespmem:s25], [sflag:$0x2] =	stream.indirect.gather [hbm4b:s4+s14], $0x10, s6, s14, $0xb8;
	[tilespmem:$0x11D40] =	vst v63  }
0x3f: {  	s10 =	simm.s32 $0x478  }
0x40: {  	[tilespmem:s26], [sflag:$0x2] =	stream.indirect.gather [hbm4b:s4+s14], $0x10, s10, s14, $0xb8;
	[tilespmem:$0x11D40] =	vst v63  }
0x41: {  	s11 =	simm.s32 $0x4E0  }
0x42: {  	[tilespmem:s28], [sflag:$0x2] =	stream.indirect.gather [hbm4b:s4+s14], $0x10, s11, s14, $0xb8;
	[tilespmem:$0x11D40] =	vst v63  }
0x43: {  	s6 =	simm.s32 $0x548  }
0x44: {  	[tilespmem:s29], [sflag:$0x2] =	stream.indirect.gather [hbm4b:s4+s14], $0x10, s6, s14, $0xb8;
	[tilespmem:$0x11D40] =	vst v63  }
0x45: {  	s10 =	simm.s32 $0x5B0  }
0x46: {  	[tilespmem:s30], [sflag:$0x2] =	stream.indirect.gather [hbm4b:s4+s14], $0x10, s10, s14, $0xb8;
	[tilespmem:$0x11D40] =	vst v63  }
0x47: {  	s11 =	simm.s32 $0x618  }
0x48: {  	[tilespmem:s31], [sflag:$0x2] =	stream.indirect.gather [hbm4b:s4+s14], $0x10, s11, s14, $0xb8;
	[tilespmem:$0x11D40] =	vst v63  }
0x49: {  	s6 =	simm.s32 $0x680  }
0x4a: {  	[tilespmem:s0], [sflag:$0x2] =	stream.indirect.gather [hbm4b:s4+s14], $0x10, s6, s14, $0xb8;
	[tilespmem:$0x11D40] =	vst v63  }
0x4b: {  	s10 =	simm.s32 $0x6E8  }
0x4c: {  	[tilespmem:s1], [sflag:$0x2] =	stream.indirect.gather [hbm4b:s4+s14], $0x10, s10, s14, $0xb8;
	[tilespmem:$0x11D40] =	vst v63  }
0x4d: {  	s11 =	simm.s32 $0x750  }
0x4e: {  	[tilespmem:s13], [sflag:$0x2] =	stream.indirect.gather [hbm4b:s4+s14], $0x10, s11, s14, $0xb8;
	[tilespmem:$0x11D40] =	vst v63  }
0x4f: {  	s6 =	simm.s32 $0x7B8  }
0x50: {  	[tilespmem:s5], [sflag:$0x2] =	stream.indirect.gather [hbm4b:s4+s14], $0x10, s6, s14, $0xb8;
	[tilespmem:$0x11D40] =	vst v63  }
0x51: {  	_ =	swait.ge [sflag:s7], $0x640  }
0x52: {  	[sflag:s7] =	ssyncset.done $0x0  }
0x53: {  	[sflag:s7] =	ssyncadd.s32 $0xFFFFF9C0  }
0x54: {  	_ =	swait.ge [sflag:s7], $0x640  }
0x55: {  	[sflag:s7] =	ssyncset.done $0x0  }
0x56: {  	[sflag:s7] =	ssyncadd.s32 $0xFFFFF9C0  }
0x57: {  	_ =	swait.ge [sflag:s7], $0x640  }
0x58: {  	[sflag:s7] =	ssyncset.done $0x0  }
0x59: {  	[sflag:s7] =	ssyncadd.s32 $0xFFFFF9C0  }
0x5a: {  	_ =	swait.ge [sflag:s7], $0x640  }
0x5b: {  	[sflag:s7] =	ssyncset.done $0x0  }
0x5c: {  	[sflag:s7] =	ssyncadd.s32 $0xFFFFF9C0  }
0x5d: {  	_ =	swait.ge [sflag:s7], $0x640  }
0x5e: {  	[sflag:s7] =	ssyncset.done $0x0  }
0x5f: {  	[sflag:s7] =	ssyncadd.s32 $0xFFFFF9C0  }
0x60: {  	_ =	swait.ge [sflag:s7], $0x640  }
0x61: {  	[sflag:s7] =	ssyncset.done $0x0  }
0x62: {  	[sflag:s7] =	ssyncadd.s32 $0xFFFFF9C0  }
0x63: {  	_ =	swait.ge [sflag:s7], $0x640  }
0x64: {  	[sflag:s7] =	ssyncset.done $0x0  }
0x65: {  	[sflag:s7] =	ssyncadd.s32 $0xFFFFF9C0  }
0x66: {  	_ =	swait.ge [sflag:s7], $0x640  }
0x67: {  	[sflag:s7] =	ssyncset.done $0x0  }
0x68: {  	[sflag:s7] =	ssyncadd.s32 $0xFFFFF9C0  }
0x69: {  	_ =	swait.ge [sflag:s7], $0x640  }
0x6a: {  	[sflag:s7] =	ssyncset.done $0x0  }
0x6b: {  	[sflag:s7] =	ssyncadd.s32 $0xFFFFF9C0  }
0x6c: {  	_ =	swait.ge [sflag:s7], $0x640  }
0x6d: {  	[sflag:s7] =	ssyncset.done $0x0  }
0x6e: {  	s10 =	simm.s32 $0x28A0;
	[sflag:s7] =	ssyncadd.s32 $0xFFFFF9C0  }
0x6f: {  	[spmem:s2] =	stream.indirect.scatter.add.f32 [tilespmem:s15], [sflag:$0x3], $0x10, s10, s14, $0xb8;
	[tilespmem:$0x11D40] =	vst v63  }
0x70: {  	s11 =	simm.s32 $0x2908  }
0x71: {  	[spmem:s2] =	stream.indirect.scatter.add.f32 [tilespmem:s16], [sflag:$0x3], $0x10, s11, s14, $0xb8;
	[tilespmem:$0x11D40] =	vst v63  }
0x72: {  	s6 =	simm.s32 $0x2970  }
0x73: {  	[spmem:s2] =	stream.indirect.scatter.add.f32 [tilespmem:s17], [sflag:$0x3], $0x10, s6, s14, $0xb8;
	[tilespmem:$0x11D40] =	vst v63  }
0x74: {  	s10 =	simm.s32 $0x29D8  }
0x75: {  	[spmem:s2] =	stream.indirect.scatter.add.f32 [tilespmem:s18], [sflag:$0x3], $0x10, s10, s14, $0xb8;
	[tilespmem:$0x11D40] =	vst v63  }
0x76: {  	s11 =	simm.s32 $0x2A40  }
0x77: {  	[spmem:s2] =	stream.indirect.scatter.add.f32 [tilespmem:s19], [sflag:$0x3], $0x10, s11, s14, $0xb8;
	[tilespmem:$0x11D40] =	vst v63  }
0x78: {  	s6 =	simm.s32 $0x2AA8  }
0x79: {  	[spmem:s2] =	stream.indirect.scatter.add.f32 [tilespmem:s20], [sflag:$0x3], $0x10, s6, s14, $0xb8;
	[tilespmem:$0x11D40] =	vst v63  }
0x7a: {  	s10 =	simm.s32 $0x2B10  }
0x7b: {  	[spmem:s2] =	stream.indirect.scatter.add.f32 [tilespmem:s21], [sflag:$0x3], $0x10, s10, s14, $0xb8;
	[tilespmem:$0x11D40] =	vst v63  }
0x7c: {  	s11 =	simm.s32 $0x2B78  }
0x7d: {  	[spmem:s2] =	stream.indirect.scatter.add.f32 [tilespmem:s22], [sflag:$0x3], $0x10, s11, s14, $0xb8;
	[tilespmem:$0x11D40] =	vst v63  }
0x7e: {  	s6 =	simm.s32 $0x2BE0  }
0x7f: {  	[spmem:s2] =	stream.indirect.scatter.add.f32 [tilespmem:s23], [sflag:$0x3], $0x10, s6, s14, $0xb8;
	[tilespmem:$0x11D40] =	vst v63  }
0x80: {  	s10 =	simm.s32 $0x2C48  }
0x81: {  	[spmem:s2] =	stream.indirect.scatter.add.f32 [tilespmem:s24], [sflag:$0x3], $0x10, s10, s14, $0xb8;
	[tilespmem:$0x11D40] =	vst v63  }
0x82: {  	_ =	swait.ge [sflag:s8], $0x640  }
0x83: {  	[sflag:s8] =	ssyncset.done $0x0  }
0x84: {  	[sflag:s8] =	ssyncadd.s32 $0xFFFFF9C0  }
0x85: {  	_ =	swait.ge [sflag:s8], $0x640  }
0x86: {  	[sflag:s8] =	ssyncset.done $0x0  }
0x87: {  	[sflag:s8] =	ssyncadd.s32 $0xFFFFF9C0  }
0x88: {  	_ =	swait.ge [sflag:s8], $0x640  }
0x89: {  	[sflag:s8] =	ssyncset.done $0x0  }
0x8a: {  	[sflag:s8] =	ssyncadd.s32 $0xFFFFF9C0  }
0x8b: {  	_ =	swait.ge [sflag:s8], $0x640  }
0x8c: {  	[sflag:s8] =	ssyncset.done $0x0  }
0x8d: {  	[sflag:s8] =	ssyncadd.s32 $0xFFFFF9C0  }
0x8e: {  	_ =	swait.ge [sflag:s8], $0x640  }
0x8f: {  	[sflag:s8] =	ssyncset.done $0x0  }
0x90: {  	[sflag:s8] =	ssyncadd.s32 $0xFFFFF9C0  }
0x91: {  	_ =	swait.ge [sflag:s8], $0x640  }
0x92: {  	[sflag:s8] =	ssyncset.done $0x0  }
0x93: {  	[sflag:s8] =	ssyncadd.s32 $0xFFFFF9C0  }
0x94: {  	_ =	swait.ge [sflag:s8], $0x640  }
0x95: {  	[sflag:s8] =	ssyncset.done $0x0  }
0x96: {  	[sflag:s8] =	ssyncadd.s32 $0xFFFFF9C0  }
0x97: {  	_ =	swait.ge [sflag:s8], $0x640  }
0x98: {  	[sflag:s8] =	ssyncset.done $0x0  }
0x99: {  	[sflag:s8] =	ssyncadd.s32 $0xFFFFF9C0  }
0x9a: {  	_ =	swait.ge [sflag:s8], $0x640  }
0x9b: {  	[sflag:s8] =	ssyncset.done $0x0  }
0x9c: {  	[sflag:s8] =	ssyncadd.s32 $0xFFFFF9C0  }
0x9d: {  	_ =	swait.ge [sflag:s8], $0x640  }
0x9e: {  	[sflag:s8] =	ssyncset.done $0x0  }
0x9f: {  	s11 =	simm.s32 $0x2CB0;
	[sflag:s8] =	ssyncadd.s32 $0xFFFFF9C0  }
0xa0: {  	[spmem:s2] =	stream.indirect.scatter.add.f32 [tilespmem:s25], [sflag:$0x4], $0x10, s11, s14, $0xb8;
	[tilespmem:$0x11D40] =	vst v63  }
0xa1: {  	s6 =	simm.s32 $0x2D18  }
0xa2: {  	[spmem:s2] =	stream.indirect.scatter.add.f32 [tilespmem:s26], [sflag:$0x4], $0x10, s6, s14, $0xb8;
	[tilespmem:$0x11D40] =	vst v63  }
0xa3: {  	s10 =	simm.s32 $0x2D80  }
0xa4: {  	[spmem:s2] =	stream.indirect.scatter.add.f32 [tilespmem:s28], [sflag:$0x4], $0x10, s10, s14, $0xb8;
	[tilespmem:$0x11D40] =	vst v63  }
0xa5: {  	s11 =	simm.s32 $0x2DE8  }
0xa6: {  	[spmem:s2] =	stream.indirect.scatter.add.f32 [tilespmem:s29], [sflag:$0x4], $0x10, s11, s14, $0xb8;
	[tilespmem:$0x11D40] =	vst v63  }
0xa7: {  	s6 =	simm.s32 $0x2E50  }
0xa8: {  	[spmem:s2] =	stream.indirect.scatter.add.f32 [tilespmem:s30], [sflag:$0x4], $0x10, s6, s14, $0xb8;
	[tilespmem:$0x11D40] =	vst v63  }
0xa9: {  	s10 =	simm.s32 $0x2EB8  }
0xaa: {  	[spmem:s2] =	stream.indirect.scatter.add.f32 [tilespmem:s31], [sflag:$0x4], $0x10, s10, s14, $0xb8;
	[tilespmem:$0x11D40] =	vst v63  }
0xab: {  	s11 =	simm.s32 $0x2F20  }
0xac: {  	[spmem:s2] =	stream.indirect.scatter.add.f32 [tilespmem:s0], [sflag:$0x4], $0x10, s11, s14, $0xb8;
	[tilespmem:$0x11D40] =	vst v63  }
0xad: {  	s6 =	simm.s32 $0x2F88  }
0xae: {  	[spmem:s2] =	stream.indirect.scatter.add.f32 [tilespmem:s1], [sflag:$0x4], $0x10, s6, s14, $0xb8;
	[tilespmem:$0x11D40] =	vst v63  }
0xaf: {  	s10 =	simm.s32 $0x2FF0  }
0xb0: {  	[spmem:s2] =	stream.indirect.scatter.add.f32 [tilespmem:s13], [sflag:$0x4], $0x10, s10, s14, $0xb8;
	[tilespmem:$0x11D40] =	vst v63  }
0xb1: {  	s11 =	simm.s32 $0x3058  }
0xb2: {  	[spmem:s2] =	stream.indirect.scatter.add.f32 [tilespmem:s5], [sflag:$0x4], $0x10, s11, s14, $0xb8;
	[tilespmem:$0x11D40] =	vst v63  }
0xb3: {  	_ =	swait.ge [sflag:s9], $0x640  }
0xb4: {  	[sflag:s9] =	ssyncset.done $0x0  }
0xb5: {  	[sflag:s9] =	ssyncadd.s32 $0xFFFFF9C0  }
0xb6: {  	_ =	swait.ge [sflag:s9], $0x640  }
0xb7: {  	[sflag:s9] =	ssyncset.done $0x0  }
0xb8: {  	[sflag:s9] =	ssyncadd.s32 $0xFFFFF9C0  }
0xb9: {  	_ =	swait.ge [sflag:s9], $0x640  }
0xba: {  	[sflag:s9] =	ssyncset.done $0x0  }
0xbb: {  	[sflag:s9] =	ssyncadd.s32 $0xFFFFF9C0  }
0xbc: {  	_ =	swait.ge [sflag:s9], $0x640  }
0xbd: {  	[sflag:s9] =	ssyncset.done $0x0  }
0xbe: {  	[sflag:s9] =	ssyncadd.s32 $0xFFFFF9C0  }
0xbf: {  	_ =	swait.ge [sflag:s9], $0x640  }
0xc0: {  	[sflag:s9] =	ssyncset.done $0x0  }
0xc1: {  	[sflag:s9] =	ssyncadd.s32 $0xFFFFF9C0  }
0xc2: {  	_ =	swait.ge [sflag:s9], $0x640  }
0xc3: {  	[sflag:s9] =	ssyncset.done $0x0  }
0xc4: {  	[sflag:s9] =	ssyncadd.s32 $0xFFFFF9C0  }
0xc5: {  	_ =	swait.ge [sflag:s9], $0x640  }
0xc6: {  	[sflag:s9] =	ssyncset.done $0x0  }
0xc7: {  	[sflag:s9] =	ssyncadd.s32 $0xFFFFF9C0  }
0xc8: {  	_ =	swait.ge [sflag:s9], $0x640  }
0xc9: {  	[sflag:s9] =	ssyncset.done $0x0  }
0xca: {  	[sflag:s9] =	ssyncadd.s32 $0xFFFFF9C0  }
0xcb: {  	_ =	swait.ge [sflag:s9], $0x640  }
0xcc: {  	[sflag:s9] =	ssyncset.done $0x0  }
0xcd: {  	[sflag:s9] =	ssyncadd.s32 $0xFFFFF9C0  }
0xce: {  	_ =	swait.ge [sflag:s9], $0x640  }
0xcf: {  	[sflag:s9] =	ssyncset.done $0x0  }
0xd0: {  	[sflag:s9] =	ssyncadd.s32 $0xFFFFF9C0  }
0xd1: {  	_ =	swait.ge [sflag:s12], $0x640  }
0xd2: {  	[sflag:s12] =	ssyncset.done $0x0  }
0xd3: {  	[sflag:s12] =	ssyncadd.s32 $0xFFFFF9C0  }
0xd4: {  	_ =	swait.ge [sflag:s12], $0x640  }
0xd5: {  	[sflag:s12] =	ssyncset.done $0x0  }
0xd6: {  	[sflag:s12] =	ssyncadd.s32 $0xFFFFF9C0  }
0xd7: {  	_ =	swait.ge [sflag:s12], $0x640  }
0xd8: {  	[sflag:s12] =	ssyncset.done $0x0  }
0xd9: {  	[sflag:s12] =	ssyncadd.s32 $0xFFFFF9C0  }
0xda: {  	_ =	swait.ge [sflag:s12], $0x640  }
0xdb: {  	[sflag:s12] =	ssyncset.done $0x0  }
0xdc: {  	[sflag:s12] =	ssyncadd.s32 $0xFFFFF9C0  }
0xdd: {  	_ =	swait.ge [sflag:s12], $0x640  }
0xde: {  	[sflag:s12] =	ssyncset.done $0x0  }
0xdf: {  	[sflag:s12] =	ssyncadd.s32 $0xFFFFF9C0  }
0xe0: {  	_ =	swait.ge [sflag:s12], $0x640  }
0xe1: {  	[sflag:s12] =	ssyncset.done $0x0  }
0xe2: {  	[sflag:s12] =	ssyncadd.s32 $0xFFFFF9C0  }
0xe3: {  	_ =	swait.ge [sflag:s12], $0x640  }
0xe4: {  	[sflag:s12] =	ssyncset.done $0x0  }
0xe5: {  	[sflag:s12] =	ssyncadd.s32 $0xFFFFF9C0  }
0xe6: {  	_ =	swait.ge [sflag:s12], $0x640  }
0xe7: {  	[sflag:s12] =	ssyncset.done $0x0  }
0xe8: {  	[sflag:s12] =	ssyncadd.s32 $0xFFFFF9C0  }
0xe9: {  	_ =	swait.ge [sflag:s12], $0x640  }
0xea: {  	[sflag:s12] =	ssyncset.done $0x0  }
0xeb: {  	[sflag:s12] =	ssyncadd.s32 $0xFFFFF9C0  }
0xec: {  	_ =	swait.ge [sflag:s12], $0x640  }
0xed: {  	s6 =	simm.s32 $0x4100;
	s10 =	simm.s32 $0x2080;
	[sflag:s12] =	ssyncset.done $0x0  }
.LBB2_2:
0xee: {  	s3 =	sshra.s32 s10, $0x2  }
0xef: {  	[sflag:s12] =	ssyncadd.s32 $0xFFFFF9C0;
	s10 =	smov.u32 s6;
	s11 =	sadd.s32 $0x2080, s6  }
0xf0: {  	[tilespmem:s15], [sflag:$0x1] =	stream.indirect.gather [hbm4b:s4+s14], $0x10, s3, s14, $0xb8;
	[tilespmem:$0x11D40] =	vst v63  }
0xf1: {  	p0 =	sne.s32 s6, $0x8200;
	s6 =	sadd.s32 $0x68, s3  }
0xf2: {  	[tilespmem:s16], [sflag:$0x1] =	stream.indirect.gather [hbm4b:s4+s14], $0x10, s6, s14, $0xb8;
	[tilespmem:$0x11D40] =	vst v63  }
0xf3: {  	s6 =	sadd.s32 $0xD0, s3  }
0xf4: {  	[tilespmem:s17], [sflag:$0x1] =	stream.indirect.gather [hbm4b:s4+s14], $0x10, s6, s14, $0xb8;
	[tilespmem:$0x11D40] =	vst v63  }
0xf5: {  	s6 =	sadd.s32 $0x138, s3  }
0xf6: {  	[tilespmem:s18], [sflag:$0x1] =	stream.indirect.gather [hbm4b:s4+s14], $0x10, s6, s14, $0xb8;
	[tilespmem:$0x11D40] =	vst v63  }
0xf7: {  	s6 =	sadd.s32 $0x1A0, s3  }
0xf8: {  	[tilespmem:s19], [sflag:$0x1] =	stream.indirect.gather [hbm4b:s4+s14], $0x10, s6, s14, $0xb8;
	[tilespmem:$0x11D40] =	vst v63  }
0xf9: {  	s6 =	sadd.s32 $0x208, s3  }
0xfa: {  	[tilespmem:s20], [sflag:$0x1] =	stream.indirect.gather [hbm4b:s4+s14], $0x10, s6, s14, $0xb8;
	[tilespmem:$0x11D40] =	vst v63  }
0xfb: {  	s6 =	sadd.s32 $0x270, s3  }
0xfc: {  	[tilespmem:s21], [sflag:$0x1] =	stream.indirect.gather [hbm4b:s4+s14], $0x10, s6, s14, $0xb8;
	[tilespmem:$0x11D40] =	vst v63  }
0xfd: {  	s6 =	sadd.s32 $0x2D8, s3  }
0xfe: {  	[tilespmem:s22], [sflag:$0x1] =	stream.indirect.gather [hbm4b:s4+s14], $0x10, s6, s14, $0xb8;
	[tilespmem:$0x11D40] =	vst v63  }
0xff: {  	s6 =	sadd.s32 $0x340, s3  }
0x100: {  	[tilespmem:s23], [sflag:$0x1] =	stream.indirect.gather [hbm4b:s4+s14], $0x10, s6, s14, $0xb8;
	[tilespmem:$0x11D40] =	vst v63  }
0x101: {  	s6 =	sadd.s32 $0x3A8, s3  }
0x102: {  	[tilespmem:s24], [sflag:$0x1] =	stream.indirect.gather [hbm4b:s4+s14], $0x10, s6, s14, $0xb8;
	[tilespmem:$0x11D40] =	vst v63  }
0x103: {  	s6 =	sadd.s32 $0x410, s3  }
0x104: {  	[tilespmem:s25], [sflag:$0x2] =	stream.indirect.gather [hbm4b:s4+s14], $0x10, s6, s14, $0xb8;
	[tilespmem:$0x11D40] =	vst v63  }
0x105: {  	s6 =	sadd.s32 $0x478, s3  }
0x106: {  	[tilespmem:s26], [sflag:$0x2] =	stream.indirect.gather [hbm4b:s4+s14], $0x10, s6, s14, $0xb8;
	[tilespmem:$0x11D40] =	vst v63  }
0x107: {  	s6 =	sadd.s32 $0x4E0, s3  }
0x108: {  	[tilespmem:s28], [sflag:$0x2] =	stream.indirect.gather [hbm4b:s4+s14], $0x10, s6, s14, $0xb8;
	[tilespmem:$0x11D40] =	vst v63  }
0x109: {  	s6 =	sadd.s32 $0x548, s3  }
0x10a: {  	[tilespmem:s29], [sflag:$0x2] =	stream.indirect.gather [hbm4b:s4+s14], $0x10, s6, s14, $0xb8;
	[tilespmem:$0x11D40] =	vst v63  }
0x10b: {  	s6 =	sadd.s32 $0x5B0, s3  }
0x10c: {  	[tilespmem:s30], [sflag:$0x2] =	stream.indirect.gather [hbm4b:s4+s14], $0x10, s6, s14, $0xb8;
	[tilespmem:$0x11D40] =	vst v63  }
0x10d: {  	s6 =	sadd.s32 $0x618, s3  }
0x10e: {  	[tilespmem:s31], [sflag:$0x2] =	stream.indirect.gather [hbm4b:s4+s14], $0x10, s6, s14, $0xb8;
	[tilespmem:$0x11D40] =	vst v63  }
0x10f: {  	s6 =	sadd.s32 $0x680, s3  }
0x110: {  	[tilespmem:s0], [sflag:$0x2] =	stream.indirect.gather [hbm4b:s4+s14], $0x10, s6, s14, $0xb8;
	[tilespmem:$0x11D40] =	vst v63  }
0x111: {  	s6 =	sadd.s32 $0x6E8, s3  }
0x112: {  	[tilespmem:s1], [sflag:$0x2] =	stream.indirect.gather [hbm4b:s4+s14], $0x10, s6, s14, $0xb8;
	[tilespmem:$0x11D40] =	vst v63  }
0x113: {  	s6 =	sadd.s32 $0x750, s3  }
0x114: {  	[tilespmem:s13], [sflag:$0x2] =	stream.indirect.gather [hbm4b:s4+s14], $0x10, s6, s14, $0xb8;
	[tilespmem:$0x11D40] =	vst v63  }
0x115: {  	s6 =	sadd.s32 $0x7B8, s3  }
0x116: {  	[tilespmem:s5], [sflag:$0x2] =	stream.indirect.gather [hbm4b:s4+s14], $0x10, s6, s14, $0xb8;
	[tilespmem:$0x11D40] =	vst v63  }
0x117: {  	_ =	swait.ge [sflag:s7], $0x640  }
0x118: {  	[sflag:s7] =	ssyncset.done $0x0  }
0x119: {  	[sflag:s7] =	ssyncadd.s32 $0xFFFFF9C0  }
0x11a: {  	_ =	swait.ge [sflag:s7], $0x640  }
0x11b: {  	[sflag:s7] =	ssyncset.done $0x0  }
0x11c: {  	[sflag:s7] =	ssyncadd.s32 $0xFFFFF9C0  }
0x11d: {  	_ =	swait.ge [sflag:s7], $0x640  }
0x11e: {  	[sflag:s7] =	ssyncset.done $0x0  }
0x11f: {  	[sflag:s7] =	ssyncadd.s32 $0xFFFFF9C0  }
0x120: {  	_ =	swait.ge [sflag:s7], $0x640  }
0x121: {  	[sflag:s7] =	ssyncset.done $0x0  }
0x122: {  	[sflag:s7] =	ssyncadd.s32 $0xFFFFF9C0  }
0x123: {  	_ =	swait.ge [sflag:s7], $0x640  }
0x124: {  	[sflag:s7] =	ssyncset.done $0x0  }
0x125: {  	[sflag:s7] =	ssyncadd.s32 $0xFFFFF9C0  }
0x126: {  	_ =	swait.ge [sflag:s7], $0x640  }
0x127: {  	[sflag:s7] =	ssyncset.done $0x0  }
0x128: {  	[sflag:s7] =	ssyncadd.s32 $0xFFFFF9C0  }
0x129: {  	_ =	swait.ge [sflag:s7], $0x640  }
0x12a: {  	[sflag:s7] =	ssyncset.done $0x0  }
0x12b: {  	[sflag:s7] =	ssyncadd.s32 $0xFFFFF9C0  }
0x12c: {  	_ =	swait.ge [sflag:s7], $0x640  }
0x12d: {  	[sflag:s7] =	ssyncset.done $0x0  }
0x12e: {  	[sflag:s7] =	ssyncadd.s32 $0xFFFFF9C0  }
0x12f: {  	_ =	swait.ge [sflag:s7], $0x640  }
0x130: {  	[sflag:s7] =	ssyncset.done $0x0  }
0x131: {  	[sflag:s7] =	ssyncadd.s32 $0xFFFFF9C0  }
0x132: {  	_ =	swait.ge [sflag:s7], $0x640  }
0x133: {  	[sflag:s7] =	ssyncset.done $0x0  }
0x134: {  	s6 =	sadd.s32 $0x28A0, s3;
	[sflag:s7] =	ssyncadd.s32 $0xFFFFF9C0  }
0x135: {  	[spmem:s2] =	stream.indirect.scatter.add.f32 [tilespmem:s15], [sflag:$0x3], $0x10, s6, s14, $0xb8;
	[tilespmem:$0x11D40] =	vst v63  }
0x136: {  	s6 =	sadd.s32 $0x2908, s3  }
0x137: {  	[spmem:s2] =	stream.indirect.scatter.add.f32 [tilespmem:s16], [sflag:$0x3], $0x10, s6, s14, $0xb8;
	[tilespmem:$0x11D40] =	vst v63  }
0x138: {  	s6 =	sadd.s32 $0x2970, s3  }
0x139: {  	[spmem:s2] =	stream.indirect.scatter.add.f32 [tilespmem:s17], [sflag:$0x3], $0x10, s6, s14, $0xb8;
	[tilespmem:$0x11D40] =	vst v63  }
0x13a: {  	s6 =	sadd.s32 $0x29D8, s3  }
0x13b: {  	[spmem:s2] =	stream.indirect.scatter.add.f32 [tilespmem:s18], [sflag:$0x3], $0x10, s6, s14, $0xb8;
	[tilespmem:$0x11D40] =	vst v63  }
0x13c: {  	s6 =	sadd.s32 $0x2A40, s3  }
0x13d: {  	[spmem:s2] =	stream.indirect.scatter.add.f32 [tilespmem:s19], [sflag:$0x3], $0x10, s6, s14, $0xb8;
	[tilespmem:$0x11D40] =	vst v63  }
0x13e: {  	s6 =	sadd.s32 $0x2AA8, s3  }
0x13f: {  	[spmem:s2] =	stream.indirect.scatter.add.f32 [tilespmem:s20], [sflag:$0x3], $0x10, s6, s14, $0xb8;
	[tilespmem:$0x11D40] =	vst v63  }
0x140: {  	s6 =	sadd.s32 $0x2B10, s3  }
0x141: {  	[spmem:s2] =	stream.indirect.scatter.add.f32 [tilespmem:s21], [sflag:$0x3], $0x10, s6, s14, $0xb8;
	[tilespmem:$0x11D40] =	vst v63  }
0x142: {  	s6 =	sadd.s32 $0x2B78, s3  }
0x143: {  	[spmem:s2] =	stream.indirect.scatter.add.f32 [tilespmem:s22], [sflag:$0x3], $0x10, s6, s14, $0xb8;
	[tilespmem:$0x11D40] =	vst v63  }
0x144: {  	s6 =	sadd.s32 $0x2BE0, s3  }
0x145: {  	[spmem:s2] =	stream.indirect.scatter.add.f32 [tilespmem:s23], [sflag:$0x3], $0x10, s6, s14, $0xb8;
	[tilespmem:$0x11D40] =	vst v63  }
0x146: {  	s6 =	sadd.s32 $0x2C48, s3  }
0x147: {  	[spmem:s2] =	stream.indirect.scatter.add.f32 [tilespmem:s24], [sflag:$0x3], $0x10, s6, s14, $0xb8;
	[tilespmem:$0x11D40] =	vst v63  }
0x148: {  	_ =	swait.ge [sflag:s8], $0x640  }
0x149: {  	[sflag:s8] =	ssyncset.done $0x0  }
0x14a: {  	[sflag:s8] =	ssyncadd.s32 $0xFFFFF9C0  }
0x14b: {  	_ =	swait.ge [sflag:s8], $0x640  }
0x14c: {  	[sflag:s8] =	ssyncset.done $0x0  }
0x14d: {  	[sflag:s8] =	ssyncadd.s32 $0xFFFFF9C0  }
0x14e: {  	_ =	swait.ge [sflag:s8], $0x640  }
0x14f: {  	[sflag:s8] =	ssyncset.done $0x0  }
0x150: {  	[sflag:s8] =	ssyncadd.s32 $0xFFFFF9C0  }
0x151: {  	_ =	swait.ge [sflag:s8], $0x640  }
0x152: {  	[sflag:s8] =	ssyncset.done $0x0  }
0x153: {  	[sflag:s8] =	ssyncadd.s32 $0xFFFFF9C0  }
0x154: {  	_ =	swait.ge [sflag:s8], $0x640  }
0x155: {  	[sflag:s8] =	ssyncset.done $0x0  }
0x156: {  	[sflag:s8] =	ssyncadd.s32 $0xFFFFF9C0  }
0x157: {  	_ =	swait.ge [sflag:s8], $0x640  }
0x158: {  	[sflag:s8] =	ssyncset.done $0x0  }
0x159: {  	[sflag:s8] =	ssyncadd.s32 $0xFFFFF9C0  }
0x15a: {  	_ =	swait.ge [sflag:s8], $0x640  }
0x15b: {  	[sflag:s8] =	ssyncset.done $0x0  }
0x15c: {  	[sflag:s8] =	ssyncadd.s32 $0xFFFFF9C0  }
0x15d: {  	_ =	swait.ge [sflag:s8], $0x640  }
0x15e: {  	[sflag:s8] =	ssyncset.done $0x0  }
0x15f: {  	[sflag:s8] =	ssyncadd.s32 $0xFFFFF9C0  }
0x160: {  	_ =	swait.ge [sflag:s8], $0x640  }
0x161: {  	[sflag:s8] =	ssyncset.done $0x0  }
0x162: {  	[sflag:s8] =	ssyncadd.s32 $0xFFFFF9C0  }
0x163: {  	_ =	swait.ge [sflag:s8], $0x640  }
0x164: {  	[sflag:s8] =	ssyncset.done $0x0  }
0x165: {  	s6 =	sadd.s32 $0x2CB0, s3;
	[sflag:s8] =	ssyncadd.s32 $0xFFFFF9C0  }
0x166: {  	[spmem:s2] =	stream.indirect.scatter.add.f32 [tilespmem:s25], [sflag:$0x4], $0x10, s6, s14, $0xb8;
	[tilespmem:$0x11D40] =	vst v63  }
0x167: {  	s6 =	sadd.s32 $0x2D18, s3  }
0x168: {  	[spmem:s2] =	stream.indirect.scatter.add.f32 [tilespmem:s26], [sflag:$0x4], $0x10, s6, s14, $0xb8;
	[tilespmem:$0x11D40] =	vst v63  }
0x169: {  	s6 =	sadd.s32 $0x2D80, s3  }
0x16a: {  	[spmem:s2] =	stream.indirect.scatter.add.f32 [tilespmem:s28], [sflag:$0x4], $0x10, s6, s14, $0xb8;
	[tilespmem:$0x11D40] =	vst v63  }
0x16b: {  	s6 =	sadd.s32 $0x2DE8, s3  }
0x16c: {  	[spmem:s2] =	stream.indirect.scatter.add.f32 [tilespmem:s29], [sflag:$0x4], $0x10, s6, s14, $0xb8;
	[tilespmem:$0x11D40] =	vst v63  }
0x16d: {  	s6 =	sadd.s32 $0x2E50, s3  }
0x16e: {  	[spmem:s2] =	stream.indirect.scatter.add.f32 [tilespmem:s30], [sflag:$0x4], $0x10, s6, s14, $0xb8;
	[tilespmem:$0x11D40] =	vst v63  }
0x16f: {  	s6 =	sadd.s32 $0x2EB8, s3  }
0x170: {  	[spmem:s2] =	stream.indirect.scatter.add.f32 [tilespmem:s31], [sflag:$0x4], $0x10, s6, s14, $0xb8;
	[tilespmem:$0x11D40] =	vst v63  }
0x171: {  	s6 =	sadd.s32 $0x2F20, s3  }
0x172: {  	[spmem:s2] =	stream.indirect.scatter.add.f32 [tilespmem:s0], [sflag:$0x4], $0x10, s6, s14, $0xb8;
	[tilespmem:$0x11D40] =	vst v63  }
0x173: {  	s6 =	sadd.s32 $0x2F88, s3  }
0x174: {  	[spmem:s2] =	stream.indirect.scatter.add.f32 [tilespmem:s1], [sflag:$0x4], $0x10, s6, s14, $0xb8;
	[tilespmem:$0x11D40] =	vst v63  }
0x175: {  	s6 =	sadd.s32 $0x2FF0, s3  }
0x176: {  	[spmem:s2] =	stream.indirect.scatter.add.f32 [tilespmem:s13], [sflag:$0x4], $0x10, s6, s14, $0xb8;
	[tilespmem:$0x11D40] =	vst v63  }
0x177: {  	s3 =	sadd.s32 $0x3058, s3  }
0x178: {  	[spmem:s2] =	stream.indirect.scatter.add.f32 [tilespmem:s5], [sflag:$0x4], $0x10, s3, s14, $0xb8;
	[tilespmem:$0x11D40] =	vst v63  }
0x179: {  	_ =	swait.ge [sflag:s9], $0x640  }
0x17a: {  	[sflag:s9] =	ssyncset.done $0x0  }
0x17b: {  	[sflag:s9] =	ssyncadd.s32 $0xFFFFF9C0  }
0x17c: {  	_ =	swait.ge [sflag:s9], $0x640  }
0x17d: {  	[sflag:s9] =	ssyncset.done $0x0  }
0x17e: {  	[sflag:s9] =	ssyncadd.s32 $0xFFFFF9C0  }
0x17f: {  	_ =	swait.ge [sflag:s9], $0x640  }
0x180: {  	[sflag:s9] =	ssyncset.done $0x0  }
0x181: {  	[sflag:s9] =	ssyncadd.s32 $0xFFFFF9C0  }
0x182: {  	_ =	swait.ge [sflag:s9], $0x640  }
0x183: {  	[sflag:s9] =	ssyncset.done $0x0  }
0x184: {  	[sflag:s9] =	ssyncadd.s32 $0xFFFFF9C0  }
0x185: {  	_ =	swait.ge [sflag:s9], $0x640  }
0x186: {  	[sflag:s9] =	ssyncset.done $0x0  }
0x187: {  	[sflag:s9] =	ssyncadd.s32 $0xFFFFF9C0  }
0x188: {  	_ =	swait.ge [sflag:s9], $0x640  }
0x189: {  	[sflag:s9] =	ssyncset.done $0x0  }
0x18a: {  	[sflag:s9] =	ssyncadd.s32 $0xFFFFF9C0  }
0x18b: {  	_ =	swait.ge [sflag:s9], $0x640  }
0x18c: {  	[sflag:s9] =	ssyncset.done $0x0  }
0x18d: {  	[sflag:s9] =	ssyncadd.s32 $0xFFFFF9C0  }
0x18e: {  	_ =	swait.ge [sflag:s9], $0x640  }
0x18f: {  	[sflag:s9] =	ssyncset.done $0x0  }
0x190: {  	[sflag:s9] =	ssyncadd.s32 $0xFFFFF9C0  }
0x191: {  	_ =	swait.ge [sflag:s9], $0x640  }
0x192: {  	[sflag:s9] =	ssyncset.done $0x0  }
0x193: {  	[sflag:s9] =	ssyncadd.s32 $0xFFFFF9C0  }
0x194: {  	_ =	swait.ge [sflag:s9], $0x640  }
0x195: {  	[sflag:s9] =	ssyncset.done $0x0  }
0x196: {  	[sflag:s9] =	ssyncadd.s32 $0xFFFFF9C0  }
0x197: {  	_ =	swait.ge [sflag:s12], $0x640  }
0x198: {  	[sflag:s12] =	ssyncset.done $0x0  }
0x199: {  	[sflag:s12] =	ssyncadd.s32 $0xFFFFF9C0  }
0x19a: {  	_ =	swait.ge [sflag:s12], $0x640  }
0x19b: {  	[sflag:s12] =	ssyncset.done $0x0  }
0x19c: {  	[sflag:s12] =	ssyncadd.s32 $0xFFFFF9C0  }
0x19d: {  	_ =	swait.ge [sflag:s12], $0x640  }
0x19e: {  	[sflag:s12] =	ssyncset.done $0x0  }
0x19f: {  	[sflag:s12] =	ssyncadd.s32 $0xFFFFF9C0  }
0x1a0: {  	_ =	swait.ge [sflag:s12], $0x640  }
0x1a1: {  	[sflag:s12] =	ssyncset.done $0x0  }
0x1a2: {  	[sflag:s12] =	ssyncadd.s32 $0xFFFFF9C0  }
0x1a3: {  	_ =	swait.ge [sflag:s12], $0x640  }
0x1a4: {  	[sflag:s12] =	ssyncset.done $0x0  }
0x1a5: {  	[sflag:s12] =	ssyncadd.s32 $0xFFFFF9C0  }
0x1a6: {  	_ =	swait.ge [sflag:s12], $0x640  }
0x1a7: {  	[sflag:s12] =	ssyncset.done $0x0  }
0x1a8: {  	[sflag:s12] =	ssyncadd.s32 $0xFFFFF9C0  }
0x1a9: {  	_ =	swait.ge [sflag:s12], $0x640  }
0x1aa: {  	[sflag:s12] =	ssyncset.done $0x0  }
0x1ab: {  	[sflag:s12] =	ssyncadd.s32 $0xFFFFF9C0  }
0x1ac: {  	_ =	swait.ge [sflag:s12], $0x640  }
0x1ad: {  	[sflag:s12] =	ssyncset.done $0x0  }
0x1ae: {  	[sflag:s12] =	ssyncadd.s32 $0xFFFFF9C0  }
.Ltmp0:
0x1af: {  	_ =	swait.ge [sflag:s12], $0x640;
	(pc) =	sbr.rel @p0 .LBB2_2-.Ltmp0, $4  }
0x1b0: {  	[sflag:s12] =	ssyncset.done $0x0  }
0x1b1: {  	[sflag:s12] =	ssyncadd.s32 $0xFFFFF9C0  }
0x1b2: {  	_ =	swait.ge [sflag:s12], $0x640  }
0x1b3: {  	s6 =	smov.u32 s11;
	[sflag:s12] =	ssyncset.done $0x0  }
0x1b4: {  	s3 =	sshra.s32 s10, $0x2;
	[sflag:s12] =	ssyncadd.s32 $0xFFFFF9C0  }
0x1b5: {  	[tilespmem:s15], [sflag:$0x1] =	stream.indirect.gather [hbm4b:s4+s14], $0x10, s3, s14, $0xb8;
	[tilespmem:$0x11D40] =	vst v63  }
0x1b6: {  	s6 =	sadd.s32 $0x68, s3  }
0x1b7: {  	[tilespmem:s16], [sflag:$0x1] =	stream.indirect.gather [hbm4b:s4+s14], $0x10, s6, s14, $0xb8;
	[tilespmem:$0x11D40] =	vst v63  }
0x1b8: {  	s11 =	sadd.s32 $0xD0, s3  }
0x1b9: {  	[tilespmem:s17], [sflag:$0x1] =	stream.indirect.gather [hbm4b:s4+s14], $0x10, s11, s14, $0xb8;
	[tilespmem:$0x11D40] =	vst v63  }
0x1ba: {  	s10 =	sadd.s32 $0x138, s3  }
0x1bb: {  	[tilespmem:s18], [sflag:$0x1] =	stream.indirect.gather [hbm4b:s4+s14], $0x10, s10, s14, $0xb8;
	[tilespmem:$0x11D40] =	vst v63  }
0x1bc: {  	s11 =	sadd.s32 $0x1A0, s3  }
0x1bd: {  	[tilespmem:s19], [sflag:$0x1] =	stream.indirect.gather [hbm4b:s4+s14], $0x10, s11, s14, $0xb8;
	[tilespmem:$0x11D40] =	vst v63  }
0x1be: {  	s10 =	sadd.s32 $0x208, s3  }
0x1bf: {  	[tilespmem:s20], [sflag:$0x1] =	stream.indirect.gather [hbm4b:s4+s14], $0x10, s10, s14, $0xb8;
	[tilespmem:$0x11D40] =	vst v63  }
0x1c0: {  	s11 =	sadd.s32 $0x270, s3  }
0x1c1: {  	[tilespmem:s21], [sflag:$0x1] =	stream.indirect.gather [hbm4b:s4+s14], $0x10, s11, s14, $0xb8;
	[tilespmem:$0x11D40] =	vst v63  }
0x1c2: {  	s10 =	sadd.s32 $0x2D8, s3  }
0x1c3: {  	[tilespmem:s22], [sflag:$0x1] =	stream.indirect.gather [hbm4b:s4+s14], $0x10, s10, s14, $0xb8;
	[tilespmem:$0x11D40] =	vst v63  }
0x1c4: {  	s11 =	sadd.s32 $0x340, s3  }
0x1c5: {  	[tilespmem:s23], [sflag:$0x1] =	stream.indirect.gather [hbm4b:s4+s14], $0x10, s11, s14, $0xb8;
	[tilespmem:$0x11D40] =	vst v63  }
0x1c6: {  	s10 =	sadd.s32 $0x3A8, s3  }
0x1c7: {  	[tilespmem:s24], [sflag:$0x1] =	stream.indirect.gather [hbm4b:s4+s14], $0x10, s10, s14, $0xb8;
	[tilespmem:$0x11D40] =	vst v63  }
0x1c8: {  	s11 =	sadd.s32 $0x410, s3  }
0x1c9: {  	[tilespmem:s25], [sflag:$0x2] =	stream.indirect.gather [hbm4b:s4+s14], $0x10, s11, s14, $0xb8;
	[tilespmem:$0x11D40] =	vst v63  }
0x1ca: {  	s10 =	sadd.s32 $0x478, s3  }
0x1cb: {  	[tilespmem:s26], [sflag:$0x2] =	stream.indirect.gather [hbm4b:s4+s14], $0x10, s10, s14, $0xb8;
	[tilespmem:$0x11D40] =	vst v63  }
0x1cc: {  	s11 =	sadd.s32 $0x4E0, s3  }
0x1cd: {  	[tilespmem:s28], [sflag:$0x2] =	stream.indirect.gather [hbm4b:s4+s14], $0x10, s11, s14, $0xb8;
	[tilespmem:$0x11D40] =	vst v63  }
0x1ce: {  	s10 =	sadd.s32 $0x548, s3  }
0x1cf: {  	[tilespmem:s29], [sflag:$0x2] =	stream.indirect.gather [hbm4b:s4+s14], $0x10, s10, s14, $0xb8;
	[tilespmem:$0x11D40] =	vst v63  }
0x1d0: {  	s11 =	sadd.s32 $0x5B0, s3  }
0x1d1: {  	[tilespmem:s30], [sflag:$0x2] =	stream.indirect.gather [hbm4b:s4+s14], $0x10, s11, s14, $0xb8;
	[tilespmem:$0x11D40] =	vst v63  }
0x1d2: {  	s10 =	sadd.s32 $0x618, s3  }
0x1d3: {  	[tilespmem:s31], [sflag:$0x2] =	stream.indirect.gather [hbm4b:s4+s14], $0x10, s10, s14, $0xb8;
	[tilespmem:$0x11D40] =	vst v63  }
0x1d4: {  	s11 =	sadd.s32 $0x680, s3  }
0x1d5: {  	[tilespmem:s0], [sflag:$0x2] =	stream.indirect.gather [hbm4b:s4+s14], $0x10, s11, s14, $0xb8;
	[tilespmem:$0x11D40] =	vst v63  }
0x1d6: {  	s10 =	sadd.s32 $0x6E8, s3  }
0x1d7: {  	[tilespmem:s1], [sflag:$0x2] =	stream.indirect.gather [hbm4b:s4+s14], $0x10, s10, s14, $0xb8;
	[tilespmem:$0x11D40] =	vst v63  }
0x1d8: {  	s11 =	sadd.s32 $0x750, s3  }
0x1d9: {  	[tilespmem:s13], [sflag:$0x2] =	stream.indirect.gather [hbm4b:s4+s14], $0x10, s11, s14, $0xb8;
	[tilespmem:$0x11D40] =	vst v63  }
0x1da: {  	s10 =	sadd.s32 $0x7B8, s3  }
0x1db: {  	[tilespmem:s5], [sflag:$0x2] =	stream.indirect.gather [hbm4b:s4+s14], $0x10, s10, s14, $0xb8;
	[tilespmem:$0x11D40] =	vst v63  }
0x1dc: {  	_ =	swait.ge [sflag:s7], $0x640  }
0x1dd: {  	[sflag:s7] =	ssyncset.done $0x0  }
0x1de: {  	[sflag:s7] =	ssyncadd.s32 $0xFFFFF9C0  }
0x1df: {  	_ =	swait.ge [sflag:s7], $0x640  }
0x1e0: {  	[sflag:s7] =	ssyncset.done $0x0  }
0x1e1: {  	[sflag:s7] =	ssyncadd.s32 $0xFFFFF9C0  }
0x1e2: {  	_ =	swait.ge [sflag:s7], $0x640  }
0x1e3: {  	[sflag:s7] =	ssyncset.done $0x0  }
0x1e4: {  	[sflag:s7] =	ssyncadd.s32 $0xFFFFF9C0  }
0x1e5: {  	_ =	swait.ge [sflag:s7], $0x640  }
0x1e6: {  	[sflag:s7] =	ssyncset.done $0x0  }
0x1e7: {  	[sflag:s7] =	ssyncadd.s32 $0xFFFFF9C0  }
0x1e8: {  	_ =	swait.ge [sflag:s7], $0x640  }
0x1e9: {  	[sflag:s7] =	ssyncset.done $0x0  }
0x1ea: {  	[sflag:s7] =	ssyncadd.s32 $0xFFFFF9C0  }
0x1eb: {  	_ =	swait.ge [sflag:s7], $0x640  }
0x1ec: {  	[sflag:s7] =	ssyncset.done $0x0  }
0x1ed: {  	[sflag:s7] =	ssyncadd.s32 $0xFFFFF9C0  }
0x1ee: {  	_ =	swait.ge [sflag:s7], $0x640  }
0x1ef: {  	[sflag:s7] =	ssyncset.done $0x0  }
0x1f0: {  	[sflag:s7] =	ssyncadd.s32 $0xFFFFF9C0  }
0x1f1: {  	_ =	swait.ge [sflag:s7], $0x640  }
0x1f2: {  	[sflag:s7] =	ssyncset.done $0x0  }
0x1f3: {  	[sflag:s7] =	ssyncadd.s32 $0xFFFFF9C0  }
0x1f4: {  	_ =	swait.ge [sflag:s7], $0x640  }
0x1f5: {  	[sflag:s7] =	ssyncset.done $0x0  }
0x1f6: {  	[sflag:s7] =	ssyncadd.s32 $0xFFFFF9C0  }
0x1f7: {  	_ =	swait.ge [sflag:s7], $0x640  }
0x1f8: {  	[sflag:s7] =	ssyncset.done $0x0  }
0x1f9: {  	s11 =	sadd.s32 $0x28A0, s3;
	[sflag:s7] =	ssyncadd.s32 $0xFFFFF9C0  }
0x1fa: {  	[spmem:s2] =	stream.indirect.scatter.add.f32 [tilespmem:s15], [sflag:$0x3], $0x10, s11, s14, $0xb8;
	[tilespmem:$0x11D40] =	vst v63  }
0x1fb: {  	s10 =	sadd.s32 $0x2908, s3  }
0x1fc: {  	[spmem:s2] =	stream.indirect.scatter.add.f32 [tilespmem:s16], [sflag:$0x3], $0x10, s10, s14, $0xb8;
	[tilespmem:$0x11D40] =	vst v63  }
0x1fd: {  	s11 =	sadd.s32 $0x2970, s3  }
0x1fe: {  	[spmem:s2] =	stream.indirect.scatter.add.f32 [tilespmem:s17], [sflag:$0x3], $0x10, s11, s14, $0xb8;
	[tilespmem:$0x11D40] =	vst v63  }
0x1ff: {  	s10 =	sadd.s32 $0x29D8, s3  }
0x200: {  	[spmem:s2] =	stream.indirect.scatter.add.f32 [tilespmem:s18], [sflag:$0x3], $0x10, s10, s14, $0xb8;
	[tilespmem:$0x11D40] =	vst v63  }
0x201: {  	s11 =	sadd.s32 $0x2A40, s3  }
0x202: {  	[spmem:s2] =	stream.indirect.scatter.add.f32 [tilespmem:s19], [sflag:$0x3], $0x10, s11, s14, $0xb8;
	[tilespmem:$0x11D40] =	vst v63  }
0x203: {  	s10 =	sadd.s32 $0x2AA8, s3  }
0x204: {  	[spmem:s2] =	stream.indirect.scatter.add.f32 [tilespmem:s20], [sflag:$0x3], $0x10, s10, s14, $0xb8;
	[tilespmem:$0x11D40] =	vst v63  }
0x205: {  	s11 =	sadd.s32 $0x2B10, s3  }
0x206: {  	[spmem:s2] =	stream.indirect.scatter.add.f32 [tilespmem:s21], [sflag:$0x3], $0x10, s11, s14, $0xb8;
	[tilespmem:$0x11D40] =	vst v63  }
0x207: {  	s10 =	sadd.s32 $0x2B78, s3  }
0x208: {  	[spmem:s2] =	stream.indirect.scatter.add.f32 [tilespmem:s22], [sflag:$0x3], $0x10, s10, s14, $0xb8;
	[tilespmem:$0x11D40] =	vst v63  }
0x209: {  	s11 =	sadd.s32 $0x2BE0, s3  }
0x20a: {  	[spmem:s2] =	stream.indirect.scatter.add.f32 [tilespmem:s23], [sflag:$0x3], $0x10, s11, s14, $0xb8;
	[tilespmem:$0x11D40] =	vst v63  }
0x20b: {  	s10 =	sadd.s32 $0x2C48, s3  }
0x20c: {  	[spmem:s2] =	stream.indirect.scatter.add.f32 [tilespmem:s24], [sflag:$0x3], $0x10, s10, s14, $0xb8;
	[tilespmem:$0x11D40] =	vst v63  }
0x20d: {  	_ =	swait.ge [sflag:s8], $0x640  }
0x20e: {  	[sflag:s8] =	ssyncset.done $0x0  }
0x20f: {  	[sflag:s8] =	ssyncadd.s32 $0xFFFFF9C0  }
0x210: {  	_ =	swait.ge [sflag:s8], $0x640  }
0x211: {  	[sflag:s8] =	ssyncset.done $0x0  }
0x212: {  	[sflag:s8] =	ssyncadd.s32 $0xFFFFF9C0  }
0x213: {  	_ =	swait.ge [sflag:s8], $0x640  }
0x214: {  	[sflag:s8] =	ssyncset.done $0x0  }
0x215: {  	[sflag:s8] =	ssyncadd.s32 $0xFFFFF9C0  }
0x216: {  	_ =	swait.ge [sflag:s8], $0x640  }
0x217: {  	[sflag:s8] =	ssyncset.done $0x0  }
0x218: {  	[sflag:s8] =	ssyncadd.s32 $0xFFFFF9C0  }
0x219: {  	_ =	swait.ge [sflag:s8], $0x640  }
0x21a: {  	[sflag:s8] =	ssyncset.done $0x0  }
0x21b: {  	[sflag:s8] =	ssyncadd.s32 $0xFFFFF9C0  }
0x21c: {  	_ =	swait.ge [sflag:s8], $0x640  }
0x21d: {  	[sflag:s8] =	ssyncset.done $0x0  }
0x21e: {  	[sflag:s8] =	ssyncadd.s32 $0xFFFFF9C0  }
0x21f: {  	_ =	swait.ge [sflag:s8], $0x640  }
0x220: {  	[sflag:s8] =	ssyncset.done $0x0  }
0x221: {  	[sflag:s8] =	ssyncadd.s32 $0xFFFFF9C0  }
0x222: {  	_ =	swait.ge [sflag:s8], $0x640  }
0x223: {  	[sflag:s8] =	ssyncset.done $0x0  }
0x224: {  	[sflag:s8] =	ssyncadd.s32 $0xFFFFF9C0  }
0x225: {  	_ =	swait.ge [sflag:s8], $0x640  }
0x226: {  	[sflag:s8] =	ssyncset.done $0x0  }
0x227: {  	[sflag:s8] =	ssyncadd.s32 $0xFFFFF9C0  }
0x228: {  	_ =	swait.ge [sflag:s8], $0x640  }
0x229: {  	[sflag:s8] =	ssyncset.done $0x0  }
0x22a: {  	s11 =	sadd.s32 $0x2CB0, s3;
	[sflag:s8] =	ssyncadd.s32 $0xFFFFF9C0  }
0x22b: {  	[spmem:s2] =	stream.indirect.scatter.add.f32 [tilespmem:s25], [sflag:$0x4], $0x10, s11, s14, $0xb8;
	[tilespmem:$0x11D40] =	vst v63  }
0x22c: {  	s10 =	sadd.s32 $0x2D18, s3  }
0x22d: {  	[spmem:s2] =	stream.indirect.scatter.add.f32 [tilespmem:s26], [sflag:$0x4], $0x10, s10, s14, $0xb8;
	[tilespmem:$0x11D40] =	vst v63  }
0x22e: {  	s11 =	sadd.s32 $0x2D80, s3  }
0x22f: {  	[spmem:s2] =	stream.indirect.scatter.add.f32 [tilespmem:s28], [sflag:$0x4], $0x10, s11, s14, $0xb8;
	[tilespmem:$0x11D40] =	vst v63  }
0x230: {  	s10 =	sadd.s32 $0x2DE8, s3  }
0x231: {  	[spmem:s2] =	stream.indirect.scatter.add.f32 [tilespmem:s29], [sflag:$0x4], $0x10, s10, s14, $0xb8;
	[tilespmem:$0x11D40] =	vst v63  }
0x232: {  	s11 =	sadd.s32 $0x2E50, s3  }
0x233: {  	[spmem:s2] =	stream.indirect.scatter.add.f32 [tilespmem:s30], [sflag:$0x4], $0x10, s11, s14, $0xb8;
	[tilespmem:$0x11D40] =	vst v63  }
0x234: {  	s10 =	sadd.s32 $0x2EB8, s3  }
0x235: {  	[spmem:s2] =	stream.indirect.scatter.add.f32 [tilespmem:s31], [sflag:$0x4], $0x10, s10, s14, $0xb8;
	[tilespmem:$0x11D40] =	vst v63  }
0x236: {  	s11 =	sadd.s32 $0x2F20, s3  }
0x237: {  	[spmem:s2] =	stream.indirect.scatter.add.f32 [tilespmem:s0], [sflag:$0x4], $0x10, s11, s14, $0xb8;
	[tilespmem:$0x11D40] =	vst v63  }
0x238: {  	s10 =	sadd.s32 $0x2F88, s3  }
0x239: {  	[spmem:s2] =	stream.indirect.scatter.add.f32 [tilespmem:s1], [sflag:$0x4], $0x10, s10, s14, $0xb8;
	[tilespmem:$0x11D40] =	vst v63  }
0x23a: {  	s11 =	sadd.s32 $0x2FF0, s3  }
0x23b: {  	[spmem:s2] =	stream.indirect.scatter.add.f32 [tilespmem:s13], [sflag:$0x4], $0x10, s11, s14, $0xb8;
	[tilespmem:$0x11D40] =	vst v63  }
0x23c: {  	s3 =	sadd.s32 $0x3058, s3  }
0x23d: {  	[spmem:s2] =	stream.indirect.scatter.add.f32 [tilespmem:s5], [sflag:$0x4], $0x10, s3, s14, $0xb8;
	[tilespmem:$0x11D40] =	vst v63  }
0x23e: {  	_ =	swait.ge [sflag:s9], $0x640  }
0x23f: {  	[sflag:s9] =	ssyncset.done $0x0  }
0x240: {  	[sflag:s9] =	ssyncadd.s32 $0xFFFFF9C0  }
0x241: {  	_ =	swait.ge [sflag:s9], $0x640  }
0x242: {  	[sflag:s9] =	ssyncset.done $0x0  }
0x243: {  	[sflag:s9] =	ssyncadd.s32 $0xFFFFF9C0  }
0x244: {  	_ =	swait.ge [sflag:s9], $0x640  }
0x245: {  	[sflag:s9] =	ssyncset.done $0x0  }
0x246: {  	[sflag:s9] =	ssyncadd.s32 $0xFFFFF9C0  }
0x247: {  	_ =	swait.ge [sflag:s9], $0x640  }
0x248: {  	[sflag:s9] =	ssyncset.done $0x0  }
0x249: {  	[sflag:s9] =	ssyncadd.s32 $0xFFFFF9C0  }
0x24a: {  	_ =	swait.ge [sflag:s9], $0x640  }
0x24b: {  	[sflag:s9] =	ssyncset.done $0x0  }
0x24c: {  	[sflag:s9] =	ssyncadd.s32 $0xFFFFF9C0  }
0x24d: {  	_ =	swait.ge [sflag:s9], $0x640  }
0x24e: {  	[sflag:s9] =	ssyncset.done $0x0  }
0x24f: {  	[sflag:s9] =	ssyncadd.s32 $0xFFFFF9C0  }
0x250: {  	_ =	swait.ge [sflag:s9], $0x640  }
0x251: {  	[sflag:s9] =	ssyncset.done $0x0  }
0x252: {  	[sflag:s9] =	ssyncadd.s32 $0xFFFFF9C0  }
0x253: {  	_ =	swait.ge [sflag:s9], $0x640  }
0x254: {  	[sflag:s9] =	ssyncset.done $0x0  }
0x255: {  	[sflag:s9] =	ssyncadd.s32 $0xFFFFF9C0  }
0x256: {  	_ =	swait.ge [sflag:s9], $0x640  }
0x257: {  	[sflag:s9] =	ssyncset.done $0x0  }
0x258: {  	[sflag:s9] =	ssyncadd.s32 $0xFFFFF9C0  }
0x259: {  	_ =	swait.ge [sflag:s9], $0x640  }
0x25a: {  	[sflag:s9] =	ssyncset.done $0x0  }
0x25b: {  	[sflag:s9] =	ssyncadd.s32 $0xFFFFF9C0  }
0x25c: {  	_ =	swait.ge [sflag:s12], $0x640  }
0x25d: {  	[sflag:s12] =	ssyncset.done $0x0  }
0x25e: {  	[sflag:s12] =	ssyncadd.s32 $0xFFFFF9C0  }
0x25f: {  	_ =	swait.ge [sflag:s12], $0x640  }
0x260: {  	[sflag:s12] =	ssyncset.done $0x0  }
0x261: {  	[sflag:s12] =	ssyncadd.s32 $0xFFFFF9C0  }
0x262: {  	_ =	swait.ge [sflag:s12], $0x640  }
0x263: {  	[sflag:s12] =	ssyncset.done $0x0  }
0x264: {  	[sflag:s12] =	ssyncadd.s32 $0xFFFFF9C0  }
0x265: {  	_ =	swait.ge [sflag:s12], $0x640  }
0x266: {  	[sflag:s12] =	ssyncset.done $0x0  }
0x267: {  	[sflag:s12] =	ssyncadd.s32 $0xFFFFF9C0  }
0x268: {  	_ =	swait.ge [sflag:s12], $0x640  }
0x269: {  	[sflag:s12] =	ssyncset.done $0x0  }
0x26a: {  	[sflag:s12] =	ssyncadd.s32 $0xFFFFF9C0  }
0x26b: {  	_ =	swait.ge [sflag:s12], $0x640  }
0x26c: {  	[sflag:s12] =	ssyncset.done $0x0  }
0x26d: {  	[sflag:s12] =	ssyncadd.s32 $0xFFFFF9C0  }
0x26e: {  	_ =	swait.ge [sflag:s12], $0x640  }
0x26f: {  	[sflag:s12] =	ssyncset.done $0x0  }
0x270: {  	[sflag:s12] =	ssyncadd.s32 $0xFFFFF9C0  }
0x271: {  	_ =	swait.ge [sflag:s12], $0x640  }
0x272: {  	[sflag:s12] =	ssyncset.done $0x0  }
0x273: {  	[sflag:s12] =	ssyncadd.s32 $0xFFFFF9C0  }
0x274: {  	_ =	swait.ge [sflag:s12], $0x640  }
0x275: {  	[sflag:s12] =	ssyncset.done $0x0  }
0x276: {  	[sflag:s12] =	ssyncadd.s32 $0xFFFFF9C0  }
0x277: {  	_ =	swait.ge [sflag:s12], $0x640  }
0x278: {  	[sflag:s12] =	ssyncset.done $0x0  }
0x279: {  	[sflag:s12] =	ssyncadd.s32 $0xFFFFF9C0  }
0x27a: {  	[bflag:$0x0] =	sbarrier.arrive $0xFFFF  }
0x27b: {  	s11 =	simm.s32 $0xCE40;
	s10 =	rddreg [dreg:$0x5]  }
0x27c: {  	[tilespmem:s11], [sflag:$0x5] =	stream.linear.gather [spmem:s10], $0x2780, $0x38;
	[tilespmem:$0x11D40] =	vst v63  }
0x27d: {  	s10 =	simm.s32 $0x5  }
0x27e: {  	_ =	swait.ge [sflag:s10], $0x2780  }
0x27f: {  	[sflag:s10] =	ssyncset.done $0x0  }
0x280: {  	s6 =	simm.s32 $0x0;
	s3 =	rddreg [dreg:$0x7];
	[sflag:s10] =	ssyncadd.s32 $0xFFFFD880  }
0x281: {  	[hbm4b:s3+s6] =	stream.linear.scatter [tilespmem:s11], [sflag:$0x5], $0x2780, $0x38;
	[tilespmem:$0x11D40] =	vst v63  }
0x282: {  	_ =	swait.ge [sflag:s10], $0x2780  }
0x283: {  	s3 =	rddreg [dreg:$0xa]  }
0x284: {  	[sflag:s10] =	ssyncset.done $0x0;
	s10 =	rddreg [dreg:$0x8];
	s6 =	sadd.s32 $0x1, s3  }
0x285: {  	p0 =	sne.s32 s6, s10  }
.Ltmp1:
0x286: {  	_ = 	snop;
	(pc) =	sbr.rel @p0 .LBB2_1-.Ltmp1, $3  }
0x287: {  	_ =	sdelay $0x1  }
0x288: {  	s10 =	simm.s32 $0x5  }
0x289: {  	[dreg:$0xa] =	wrdreg s6;
	[sflag:s10] =	ssyncadd.s32 $0xFFFFD880  }
0x28a: {  	_ =	sfence.sel $0x180000  }
0x28b: {  	[bflag:$0x0] =	sbarrier.arrive $0xFFFF  }
0x28c: {  	_ =	strace $0x9000004A  }
0x28d: {  	s0 =	stileid.u32;
	[bflag:$0x2] =	sbarrier.arrive $0xFFFF  }
0x28e: {  	p0 =	sne.s32 s0, $0x0;
	s0 =	rddreg [dreg:$0x3]  }
0x28f: {  	s0 =	sadd.s32 @!p0 $0x100000, s0  }
0x290: {  	[sflag:s0] =	ssyncadd.tile.s32 @!p0 $0x1;
	_ =	shalt  }
.Lfunc_end2:
_tile_overlayer_lowered:
.L_overlay_start_2:
0x291: {  	(tag) =	ssettag $0x2  }
0x292: {  	s0 =	rddreg [dreg:$0x0];
	s2 =	stileid.u32  }
0x293: {  	s1 =	rddreg [dreg:$0x1];
	p0 =	sne.s32 s2, $0x0  }
0x294: {  	s3 =	rddreg [dreg:$0x2];
	[bflag:$0x3] =	sbarrier.arrive $0xFFFF;
	s2 =	simm.s32 @!p0 $0x1C05  }
0x295: {  	[timem:s3], [sflag:s2] =	dma.local @!p0 [hbm:s0], s1  }
0x296: {  	s0 =	simm.s32 @!p0 $0x5  }
0x297: {  	_ =	swait.ge @!p0 [sflag:s0], s1  }
0x298: {  	s1 =	ssub.s32 @!p0 $0x0, s1;
	[sflag:s0] =	ssyncset.done @!p0 $0x0  }
0x299: {  	[sflag:s0] =	ssyncadd.s32 @!p0 s1  }
0x29a: {  	[bflag:$0x3] =	sbarrier.arrive $0xFFFF  }
0x29b: {  	_ =	shalt  }

// kernel: kernel.14.cloned.1.call-start
scs
__scs_entry_jumppad:
0x0: {  	(pc) =	sbr.rel $0x88, $3  }
0x1: {  	(tag) =	ssettag $0x0;
	lr =	simm.s32 $0x1  }
0x2: {  	[smem:$0x3F9B] =	sst lr;
	_ =	strace $0xD0000000  }
0x3: {  	_ = 	snop  }
0x4: {  	_ = 	snop  }
0x5: {  	_ = 	snop  }
0x6: {  	_ = 	snop  }
0x7: {  	_ = 	snop  }
__scs_overlays_trampoline_lowered:
0x8: {  	[smem:$0x3FAA] =	sst s0  }
0x9: {  	[smem:$0x3FAB] =	sst s1  }
0xa: {  	[smem:$0x3FAC] =	sst s2  }
0xb: {  	[smem:$0x3FAD] =	sst s3  }
0xc: {  	[smem:$0x3FAE] =	sst s4  }
0xd: {  	[smem:$0x3FAF] =	sst s5  }
0xe: {  	[smem:$0x3FB0] =	sst s6  }
0xf: {  	[smem:$0x3FB1] =	sst s7  }
0x10: {  	[smem:$0x3FB2] =	sst s8  }
0x11: {  	[smem:$0x3FB3] =	sst s9;
	s0 =	simm.s32 @!p0 $0x0  }
0x12: {  	s1 =	sld [smem:$0x3F99];
	s0 =	simm.s32 @p0 $0x1  }
0x13: {  	[smem:$0x3FB4] =	sst s0;
	s0 =	simm.s32 @!p1 $0x0  }
0x14: {  	s2 =	sld [smem:$0x3F98];
	s0 =	simm.s32 @p1 $0x1  }
0x15: {  	[smem:$0x3FB5] =	sst s0;
	s0 =	simm.s32 @!p2 $0x0  }
0x16: {  	s3 =	sld [smem:$0x3FDB];
	s0 =	simm.s32 @p2 $0x1  }
0x17: {  	s4 =	simm.s32 $0x1BF5;
	[smem:$0x3FB7] =	sst s0  }
0x18: {  	s0 =	sld [smem:$0x3F9A];
	_ =	swait.ge [sflag:s4], $0x0  }
0x19: {  	s7 =	sld [smem:$0x3F9B]  }
0x1a: {  	s8 =	sadd.s32 $0xFFFFE003, lr  }
0x1b: {  	s9 =	sadd.s32 $0xFFFFFEF7, lr;
	s5 =	simm.s32 $0xFFFFFFFF;
	p2 =	slt.u32 s8, $0xFFFFF086  }
0x1c: {  	p1 =	slt.u32 s9, $0xF7A;
	s5 =	simm.s32 @!p2 $0x0  }
0x1d: {  	s5 =	simm.s32 @p1 $0x1;
	p0 =	seq.s32 s7, s2  }
0x1e: {  	s7 =	smul.u32 @!p0 $0xF7A, s2;
	p2 =	seq.s32 @!p0 s5, $0x0  }
0x1f: {  	s9 =	smul.u32 $0xF7A, s1;
	s8 =	simm.s32 @!p0 $0x1BF5;
	p2 =	por !p2, p0  }
0x20: {  	[sflag:s8] =	ssyncset.s32 @!p0 $0xFFFFF086;
	s6 =	sadd.s32 @!p0 s3, s7;
	s7 =	simm.s32 @!p0 $0x108  }
0x21: {  	s3 =	sadd.s32 s3, s9;
	s6 =	sadd.s32 @!p0 $0x88, s6;
	s7 =	simm.s32 @p2 $0x1082  }
0x22: {  	[simem:s7], [sflag:s8] =	dma.local @!p0 [hbm:s6], $0xF7A  }
0x23: {  	s9 =	sor.u32 $0xD0000000, s2;
	s6 =	simm.s32 $0x108;
	_ =	swait.ge @!p0 [sflag:s8], $0x0  }
0x24: {  	s3 =	sadd.s32 $0x88, s3;
	s6 =	simm.s32 @!p1 $0x1082;
	[sflag:s4] =	ssyncset.s32 $0xFFFFF086  }
0x25: {  	[simem:s6], [sflag:s4] =	dma.local [hbm:s3], $0xF7A  }
0x26: {  	[smem:$0x3F9B] =	sst s1;
	(tag) =	ssettag s2;
	_ =	strace s9  }
0x27: {  	s1 =	sld [smem:$0x3FAB]  }
0x28: {  	s2 =	sld [smem:$0x3FAC]  }
0x29: {  	s4 =	sld [smem:$0x3FAE]  }
0x2a: {  	p0 =	seq.s32 s5, $0x0;
	s5 =	sld [smem:$0x3FAF]  }
0x2b: {  	s6 =	sld [smem:$0x3FB0]  }
0x2c: {  	s7 =	sld [smem:$0x3FB1]  }
0x2d: {  	s3 =	simm.s32 $0x108;
	s8 =	sld [smem:$0x3FB2]  }
0x2e: {  	s3 =	simm.s32 @!p0 $0x1082;
	s9 =	sld [smem:$0x3FB3]  }
0x2f: {  	lr =	sadd.s32 s0, s3;
	s0 =	sld [smem:$0x3FAA]  }
0x30: {  	s3 =	sld [smem:$0x3FAD]  }
0x31: {  	[smem:$0x3FB6] =	sst s10  }
0x32: {  	s10 =	sld [smem:$0x3FB4];
	_ =	sdelay $0x3  }
0x33: {  	p0 =	seq.s32 s10, $0x1;
	s10 =	sld [smem:$0x3FB6];
	_ =	sdelay $0x3  }
0x34: {  	[smem:$0x3FB6] =	sst s10  }
0x35: {  	s10 =	sld [smem:$0x3FB5];
	_ =	sdelay $0x3  }
0x36: {  	p1 =	seq.s32 s10, $0x1;
	s10 =	sld [smem:$0x3FB6];
	_ =	sdelay $0x3  }
0x37: {  	[smem:$0x3FB6] =	sst s10  }
0x38: {  	s10 =	sld [smem:$0x3FB7]  }
0x39: {  	_ = 	snop;
	(pc) =	sbr.ind lr, $3  }
0x3a: {  	_ = 	snop  }
0x3b: {  	_ = 	snop  }
0x3c: {  	p2 =	seq.s32 s10, $0x1;
	s10 =	sld [smem:$0x3FB6]  }
0x3d: {  	_ =	shalt  }
0x3e: {  	_ =	shalt  }
0x3f: {  	_ =	shalt  }
0x40: {  	_ =	shalt  }
0x41: {  	_ =	shalt  }
0x42: {  	_ =	shalt  }
0x43: {  	_ =	shalt  }
0x44: {  	_ =	shalt  }
0x45: {  	_ =	shalt  }
0x46: {  	_ =	shalt  }
0x47: {  	_ =	shalt  }
0x48: {  	_ =	shalt  }
0x49: {  	_ =	shalt  }
0x4a: {  	_ =	shalt  }
0x4b: {  	_ =	shalt  }
0x4c: {  	_ =	shalt  }
0x4d: {  	_ =	shalt  }
0x4e: {  	_ =	shalt  }
0x4f: {  	_ =	shalt  }
0x50: {  	_ =	shalt  }
0x51: {  	_ =	shalt  }
0x52: {  	_ =	shalt  }
0x53: {  	_ =	shalt  }
0x54: {  	_ =	shalt  }
0x55: {  	_ =	shalt  }
0x56: {  	_ =	shalt  }
0x57: {  	_ =	shalt  }
0x58: {  	_ =	shalt  }
0x59: {  	_ =	shalt  }
0x5a: {  	_ =	shalt  }
0x5b: {  	_ =	shalt  }
0x5c: {  	_ =	shalt  }
0x5d: {  	_ =	shalt  }
0x5e: {  	_ =	shalt  }
0x5f: {  	_ =	shalt  }
0x60: {  	_ =	shalt  }
0x61: {  	_ =	shalt  }
0x62: {  	_ =	shalt  }
0x63: {  	_ =	shalt  }
0x64: {  	_ =	shalt  }
0x65: {  	_ =	shalt  }
0x66: {  	_ =	shalt  }
0x67: {  	_ =	shalt  }
0x68: {  	_ =	shalt  }
0x69: {  	_ =	shalt  }
0x6a: {  	_ =	shalt  }
0x6b: {  	_ =	shalt  }
0x6c: {  	_ =	shalt  }
0x6d: {  	_ =	shalt  }
0x6e: {  	_ =	shalt  }
0x6f: {  	_ =	shalt  }
0x70: {  	_ =	shalt  }
0x71: {  	_ =	shalt  }
0x72: {  	_ =	shalt  }
0x73: {  	_ =	shalt  }
0x74: {  	_ =	shalt  }
0x75: {  	_ =	shalt  }
0x76: {  	_ =	shalt  }
0x77: {  	_ =	shalt  }
0x78: {  	_ =	shalt  }
0x79: {  	_ =	shalt  }
0x7a: {  	_ =	shalt  }
0x7b: {  	_ =	shalt  }
0x7c: {  	_ =	shalt  }
0x7d: {  	_ =	shalt  }
0x7e: {  	_ =	shalt  }
0x7f: {  	_ =	shalt  }
0x80: {  	_ =	shalt  }
0x81: {  	_ =	shalt  }
0x82: {  	_ =	shalt  }
0x83: {  	_ =	shalt  }
0x84: {  	_ =	shalt  }
0x85: {  	_ =	shalt  }
0x86: {  	_ =	shalt  }
0x87: {  	_ =	shalt  }
.Lfunc_end0:
.L_simem_size_0:
called_computation.2_lowered:
.L_overlay_start_0:
0x88: {  	s2 =	sld [smem:$0x3FD9]  }
0x89: {  	s3 =	sld [smem:$0x3FFE];
	_ =	sdelay $0x1  }
0x8a: {  	s1 =	srdreg.scid  }
0x8b: {  	s0 =	sand.u32 $0x1, s1  }
0x8c: {  	s17 =	sshll.u32 s0, $0xA;
	s2 =	sadd.s32 s3, s2  }
0x8d: {  	s2 =	sadd.s32 s2, s17  }
0x8e: {  	[smem:$0x3FC2] =	sst s2  }
0x8f: {  	_ = 	snop  }
0x90: {  	s2 =	sld [smem:$0x3FD0];
	(tm) =	ssettm $0x1  }
0x91: {  	s18 =	sld [smem:$0x3FFB];
	_ =	sdelay $0x3  }
0x92: {  	_ =	strace s18  }
0x93: {  	s3 =	sld [smem:$0x3FFC];
	_ =	sdelay $0x3  }
0x94: {  	_ =	strace s3  }
0x95: {  	s3 =	sld [smem:$0x3FFD];
	_ =	sdelay $0x3  }
0x96: {  	_ =	strace s3  }
0x97: {  	_ =	strace $0x8FFFFFFF  }
0x98: {  	s19 =	sld [smem:$0x3FDB];
	_ =	sdelay $0x1  }
0x99: {  	s4 =	simm.s32 $_scs_section_size  }
0x9a: {  	s5 =	simm.s32 $_size__tile_overlayer_lowered;
	s6 =	simm.s32 $_tile_overlayer_lowered  }
0x9b: {  	s22 =	simm.s32 $0x1BFF;
	s21 =	sshll.u32 s6, $0x1;
	s3 =	sadd.s32 s4, s19  }
0x9c: {  	s7 =	simm.s32 $0x0;
	s20 =	sshll.u32 s5, $0x1;
	s5 =	sadd.s32 s21, s3  }
0x9d: {  	[timem:s7], [sflag:s22] =	dma.local [hbm:s5], s20  }
0x9e: {  	_ =	swait.ge [sflag:s22], s20  }
0x9f: {  	s4 =	ssub.s32 $0x0, s20;
	[sflag:s22] =	ssyncset.done $0x0  }
0xa0: {  	[sflag:s22] =	ssyncadd.s32 s4;
	_ =	sdelay $0x1  }
0xa1: {  	s23 =	simm.s32 $0x1B8B  }
0xa2: {  	_ =	swait.ge [sflag:s23], $0x1  }
0xa3: {  	[sflag:s23] =	ssyncset.done $0x0  }
0xa4: {  	s25 =	simm.s32 $0x1B8E;
	s24 =	sld [smem:$0x3FFE];
	[sflag:s23] =	ssyncadd.s32 $0xFFFFFFFF  }
0xa5: {  	s26 =	simm.s32 $execute0_lowered;
	[smem:$0x3FD2] =	sst s25  }
0xa6: {  	s5 =	sshll.u32 s26, $0x1;
	_ =	strace $0x8000004C;
	[dreg:$0x1] =	wrdreg $0xFFFFFFFF  }
0xa7: {  	s28 =	simm.s32 $_size_execute0_lowered;
	s3 =	sadd.s32 s3, s5;
	[dreg:$0x0] =	wrdreg $0x0  }
0xa8: {  	s5 =	sshll.u32 s28, $0x1;
	[dreg:$0x2] =	wrdreg s3  }
0xa9: {  	[dreg:$0x3] =	wrdreg s5  }
0xaa: {  	[dreg:$0x4] =	wrdreg $0xC0  }
0xab: {  	_ =	task [dreg:s7], $0x5FFFF  }
0xac: {  	[dreg:$0x1] =	wrdreg $0xFFFFFFFF  }
0xad: {  	[dreg:$0x0] =	wrdreg $0x60  }
0xae: {  	[dreg:$0x2] =	wrdreg s2  }
0xaf: {  	[dreg:$0x3] =	wrdreg s24  }
0xb0: {  	[dreg:$0x4] =	wrdreg $0xF5C00  }
0xb1: {  	[dreg:$0x5] =	wrdreg $0x9  }
0xb2: {  	_ =	task.clear_ibuf [dreg:s7], $0x6FFFF;
	_ =	strace $0x9000004C  }
0xb3: {  	s29 =	simm.s32 $0x9;
	_ =	strace $0x8000004E  }
0xb4: {  	_ =	swait.ge [sflag:s29], $0x1  }
0xb5: {  	[sflag:s29] =	ssyncadd.s32 $0xFFFFFFFF  }
0xb6: {  	_ =	strace $0x9000004E  }
0xb7: {  	_ =	sfence  }
0xb8: {  	s30 =	sld [smem:$0x0];
	_ =	sdelay $0x2  }
0xb9: {  	s31 =	sshll.u32 s1, $0xD;
	s1 =	sshrl.u32 s1, $0x2  }
0xba: {  	s3 =	sand.u32 $0x4000, s31;
	s1 =	sadd.s32 s1, s30  }
0xbb: {  	s0 =	sor.u32 s3, s0;
	s1 =	sshll.u32 s1, $0x11  }
0xbc: {  	s0 =	sor.u32 s1, s0  }
0xbd: {  	s0 =	sadd.s32 $0x8F2B, s0  }
0xbe: {  	[sflag:s0] =	ssyncadd.remote.s32 $0x1  }
0xbf: {  	_ =	sfence.sel $0xFFFF  }
0xc0: {  	[dreg:$0x0] =	wrdreg $0xFFFFFFFF;
	(pc) =	sbr.abs _section_cstart, $3  }
0xc1: {  	[dreg:$0x1] =	wrdreg $0xFFFFFFFF  }
0xc2: {  	_ =	task.clear_ibuf [dreg:s7], $0x2FFFF;
	_ =	strace $0x9FFFFFFF  }
0xc3: {  	(tm) =	ssettm $0x7FFFFFFF  }
tec
execute0_lowered:
.L_overlay_start_1:
0x0: {  	(tag) =	ssettag $0x1  }
0x1: {  	s0 =	rddreg [dreg:$0x0]  }
0x2: {  	s1 =	rddreg [dreg:$0x1]  }
0x3: {  	s2 =	rddreg [dreg:$0x2]  }
0x4: {  	s3 =	srdreg.scid;
	s8 =	stileid.u32  }
0x5: {  	s4 =	simm.s32 $0x0;
	s11 =	simm.s32 $0xCE40;
	s14 =	simm.s32 $0x64  }
0x6: {  	s15 =	simm.s32 $0x5140;
	s16 =	simm.s32 $0x5780;
	s17 =	simm.s32 $0x5DC0  }
0x7: {  	s18 =	simm.s32 $0x6400;
	s19 =	simm.s32 $0x6A40;
	s20 =	simm.s32 $0x7080  }
0x8: {  	s21 =	simm.s32 $0x76C0;
	s22 =	simm.s32 $0x7D00;
	s23 =	simm.s32 $0x8340  }
0x9: {  	s24 =	simm.s32 $0x8980;
	s28 =	simm.s32 $0x9C40;
	s29 =	simm.s32 $0xA280  }
0xa: {  	s30 =	simm.s32 $0xA8C0;
	s31 =	simm.s32 $0xAF00;
	s13 =	simm.s32 $0xC1C0  }
0xb: {  	s12 =	simm.s32 $0x4;
	s10 =	simm.s32 $0x0;
	s3 =	sand.u32 $0x1, s3  }
0xc: {  	s5 =	smul.u32 $0x2780, s8;
	[smem:$0x7FF] =	sst s4;
	s4 =	sadd.s32 $0x1E00, s1  }
0xd: {  	s25 =	sadd.s32 $0x6E00, s1;
	s6 =	smul.u32 $0x27800, s3;
	_ =	strace $0x8000004D  }
0xe: {  	s7 =	sshll.u32 s3, $0x4;
	s3 =	ssub.s32 $0x2, s3;
	[dreg:$0x4] =	wrdreg s25  }
0xf: {  	s25 =	simm.s32 $0x8FC0;
	[dreg:$0xa] =	wrdreg s10;
	s7 =	sor.u32 s8, s7  }
0x10: {  	s26 =	sshrl.u32 s3, $0x1;
	s6 =	sadd.s32 s5, s6;
	s7 =	smul.u32 $0x514, s7  }
0x11: {  	s3 =	ssub.s32 s3, s26;
	s5 =	sadd.s32 s5, s2;
	s26 =	simm.s32 $0x9600  }
0x12: {  	s6 =	sshrl.u32 s6, $0x3;
	[dreg:$0x5] =	wrdreg s5;
	s9 =	smax.u32 s3, $0x1  }
0x13: {  	s5 =	simm.s32 $0xC800;
	s1 =	sadd.s32 s6, s1;
	s8 =	sadd.s32 s0, s7  }
0x14: {  	s0 =	sadd.s32 $0xA280, s0;
	[dreg:$0x8] =	wrdreg s9;
	s9 =	simm.s32 $0x3  }
0x15: {  	[dreg:$0x6] =	wrdreg s8;
	s1 =	sadd.s32 $0x7400, s1;
	s0 =	sadd.s32 s7, s0  }
0x16: {  	s7 =	simm.s32 $0x1;
	s8 =	simm.s32 $0x2;
	[dreg:$0x7] =	wrdreg s1  }
0x17: {  	[dreg:$0x9] =	wrdreg s0;
	s0 =	simm.s32 $0xB540;
	s1 =	simm.s32 $0xBB80  }
.LBB2_1:
0x18: {  	s10 =	simm.s32 $0x5;
	s3 =	rddreg [dreg:$0x4];
	s6 =	simm.s32 $0x0  }
0x19: {  	[tilespmem:s11], [sflag:$0x5] =	stream.linear.gather [hbm4b:s3+s6], $0x2780, $0x38;
	[tilespmem:$0x11D40] =	vst v63  }
0x1a: {  	_ =	swait.ge [sflag:s10], $0x2780  }
0x1b: {  	[sflag:s10] =	ssyncset.done $0x0  }
0x1c: {  	s6 =	rddreg [dreg:$0x5];
	[sflag:s10] =	ssyncadd.s32 $0xFFFFD880  }
0x1d: {  	[spmem:s6] =	stream.linear.scatter [tilespmem:s11], [sflag:$0x5], $0x2780, $0x38;
	[tilespmem:$0x11D40] =	vst v63  }
0x1e: {  	_ =	swait.ge [sflag:s10], $0x2780  }
0x1f: {  	[sflag:s10] =	ssyncset.done $0x0  }
0x20: {  	s11 =	simm.s32 $0x0;
	s6 =	rddreg [dreg:$0x6];
	[sflag:s10] =	ssyncadd.s32 $0xFFFFD880  }
0x21: {  	[tilespmem:s11], [sflag:$0x5] =	stream.linear.gather [hbm4b:s6+s11], $0x28A0, $0x38;
	[tilespmem:$0x11D40] =	vst v63  }
0x22: {  	_ =	swait.ge [sflag:s10], $0x28A0  }
0x23: {  	s11 =	simm.s32 $0x0;
	[sflag:s10] =	ssyncset.done $0x0  }
0x24: {  	s6 =	simm.s32 $0x28A0;
	s3 =	rddreg [dreg:$0x9];
	[sflag:s10] =	ssyncadd.s32 $0xFFFFD760  }
0x25: {  	[tilespmem:s6], [sflag:$0x5] =	stream.linear.gather [hbm4b:s3+s11], $0x28A0, $0x38;
	[tilespmem:$0x11D40] =	vst v63  }
0x26: {  	_ =	swait.ge [sflag:s10], $0x28A0  }
0x27: {  	[sflag:s10] =	ssyncset.done $0x0  }
0x28: {  	[sflag:s10] =	ssyncadd.s32 $0xFFFFD760  }
0x29: {  	s11 =	simm.s32 $0x0;
	[bflag:$0x0] =	sbarrier.arrive $0xFFFF  }
0x2a: {  	[tilespmem:s15], [sflag:$0x1] =	stream.indirect.gather [hbm4b:s4+s14], $0x10, s11, s14, $0xb8;
	[tilespmem:$0x11D40] =	vst v63  }
0x2b: {  	s6 =	simm.s32 $0x68  }
0x2c: {  	[tilespmem:s16], [sflag:$0x1] =	stream.indirect.gather [hbm4b:s4+s14], $0x10, s6, s14, $0xb8;
	[tilespmem:$0x11D40] =	vst v63  }
0x2d: {  	s10 =	simm.s32 $0xD0  }
0x2e: {  	[tilespmem:s17], [sflag:$0x1] =	stream.indirect.gather [hbm4b:s4+s14], $0x10, s10, s14, $0xb8;
	[tilespmem:$0x11D40] =	vst v63  }
0x2f: {  	s11 =	simm.s32 $0x138  }
0x30: {  	[tilespmem:s18], [sflag:$0x1] =	stream.indirect.gather [hbm4b:s4+s14], $0x10, s11, s14, $0xb8;
	[tilespmem:$0x11D40] =	vst v63  }
0x31: {  	s6 =	simm.s32 $0x1A0  }
0x32: {  	[tilespmem:s19], [sflag:$0x1] =	stream.indirect.gather [hbm4b:s4+s14], $0x10, s6, s14, $0xb8;
	[tilespmem:$0x11D40] =	vst v63  }
0x33: {  	s10 =	simm.s32 $0x208  }
0x34: {  	[tilespmem:s20], [sflag:$0x1] =	stream.indirect.gather [hbm4b:s4+s14], $0x10, s10, s14, $0xb8;
	[tilespmem:$0x11D40] =	vst v63  }
0x35: {  	s11 =	simm.s32 $0x270  }
0x36: {  	[tilespmem:s21], [sflag:$0x1] =	stream.indirect.gather [hbm4b:s4+s14], $0x10, s11, s14, $0xb8;
	[tilespmem:$0x11D40] =	vst v63  }
0x37: {  	s6 =	simm.s32 $0x2D8  }
0x38: {  	[tilespmem:s22], [sflag:$0x1] =	stream.indirect.gather [hbm4b:s4+s14], $0x10, s6, s14, $0xb8;
	[tilespmem:$0x11D40] =	vst v63  }
0x39: {  	s10 =	simm.s32 $0x340  }
0x3a: {  	[tilespmem:s23], [sflag:$0x1] =	stream.indirect.gather [hbm4b:s4+s14], $0x10, s10, s14, $0xb8;
	[tilespmem:$0x11D40] =	vst v63  }
0x3b: {  	s11 =	simm.s32 $0x3A8  }
0x3c: {  	[tilespmem:s24], [sflag:$0x1] =	stream.indirect.gather [hbm4b:s4+s14], $0x10, s11, s14, $0xb8;
	[tilespmem:$0x11D40] =	vst v63  }
0x3d: {  	s6 =	simm.s32 $0x410  }
0x3e: {  	[tilespmem:s25], [sflag:$0x2] =	stream.indirect.gather [hbm4b:s4+s14], $0x10, s6, s14, $0xb8;
	[tilespmem:$0x11D40] =	vst v63  }
0x3f: {  	s10 =	simm.s32 $0x478  }
0x40: {  	[tilespmem:s26], [sflag:$0x2] =	stream.indirect.gather [hbm4b:s4+s14], $0x10, s10, s14, $0xb8;
	[tilespmem:$0x11D40] =	vst v63  }
0x41: {  	s11 =	simm.s32 $0x4E0  }
0x42: {  	[tilespmem:s28], [sflag:$0x2] =	stream.indirect.gather [hbm4b:s4+s14], $0x10, s11, s14, $0xb8;
	[tilespmem:$0x11D40] =	vst v63  }
0x43: {  	s6 =	simm.s32 $0x548  }
0x44: {  	[tilespmem:s29], [sflag:$0x2] =	stream.indirect.gather [hbm4b:s4+s14], $0x10, s6, s14, $0xb8;
	[tilespmem:$0x11D40] =	vst v63  }
0x45: {  	s10 =	simm.s32 $0x5B0  }
0x46: {  	[tilespmem:s30], [sflag:$0x2] =	stream.indirect.gather [hbm4b:s4+s14], $0x10, s10, s14, $0xb8;
	[tilespmem:$0x11D40] =	vst v63  }
0x47: {  	s11 =	simm.s32 $0x618  }
0x48: {  	[tilespmem:s31], [sflag:$0x2] =	stream.indirect.gather [hbm4b:s4+s14], $0x10, s11, s14, $0xb8;
	[tilespmem:$0x11D40] =	vst v63  }
0x49: {  	s6 =	simm.s32 $0x680  }
0x4a: {  	[tilespmem:s0], [sflag:$0x2] =	stream.indirect.gather [hbm4b:s4+s14], $0x10, s6, s14, $0xb8;
	[tilespmem:$0x11D40] =	vst v63  }
0x4b: {  	s10 =	simm.s32 $0x6E8  }
0x4c: {  	[tilespmem:s1], [sflag:$0x2] =	stream.indirect.gather [hbm4b:s4+s14], $0x10, s10, s14, $0xb8;
	[tilespmem:$0x11D40] =	vst v63  }
0x4d: {  	s11 =	simm.s32 $0x750  }
0x4e: {  	[tilespmem:s13], [sflag:$0x2] =	stream.indirect.gather [hbm4b:s4+s14], $0x10, s11, s14, $0xb8;
	[tilespmem:$0x11D40] =	vst v63  }
0x4f: {  	s6 =	simm.s32 $0x7B8  }
0x50: {  	[tilespmem:s5], [sflag:$0x2] =	stream.indirect.gather [hbm4b:s4+s14], $0x10, s6, s14, $0xb8;
	[tilespmem:$0x11D40] =	vst v63  }
0x51: {  	_ =	swait.ge [sflag:s7], $0x640  }
0x52: {  	[sflag:s7] =	ssyncset.done $0x0  }
0x53: {  	[sflag:s7] =	ssyncadd.s32 $0xFFFFF9C0  }
0x54: {  	_ =	swait.ge [sflag:s7], $0x640  }
0x55: {  	[sflag:s7] =	ssyncset.done $0x0  }
0x56: {  	[sflag:s7] =	ssyncadd.s32 $0xFFFFF9C0  }
0x57: {  	_ =	swait.ge [sflag:s7], $0x640  }
0x58: {  	[sflag:s7] =	ssyncset.done $0x0  }
0x59: {  	[sflag:s7] =	ssyncadd.s32 $0xFFFFF9C0  }
0x5a: {  	_ =	swait.ge [sflag:s7], $0x640  }
0x5b: {  	[sflag:s7] =	ssyncset.done $0x0  }
0x5c: {  	[sflag:s7] =	ssyncadd.s32 $0xFFFFF9C0  }
0x5d: {  	_ =	swait.ge [sflag:s7], $0x640  }
0x5e: {  	[sflag:s7] =	ssyncset.done $0x0  }
0x5f: {  	[sflag:s7] =	ssyncadd.s32 $0xFFFFF9C0  }
0x60: {  	_ =	swait.ge [sflag:s7], $0x640  }
0x61: {  	[sflag:s7] =	ssyncset.done $0x0  }
0x62: {  	[sflag:s7] =	ssyncadd.s32 $0xFFFFF9C0  }
0x63: {  	_ =	swait.ge [sflag:s7], $0x640  }
0x64: {  	[sflag:s7] =	ssyncset.done $0x0  }
0x65: {  	[sflag:s7] =	ssyncadd.s32 $0xFFFFF9C0  }
0x66: {  	_ =	swait.ge [sflag:s7], $0x640  }
0x67: {  	[sflag:s7] =	ssyncset.done $0x0  }
0x68: {  	[sflag:s7] =	ssyncadd.s32 $0xFFFFF9C0  }
0x69: {  	_ =	swait.ge [sflag:s7], $0x640  }
0x6a: {  	[sflag:s7] =	ssyncset.done $0x0  }
0x6b: {  	[sflag:s7] =	ssyncadd.s32 $0xFFFFF9C0  }
0x6c: {  	_ =	swait.ge [sflag:s7], $0x640  }
0x6d: {  	[sflag:s7] =	ssyncset.done $0x0  }
0x6e: {  	s10 =	simm.s32 $0x28A0;
	[sflag:s7] =	ssyncadd.s32 $0xFFFFF9C0  }
0x6f: {  	[spmem:s2] =	stream.indirect.scatter.add.f32 [tilespmem:s15], [sflag:$0x3], $0x10, s10, s14, $0xb8;
	[tilespmem:$0x11D40] =	vst v63  }
0x70: {  	s11 =	simm.s32 $0x2908  }
0x71: {  	[spmem:s2] =	stream.indirect.scatter.add.f32 [tilespmem:s16], [sflag:$0x3], $0x10, s11, s14, $0xb8;
	[tilespmem:$0x11D40] =	vst v63  }
0x72: {  	s6 =	simm.s32 $0x2970  }
0x73: {  	[spmem:s2] =	stream.indirect.scatter.add.f32 [tilespmem:s17], [sflag:$0x3], $0x10, s6, s14, $0xb8;
	[tilespmem:$0x11D40] =	vst v63  }
0x74: {  	s10 =	simm.s32 $0x29D8  }
0x75: {  	[spmem:s2] =	stream.indirect.scatter.add.f32 [tilespmem:s18], [sflag:$0x3], $0x10, s10, s14, $0xb8;
	[tilespmem:$0x11D40] =	vst v63  }
0x76: {  	s11 =	simm.s32 $0x2A40  }
0x77: {  	[spmem:s2] =	stream.indirect.scatter.add.f32 [tilespmem:s19], [sflag:$0x3], $0x10, s11, s14, $0xb8;
	[tilespmem:$0x11D40] =	vst v63  }
0x78: {  	s6 =	simm.s32 $0x2AA8  }
0x79: {  	[spmem:s2] =	stream.indirect.scatter.add.f32 [tilespmem:s20], [sflag:$0x3], $0x10, s6, s14, $0xb8;
	[tilespmem:$0x11D40] =	vst v63  }
0x7a: {  	s10 =	simm.s32 $0x2B10  }
0x7b: {  	[spmem:s2] =	stream.indirect.scatter.add.f32 [tilespmem:s21], [sflag:$0x3], $0x10, s10, s14, $0xb8;
	[tilespmem:$0x11D40] =	vst v63  }
0x7c: {  	s11 =	simm.s32 $0x2B78  }
0x7d: {  	[spmem:s2] =	stream.indirect.scatter.add.f32 [tilespmem:s22], [sflag:$0x3], $0x10, s11, s14, $0xb8;
	[tilespmem:$0x11D40] =	vst v63  }
0x7e: {  	s6 =	simm.s32 $0x2BE0  }
0x7f: {  	[spmem:s2] =	stream.indirect.scatter.add.f32 [tilespmem:s23], [sflag:$0x3], $0x10, s6, s14, $0xb8;
	[tilespmem:$0x11D40] =	vst v63  }
0x80: {  	s10 =	simm.s32 $0x2C48  }
0x81: {  	[spmem:s2] =	stream.indirect.scatter.add.f32 [tilespmem:s24], [sflag:$0x3], $0x10, s10, s14, $0xb8;
	[tilespmem:$0x11D40] =	vst v63  }
0x82: {  	_ =	swait.ge [sflag:s8], $0x640  }
0x83: {  	[sflag:s8] =	ssyncset.done $0x0  }
0x84: {  	[sflag:s8] =	ssyncadd.s32 $0xFFFFF9C0  }
0x85: {  	_ =	swait.ge [sflag:s8], $0x640  }
0x86: {  	[sflag:s8] =	ssyncset.done $0x0  }
0x87: {  	[sflag:s8] =	ssyncadd.s32 $0xFFFFF9C0  }
0x88: {  	_ =	swait.ge [sflag:s8], $0x640  }
0x89: {  	[sflag:s8] =	ssyncset.done $0x0  }
0x8a: {  	[sflag:s8] =	ssyncadd.s32 $0xFFFFF9C0  }
0x8b: {  	_ =	swait.ge [sflag:s8], $0x640  }
0x8c: {  	[sflag:s8] =	ssyncset.done $0x0  }
0x8d: {  	[sflag:s8] =	ssyncadd.s32 $0xFFFFF9C0  }
0x8e: {  	_ =	swait.ge [sflag:s8], $0x640  }
0x8f: {  	[sflag:s8] =	ssyncset.done $0x0  }
0x90: {  	[sflag:s8] =	ssyncadd.s32 $0xFFFFF9C0  }
0x91: {  	_ =	swait.ge [sflag:s8], $0x640  }
0x92: {  	[sflag:s8] =	ssyncset.done $0x0  }
0x93: {  	[sflag:s8] =	ssyncadd.s32 $0xFFFFF9C0  }
0x94: {  	_ =	swait.ge [sflag:s8], $0x640  }
0x95: {  	[sflag:s8] =	ssyncset.done $0x0  }
0x96: {  	[sflag:s8] =	ssyncadd.s32 $0xFFFFF9C0  }
0x97: {  	_ =	swait.ge [sflag:s8], $0x640  }
0x98: {  	[sflag:s8] =	ssyncset.done $0x0  }
0x99: {  	[sflag:s8] =	ssyncadd.s32 $0xFFFFF9C0  }
0x9a: {  	_ =	swait.ge [sflag:s8], $0x640  }
0x9b: {  	[sflag:s8] =	ssyncset.done $0x0  }
0x9c: {  	[sflag:s8] =	ssyncadd.s32 $0xFFFFF9C0  }
0x9d: {  	_ =	swait.ge [sflag:s8], $0x640  }
0x9e: {  	[sflag:s8] =	ssyncset.done $0x0  }
0x9f: {  	s11 =	simm.s32 $0x2CB0;
	[sflag:s8] =	ssyncadd.s32 $0xFFFFF9C0  }
0xa0: {  	[spmem:s2] =	stream.indirect.scatter.add.f32 [tilespmem:s25], [sflag:$0x4], $0x10, s11, s14, $0xb8;
	[tilespmem:$0x11D40] =	vst v63  }
0xa1: {  	s6 =	simm.s32 $0x2D18  }
0xa2: {  	[spmem:s2] =	stream.indirect.scatter.add.f32 [tilespmem:s26], [sflag:$0x4], $0x10, s6, s14, $0xb8;
	[tilespmem:$0x11D40] =	vst v63  }
0xa3: {  	s10 =	simm.s32 $0x2D80  }
0xa4: {  	[spmem:s2] =	stream.indirect.scatter.add.f32 [tilespmem:s28], [sflag:$0x4], $0x10, s10, s14, $0xb8;
	[tilespmem:$0x11D40] =	vst v63  }
0xa5: {  	s11 =	simm.s32 $0x2DE8  }
0xa6: {  	[spmem:s2] =	stream.indirect.scatter.add.f32 [tilespmem:s29], [sflag:$0x4], $0x10, s11, s14, $0xb8;
	[tilespmem:$0x11D40] =	vst v63  }
0xa7: {  	s6 =	simm.s32 $0x2E50  }
0xa8: {  	[spmem:s2] =	stream.indirect.scatter.add.f32 [tilespmem:s30], [sflag:$0x4], $0x10, s6, s14, $0xb8;
	[tilespmem:$0x11D40] =	vst v63  }
0xa9: {  	s10 =	simm.s32 $0x2EB8  }
0xaa: {  	[spmem:s2] =	stream.indirect.scatter.add.f32 [tilespmem:s31], [sflag:$0x4], $0x10, s10, s14, $0xb8;
	[tilespmem:$0x11D40] =	vst v63  }
0xab: {  	s11 =	simm.s32 $0x2F20  }
0xac: {  	[spmem:s2] =	stream.indirect.scatter.add.f32 [tilespmem:s0], [sflag:$0x4], $0x10, s11, s14, $0xb8;
	[tilespmem:$0x11D40] =	vst v63  }
0xad: {  	s6 =	simm.s32 $0x2F88  }
0xae: {  	[spmem:s2] =	stream.indirect.scatter.add.f32 [tilespmem:s1], [sflag:$0x4], $0x10, s6, s14, $0xb8;
	[tilespmem:$0x11D40] =	vst v63  }
0xaf: {  	s10 =	simm.s32 $0x2FF0  }
0xb0: {  	[spmem:s2] =	stream.indirect.scatter.add.f32 [tilespmem:s13], [sflag:$0x4], $0x10, s10, s14, $0xb8;
	[tilespmem:$0x11D40] =	vst v63  }
0xb1: {  	s11 =	simm.s32 $0x3058  }
0xb2: {  	[spmem:s2] =	stream.indirect.scatter.add.f32 [tilespmem:s5], [sflag:$0x4], $0x10, s11, s14, $0xb8;
	[tilespmem:$0x11D40] =	vst v63  }
0xb3: {  	_ =	swait.ge [sflag:s9], $0x640  }
0xb4: {  	[sflag:s9] =	ssyncset.done $0x0  }
0xb5: {  	[sflag:s9] =	ssyncadd.s32 $0xFFFFF9C0  }
0xb6: {  	_ =	swait.ge [sflag:s9], $0x640  }
0xb7: {  	[sflag:s9] =	ssyncset.done $0x0  }
0xb8: {  	[sflag:s9] =	ssyncadd.s32 $0xFFFFF9C0  }
0xb9: {  	_ =	swait.ge [sflag:s9], $0x640  }
0xba: {  	[sflag:s9] =	ssyncset.done $0x0  }
0xbb: {  	[sflag:s9] =	ssyncadd.s32 $0xFFFFF9C0  }
0xbc: {  	_ =	swait.ge [sflag:s9], $0x640  }
0xbd: {  	[sflag:s9] =	ssyncset.done $0x0  }
0xbe: {  	[sflag:s9] =	ssyncadd.s32 $0xFFFFF9C0  }
0xbf: {  	_ =	swait.ge [sflag:s9], $0x640  }
0xc0: {  	[sflag:s9] =	ssyncset.done $0x0  }
0xc1: {  	[sflag:s9] =	ssyncadd.s32 $0xFFFFF9C0  }
0xc2: {  	_ =	swait.ge [sflag:s9], $0x640  }
0xc3: {  	[sflag:s9] =	ssyncset.done $0x0  }
0xc4: {  	[sflag:s9] =	ssyncadd.s32 $0xFFFFF9C0  }
0xc5: {  	_ =	swait.ge [sflag:s9], $0x640  }
0xc6: {  	[sflag:s9] =	ssyncset.done $0x0  }
0xc7: {  	[sflag:s9] =	ssyncadd.s32 $0xFFFFF9C0  }
0xc8: {  	_ =	swait.ge [sflag:s9], $0x640  }
0xc9: {  	[sflag:s9] =	ssyncset.done $0x0  }
0xca: {  	[sflag:s9] =	ssyncadd.s32 $0xFFFFF9C0  }
0xcb: {  	_ =	swait.ge [sflag:s9], $0x640  }
0xcc: {  	[sflag:s9] =	ssyncset.done $0x0  }
0xcd: {  	[sflag:s9] =	ssyncadd.s32 $0xFFFFF9C0  }
0xce: {  	_ =	swait.ge [sflag:s9], $0x640  }
0xcf: {  	[sflag:s9] =	ssyncset.done $0x0  }
0xd0: {  	[sflag:s9] =	ssyncadd.s32 $0xFFFFF9C0  }
0xd1: {  	_ =	swait.ge [sflag:s12], $0x640  }
0xd2: {  	[sflag:s12] =	ssyncset.done $0x0  }
0xd3: {  	[sflag:s12] =	ssyncadd.s32 $0xFFFFF9C0  }
0xd4: {  	_ =	swait.ge [sflag:s12], $0x640  }
0xd5: {  	[sflag:s12] =	ssyncset.done $0x0  }
0xd6: {  	[sflag:s12] =	ssyncadd.s32 $0xFFFFF9C0  }
0xd7: {  	_ =	swait.ge [sflag:s12], $0x640  }
0xd8: {  	[sflag:s12] =	ssyncset.done $0x0  }
0xd9: {  	[sflag:s12] =	ssyncadd.s32 $0xFFFFF9C0  }
0xda: {  	_ =	swait.ge [sflag:s12], $0x640  }
0xdb: {  	[sflag:s12] =	ssyncset.done $0x0  }
0xdc: {  	[sflag:s12] =	ssyncadd.s32 $0xFFFFF9C0  }
0xdd: {  	_ =	swait.ge [sflag:s12], $0x640  }
0xde: {  	[sflag:s12] =	ssyncset.done $0x0  }
0xdf: {  	[sflag:s12] =	ssyncadd.s32 $0xFFFFF9C0  }
0xe0: {  	_ =	swait.ge [sflag:s12], $0x640  }
0xe1: {  	[sflag:s12] =	ssyncset.done $0x0  }
0xe2: {  	[sflag:s12] =	ssyncadd.s32 $0xFFFFF9C0  }
0xe3: {  	_ =	swait.ge [sflag:s12], $0x640  }
0xe4: {  	[sflag:s12] =	ssyncset.done $0x0  }
0xe5: {  	[sflag:s12] =	ssyncadd.s32 $0xFFFFF9C0  }
0xe6: {  	_ =	swait.ge [sflag:s12], $0x640  }
0xe7: {  	[sflag:s12] =	ssyncset.done $0x0  }
0xe8: {  	[sflag:s12] =	ssyncadd.s32 $0xFFFFF9C0  }
0xe9: {  	_ =	swait.ge [sflag:s12], $0x640  }
0xea: {  	[sflag:s12] =	ssyncset.done $0x0  }
0xeb: {  	[sflag:s12] =	ssyncadd.s32 $0xFFFFF9C0  }
0xec: {  	_ =	swait.ge [sflag:s12], $0x640  }
0xed: {  	s6 =	simm.s32 $0x4100;
	s10 =	simm.s32 $0x2080;
	[sflag:s12] =	ssyncset.done $0x0  }
.LBB2_2:
0xee: {  	s3 =	sshra.s32 s10, $0x2  }
0xef: {  	[sflag:s12] =	ssyncadd.s32 $0xFFFFF9C0;
	s10 =	smov.u32 s6;
	s11 =	sadd.s32 $0x2080, s6  }
0xf0: {  	[tilespmem:s15], [sflag:$0x1] =	stream.indirect.gather [hbm4b:s4+s14], $0x10, s3, s14, $0xb8;
	[tilespmem:$0x11D40] =	vst v63  }
0xf1: {  	p0 =	sne.s32 s6, $0x8200;
	s6 =	sadd.s32 $0x68, s3  }
0xf2: {  	[tilespmem:s16], [sflag:$0x1] =	stream.indirect.gather [hbm4b:s4+s14], $0x10, s6, s14, $0xb8;
	[tilespmem:$0x11D40] =	vst v63  }
0xf3: {  	s6 =	sadd.s32 $0xD0, s3  }
0xf4: {  	[tilespmem:s17], [sflag:$0x1] =	stream.indirect.gather [hbm4b:s4+s14], $0x10, s6, s14, $0xb8;
	[tilespmem:$0x11D40] =	vst v63  }
0xf5: {  	s6 =	sadd.s32 $0x138, s3  }
0xf6: {  	[tilespmem:s18], [sflag:$0x1] =	stream.indirect.gather [hbm4b:s4+s14], $0x10, s6, s14, $0xb8;
	[tilespmem:$0x11D40] =	vst v63  }
0xf7: {  	s6 =	sadd.s32 $0x1A0, s3  }
0xf8: {  	[tilespmem:s19], [sflag:$0x1] =	stream.indirect.gather [hbm4b:s4+s14], $0x10, s6, s14, $0xb8;
	[tilespmem:$0x11D40] =	vst v63  }
0xf9: {  	s6 =	sadd.s32 $0x208, s3  }
0xfa: {  	[tilespmem:s20], [sflag:$0x1] =	stream.indirect.gather [hbm4b:s4+s14], $0x10, s6, s14, $0xb8;
	[tilespmem:$0x11D40] =	vst v63  }
0xfb: {  	s6 =	sadd.s32 $0x270, s3  }
0xfc: {  	[tilespmem:s21], [sflag:$0x1] =	stream.indirect.gather [hbm4b:s4+s14], $0x10, s6, s14, $0xb8;
	[tilespmem:$0x11D40] =	vst v63  }
0xfd: {  	s6 =	sadd.s32 $0x2D8, s3  }
0xfe: {  	[tilespmem:s22], [sflag:$0x1] =	stream.indirect.gather [hbm4b:s4+s14], $0x10, s6, s14, $0xb8;
	[tilespmem:$0x11D40] =	vst v63  }
0xff: {  	s6 =	sadd.s32 $0x340, s3  }
0x100: {  	[tilespmem:s23], [sflag:$0x1] =	stream.indirect.gather [hbm4b:s4+s14], $0x10, s6, s14, $0xb8;
	[tilespmem:$0x11D40] =	vst v63  }
0x101: {  	s6 =	sadd.s32 $0x3A8, s3  }
0x102: {  	[tilespmem:s24], [sflag:$0x1] =	stream.indirect.gather [hbm4b:s4+s14], $0x10, s6, s14, $0xb8;
	[tilespmem:$0x11D40] =	vst v63  }
0x103: {  	s6 =	sadd.s32 $0x410, s3  }
0x104: {  	[tilespmem:s25], [sflag:$0x2] =	stream.indirect.gather [hbm4b:s4+s14], $0x10, s6, s14, $0xb8;
	[tilespmem:$0x11D40] =	vst v63  }
0x105: {  	s6 =	sadd.s32 $0x478, s3  }
0x106: {  	[tilespmem:s26], [sflag:$0x2] =	stream.indirect.gather [hbm4b:s4+s14], $0x10, s6, s14, $0xb8;
	[tilespmem:$0x11D40] =	vst v63  }
0x107: {  	s6 =	sadd.s32 $0x4E0, s3  }
0x108: {  	[tilespmem:s28], [sflag:$0x2] =	stream.indirect.gather [hbm4b:s4+s14], $0x10, s6, s14, $0xb8;
	[tilespmem:$0x11D40] =	vst v63  }
0x109: {  	s6 =	sadd.s32 $0x548, s3  }
0x10a: {  	[tilespmem:s29], [sflag:$0x2] =	stream.indirect.gather [hbm4b:s4+s14], $0x10, s6, s14, $0xb8;
	[tilespmem:$0x11D40] =	vst v63  }
0x10b: {  	s6 =	sadd.s32 $0x5B0, s3  }
0x10c: {  	[tilespmem:s30], [sflag:$0x2] =	stream.indirect.gather [hbm4b:s4+s14], $0x10, s6, s14, $0xb8;
	[tilespmem:$0x11D40] =	vst v63  }
0x10d: {  	s6 =	sadd.s32 $0x618, s3  }
0x10e: {  	[tilespmem:s31], [sflag:$0x2] =	stream.indirect.gather [hbm4b:s4+s14], $0x10, s6, s14, $0xb8;
	[tilespmem:$0x11D40] =	vst v63  }
0x10f: {  	s6 =	sadd.s32 $0x680, s3  }
0x110: {  	[tilespmem:s0], [sflag:$0x2] =	stream.indirect.gather [hbm4b:s4+s14], $0x10, s6, s14, $0xb8;
	[tilespmem:$0x11D40] =	vst v63  }
0x111: {  	s6 =	sadd.s32 $0x6E8, s3  }
0x112: {  	[tilespmem:s1], [sflag:$0x2] =	stream.indirect.gather [hbm4b:s4+s14], $0x10, s6, s14, $0xb8;
	[tilespmem:$0x11D40] =	vst v63  }
0x113: {  	s6 =	sadd.s32 $0x750, s3  }
0x114: {  	[tilespmem:s13], [sflag:$0x2] =	stream.indirect.gather [hbm4b:s4+s14], $0x10, s6, s14, $0xb8;
	[tilespmem:$0x11D40] =	vst v63  }
0x115: {  	s6 =	sadd.s32 $0x7B8, s3  }
0x116: {  	[tilespmem:s5], [sflag:$0x2] =	stream.indirect.gather [hbm4b:s4+s14], $0x10, s6, s14, $0xb8;
	[tilespmem:$0x11D40] =	vst v63  }
0x117: {  	_ =	swait.ge [sflag:s7], $0x640  }
0x118: {  	[sflag:s7] =	ssyncset.done $0x0  }
0x119: {  	[sflag:s7] =	ssyncadd.s32 $0xFFFFF9C0  }
0x11a: {  	_ =	swait.ge [sflag:s7], $0x640  }
0x11b: {  	[sflag:s7] =	ssyncset.done $0x0  }
0x11c: {  	[sflag:s7] =	ssyncadd.s32 $0xFFFFF9C0  }
0x11d: {  	_ =	swait.ge [sflag:s7], $0x640  }
0x11e: {  	[sflag:s7] =	ssyncset.done $0x0  }
0x11f: {  	[sflag:s7] =	ssyncadd.s32 $0xFFFFF9C0  }
0x120: {  	_ =	swait.ge [sflag:s7], $0x640  }
0x121: {  	[sflag:s7] =	ssyncset.done $0x0  }
0x122: {  	[sflag:s7] =	ssyncadd.s32 $0xFFFFF9C0  }
0x123: {  	_ =	swait.ge [sflag:s7], $0x640  }
0x124: {  	[sflag:s7] =	ssyncset.done $0x0  }
0x125: {  	[sflag:s7] =	ssyncadd.s32 $0xFFFFF9C0  }
0x126: {  	_ =	swait.ge [sflag:s7], $0x640  }
0x127: {  	[sflag:s7] =	ssyncset.done $0x0  }
0x128: {  	[sflag:s7] =	ssyncadd.s32 $0xFFFFF9C0  }
0x129: {  	_ =	swait.ge [sflag:s7], $0x640  }
0x12a: {  	[sflag:s7] =	ssyncset.done $0x0  }
0x12b: {  	[sflag:s7] =	ssyncadd.s32 $0xFFFFF9C0  }
0x12c: {  	_ =	swait.ge [sflag:s7], $0x640  }
0x12d: {  	[sflag:s7] =	ssyncset.done $0x0  }
0x12e: {  	[sflag:s7] =	ssyncadd.s32 $0xFFFFF9C0  }
0x12f: {  	_ =	swait.ge [sflag:s7], $0x640  }
0x130: {  	[sflag:s7] =	ssyncset.done $0x0  }
0x131: {  	[sflag:s7] =	ssyncadd.s32 $0xFFFFF9C0  }
0x132: {  	_ =	swait.ge [sflag:s7], $0x640  }
0x133: {  	[sflag:s7] =	ssyncset.done $0x0  }
0x134: {  	s6 =	sadd.s32 $0x28A0, s3;
	[sflag:s7] =	ssyncadd.s32 $0xFFFFF9C0  }
0x135: {  	[spmem:s2] =	stream.indirect.scatter.add.f32 [tilespmem:s15], [sflag:$0x3], $0x10, s6, s14, $0xb8;
	[tilespmem:$0x11D40] =	vst v63  }
0x136: {  	s6 =	sadd.s32 $0x2908, s3  }
0x137: {  	[spmem:s2] =	stream.indirect.scatter.add.f32 [tilespmem:s16], [sflag:$0x3], $0x10, s6, s14, $0xb8;
	[tilespmem:$0x11D40] =	vst v63  }
0x138: {  	s6 =	sadd.s32 $0x2970, s3  }
0x139: {  	[spmem:s2] =	stream.indirect.scatter.add.f32 [tilespmem:s17], [sflag:$0x3], $0x10, s6, s14, $0xb8;
	[tilespmem:$0x11D40] =	vst v63  }
0x13a: {  	s6 =	sadd.s32 $0x29D8, s3  }
0x13b: {  	[spmem:s2] =	stream.indirect.scatter.add.f32 [tilespmem:s18], [sflag:$0x3], $0x10, s6, s14, $0xb8;
	[tilespmem:$0x11D40] =	vst v63  }
0x13c: {  	s6 =	sadd.s32 $0x2A40, s3  }
0x13d: {  	[spmem:s2] =	stream.indirect.scatter.add.f32 [tilespmem:s19], [sflag:$0x3], $0x10, s6, s14, $0xb8;
	[tilespmem:$0x11D40] =	vst v63  }
0x13e: {  	s6 =	sadd.s32 $0x2AA8, s3  }
0x13f: {  	[spmem:s2] =	stream.indirect.scatter.add.f32 [tilespmem:s20], [sflag:$0x3], $0x10, s6, s14, $0xb8;
	[tilespmem:$0x11D40] =	vst v63  }
0x140: {  	s6 =	sadd.s32 $0x2B10, s3  }
0x141: {  	[spmem:s2] =	stream.indirect.scatter.add.f32 [tilespmem:s21], [sflag:$0x3], $0x10, s6, s14, $0xb8;
	[tilespmem:$0x11D40] =	vst v63  }
0x142: {  	s6 =	sadd.s32 $0x2B78, s3  }
0x143: {  	[spmem:s2] =	stream.indirect.scatter.add.f32 [tilespmem:s22], [sflag:$0x3], $0x10, s6, s14, $0xb8;
	[tilespmem:$0x11D40] =	vst v63  }
0x144: {  	s6 =	sadd.s32 $0x2BE0, s3  }
0x145: {  	[spmem:s2] =	stream.indirect.scatter.add.f32 [tilespmem:s23], [sflag:$0x3], $0x10, s6, s14, $0xb8;
	[tilespmem:$0x11D40] =	vst v63  }
0x146: {  	s6 =	sadd.s32 $0x2C48, s3  }
0x147: {  	[spmem:s2] =	stream.indirect.scatter.add.f32 [tilespmem:s24], [sflag:$0x3], $0x10, s6, s14, $0xb8;
	[tilespmem:$0x11D40] =	vst v63  }
0x148: {  	_ =	swait.ge [sflag:s8], $0x640  }
0x149: {  	[sflag:s8] =	ssyncset.done $0x0  }
0x14a: {  	[sflag:s8] =	ssyncadd.s32 $0xFFFFF9C0  }
0x14b: {  	_ =	swait.ge [sflag:s8], $0x640  }
0x14c: {  	[sflag:s8] =	ssyncset.done $0x0  }
0x14d: {  	[sflag:s8] =	ssyncadd.s32 $0xFFFFF9C0  }
0x14e: {  	_ =	swait.ge [sflag:s8], $0x640  }
0x14f: {  	[sflag:s8] =	ssyncset.done $0x0  }
0x150: {  	[sflag:s8] =	ssyncadd.s32 $0xFFFFF9C0  }
0x151: {  	_ =	swait.ge [sflag:s8], $0x640  }
0x152: {  	[sflag:s8] =	ssyncset.done $0x0  }
0x153: {  	[sflag:s8] =	ssyncadd.s32 $0xFFFFF9C0  }
0x154: {  	_ =	swait.ge [sflag:s8], $0x640  }
0x155: {  	[sflag:s8] =	ssyncset.done $0x0  }
0x156: {  	[sflag:s8] =	ssyncadd.s32 $0xFFFFF9C0  }
0x157: {  	_ =	swait.ge [sflag:s8], $0x640  }
0x158: {  	[sflag:s8] =	ssyncset.done $0x0  }
0x159: {  	[sflag:s8] =	ssyncadd.s32 $0xFFFFF9C0  }
0x15a: {  	_ =	swait.ge [sflag:s8], $0x640  }
0x15b: {  	[sflag:s8] =	ssyncset.done $0x0  }
0x15c: {  	[sflag:s8] =	ssyncadd.s32 $0xFFFFF9C0  }
0x15d: {  	_ =	swait.ge [sflag:s8], $0x640  }
0x15e: {  	[sflag:s8] =	ssyncset.done $0x0  }
0x15f: {  	[sflag:s8] =	ssyncadd.s32 $0xFFFFF9C0  }
0x160: {  	_ =	swait.ge [sflag:s8], $0x640  }
0x161: {  	[sflag:s8] =	ssyncset.done $0x0  }
0x162: {  	[sflag:s8] =	ssyncadd.s32 $0xFFFFF9C0  }
0x163: {  	_ =	swait.ge [sflag:s8], $0x640  }
0x164: {  	[sflag:s8] =	ssyncset.done $0x0  }
0x165: {  	s6 =	sadd.s32 $0x2CB0, s3;
	[sflag:s8] =	ssyncadd.s32 $0xFFFFF9C0  }
0x166: {  	[spmem:s2] =	stream.indirect.scatter.add.f32 [tilespmem:s25], [sflag:$0x4], $0x10, s6, s14, $0xb8;
	[tilespmem:$0x11D40] =	vst v63  }
0x167: {  	s6 =	sadd.s32 $0x2D18, s3  }
0x168: {  	[spmem:s2] =	stream.indirect.scatter.add.f32 [tilespmem:s26], [sflag:$0x4], $0x10, s6, s14, $0xb8;
	[tilespmem:$0x11D40] =	vst v63  }
0x169: {  	s6 =	sadd.s32 $0x2D80, s3  }
0x16a: {  	[spmem:s2] =	stream.indirect.scatter.add.f32 [tilespmem:s28], [sflag:$0x4], $0x10, s6, s14, $0xb8;
	[tilespmem:$0x11D40] =	vst v63  }
0x16b: {  	s6 =	sadd.s32 $0x2DE8, s3  }
0x16c: {  	[spmem:s2] =	stream.indirect.scatter.add.f32 [tilespmem:s29], [sflag:$0x4], $0x10, s6, s14, $0xb8;
	[tilespmem:$0x11D40] =	vst v63  }
0x16d: {  	s6 =	sadd.s32 $0x2E50, s3  }
0x16e: {  	[spmem:s2] =	stream.indirect.scatter.add.f32 [tilespmem:s30], [sflag:$0x4], $0x10, s6, s14, $0xb8;
	[tilespmem:$0x11D40] =	vst v63  }
0x16f: {  	s6 =	sadd.s32 $0x2EB8, s3  }
0x170: {  	[spmem:s2] =	stream.indirect.scatter.add.f32 [tilespmem:s31], [sflag:$0x4], $0x10, s6, s14, $0xb8;
	[tilespmem:$0x11D40] =	vst v63  }
0x171: {  	s6 =	sadd.s32 $0x2F20, s3  }
0x172: {  	[spmem:s2] =	stream.indirect.scatter.add.f32 [tilespmem:s0], [sflag:$0x4], $0x10, s6, s14, $0xb8;
	[tilespmem:$0x11D40] =	vst v63  }
0x173: {  	s6 =	sadd.s32 $0x2F88, s3  }
0x174: {  	[spmem:s2] =	stream.indirect.scatter.add.f32 [tilespmem:s1], [sflag:$0x4], $0x10, s6, s14, $0xb8;
	[tilespmem:$0x11D40] =	vst v63  }
0x175: {  	s6 =	sadd.s32 $0x2FF0, s3  }
0x176: {  	[spmem:s2] =	stream.indirect.scatter.add.f32 [tilespmem:s13], [sflag:$0x4], $0x10, s6, s14, $0xb8;
	[tilespmem:$0x11D40] =	vst v63  }
0x177: {  	s3 =	sadd.s32 $0x3058, s3  }
0x178: {  	[spmem:s2] =	stream.indirect.scatter.add.f32 [tilespmem:s5], [sflag:$0x4], $0x10, s3, s14, $0xb8;
	[tilespmem:$0x11D40] =	vst v63  }
0x179: {  	_ =	swait.ge [sflag:s9], $0x640  }
0x17a: {  	[sflag:s9] =	ssyncset.done $0x0  }
0x17b: {  	[sflag:s9] =	ssyncadd.s32 $0xFFFFF9C0  }
0x17c: {  	_ =	swait.ge [sflag:s9], $0x640  }
0x17d: {  	[sflag:s9] =	ssyncset.done $0x0  }
0x17e: {  	[sflag:s9] =	ssyncadd.s32 $0xFFFFF9C0  }
0x17f: {  	_ =	swait.ge [sflag:s9], $0x640  }
0x180: {  	[sflag:s9] =	ssyncset.done $0x0  }
0x181: {  	[sflag:s9] =	ssyncadd.s32 $0xFFFFF9C0  }
0x182: {  	_ =	swait.ge [sflag:s9], $0x640  }
0x183: {  	[sflag:s9] =	ssyncset.done $0x0  }
0x184: {  	[sflag:s9] =	ssyncadd.s32 $0xFFFFF9C0  }
0x185: {  	_ =	swait.ge [sflag:s9], $0x640  }
0x186: {  	[sflag:s9] =	ssyncset.done $0x0  }
0x187: {  	[sflag:s9] =	ssyncadd.s32 $0xFFFFF9C0  }
0x188: {  	_ =	swait.ge [sflag:s9], $0x640  }
0x189: {  	[sflag:s9] =	ssyncset.done $0x0  }
0x18a: {  	[sflag:s9] =	ssyncadd.s32 $0xFFFFF9C0  }
0x18b: {  	_ =	swait.ge [sflag:s9], $0x640  }
0x18c: {  	[sflag:s9] =	ssyncset.done $0x0  }
0x18d: {  	[sflag:s9] =	ssyncadd.s32 $0xFFFFF9C0  }
0x18e: {  	_ =	swait.ge [sflag:s9], $0x640  }
0x18f: {  	[sflag:s9] =	ssyncset.done $0x0  }
0x190: {  	[sflag:s9] =	ssyncadd.s32 $0xFFFFF9C0  }
0x191: {  	_ =	swait.ge [sflag:s9], $0x640  }
0x192: {  	[sflag:s9] =	ssyncset.done $0x0  }
0x193: {  	[sflag:s9] =	ssyncadd.s32 $0xFFFFF9C0  }
0x194: {  	_ =	swait.ge [sflag:s9], $0x640  }
0x195: {  	[sflag:s9] =	ssyncset.done $0x0  }
0x196: {  	[sflag:s9] =	ssyncadd.s32 $0xFFFFF9C0  }
0x197: {  	_ =	swait.ge [sflag:s12], $0x640  }
0x198: {  	[sflag:s12] =	ssyncset.done $0x0  }
0x199: {  	[sflag:s12] =	ssyncadd.s32 $0xFFFFF9C0  }
0x19a: {  	_ =	swait.ge [sflag:s12], $0x640  }
0x19b: {  	[sflag:s12] =	ssyncset.done $0x0  }
0x19c: {  	[sflag:s12] =	ssyncadd.s32 $0xFFFFF9C0  }
0x19d: {  	_ =	swait.ge [sflag:s12], $0x640  }
0x19e: {  	[sflag:s12] =	ssyncset.done $0x0  }
0x19f: {  	[sflag:s12] =	ssyncadd.s32 $0xFFFFF9C0  }
0x1a0: {  	_ =	swait.ge [sflag:s12], $0x640  }
0x1a1: {  	[sflag:s12] =	ssyncset.done $0x0  }
0x1a2: {  	[sflag:s12] =	ssyncadd.s32 $0xFFFFF9C0  }
0x1a3: {  	_ =	swait.ge [sflag:s12], $0x640  }
0x1a4: {  	[sflag:s12] =	ssyncset.done $0x0  }
0x1a5: {  	[sflag:s12] =	ssyncadd.s32 $0xFFFFF9C0  }
0x1a6: {  	_ =	swait.ge [sflag:s12], $0x640  }
0x1a7: {  	[sflag:s12] =	ssyncset.done $0x0  }
0x1a8: {  	[sflag:s12] =	ssyncadd.s32 $0xFFFFF9C0  }
0x1a9: {  	_ =	swait.ge [sflag:s12], $0x640  }
0x1aa: {  	[sflag:s12] =	ssyncset.done $0x0  }
0x1ab: {  	[sflag:s12] =	ssyncadd.s32 $0xFFFFF9C0  }
0x1ac: {  	_ =	swait.ge [sflag:s12], $0x640  }
0x1ad: {  	[sflag:s12] =	ssyncset.done $0x0  }
0x1ae: {  	[sflag:s12] =	ssyncadd.s32 $0xFFFFF9C0  }
.Ltmp0:
0x1af: {  	_ =	swait.ge [sflag:s12], $0x640;
	(pc) =	sbr.rel @p0 .LBB2_2-.Ltmp0, $4  }
0x1b0: {  	[sflag:s12] =	ssyncset.done $0x0  }
0x1b1: {  	[sflag:s12] =	ssyncadd.s32 $0xFFFFF9C0  }
0x1b2: {  	_ =	swait.ge [sflag:s12], $0x640  }
0x1b3: {  	s6 =	smov.u32 s11;
	[sflag:s12] =	ssyncset.done $0x0  }
0x1b4: {  	s3 =	sshra.s32 s10, $0x2;
	[sflag:s12] =	ssyncadd.s32 $0xFFFFF9C0  }
0x1b5: {  	[tilespmem:s15], [sflag:$0x1] =	stream.indirect.gather [hbm4b:s4+s14], $0x10, s3, s14, $0xb8;
	[tilespmem:$0x11D40] =	vst v63  }
0x1b6: {  	s6 =	sadd.s32 $0x68, s3  }
0x1b7: {  	[tilespmem:s16], [sflag:$0x1] =	stream.indirect.gather [hbm4b:s4+s14], $0x10, s6, s14, $0xb8;
	[tilespmem:$0x11D40] =	vst v63  }
0x1b8: {  	s11 =	sadd.s32 $0xD0, s3  }
0x1b9: {  	[tilespmem:s17], [sflag:$0x1] =	stream.indirect.gather [hbm4b:s4+s14], $0x10, s11, s14, $0xb8;
	[tilespmem:$0x11D40] =	vst v63  }
0x1ba: {  	s10 =	sadd.s32 $0x138, s3  }
0x1bb: {  	[tilespmem:s18], [sflag:$0x1] =	stream.indirect.gather [hbm4b:s4+s14], $0x10, s10, s14, $0xb8;
	[tilespmem:$0x11D40] =	vst v63  }
0x1bc: {  	s11 =	sadd.s32 $0x1A0, s3  }
0x1bd: {  	[tilespmem:s19], [sflag:$0x1] =	stream.indirect.gather [hbm4b:s4+s14], $0x10, s11, s14, $0xb8;
	[tilespmem:$0x11D40] =	vst v63  }
0x1be: {  	s10 =	sadd.s32 $0x208, s3  }
0x1bf: {  	[tilespmem:s20], [sflag:$0x1] =	stream.indirect.gather [hbm4b:s4+s14], $0x10, s10, s14, $0xb8;
	[tilespmem:$0x11D40] =	vst v63  }
0x1c0: {  	s11 =	sadd.s32 $0x270, s3  }
0x1c1: {  	[tilespmem:s21], [sflag:$0x1] =	stream.indirect.gather [hbm4b:s4+s14], $0x10, s11, s14, $0xb8;
	[tilespmem:$0x11D40] =	vst v63  }
0x1c2: {  	s10 =	sadd.s32 $0x2D8, s3  }
0x1c3: {  	[tilespmem:s22], [sflag:$0x1] =	stream.indirect.gather [hbm4b:s4+s14], $0x10, s10, s14, $0xb8;
	[tilespmem:$0x11D40] =	vst v63  }
0x1c4: {  	s11 =	sadd.s32 $0x340, s3  }
0x1c5: {  	[tilespmem:s23], [sflag:$0x1] =	stream.indirect.gather [hbm4b:s4+s14], $0x10, s11, s14, $0xb8;
	[tilespmem:$0x11D40] =	vst v63  }
0x1c6: {  	s10 =	sadd.s32 $0x3A8, s3  }
0x1c7: {  	[tilespmem:s24], [sflag:$0x1] =	stream.indirect.gather [hbm4b:s4+s14], $0x10, s10, s14, $0xb8;
	[tilespmem:$0x11D40] =	vst v63  }
0x1c8: {  	s11 =	sadd.s32 $0x410, s3  }
0x1c9: {  	[tilespmem:s25], [sflag:$0x2] =	stream.indirect.gather [hbm4b:s4+s14], $0x10, s11, s14, $0xb8;
	[tilespmem:$0x11D40] =	vst v63  }
0x1ca: {  	s10 =	sadd.s32 $0x478, s3  }
0x1cb: {  	[tilespmem:s26], [sflag:$0x2] =	stream.indirect.gather [hbm4b:s4+s14], $0x10, s10, s14, $0xb8;
	[tilespmem:$0x11D40] =	vst v63  }
0x1cc: {  	s11 =	sadd.s32 $0x4E0, s3  }
0x1cd: {  	[tilespmem:s28], [sflag:$0x2] =	stream.indirect.gather [hbm4b:s4+s14], $0x10, s11, s14, $0xb8;
	[tilespmem:$0x11D40] =	vst v63  }
0x1ce: {  	s10 =	sadd.s32 $0x548, s3  }
0x1cf: {  	[tilespmem:s29], [sflag:$0x2] =	stream.indirect.gather [hbm4b:s4+s14], $0x10, s10, s14, $0xb8;
	[tilespmem:$0x11D40] =	vst v63  }
0x1d0: {  	s11 =	sadd.s32 $0x5B0, s3  }
0x1d1: {  	[tilespmem:s30], [sflag:$0x2] =	stream.indirect.gather [hbm4b:s4+s14], $0x10, s11, s14, $0xb8;
	[tilespmem:$0x11D40] =	vst v63  }
0x1d2: {  	s10 =	sadd.s32 $0x618, s3  }
0x1d3: {  	[tilespmem:s31], [sflag:$0x2] =	stream.indirect.gather [hbm4b:s4+s14], $0x10, s10, s14, $0xb8;
	[tilespmem:$0x11D40] =	vst v63  }
0x1d4: {  	s11 =	sadd.s32 $0x680, s3  }
0x1d5: {  	[tilespmem:s0], [sflag:$0x2] =	stream.indirect.gather [hbm4b:s4+s14], $0x10, s11, s14, $0xb8;
	[tilespmem:$0x11D40] =	vst v63  }
0x1d6: {  	s10 =	sadd.s32 $0x6E8, s3  }
0x1d7: {  	[tilespmem:s1], [sflag:$0x2] =	stream.indirect.gather [hbm4b:s4+s14], $0x10, s10, s14, $0xb8;
	[tilespmem:$0x11D40] =	vst v63  }
0x1d8: {  	s11 =	sadd.s32 $0x750, s3  }
0x1d9: {  	[tilespmem:s13], [sflag:$0x2] =	stream.indirect.gather [hbm4b:s4+s14], $0x10, s11, s14, $0xb8;
	[tilespmem:$0x11D40] =	vst v63  }
0x1da: {  	s10 =	sadd.s32 $0x7B8, s3  }
0x1db: {  	[tilespmem:s5], [sflag:$0x2] =	stream.indirect.gather [hbm4b:s4+s14], $0x10, s10, s14, $0xb8;
	[tilespmem:$0x11D40] =	vst v63  }
0x1dc: {  	_ =	swait.ge [sflag:s7], $0x640  }
0x1dd: {  	[sflag:s7] =	ssyncset.done $0x0  }
0x1de: {  	[sflag:s7] =	ssyncadd.s32 $0xFFFFF9C0  }
0x1df: {  	_ =	swait.ge [sflag:s7], $0x640  }
0x1e0: {  	[sflag:s7] =	ssyncset.done $0x0  }
0x1e1: {  	[sflag:s7] =	ssyncadd.s32 $0xFFFFF9C0  }
0x1e2: {  	_ =	swait.ge [sflag:s7], $0x640  }
0x1e3: {  	[sflag:s7] =	ssyncset.done $0x0  }
0x1e4: {  	[sflag:s7] =	ssyncadd.s32 $0xFFFFF9C0  }
0x1e5: {  	_ =	swait.ge [sflag:s7], $0x640  }
0x1e6: {  	[sflag:s7] =	ssyncset.done $0x0  }
0x1e7: {  	[sflag:s7] =	ssyncadd.s32 $0xFFFFF9C0  }
0x1e8: {  	_ =	swait.ge [sflag:s7], $0x640  }
0x1e9: {  	[sflag:s7] =	ssyncset.done $0x0  }
0x1ea: {  	[sflag:s7] =	ssyncadd.s32 $0xFFFFF9C0  }
0x1eb: {  	_ =	swait.ge [sflag:s7], $0x640  }
0x1ec: {  	[sflag:s7] =	ssyncset.done $0x0  }
0x1ed: {  	[sflag:s7] =	ssyncadd.s32 $0xFFFFF9C0  }
0x1ee: {  	_ =	swait.ge [sflag:s7], $0x640  }
0x1ef: {  	[sflag:s7] =	ssyncset.done $0x0  }
0x1f0: {  	[sflag:s7] =	ssyncadd.s32 $0xFFFFF9C0  }
0x1f1: {  	_ =	swait.ge [sflag:s7], $0x640  }
0x1f2: {  	[sflag:s7] =	ssyncset.done $0x0  }
0x1f3: {  	[sflag:s7] =	ssyncadd.s32 $0xFFFFF9C0  }
0x1f4: {  	_ =	swait.ge [sflag:s7], $0x640  }
0x1f5: {  	[sflag:s7] =	ssyncset.done $0x0  }
0x1f6: {  	[sflag:s7] =	ssyncadd.s32 $0xFFFFF9C0  }
0x1f7: {  	_ =	swait.ge [sflag:s7], $0x640  }
0x1f8: {  	[sflag:s7] =	ssyncset.done $0x0  }
0x1f9: {  	s11 =	sadd.s32 $0x28A0, s3;
	[sflag:s7] =	ssyncadd.s32 $0xFFFFF9C0  }
0x1fa: {  	[spmem:s2] =	stream.indirect.scatter.add.f32 [tilespmem:s15], [sflag:$0x3], $0x10, s11, s14, $0xb8;
	[tilespmem:$0x11D40] =	vst v63  }
0x1fb: {  	s10 =	sadd.s32 $0x2908, s3  }
0x1fc: {  	[spmem:s2] =	stream.indirect.scatter.add.f32 [tilespmem:s16], [sflag:$0x3], $0x10, s10, s14, $0xb8;
	[tilespmem:$0x11D40] =	vst v63  }
0x1fd: {  	s11 =	sadd.s32 $0x2970, s3  }
0x1fe: {  	[spmem:s2] =	stream.indirect.scatter.add.f32 [tilespmem:s17], [sflag:$0x3], $0x10, s11, s14, $0xb8;
	[tilespmem:$0x11D40] =	vst v63  }
0x1ff: {  	s10 =	sadd.s32 $0x29D8, s3  }
0x200: {  	[spmem:s2] =	stream.indirect.scatter.add.f32 [tilespmem:s18], [sflag:$0x3], $0x10, s10, s14, $0xb8;
	[tilespmem:$0x11D40] =	vst v63  }
0x201: {  	s11 =	sadd.s32 $0x2A40, s3  }
0x202: {  	[spmem:s2] =	stream.indirect.scatter.add.f32 [tilespmem:s19], [sflag:$0x3], $0x10, s11, s14, $0xb8;
	[tilespmem:$0x11D40] =	vst v63  }
0x203: {  	s10 =	sadd.s32 $0x2AA8, s3  }
0x204: {  	[spmem:s2] =	stream.indirect.scatter.add.f32 [tilespmem:s20], [sflag:$0x3], $0x10, s10, s14, $0xb8;
	[tilespmem:$0x11D40] =	vst v63  }
0x205: {  	s11 =	sadd.s32 $0x2B10, s3  }
0x206: {  	[spmem:s2] =	stream.indirect.scatter.add.f32 [tilespmem:s21], [sflag:$0x3], $0x10, s11, s14, $0xb8;
	[tilespmem:$0x11D40] =	vst v63  }
0x207: {  	s10 =	sadd.s32 $0x2B78, s3  }
0x208: {  	[spmem:s2] =	stream.indirect.scatter.add.f32 [tilespmem:s22], [sflag:$0x3], $0x10, s10, s14, $0xb8;
	[tilespmem:$0x11D40] =	vst v63  }
0x209: {  	s11 =	sadd.s32 $0x2BE0, s3  }
0x20a: {  	[spmem:s2] =	stream.indirect.scatter.add.f32 [tilespmem:s23], [sflag:$0x3], $0x10, s11, s14, $0xb8;
	[tilespmem:$0x11D40] =	vst v63  }
0x20b: {  	s10 =	sadd.s32 $0x2C48, s3  }
0x20c: {  	[spmem:s2] =	stream.indirect.scatter.add.f32 [tilespmem:s24], [sflag:$0x3], $0x10, s10, s14, $0xb8;
	[tilespmem:$0x11D40] =	vst v63  }
0x20d: {  	_ =	swait.ge [sflag:s8], $0x640  }
0x20e: {  	[sflag:s8] =	ssyncset.done $0x0  }
0x20f: {  	[sflag:s8] =	ssyncadd.s32 $0xFFFFF9C0  }
0x210: {  	_ =	swait.ge [sflag:s8], $0x640  }
0x211: {  	[sflag:s8] =	ssyncset.done $0x0  }
0x212: {  	[sflag:s8] =	ssyncadd.s32 $0xFFFFF9C0  }
0x213: {  	_ =	swait.ge [sflag:s8], $0x640  }
0x214: {  	[sflag:s8] =	ssyncset.done $0x0  }
0x215: {  	[sflag:s8] =	ssyncadd.s32 $0xFFFFF9C0  }
0x216: {  	_ =	swait.ge [sflag:s8], $0x640  }
0x217: {  	[sflag:s8] =	ssyncset.done $0x0  }
0x218: {  	[sflag:s8] =	ssyncadd.s32 $0xFFFFF9C0  }
0x219: {  	_ =	swait.ge [sflag:s8], $0x640  }
0x21a: {  	[sflag:s8] =	ssyncset.done $0x0  }
0x21b: {  	[sflag:s8] =	ssyncadd.s32 $0xFFFFF9C0  }
0x21c: {  	_ =	swait.ge [sflag:s8], $0x640  }
0x21d: {  	[sflag:s8] =	ssyncset.done $0x0  }
0x21e: {  	[sflag:s8] =	ssyncadd.s32 $0xFFFFF9C0  }
0x21f: {  	_ =	swait.ge [sflag:s8], $0x640  }
0x220: {  	[sflag:s8] =	ssyncset.done $0x0  }
0x221: {  	[sflag:s8] =	ssyncadd.s32 $0xFFFFF9C0  }
0x222: {  	_ =	swait.ge [sflag:s8], $0x640  }
0x223: {  	[sflag:s8] =	ssyncset.done $0x0  }
0x224: {  	[sflag:s8] =	ssyncadd.s32 $0xFFFFF9C0  }
0x225: {  	_ =	swait.ge [sflag:s8], $0x640  }
0x226: {  	[sflag:s8] =	ssyncset.done $0x0  }
0x227: {  	[sflag:s8] =	ssyncadd.s32 $0xFFFFF9C0  }
0x228: {  	_ =	swait.ge [sflag:s8], $0x640  }
0x229: {  	[sflag:s8] =	ssyncset.done $0x0  }
0x22a: {  	s11 =	sadd.s32 $0x2CB0, s3;
	[sflag:s8] =	ssyncadd.s32 $0xFFFFF9C0  }
0x22b: {  	[spmem:s2] =	stream.indirect.scatter.add.f32 [tilespmem:s25], [sflag:$0x4], $0x10, s11, s14, $0xb8;
	[tilespmem:$0x11D40] =	vst v63  }
0x22c: {  	s10 =	sadd.s32 $0x2D18, s3  }
0x22d: {  	[spmem:s2] =	stream.indirect.scatter.add.f32 [tilespmem:s26], [sflag:$0x4], $0x10, s10, s14, $0xb8;
	[tilespmem:$0x11D40] =	vst v63  }
0x22e: {  	s11 =	sadd.s32 $0x2D80, s3  }
0x22f: {  	[spmem:s2] =	stream.indirect.scatter.add.f32 [tilespmem:s28], [sflag:$0x4], $0x10, s11, s14, $0xb8;
	[tilespmem:$0x11D40] =	vst v63  }
0x230: {  	s10 =	sadd.s32 $0x2DE8, s3  }
0x231: {  	[spmem:s2] =	stream.indirect.scatter.add.f32 [tilespmem:s29], [sflag:$0x4], $0x10, s10, s14, $0xb8;
	[tilespmem:$0x11D40] =	vst v63  }
0x232: {  	s11 =	sadd.s32 $0x2E50, s3  }
0x233: {  	[spmem:s2] =	stream.indirect.scatter.add.f32 [tilespmem:s30], [sflag:$0x4], $0x10, s11, s14, $0xb8;
	[tilespmem:$0x11D40] =	vst v63  }
0x234: {  	s10 =	sadd.s32 $0x2EB8, s3  }
0x235: {  	[spmem:s2] =	stream.indirect.scatter.add.f32 [tilespmem:s31], [sflag:$0x4], $0x10, s10, s14, $0xb8;
	[tilespmem:$0x11D40] =	vst v63  }
0x236: {  	s11 =	sadd.s32 $0x2F20, s3  }
0x237: {  	[spmem:s2] =	stream.indirect.scatter.add.f32 [tilespmem:s0], [sflag:$0x4], $0x10, s11, s14, $0xb8;
	[tilespmem:$0x11D40] =	vst v63  }
0x238: {  	s10 =	sadd.s32 $0x2F88, s3  }
0x239: {  	[spmem:s2] =	stream.indirect.scatter.add.f32 [tilespmem:s1], [sflag:$0x4], $0x10, s10, s14, $0xb8;
	[tilespmem:$0x11D40] =	vst v63  }
0x23a: {  	s11 =	sadd.s32 $0x2FF0, s3  }
0x23b: {  	[spmem:s2] =	stream.indirect.scatter.add.f32 [tilespmem:s13], [sflag:$0x4], $0x10, s11, s14, $0xb8;
	[tilespmem:$0x11D40] =	vst v63  }
0x23c: {  	s3 =	sadd.s32 $0x3058, s3  }
0x23d: {  	[spmem:s2] =	stream.indirect.scatter.add.f32 [tilespmem:s5], [sflag:$0x4], $0x10, s3, s14, $0xb8;
	[tilespmem:$0x11D40] =	vst v63  }
0x23e: {  	_ =	swait.ge [sflag:s9], $0x640  }
0x23f: {  	[sflag:s9] =	ssyncset.done $0x0  }
0x240: {  	[sflag:s9] =	ssyncadd.s32 $0xFFFFF9C0  }
0x241: {  	_ =	swait.ge [sflag:s9], $0x640  }
0x242: {  	[sflag:s9] =	ssyncset.done $0x0  }
0x243: {  	[sflag:s9] =	ssyncadd.s32 $0xFFFFF9C0  }
0x244: {  	_ =	swait.ge [sflag:s9], $0x640  }
0x245: {  	[sflag:s9] =	ssyncset.done $0x0  }
0x246: {  	[sflag:s9] =	ssyncadd.s32 $0xFFFFF9C0  }
0x247: {  	_ =	swait.ge [sflag:s9], $0x640  }
0x248: {  	[sflag:s9] =	ssyncset.done $0x0  }
0x249: {  	[sflag:s9] =	ssyncadd.s32 $0xFFFFF9C0  }
0x24a: {  	_ =	swait.ge [sflag:s9], $0x640  }
0x24b: {  	[sflag:s9] =	ssyncset.done $0x0  }
0x24c: {  	[sflag:s9] =	ssyncadd.s32 $0xFFFFF9C0  }
0x24d: {  	_ =	swait.ge [sflag:s9], $0x640  }
0x24e: {  	[sflag:s9] =	ssyncset.done $0x0  }
0x24f: {  	[sflag:s9] =	ssyncadd.s32 $0xFFFFF9C0  }
0x250: {  	_ =	swait.ge [sflag:s9], $0x640  }
0x251: {  	[sflag:s9] =	ssyncset.done $0x0  }
0x252: {  	[sflag:s9] =	ssyncadd.s32 $0xFFFFF9C0  }
0x253: {  	_ =	swait.ge [sflag:s9], $0x640  }
0x254: {  	[sflag:s9] =	ssyncset.done $0x0  }
0x255: {  	[sflag:s9] =	ssyncadd.s32 $0xFFFFF9C0  }
0x256: {  	_ =	swait.ge [sflag:s9], $0x640  }
0x257: {  	[sflag:s9] =	ssyncset.done $0x0  }
0x258: {  	[sflag:s9] =	ssyncadd.s32 $0xFFFFF9C0  }
0x259: {  	_ =	swait.ge [sflag:s9], $0x640  }
0x25a: {  	[sflag:s9] =	ssyncset.done $0x0  }
0x25b: {  	[sflag:s9] =	ssyncadd.s32 $0xFFFFF9C0  }
0x25c: {  	_ =	swait.ge [sflag:s12], $0x640  }
0x25d: {  	[sflag:s12] =	ssyncset.done $0x0  }
0x25e: {  	[sflag:s12] =	ssyncadd.s32 $0xFFFFF9C0  }
0x25f: {  	_ =	swait.ge [sflag:s12], $0x640  }
0x260: {  	[sflag:s12] =	ssyncset.done $0x0  }
0x261: {  	[sflag:s12] =	ssyncadd.s32 $0xFFFFF9C0  }
0x262: {  	_ =	swait.ge [sflag:s12], $0x640  }
0x263: {  	[sflag:s12] =	ssyncset.done $0x0  }
0x264: {  	[sflag:s12] =	ssyncadd.s32 $0xFFFFF9C0  }
0x265: {  	_ =	swait.ge [sflag:s12], $0x640  }
0x266: {  	[sflag:s12] =	ssyncset.done $0x0  }
0x267: {  	[sflag:s12] =	ssyncadd.s32 $0xFFFFF9C0  }
0x268: {  	_ =	swait.ge [sflag:s12], $0x640  }
0x269: {  	[sflag:s12] =	ssyncset.done $0x0  }
0x26a: {  	[sflag:s12] =	ssyncadd.s32 $0xFFFFF9C0  }
0x26b: {  	_ =	swait.ge [sflag:s12], $0x640  }
0x26c: {  	[sflag:s12] =	ssyncset.done $0x0  }
0x26d: {  	[sflag:s12] =	ssyncadd.s32 $0xFFFFF9C0  }
0x26e: {  	_ =	swait.ge [sflag:s12], $0x640  }
0x26f: {  	[sflag:s12] =	ssyncset.done $0x0  }
0x270: {  	[sflag:s12] =	ssyncadd.s32 $0xFFFFF9C0  }
0x271: {  	_ =	swait.ge [sflag:s12], $0x640  }
0x272: {  	[sflag:s12] =	ssyncset.done $0x0  }
0x273: {  	[sflag:s12] =	ssyncadd.s32 $0xFFFFF9C0  }
0x274: {  	_ =	swait.ge [sflag:s12], $0x640  }
0x275: {  	[sflag:s12] =	ssyncset.done $0x0  }
0x276: {  	[sflag:s12] =	ssyncadd.s32 $0xFFFFF9C0  }
0x277: {  	_ =	swait.ge [sflag:s12], $0x640  }
0x278: {  	[sflag:s12] =	ssyncset.done $0x0  }
0x279: {  	[sflag:s12] =	ssyncadd.s32 $0xFFFFF9C0  }
0x27a: {  	[bflag:$0x0] =	sbarrier.arrive $0xFFFF  }
0x27b: {  	s11 =	simm.s32 $0xCE40;
	s10 =	rddreg [dreg:$0x5]  }
0x27c: {  	[tilespmem:s11], [sflag:$0x5] =	stream.linear.gather [spmem:s10], $0x2780, $0x38;
	[tilespmem:$0x11D40] =	vst v63  }
0x27d: {  	s10 =	simm.s32 $0x5  }
0x27e: {  	_ =	swait.ge [sflag:s10], $0x2780  }
0x27f: {  	[sflag:s10] =	ssyncset.done $0x0  }
0x280: {  	s6 =	simm.s32 $0x0;
	s3 =	rddreg [dreg:$0x7];
	[sflag:s10] =	ssyncadd.s32 $0xFFFFD880  }
0x281: {  	[hbm4b:s3+s6] =	stream.linear.scatter [tilespmem:s11], [sflag:$0x5], $0x2780, $0x38;
	[tilespmem:$0x11D40] =	vst v63  }
0x282: {  	_ =	swait.ge [sflag:s10], $0x2780  }
0x283: {  	s3 =	rddreg [dreg:$0xa]  }
0x284: {  	[sflag:s10] =	ssyncset.done $0x0;
	s10 =	rddreg [dreg:$0x8];
	s6 =	sadd.s32 $0x1, s3  }
0x285: {  	p0 =	sne.s32 s6, s10  }
.Ltmp1:
0x286: {  	_ = 	snop;
	(pc) =	sbr.rel @p0 .LBB2_1-.Ltmp1, $3  }
0x287: {  	_ =	sdelay $0x1  }
0x288: {  	s10 =	simm.s32 $0x5  }
0x289: {  	[dreg:$0xa] =	wrdreg s6;
	[sflag:s10] =	ssyncadd.s32 $0xFFFFD880  }
0x28a: {  	_ =	sfence.sel $0x180000  }
0x28b: {  	[bflag:$0x0] =	sbarrier.arrive $0xFFFF  }
0x28c: {  	_ =	strace $0x9000004D  }
0x28d: {  	s0 =	stileid.u32;
	[bflag:$0x2] =	sbarrier.arrive $0xFFFF  }
0x28e: {  	p0 =	sne.s32 s0, $0x0;
	s0 =	rddreg [dreg:$0x3]  }
0x28f: {  	s0 =	sadd.s32 @!p0 $0x100000, s0  }
0x290: {  	[sflag:s0] =	ssyncadd.tile.s32 @!p0 $0x1;
	_ =	shalt  }
.Lfunc_end2:
_tile_overlayer_lowered:
.L_overlay_start_2:
0x291: {  	(tag) =	ssettag $0x2  }
0x292: {  	s0 =	rddreg [dreg:$0x0];
	s2 =	stileid.u32  }
0x293: {  	s1 =	rddreg [dreg:$0x1];
	p0 =	sne.s32 s2, $0x0  }
0x294: {  	s3 =	rddreg [dreg:$0x2];
	[bflag:$0x3] =	sbarrier.arrive $0xFFFF;
	s2 =	simm.s32 @!p0 $0x1C05  }
0x295: {  	[timem:s3], [sflag:s2] =	dma.local @!p0 [hbm:s0], s1  }
0x296: {  	s0 =	simm.s32 @!p0 $0x5  }
0x297: {  	_ =	swait.ge @!p0 [sflag:s0], s1  }
0x298: {  	s1 =	ssub.s32 @!p0 $0x0, s1;
	[sflag:s0] =	ssyncset.done @!p0 $0x0  }
0x299: {  	[sflag:s0] =	ssyncadd.s32 @!p0 s1  }
0x29a: {  	[bflag:$0x3] =	sbarrier.arrive $0xFFFF  }
0x29b: {  	_ =	shalt  }

// kernel: kernel.8.cloned.1.call-start
scs
__scs_entry_jumppad:
0x0: {  	(pc) =	sbr.rel $0x88, $3  }
0x1: {  	(tag) =	ssettag $0x0;
	lr =	simm.s32 $0x1  }
0x2: {  	[smem:$0x3F9B] =	sst lr;
	_ =	strace $0xD0000000  }
0x3: {  	_ = 	snop  }
0x4: {  	_ = 	snop  }
0x5: {  	_ = 	snop  }
0x6: {  	_ = 	snop  }
0x7: {  	_ = 	snop  }
__scs_overlays_trampoline_lowered:
0x8: {  	[smem:$0x3FAA] =	sst s0  }
0x9: {  	[smem:$0x3FAB] =	sst s1  }
0xa: {  	[smem:$0x3FAC] =	sst s2  }
0xb: {  	[smem:$0x3FAD] =	sst s3  }
0xc: {  	[smem:$0x3FAE] =	sst s4  }
0xd: {  	[smem:$0x3FAF] =	sst s5  }
0xe: {  	[smem:$0x3FB0] =	sst s6  }
0xf: {  	[smem:$0x3FB1] =	sst s7  }
0x10: {  	[smem:$0x3FB2] =	sst s8  }
0x11: {  	[smem:$0x3FB3] =	sst s9;
	s0 =	simm.s32 @!p0 $0x0  }
0x12: {  	s1 =	sld [smem:$0x3F99];
	s0 =	simm.s32 @p0 $0x1  }
0x13: {  	[smem:$0x3FB4] =	sst s0;
	s0 =	simm.s32 @!p1 $0x0  }
0x14: {  	s2 =	sld [smem:$0x3F98];
	s0 =	simm.s32 @p1 $0x1  }
0x15: {  	[smem:$0x3FB5] =	sst s0;
	s0 =	simm.s32 @!p2 $0x0  }
0x16: {  	s3 =	sld [smem:$0x3FDB];
	s0 =	simm.s32 @p2 $0x1  }
0x17: {  	s4 =	simm.s32 $0x1BF5;
	[smem:$0x3FB7] =	sst s0  }
0x18: {  	s0 =	sld [smem:$0x3F9A];
	_ =	swait.ge [sflag:s4], $0x0  }
0x19: {  	s7 =	sld [smem:$0x3F9B]  }
0x1a: {  	s8 =	sadd.s32 $0xFFFFE003, lr  }
0x1b: {  	s9 =	sadd.s32 $0xFFFFFEF7, lr;
	s5 =	simm.s32 $0xFFFFFFFF;
	p2 =	slt.u32 s8, $0xFFFFF086  }
0x1c: {  	p1 =	slt.u32 s9, $0xF7A;
	s5 =	simm.s32 @!p2 $0x0  }
0x1d: {  	s5 =	simm.s32 @p1 $0x1;
	p0 =	seq.s32 s7, s2  }
0x1e: {  	s7 =	smul.u32 @!p0 $0xF7A, s2;
	p2 =	seq.s32 @!p0 s5, $0x0  }
0x1f: {  	s9 =	smul.u32 $0xF7A, s1;
	s8 =	simm.s32 @!p0 $0x1BF5;
	p2 =	por !p2, p0  }
0x20: {  	[sflag:s8] =	ssyncset.s32 @!p0 $0xFFFFF086;
	s6 =	sadd.s32 @!p0 s3, s7;
	s7 =	simm.s32 @!p0 $0x108  }
0x21: {  	s3 =	sadd.s32 s3, s9;
	s6 =	sadd.s32 @!p0 $0x88, s6;
	s7 =	simm.s32 @p2 $0x1082  }
0x22: {  	[simem:s7], [sflag:s8] =	dma.local @!p0 [hbm:s6], $0xF7A  }
0x23: {  	s9 =	sor.u32 $0xD0000000, s2;
	s6 =	simm.s32 $0x108;
	_ =	swait.ge @!p0 [sflag:s8], $0x0  }
0x24: {  	s3 =	sadd.s32 $0x88, s3;
	s6 =	simm.s32 @!p1 $0x1082;
	[sflag:s4] =	ssyncset.s32 $0xFFFFF086  }
0x25: {  	[simem:s6], [sflag:s4] =	dma.local [hbm:s3], $0xF7A  }
0x26: {  	[smem:$0x3F9B] =	sst s1;
	(tag) =	ssettag s2;
	_ =	strace s9  }
0x27: {  	s1 =	sld [smem:$0x3FAB]  }
0x28: {  	s2 =	sld [smem:$0x3FAC]  }
0x29: {  	s4 =	sld [smem:$0x3FAE]  }
0x2a: {  	p0 =	seq.s32 s5, $0x0;
	s5 =	sld [smem:$0x3FAF]  }
0x2b: {  	s6 =	sld [smem:$0x3FB0]  }
0x2c: {  	s7 =	sld [smem:$0x3FB1]  }
0x2d: {  	s3 =	simm.s32 $0x108;
	s8 =	sld [smem:$0x3FB2]  }
0x2e: {  	s3 =	simm.s32 @!p0 $0x1082;
	s9 =	sld [smem:$0x3FB3]  }
0x2f: {  	lr =	sadd.s32 s0, s3;
	s0 =	sld [smem:$0x3FAA]  }
0x30: {  	s3 =	sld [smem:$0x3FAD]  }
0x31: {  	[smem:$0x3FB6] =	sst s10  }
0x32: {  	s10 =	sld [smem:$0x3FB4];
	_ =	sdelay $0x3  }
0x33: {  	p0 =	seq.s32 s10, $0x1;
	s10 =	sld [smem:$0x3FB6];
	_ =	sdelay $0x3  }
0x34: {  	[smem:$0x3FB6] =	sst s10  }
0x35: {  	s10 =	sld [smem:$0x3FB5];
	_ =	sdelay $0x3  }
0x36: {  	p1 =	seq.s32 s10, $0x1;
	s10 =	sld [smem:$0x3FB6];
	_ =	sdelay $0x3  }
0x37: {  	[smem:$0x3FB6] =	sst s10  }
0x38: {  	s10 =	sld [smem:$0x3FB7]  }
0x39: {  	_ = 	snop;
	(pc) =	sbr.ind lr, $3  }
0x3a: {  	_ = 	snop  }
0x3b: {  	_ = 	snop  }
0x3c: {  	p2 =	seq.s32 s10, $0x1;
	s10 =	sld [smem:$0x3FB6]  }
0x3d: {  	_ =	shalt  }
0x3e: {  	_ =	shalt  }
0x3f: {  	_ =	shalt  }
0x40: {  	_ =	shalt  }
0x41: {  	_ =	shalt  }
0x42: {  	_ =	shalt  }
0x43: {  	_ =	shalt  }
0x44: {  	_ =	shalt  }
0x45: {  	_ =	shalt  }
0x46: {  	_ =	shalt  }
0x47: {  	_ =	shalt  }
0x48: {  	_ =	shalt  }
0x49: {  	_ =	shalt  }
0x4a: {  	_ =	shalt  }
0x4b: {  	_ =	shalt  }
0x4c: {  	_ =	shalt  }
0x4d: {  	_ =	shalt  }
0x4e: {  	_ =	shalt  }
0x4f: {  	_ =	shalt  }
0x50: {  	_ =	shalt  }
0x51: {  	_ =	shalt  }
0x52: {  	_ =	shalt  }
0x53: {  	_ =	shalt  }
0x54: {  	_ =	shalt  }
0x55: {  	_ =	shalt  }
0x56: {  	_ =	shalt  }
0x57: {  	_ =	shalt  }
0x58: {  	_ =	shalt  }
0x59: {  	_ =	shalt  }
0x5a: {  	_ =	shalt  }
0x5b: {  	_ =	shalt  }
0x5c: {  	_ =	shalt  }
0x5d: {  	_ =	shalt  }
0x5e: {  	_ =	shalt  }
0x5f: {  	_ =	shalt  }
0x60: {  	_ =	shalt  }
0x61: {  	_ =	shalt  }
0x62: {  	_ =	shalt  }
0x63: {  	_ =	shalt  }
0x64: {  	_ =	shalt  }
0x65: {  	_ =	shalt  }
0x66: {  	_ =	shalt  }
0x67: {  	_ =	shalt  }
0x68: {  	_ =	shalt  }
0x69: {  	_ =	shalt  }
0x6a: {  	_ =	shalt  }
0x6b: {  	_ =	shalt  }
0x6c: {  	_ =	shalt  }
0x6d: {  	_ =	shalt  }
0x6e: {  	_ =	shalt  }
0x6f: {  	_ =	shalt  }
0x70: {  	_ =	shalt  }
0x71: {  	_ =	shalt  }
0x72: {  	_ =	shalt  }
0x73: {  	_ =	shalt  }
0x74: {  	_ =	shalt  }
0x75: {  	_ =	shalt  }
0x76: {  	_ =	shalt  }
0x77: {  	_ =	shalt  }
0x78: {  	_ =	shalt  }
0x79: {  	_ =	shalt  }
0x7a: {  	_ =	shalt  }
0x7b: {  	_ =	shalt  }
0x7c: {  	_ =	shalt  }
0x7d: {  	_ =	shalt  }
0x7e: {  	_ =	shalt  }
0x7f: {  	_ =	shalt  }
0x80: {  	_ =	shalt  }
0x81: {  	_ =	shalt  }
0x82: {  	_ =	shalt  }
0x83: {  	_ =	shalt  }
0x84: {  	_ =	shalt  }
0x85: {  	_ =	shalt  }
0x86: {  	_ =	shalt  }
0x87: {  	_ =	shalt  }
.Lfunc_end0:
.L_simem_size_0:
called_computation_lowered:
.L_overlay_start_0:
0x88: {  	s2 =	sld [smem:$0x3FD9]  }
0x89: {  	s3 =	sld [smem:$0x3FFE];
	_ =	sdelay $0x1  }
0x8a: {  	s1 =	srdreg.scid  }
0x8b: {  	s0 =	sand.u32 $0x1, s1  }
0x8c: {  	s17 =	sshll.u32 s0, $0xA;
	s2 =	sadd.s32 s3, s2  }
0x8d: {  	s2 =	sadd.s32 s2, s17  }
0x8e: {  	[smem:$0x3FC2] =	sst s2  }
0x8f: {  	_ = 	snop  }
0x90: {  	s2 =	sld [smem:$0x3FD0];
	(tm) =	ssettm $0x1  }
0x91: {  	s18 =	sld [smem:$0x3FFB];
	_ =	sdelay $0x3  }
0x92: {  	_ =	strace s18  }
0x93: {  	s3 =	sld [smem:$0x3FFC];
	_ =	sdelay $0x3  }
0x94: {  	_ =	strace s3  }
0x95: {  	s3 =	sld [smem:$0x3FFD];
	_ =	sdelay $0x3  }
0x96: {  	_ =	strace s3  }
0x97: {  	_ =	strace $0x8FFFFFFF  }
0x98: {  	s19 =	sld [smem:$0x3FDB];
	_ =	sdelay $0x1  }
0x99: {  	s4 =	simm.s32 $_scs_section_size  }
0x9a: {  	s5 =	simm.s32 $_size__tile_overlayer_lowered;
	s6 =	simm.s32 $_tile_overlayer_lowered  }
0x9b: {  	s22 =	simm.s32 $0x1BFF;
	s21 =	sshll.u32 s6, $0x1;
	s3 =	sadd.s32 s4, s19  }
0x9c: {  	s7 =	simm.s32 $0x0;
	s20 =	sshll.u32 s5, $0x1;
	s5 =	sadd.s32 s21, s3  }
0x9d: {  	[timem:s7], [sflag:s22] =	dma.local [hbm:s5], s20  }
0x9e: {  	_ =	swait.ge [sflag:s22], s20  }
0x9f: {  	s4 =	ssub.s32 $0x0, s20;
	[sflag:s22] =	ssyncset.done $0x0  }
0xa0: {  	[sflag:s22] =	ssyncadd.s32 s4;
	_ =	sdelay $0x1  }
0xa1: {  	s23 =	simm.s32 $0x1B8B  }
0xa2: {  	_ =	swait.ge [sflag:s23], $0x1  }
0xa3: {  	[sflag:s23] =	ssyncset.done $0x0  }
0xa4: {  	s25 =	simm.s32 $0x1B8E;
	s24 =	sld [smem:$0x3FFE];
	[sflag:s23] =	ssyncadd.s32 $0xFFFFFFFF  }
0xa5: {  	s26 =	simm.s32 $execute0_lowered;
	[smem:$0x3FD2] =	sst s25  }
0xa6: {  	s5 =	sshll.u32 s26, $0x1;
	_ =	strace $0x80000046;
	[dreg:$0x1] =	wrdreg $0xFFFFFFFF  }
0xa7: {  	s28 =	simm.s32 $_size_execute0_lowered;
	s3 =	sadd.s32 s3, s5;
	[dreg:$0x0] =	wrdreg $0x0  }
0xa8: {  	s5 =	sshll.u32 s28, $0x1;
	[dreg:$0x2] =	wrdreg s3  }
0xa9: {  	[dreg:$0x3] =	wrdreg s5  }
0xaa: {  	[dreg:$0x4] =	wrdreg $0xC0  }
0xab: {  	_ =	task [dreg:s7], $0x5FFFF  }
0xac: {  	[dreg:$0x1] =	wrdreg $0xFFFFFFFF  }
0xad: {  	[dreg:$0x0] =	wrdreg $0x60  }
0xae: {  	[dreg:$0x2] =	wrdreg s2  }
0xaf: {  	[dreg:$0x3] =	wrdreg s24  }
0xb0: {  	[dreg:$0x4] =	wrdreg $0x2B800  }
0xb1: {  	[dreg:$0x5] =	wrdreg $0x9  }
0xb2: {  	_ =	task.clear_ibuf [dreg:s7], $0x6FFFF;
	_ =	strace $0x90000046  }
0xb3: {  	s29 =	simm.s32 $0x9;
	_ =	strace $0x80000048  }
0xb4: {  	_ =	swait.ge [sflag:s29], $0x1  }
0xb5: {  	[sflag:s29] =	ssyncadd.s32 $0xFFFFFFFF  }
0xb6: {  	_ =	strace $0x90000048  }
0xb7: {  	_ =	sfence  }
0xb8: {  	s30 =	sld [smem:$0x0];
	_ =	sdelay $0x2  }
0xb9: {  	s31 =	sshll.u32 s1, $0xD;
	s1 =	sshrl.u32 s1, $0x2  }
0xba: {  	s3 =	sand.u32 $0x4000, s31;
	s1 =	sadd.s32 s1, s30  }
0xbb: {  	s0 =	sor.u32 s3, s0;
	s1 =	sshll.u32 s1, $0x11  }
0xbc: {  	s0 =	sor.u32 s1, s0  }
0xbd: {  	s0 =	sadd.s32 $0x8F2B, s0  }
0xbe: {  	[sflag:s0] =	ssyncadd.remote.s32 $0x1  }
0xbf: {  	_ =	sfence.sel $0xFFFF  }
0xc0: {  	[dreg:$0x0] =	wrdreg $0xFFFFFFFF;
	(pc) =	sbr.abs _section_cstart, $3  }
0xc1: {  	[dreg:$0x1] =	wrdreg $0xFFFFFFFF  }
0xc2: {  	_ =	task.clear_ibuf [dreg:s7], $0x2FFFF;
	_ =	strace $0x9FFFFFFF  }
0xc3: {  	(tm) =	ssettm $0x7FFFFFFF  }
tec
execute0_lowered:
.L_overlay_start_1:
0x0: {  	(tag) =	ssettag $0x1  }
0x1: {  	s7 =	rddreg [dreg:$0x0]  }
0x2: {  	s6 =	rddreg [dreg:$0x1]  }
0x3: {  	s2 =	rddreg [dreg:$0x2]  }
0x4: {  	s0 =	rddreg [dreg:$0x3]  }
0x5: {  	s4 =	srdreg.scid;
	s1 =	stileid.u32;
	s3 =	simm.s32 $0x0  }
0x6: {  	s14 =	simm.s32 $0x1;
	s15 =	simm.s32 $0x0;
	s8 =	sand.u32 $0x1, s4  }
0x7: {  	s9 =	smul.u32 $0x278, s1;
	[smem:$0x7FF] =	sst s3;
	s4 =	sadd.s32 $0x2000, s6  }
0x8: {  	s5 =	sadd.s32 $0x1E00, s6;
	s31 =	sadd.s32 $0xA280, s7;
	s10 =	smul.u32 $0x2780, s8  }
0x9: {  	_ =	strace $0x80000047;
	s11 =	ssub.s32 $0x2, s8;
	s8 =	sshll.u32 s8, $0x4  }
0xa: {  	s12 =	sshrl.u32 s11, $0x1;
	s8 =	sor.u32 s1, s8;
	s10 =	sadd.s32 s9, s10  }
0xb: {  	s11 =	ssub.s32 s11, s12;
	s13 =	smul.u32 $0x514, s8;
	s10 =	sshrl.u32 s10, $0x3  }
0xc: {  	s8 =	smax.u32 s11, $0x1;
	s11 =	simm.s32 $0x28A0;
	s10 =	sadd.s32 s10, s6  }
0xd: {  	s6 =	sadd.s32 s9, s2;
	s9 =	simm.s32 $0x2908;
	s12 =	sadd.s32 s13, s31  }
0xe: {  	s13 =	simm.s32 $0x64;
	s7 =	sadd.s32 $0x2200, s10;
	s10 =	simm.s32 $0x2  }
.LBB2_1:
0xf: {  	[tilespmem:s9], [sflag:$0x2] =	stream.linear.gather [hbm4b:s4+s3], $0x278, $0x38;
	[tilespmem:$0x2DF8] =	vst v63  }
0x10: {  	_ =	swait.ge [sflag:s10], $0x278  }
0x11: {  	[sflag:s10] =	ssyncset.done $0x0  }
0x12: {  	[sflag:s10] =	ssyncadd.s32 $0xFFFFFD88  }
0x13: {  	[spmem:s6] =	stream.linear.scatter [tilespmem:s9], [sflag:$0x2], $0x278, $0x38;
	[tilespmem:$0x2DF8] =	vst v63  }
0x14: {  	_ =	swait.ge [sflag:s10], $0x278  }
0x15: {  	[sflag:s10] =	ssyncset.done $0x0  }
0x16: {  	[sflag:s10] =	ssyncadd.s32 $0xFFFFFD88  }
0x17: {  	[tilespmem:s11], [sflag:$0x2] =	stream.linear.gather [hbm4b:s5+s3], $0x68, $0x38;
	[tilespmem:$0x2DF8] =	vst v63  }
0x18: {  	_ =	swait.ge [sflag:s10], $0x68  }
0x19: {  	[sflag:s10] =	ssyncset.done $0x0  }
0x1a: {  	[sflag:s10] =	ssyncadd.s32 $0xFFFFFF98  }
0x1b: {  	[tilespmem:s3], [sflag:$0x2] =	stream.linear.gather [hbm4b:s12+s3], $0x28A0, $0x38;
	[tilespmem:$0x2DF8] =	vst v63  }
0x1c: {  	_ =	swait.ge [sflag:s10], $0x28A0  }
0x1d: {  	[sflag:s10] =	ssyncset.done $0x0  }
0x1e: {  	[sflag:s10] =	ssyncadd.s32 $0xFFFFD760  }
0x1f: {  	s16 =	simm.s32 $0x0;
	[bflag:$0x0] =	sbarrier.arrive $0xFFFF  }
0x20: {  	[spmem:s2] =	stream.indirect.scatter.add.f32 [tilespmem:s11], [sflag:$0x1], $0x1, s16, s13, $0xb8;
	[tilespmem:$0x2DF8] =	vst v63  }
0x21: {  	s26 =	simm.s32 $0x68  }
0x22: {  	[spmem:s2] =	stream.indirect.scatter.add.f32 [tilespmem:s11], [sflag:$0x1], $0x1, s26, s13, $0xb8;
	[tilespmem:$0x2DF8] =	vst v63  }
0x23: {  	s28 =	simm.s32 $0xD0  }
0x24: {  	[spmem:s2] =	stream.indirect.scatter.add.f32 [tilespmem:s11], [sflag:$0x1], $0x1, s28, s13, $0xb8;
	[tilespmem:$0x2DF8] =	vst v63  }
0x25: {  	s29 =	simm.s32 $0x138  }
0x26: {  	[spmem:s2] =	stream.indirect.scatter.add.f32 [tilespmem:s11], [sflag:$0x1], $0x1, s29, s13, $0xb8;
	[tilespmem:$0x2DF8] =	vst v63  }
0x27: {  	s30 =	simm.s32 $0x1A0  }
0x28: {  	[spmem:s2] =	stream.indirect.scatter.add.f32 [tilespmem:s11], [sflag:$0x1], $0x1, s30, s13, $0xb8;
	[tilespmem:$0x2DF8] =	vst v63  }
0x29: {  	s31 =	simm.s32 $0x208  }
0x2a: {  	[spmem:s2] =	stream.indirect.scatter.add.f32 [tilespmem:s11], [sflag:$0x1], $0x1, s31, s13, $0xb8;
	[tilespmem:$0x2DF8] =	vst v63  }
0x2b: {  	s17 =	simm.s32 $0x270  }
0x2c: {  	[spmem:s2] =	stream.indirect.scatter.add.f32 [tilespmem:s11], [sflag:$0x1], $0x1, s17, s13, $0xb8;
	[tilespmem:$0x2DF8] =	vst v63  }
0x2d: {  	s18 =	simm.s32 $0x2D8  }
0x2e: {  	[spmem:s2] =	stream.indirect.scatter.add.f32 [tilespmem:s11], [sflag:$0x1], $0x1, s18, s13, $0xb8;
	[tilespmem:$0x2DF8] =	vst v63  }
0x2f: {  	s19 =	simm.s32 $0x340  }
0x30: {  	[spmem:s2] =	stream.indirect.scatter.add.f32 [tilespmem:s11], [sflag:$0x1], $0x1, s19, s13, $0xb8;
	[tilespmem:$0x2DF8] =	vst v63  }
0x31: {  	s20 =	simm.s32 $0x3A8  }
0x32: {  	[spmem:s2] =	stream.indirect.scatter.add.f32 [tilespmem:s11], [sflag:$0x1], $0x1, s20, s13, $0xb8;
	[tilespmem:$0x2DF8] =	vst v63  }
0x33: {  	s21 =	simm.s32 $0x410  }
0x34: {  	[spmem:s2] =	stream.indirect.scatter.add.f32 [tilespmem:s11], [sflag:$0x1], $0x1, s21, s13, $0xb8;
	[tilespmem:$0x2DF8] =	vst v63  }
0x35: {  	s22 =	simm.s32 $0x478  }
0x36: {  	[spmem:s2] =	stream.indirect.scatter.add.f32 [tilespmem:s11], [sflag:$0x1], $0x1, s22, s13, $0xb8;
	[tilespmem:$0x2DF8] =	vst v63  }
0x37: {  	s23 =	simm.s32 $0x4E0  }
0x38: {  	[spmem:s2] =	stream.indirect.scatter.add.f32 [tilespmem:s11], [sflag:$0x1], $0x1, s23, s13, $0xb8;
	[tilespmem:$0x2DF8] =	vst v63  }
0x39: {  	s24 =	simm.s32 $0x548  }
0x3a: {  	[spmem:s2] =	stream.indirect.scatter.add.f32 [tilespmem:s11], [sflag:$0x1], $0x1, s24, s13, $0xb8;
	[tilespmem:$0x2DF8] =	vst v63  }
0x3b: {  	s25 =	simm.s32 $0x5B0  }
0x3c: {  	[spmem:s2] =	stream.indirect.scatter.add.f32 [tilespmem:s11], [sflag:$0x1], $0x1, s25, s13, $0xb8;
	[tilespmem:$0x2DF8] =	vst v63  }
0x3d: {  	s26 =	simm.s32 $0x618  }
0x3e: {  	[spmem:s2] =	stream.indirect.scatter.add.f32 [tilespmem:s11], [sflag:$0x1], $0x1, s26, s13, $0xb8;
	[tilespmem:$0x2DF8] =	vst v63  }
0x3f: {  	s28 =	simm.s32 $0x680  }
0x40: {  	[spmem:s2] =	stream.indirect.scatter.add.f32 [tilespmem:s11], [sflag:$0x1], $0x1, s28, s13, $0xb8;
	[tilespmem:$0x2DF8] =	vst v63  }
0x41: {  	s29 =	simm.s32 $0x6E8  }
0x42: {  	[spmem:s2] =	stream.indirect.scatter.add.f32 [tilespmem:s11], [sflag:$0x1], $0x1, s29, s13, $0xb8;
	[tilespmem:$0x2DF8] =	vst v63  }
0x43: {  	s30 =	simm.s32 $0x750  }
0x44: {  	[spmem:s2] =	stream.indirect.scatter.add.f32 [tilespmem:s11], [sflag:$0x1], $0x1, s30, s13, $0xb8;
	[tilespmem:$0x2DF8] =	vst v63  }
0x45: {  	s31 =	simm.s32 $0x7B8  }
0x46: {  	[spmem:s2] =	stream.indirect.scatter.add.f32 [tilespmem:s11], [sflag:$0x1], $0x1, s31, s13, $0xb8;
	[tilespmem:$0x2DF8] =	vst v63  }
0x47: {  	_ =	swait.ge [sflag:s14], $0x64  }
0x48: {  	[sflag:s14] =	ssyncset.done $0x0  }
0x49: {  	[sflag:s14] =	ssyncadd.s32 $0xFFFFFF9C  }
0x4a: {  	_ =	swait.ge [sflag:s14], $0x64  }
0x4b: {  	[sflag:s14] =	ssyncset.done $0x0  }
0x4c: {  	[sflag:s14] =	ssyncadd.s32 $0xFFFFFF9C  }
0x4d: {  	_ =	swait.ge [sflag:s14], $0x64  }
0x4e: {  	[sflag:s14] =	ssyncset.done $0x0  }
0x4f: {  	[sflag:s14] =	ssyncadd.s32 $0xFFFFFF9C  }
0x50: {  	_ =	swait.ge [sflag:s14], $0x64  }
0x51: {  	[sflag:s14] =	ssyncset.done $0x0  }
0x52: {  	[sflag:s14] =	ssyncadd.s32 $0xFFFFFF9C  }
0x53: {  	_ =	swait.ge [sflag:s14], $0x64  }
0x54: {  	[sflag:s14] =	ssyncset.done $0x0  }
0x55: {  	[sflag:s14] =	ssyncadd.s32 $0xFFFFFF9C  }
0x56: {  	_ =	swait.ge [sflag:s14], $0x64  }
0x57: {  	[sflag:s14] =	ssyncset.done $0x0  }
0x58: {  	[sflag:s14] =	ssyncadd.s32 $0xFFFFFF9C  }
0x59: {  	_ =	swait.ge [sflag:s14], $0x64  }
0x5a: {  	[sflag:s14] =	ssyncset.done $0x0  }
0x5b: {  	[sflag:s14] =	ssyncadd.s32 $0xFFFFFF9C  }
0x5c: {  	_ =	swait.ge [sflag:s14], $0x64  }
0x5d: {  	[sflag:s14] =	ssyncset.done $0x0  }
0x5e: {  	[sflag:s14] =	ssyncadd.s32 $0xFFFFFF9C  }
0x5f: {  	_ =	swait.ge [sflag:s14], $0x64  }
0x60: {  	[sflag:s14] =	ssyncset.done $0x0  }
0x61: {  	[sflag:s14] =	ssyncadd.s32 $0xFFFFFF9C  }
0x62: {  	_ =	swait.ge [sflag:s14], $0x64  }
0x63: {  	[sflag:s14] =	ssyncset.done $0x0  }
0x64: {  	[sflag:s14] =	ssyncadd.s32 $0xFFFFFF9C  }
0x65: {  	_ =	swait.ge [sflag:s14], $0x64  }
0x66: {  	[sflag:s14] =	ssyncset.done $0x0  }
0x67: {  	[sflag:s14] =	ssyncadd.s32 $0xFFFFFF9C  }
0x68: {  	_ =	swait.ge [sflag:s14], $0x64  }
0x69: {  	[sflag:s14] =	ssyncset.done $0x0  }
0x6a: {  	[sflag:s14] =	ssyncadd.s32 $0xFFFFFF9C  }
0x6b: {  	_ =	swait.ge [sflag:s14], $0x64  }
0x6c: {  	[sflag:s14] =	ssyncset.done $0x0  }
0x6d: {  	[sflag:s14] =	ssyncadd.s32 $0xFFFFFF9C  }
0x6e: {  	_ =	swait.ge [sflag:s14], $0x64  }
0x6f: {  	[sflag:s14] =	ssyncset.done $0x0  }
0x70: {  	[sflag:s14] =	ssyncadd.s32 $0xFFFFFF9C  }
0x71: {  	_ =	swait.ge [sflag:s14], $0x64  }
0x72: {  	[sflag:s14] =	ssyncset.done $0x0  }
0x73: {  	[sflag:s14] =	ssyncadd.s32 $0xFFFFFF9C  }
0x74: {  	_ =	swait.ge [sflag:s14], $0x64  }
0x75: {  	[sflag:s14] =	ssyncset.done $0x0  }
0x76: {  	[sflag:s14] =	ssyncadd.s32 $0xFFFFFF9C  }
0x77: {  	_ =	swait.ge [sflag:s14], $0x64  }
0x78: {  	[sflag:s14] =	ssyncset.done $0x0  }
0x79: {  	[sflag:s14] =	ssyncadd.s32 $0xFFFFFF9C  }
0x7a: {  	_ =	swait.ge [sflag:s14], $0x64  }
0x7b: {  	[sflag:s14] =	ssyncset.done $0x0  }
0x7c: {  	[sflag:s14] =	ssyncadd.s32 $0xFFFFFF9C  }
0x7d: {  	_ =	swait.ge [sflag:s14], $0x64  }
0x7e: {  	[sflag:s14] =	ssyncset.done $0x0  }
0x7f: {  	[sflag:s14] =	ssyncadd.s32 $0xFFFFFF9C  }
0x80: {  	_ =	swait.ge [sflag:s14], $0x64  }
0x81: {  	s16 =	simm.s32 $0x2080;
	s19 =	simm.s32 $0x4100;
	[sflag:s14] =	ssyncset.done $0x0  }
.LBB2_2:
0x82: {  	s18 =	sshra.s32 s16, $0x2  }
0x83: {  	[sflag:s14] =	ssyncadd.s32 $0xFFFFFF9C;
	s16 =	smov.u32 s19;
	s17 =	sadd.s32 $0x2080, s19  }
0x84: {  	[spmem:s2] =	stream.indirect.scatter.add.f32 [tilespmem:s11], [sflag:$0x1], $0x1, s18, s13, $0xb8;
	[tilespmem:$0x2DF8] =	vst v63  }
0x85: {  	p0 =	sne.s32 s19, $0x8200;
	s19 =	sadd.s32 $0x68, s18  }
0x86: {  	[spmem:s2] =	stream.indirect.scatter.add.f32 [tilespmem:s11], [sflag:$0x1], $0x1, s19, s13, $0xb8;
	[tilespmem:$0x2DF8] =	vst v63  }
0x87: {  	s19 =	sadd.s32 $0xD0, s18  }
0x88: {  	[spmem:s2] =	stream.indirect.scatter.add.f32 [tilespmem:s11], [sflag:$0x1], $0x1, s19, s13, $0xb8;
	[tilespmem:$0x2DF8] =	vst v63  }
0x89: {  	s19 =	sadd.s32 $0x138, s18  }
0x8a: {  	[spmem:s2] =	stream.indirect.scatter.add.f32 [tilespmem:s11], [sflag:$0x1], $0x1, s19, s13, $0xb8;
	[tilespmem:$0x2DF8] =	vst v63  }
0x8b: {  	s19 =	sadd.s32 $0x1A0, s18  }
0x8c: {  	[spmem:s2] =	stream.indirect.scatter.add.f32 [tilespmem:s11], [sflag:$0x1], $0x1, s19, s13, $0xb8;
	[tilespmem:$0x2DF8] =	vst v63  }
0x8d: {  	s19 =	sadd.s32 $0x208, s18  }
0x8e: {  	[spmem:s2] =	stream.indirect.scatter.add.f32 [tilespmem:s11], [sflag:$0x1], $0x1, s19, s13, $0xb8;
	[tilespmem:$0x2DF8] =	vst v63  }
0x8f: {  	s19 =	sadd.s32 $0x270, s18  }
0x90: {  	[spmem:s2] =	stream.indirect.scatter.add.f32 [tilespmem:s11], [sflag:$0x1], $0x1, s19, s13, $0xb8;
	[tilespmem:$0x2DF8] =	vst v63  }
0x91: {  	s19 =	sadd.s32 $0x2D8, s18  }
0x92: {  	[spmem:s2] =	stream.indirect.scatter.add.f32 [tilespmem:s11], [sflag:$0x1], $0x1, s19, s13, $0xb8;
	[tilespmem:$0x2DF8] =	vst v63  }
0x93: {  	s19 =	sadd.s32 $0x340, s18  }
0x94: {  	[spmem:s2] =	stream.indirect.scatter.add.f32 [tilespmem:s11], [sflag:$0x1], $0x1, s19, s13, $0xb8;
	[tilespmem:$0x2DF8] =	vst v63  }
0x95: {  	s19 =	sadd.s32 $0x3A8, s18  }
0x96: {  	[spmem:s2] =	stream.indirect.scatter.add.f32 [tilespmem:s11], [sflag:$0x1], $0x1, s19, s13, $0xb8;
	[tilespmem:$0x2DF8] =	vst v63  }
0x97: {  	s19 =	sadd.s32 $0x410, s18  }
0x98: {  	[spmem:s2] =	stream.indirect.scatter.add.f32 [tilespmem:s11], [sflag:$0x1], $0x1, s19, s13, $0xb8;
	[tilespmem:$0x2DF8] =	vst v63  }
0x99: {  	s19 =	sadd.s32 $0x478, s18  }
0x9a: {  	[spmem:s2] =	stream.indirect.scatter.add.f32 [tilespmem:s11], [sflag:$0x1], $0x1, s19, s13, $0xb8;
	[tilespmem:$0x2DF8] =	vst v63  }
0x9b: {  	s19 =	sadd.s32 $0x4E0, s18  }
0x9c: {  	[spmem:s2] =	stream.indirect.scatter.add.f32 [tilespmem:s11], [sflag:$0x1], $0x1, s19, s13, $0xb8;
	[tilespmem:$0x2DF8] =	vst v63  }
0x9d: {  	s19 =	sadd.s32 $0x548, s18  }
0x9e: {  	[spmem:s2] =	stream.indirect.scatter.add.f32 [tilespmem:s11], [sflag:$0x1], $0x1, s19, s13, $0xb8;
	[tilespmem:$0x2DF8] =	vst v63  }
0x9f: {  	s19 =	sadd.s32 $0x5B0, s18  }
0xa0: {  	[spmem:s2] =	stream.indirect.scatter.add.f32 [tilespmem:s11], [sflag:$0x1], $0x1, s19, s13, $0xb8;
	[tilespmem:$0x2DF8] =	vst v63  }
0xa1: {  	s19 =	sadd.s32 $0x618, s18  }
0xa2: {  	[spmem:s2] =	stream.indirect.scatter.add.f32 [tilespmem:s11], [sflag:$0x1], $0x1, s19, s13, $0xb8;
	[tilespmem:$0x2DF8] =	vst v63  }
0xa3: {  	s19 =	sadd.s32 $0x680, s18  }
0xa4: {  	[spmem:s2] =	stream.indirect.scatter.add.f32 [tilespmem:s11], [sflag:$0x1], $0x1, s19, s13, $0xb8;
	[tilespmem:$0x2DF8] =	vst v63  }
0xa5: {  	s19 =	sadd.s32 $0x6E8, s18  }
0xa6: {  	[spmem:s2] =	stream.indirect.scatter.add.f32 [tilespmem:s11], [sflag:$0x1], $0x1, s19, s13, $0xb8;
	[tilespmem:$0x2DF8] =	vst v63  }
0xa7: {  	s19 =	sadd.s32 $0x750, s18  }
0xa8: {  	[spmem:s2] =	stream.indirect.scatter.add.f32 [tilespmem:s11], [sflag:$0x1], $0x1, s19, s13, $0xb8;
	[tilespmem:$0x2DF8] =	vst v63  }
0xa9: {  	s18 =	sadd.s32 $0x7B8, s18  }
0xaa: {  	[spmem:s2] =	stream.indirect.scatter.add.f32 [tilespmem:s11], [sflag:$0x1], $0x1, s18, s13, $0xb8;
	[tilespmem:$0x2DF8] =	vst v63  }
0xab: {  	_ =	swait.ge [sflag:s14], $0x64  }
0xac: {  	[sflag:s14] =	ssyncset.done $0x0  }
0xad: {  	[sflag:s14] =	ssyncadd.s32 $0xFFFFFF9C  }
0xae: {  	_ =	swait.ge [sflag:s14], $0x64  }
0xaf: {  	[sflag:s14] =	ssyncset.done $0x0  }
0xb0: {  	[sflag:s14] =	ssyncadd.s32 $0xFFFFFF9C  }
0xb1: {  	_ =	swait.ge [sflag:s14], $0x64  }
0xb2: {  	[sflag:s14] =	ssyncset.done $0x0  }
0xb3: {  	[sflag:s14] =	ssyncadd.s32 $0xFFFFFF9C  }
0xb4: {  	_ =	swait.ge [sflag:s14], $0x64  }
0xb5: {  	[sflag:s14] =	ssyncset.done $0x0  }
0xb6: {  	[sflag:s14] =	ssyncadd.s32 $0xFFFFFF9C  }
0xb7: {  	_ =	swait.ge [sflag:s14], $0x64  }
0xb8: {  	[sflag:s14] =	ssyncset.done $0x0  }
0xb9: {  	[sflag:s14] =	ssyncadd.s32 $0xFFFFFF9C  }
0xba: {  	_ =	swait.ge [sflag:s14], $0x64  }
0xbb: {  	[sflag:s14] =	ssyncset.done $0x0  }
0xbc: {  	[sflag:s14] =	ssyncadd.s32 $0xFFFFFF9C  }
0xbd: {  	_ =	swait.ge [sflag:s14], $0x64  }
0xbe: {  	[sflag:s14] =	ssyncset.done $0x0  }
0xbf: {  	[sflag:s14] =	ssyncadd.s32 $0xFFFFFF9C  }
0xc0: {  	_ =	swait.ge [sflag:s14], $0x64  }
0xc1: {  	[sflag:s14] =	ssyncset.done $0x0  }
0xc2: {  	[sflag:s14] =	ssyncadd.s32 $0xFFFFFF9C  }
0xc3: {  	_ =	swait.ge [sflag:s14], $0x64  }
0xc4: {  	[sflag:s14] =	ssyncset.done $0x0  }
0xc5: {  	[sflag:s14] =	ssyncadd.s32 $0xFFFFFF9C  }
0xc6: {  	_ =	swait.ge [sflag:s14], $0x64  }
0xc7: {  	[sflag:s14] =	ssyncset.done $0x0  }
0xc8: {  	[sflag:s14] =	ssyncadd.s32 $0xFFFFFF9C  }
0xc9: {  	_ =	swait.ge [sflag:s14], $0x64  }
0xca: {  	[sflag:s14] =	ssyncset.done $0x0  }
0xcb: {  	[sflag:s14] =	ssyncadd.s32 $0xFFFFFF9C  }
0xcc: {  	_ =	swait.ge [sflag:s14], $0x64  }
0xcd: {  	[sflag:s14] =	ssyncset.done $0x0  }
0xce: {  	[sflag:s14] =	ssyncadd.s32 $0xFFFFFF9C  }
0xcf: {  	_ =	swait.ge [sflag:s14], $0x64  }
0xd0: {  	[sflag:s14] =	ssyncset.done $0x0  }
0xd1: {  	[sflag:s14] =	ssyncadd.s32 $0xFFFFFF9C  }
0xd2: {  	_ =	swait.ge [sflag:s14], $0x64  }
0xd3: {  	[sflag:s14] =	ssyncset.done $0x0  }
0xd4: {  	[sflag:s14] =	ssyncadd.s32 $0xFFFFFF9C  }
0xd5: {  	_ =	swait.ge [sflag:s14], $0x64  }
0xd6: {  	[sflag:s14] =	ssyncset.done $0x0  }
0xd7: {  	[sflag:s14] =	ssyncadd.s32 $0xFFFFFF9C  }
0xd8: {  	_ =	swait.ge [sflag:s14], $0x64  }
0xd9: {  	[sflag:s14] =	ssyncset.done $0x0  }
0xda: {  	[sflag:s14] =	ssyncadd.s32 $0xFFFFFF9C  }
0xdb: {  	_ =	swait.ge [sflag:s14], $0x64  }
0xdc: {  	[sflag:s14] =	ssyncset.done $0x0  }
0xdd: {  	[sflag:s14] =	ssyncadd.s32 $0xFFFFFF9C  }
0xde: {  	_ =	swait.ge [sflag:s14], $0x64  }
0xdf: {  	[sflag:s14] =	ssyncset.done $0x0  }
0xe0: {  	[sflag:s14] =	ssyncadd.s32 $0xFFFFFF9C  }
.Ltmp0:
0xe1: {  	_ =	swait.ge [sflag:s14], $0x64;
	(pc) =	sbr.rel @p0 .LBB2_2-.Ltmp0, $4  }
0xe2: {  	[sflag:s14] =	ssyncset.done $0x0  }
0xe3: {  	[sflag:s14] =	ssyncadd.s32 $0xFFFFFF9C  }
0xe4: {  	_ =	swait.ge [sflag:s14], $0x64  }
0xe5: {  	s19 =	smov.u32 s17;
	[sflag:s14] =	ssyncset.done $0x0  }
0xe6: {  	s16 =	sshra.s32 s16, $0x2;
	[sflag:s14] =	ssyncadd.s32 $0xFFFFFF9C  }
0xe7: {  	[spmem:s2] =	stream.indirect.scatter.add.f32 [tilespmem:s11], [sflag:$0x1], $0x1, s16, s13, $0xb8;
	[tilespmem:$0x2DF8] =	vst v63  }
0xe8: {  	s17 =	sadd.s32 $0x68, s16  }
0xe9: {  	[spmem:s2] =	stream.indirect.scatter.add.f32 [tilespmem:s11], [sflag:$0x1], $0x1, s17, s13, $0xb8;
	[tilespmem:$0x2DF8] =	vst v63  }
0xea: {  	s28 =	sadd.s32 $0xD0, s16  }
0xeb: {  	[spmem:s2] =	stream.indirect.scatter.add.f32 [tilespmem:s11], [sflag:$0x1], $0x1, s28, s13, $0xb8;
	[tilespmem:$0x2DF8] =	vst v63  }
0xec: {  	s29 =	sadd.s32 $0x138, s16  }
0xed: {  	[spmem:s2] =	stream.indirect.scatter.add.f32 [tilespmem:s11], [sflag:$0x1], $0x1, s29, s13, $0xb8;
	[tilespmem:$0x2DF8] =	vst v63  }
0xee: {  	s30 =	sadd.s32 $0x1A0, s16  }
0xef: {  	[spmem:s2] =	stream.indirect.scatter.add.f32 [tilespmem:s11], [sflag:$0x1], $0x1, s30, s13, $0xb8;
	[tilespmem:$0x2DF8] =	vst v63  }
0xf0: {  	s31 =	sadd.s32 $0x208, s16  }
0xf1: {  	[spmem:s2] =	stream.indirect.scatter.add.f32 [tilespmem:s11], [sflag:$0x1], $0x1, s31, s13, $0xb8;
	[tilespmem:$0x2DF8] =	vst v63  }
0xf2: {  	s18 =	sadd.s32 $0x270, s16  }
0xf3: {  	[spmem:s2] =	stream.indirect.scatter.add.f32 [tilespmem:s11], [sflag:$0x1], $0x1, s18, s13, $0xb8;
	[tilespmem:$0x2DF8] =	vst v63  }
0xf4: {  	s19 =	sadd.s32 $0x2D8, s16  }
0xf5: {  	[spmem:s2] =	stream.indirect.scatter.add.f32 [tilespmem:s11], [sflag:$0x1], $0x1, s19, s13, $0xb8;
	[tilespmem:$0x2DF8] =	vst v63  }
0xf6: {  	s20 =	sadd.s32 $0x340, s16  }
0xf7: {  	[spmem:s2] =	stream.indirect.scatter.add.f32 [tilespmem:s11], [sflag:$0x1], $0x1, s20, s13, $0xb8;
	[tilespmem:$0x2DF8] =	vst v63  }
0xf8: {  	s21 =	sadd.s32 $0x3A8, s16  }
0xf9: {  	[spmem:s2] =	stream.indirect.scatter.add.f32 [tilespmem:s11], [sflag:$0x1], $0x1, s21, s13, $0xb8;
	[tilespmem:$0x2DF8] =	vst v63  }
0xfa: {  	s22 =	sadd.s32 $0x410, s16  }
0xfb: {  	[spmem:s2] =	stream.indirect.scatter.add.f32 [tilespmem:s11], [sflag:$0x1], $0x1, s22, s13, $0xb8;
	[tilespmem:$0x2DF8] =	vst v63  }
0xfc: {  	s23 =	sadd.s32 $0x478, s16  }
0xfd: {  	[spmem:s2] =	stream.indirect.scatter.add.f32 [tilespmem:s11], [sflag:$0x1], $0x1, s23, s13, $0xb8;
	[tilespmem:$0x2DF8] =	vst v63  }
0xfe: {  	s24 =	sadd.s32 $0x4E0, s16  }
0xff: {  	[spmem:s2] =	stream.indirect.scatter.add.f32 [tilespmem:s11], [sflag:$0x1], $0x1, s24, s13, $0xb8;
	[tilespmem:$0x2DF8] =	vst v63  }
0x100: {  	s25 =	sadd.s32 $0x548, s16  }
0x101: {  	[spmem:s2] =	stream.indirect.scatter.add.f32 [tilespmem:s11], [sflag:$0x1], $0x1, s25, s13, $0xb8;
	[tilespmem:$0x2DF8] =	vst v63  }
0x102: {  	s26 =	sadd.s32 $0x5B0, s16  }
0x103: {  	[spmem:s2] =	stream.indirect.scatter.add.f32 [tilespmem:s11], [sflag:$0x1], $0x1, s26, s13, $0xb8;
	[tilespmem:$0x2DF8] =	vst v63  }
0x104: {  	s28 =	sadd.s32 $0x618, s16  }
0x105: {  	[spmem:s2] =	stream.indirect.scatter.add.f32 [tilespmem:s11], [sflag:$0x1], $0x1, s28, s13, $0xb8;
	[tilespmem:$0x2DF8] =	vst v63  }
0x106: {  	s29 =	sadd.s32 $0x680, s16  }
0x107: {  	[spmem:s2] =	stream.indirect.scatter.add.f32 [tilespmem:s11], [sflag:$0x1], $0x1, s29, s13, $0xb8;
	[tilespmem:$0x2DF8] =	vst v63  }
0x108: {  	s30 =	sadd.s32 $0x6E8, s16  }
0x109: {  	[spmem:s2] =	stream.indirect.scatter.add.f32 [tilespmem:s11], [sflag:$0x1], $0x1, s30, s13, $0xb8;
	[tilespmem:$0x2DF8] =	vst v63  }
0x10a: {  	s31 =	sadd.s32 $0x750, s16  }
0x10b: {  	[spmem:s2] =	stream.indirect.scatter.add.f32 [tilespmem:s11], [sflag:$0x1], $0x1, s31, s13, $0xb8;
	[tilespmem:$0x2DF8] =	vst v63  }
0x10c: {  	s16 =	sadd.s32 $0x7B8, s16  }
0x10d: {  	[spmem:s2] =	stream.indirect.scatter.add.f32 [tilespmem:s11], [sflag:$0x1], $0x1, s16, s13, $0xb8;
	[tilespmem:$0x2DF8] =	vst v63  }
0x10e: {  	_ =	swait.ge [sflag:s14], $0x64  }
0x10f: {  	[sflag:s14] =	ssyncset.done $0x0  }
0x110: {  	[sflag:s14] =	ssyncadd.s32 $0xFFFFFF9C  }
0x111: {  	_ =	swait.ge [sflag:s14], $0x64  }
0x112: {  	[sflag:s14] =	ssyncset.done $0x0  }
0x113: {  	[sflag:s14] =	ssyncadd.s32 $0xFFFFFF9C  }
0x114: {  	_ =	swait.ge [sflag:s14], $0x64  }
0x115: {  	[sflag:s14] =	ssyncset.done $0x0  }
0x116: {  	[sflag:s14] =	ssyncadd.s32 $0xFFFFFF9C  }
0x117: {  	_ =	swait.ge [sflag:s14], $0x64  }
0x118: {  	[sflag:s14] =	ssyncset.done $0x0  }
0x119: {  	[sflag:s14] =	ssyncadd.s32 $0xFFFFFF9C  }
0x11a: {  	_ =	swait.ge [sflag:s14], $0x64  }
0x11b: {  	[sflag:s14] =	ssyncset.done $0x0  }
0x11c: {  	[sflag:s14] =	ssyncadd.s32 $0xFFFFFF9C  }
0x11d: {  	_ =	swait.ge [sflag:s14], $0x64  }
0x11e: {  	[sflag:s14] =	ssyncset.done $0x0  }
0x11f: {  	[sflag:s14] =	ssyncadd.s32 $0xFFFFFF9C  }
0x120: {  	_ =	swait.ge [sflag:s14], $0x64  }
0x121: {  	[sflag:s14] =	ssyncset.done $0x0  }
0x122: {  	[sflag:s14] =	ssyncadd.s32 $0xFFFFFF9C  }
0x123: {  	_ =	swait.ge [sflag:s14], $0x64  }
0x124: {  	[sflag:s14] =	ssyncset.done $0x0  }
0x125: {  	[sflag:s14] =	ssyncadd.s32 $0xFFFFFF9C  }
0x126: {  	_ =	swait.ge [sflag:s14], $0x64  }
0x127: {  	[sflag:s14] =	ssyncset.done $0x0  }
0x128: {  	[sflag:s14] =	ssyncadd.s32 $0xFFFFFF9C  }
0x129: {  	_ =	swait.ge [sflag:s14], $0x64  }
0x12a: {  	[sflag:s14] =	ssyncset.done $0x0  }
0x12b: {  	[sflag:s14] =	ssyncadd.s32 $0xFFFFFF9C  }
0x12c: {  	_ =	swait.ge [sflag:s14], $0x64  }
0x12d: {  	[sflag:s14] =	ssyncset.done $0x0  }
0x12e: {  	[sflag:s14] =	ssyncadd.s32 $0xFFFFFF9C  }
0x12f: {  	_ =	swait.ge [sflag:s14], $0x64  }
0x130: {  	[sflag:s14] =	ssyncset.done $0x0  }
0x131: {  	[sflag:s14] =	ssyncadd.s32 $0xFFFFFF9C  }
0x132: {  	_ =	swait.ge [sflag:s14], $0x64  }
0x133: {  	[sflag:s14] =	ssyncset.done $0x0  }
0x134: {  	[sflag:s14] =	ssyncadd.s32 $0xFFFFFF9C  }
0x135: {  	_ =	swait.ge [sflag:s14], $0x64  }
0x136: {  	[sflag:s14] =	ssyncset.done $0x0  }
0x137: {  	[sflag:s14] =	ssyncadd.s32 $0xFFFFFF9C  }
0x138: {  	_ =	swait.ge [sflag:s14], $0x64  }
0x139: {  	[sflag:s14] =	ssyncset.done $0x0  }
0x13a: {  	[sflag:s14] =	ssyncadd.s32 $0xFFFFFF9C  }
0x13b: {  	_ =	swait.ge [sflag:s14], $0x64  }
0x13c: {  	[sflag:s14] =	ssyncset.done $0x0  }
0x13d: {  	[sflag:s14] =	ssyncadd.s32 $0xFFFFFF9C  }
0x13e: {  	_ =	swait.ge [sflag:s14], $0x64  }
0x13f: {  	[sflag:s14] =	ssyncset.done $0x0  }
0x140: {  	[sflag:s14] =	ssyncadd.s32 $0xFFFFFF9C  }
0x141: {  	_ =	swait.ge [sflag:s14], $0x64  }
0x142: {  	[sflag:s14] =	ssyncset.done $0x0  }
0x143: {  	[sflag:s14] =	ssyncadd.s32 $0xFFFFFF9C  }
0x144: {  	_ =	swait.ge [sflag:s14], $0x64  }
0x145: {  	[sflag:s14] =	ssyncset.done $0x0  }
0x146: {  	[sflag:s14] =	ssyncadd.s32 $0xFFFFFF9C  }
0x147: {  	_ =	swait.ge [sflag:s14], $0x64  }
0x148: {  	[sflag:s14] =	ssyncset.done $0x0  }
0x149: {  	[sflag:s14] =	ssyncadd.s32 $0xFFFFFF9C  }
0x14a: {  	[bflag:$0x0] =	sbarrier.arrive $0xFFFF  }
0x14b: {  	[tilespmem:s9], [sflag:$0x2] =	stream.linear.gather [spmem:s6], $0x278, $0x38;
	[tilespmem:$0x2DF8] =	vst v63  }
0x14c: {  	s15 =	sadd.s32 $0x1, s15;
	_ =	swait.ge [sflag:s10], $0x278  }
0x14d: {  	p0 =	sne.s32 s15, s8;
	[sflag:s10] =	ssyncset.done $0x0  }
.Ltmp1:
0x14e: {  	[sflag:s10] =	ssyncadd.s32 $0xFFFFFD88;
	(pc) =	sbr.rel @p0 .LBB2_1-.Ltmp1, $4  }
0x14f: {  	[hbm4b:s7+s3] =	stream.linear.scatter [tilespmem:s9], [sflag:$0x2], $0x278, $0x38;
	[tilespmem:$0x2DF8] =	vst v63  }
0x150: {  	_ =	swait.ge [sflag:s10], $0x278  }
0x151: {  	[sflag:s10] =	ssyncset.done $0x0  }
0x152: {  	[sflag:s10] =	ssyncadd.s32 $0xFFFFFD88  }
0x153: {  	_ =	sfence.sel $0x180000  }
0x154: {  	[bflag:$0x0] =	sbarrier.arrive $0xFFFF  }
0x155: {  	p0 =	sne.s32 s1, $0x0;
	_ =	strace $0x90000047  }
0x156: {  	s0 =	sadd.s32 @!p0 $0x100000, s0;
	[bflag:$0x2] =	sbarrier.arrive $0xFFFF  }
0x157: {  	[sflag:s0] =	ssyncadd.tile.s32 @!p0 $0x1;
	_ =	shalt  }
.Lfunc_end2:
_tile_overlayer_lowered:
.L_overlay_start_2:
0x158: {  	(tag) =	ssettag $0x2  }
0x159: {  	s0 =	rddreg [dreg:$0x0];
	s2 =	stileid.u32  }
0x15a: {  	s1 =	rddreg [dreg:$0x1];
	p0 =	sne.s32 s2, $0x0  }
0x15b: {  	s3 =	rddreg [dreg:$0x2];
	[bflag:$0x3] =	sbarrier.arrive $0xFFFF;
	s2 =	simm.s32 @!p0 $0x1C02  }
0x15c: {  	[timem:s3], [sflag:s2] =	dma.local @!p0 [hbm:s0], s1  }
0x15d: {  	s0 =	simm.s32 @!p0 $0x2  }
0x15e: {  	_ =	swait.ge @!p0 [sflag:s0], s1  }
0x15f: {  	s1 =	ssub.s32 @!p0 $0x0, s1;
	[sflag:s0] =	ssyncset.done @!p0 $0x0  }
0x160: {  	[sflag:s0] =	ssyncadd.s32 @!p0 s1  }
0x161: {  	[bflag:$0x3] =	sbarrier.arrive $0xFFFF  }
0x162: {  	_ =	shalt  }

</sc_bundles>
